<compile_context>
chip_gen: v7x
topology: tpu7x:2x2x1
jax: 0.10.2.dev20260603
libtpu: 0.0.44.dev20260713+nightly
codegen_flags: <defaults>
</compile_context>

<pallas_src>
import jax
import jax.numpy as jnp
from jax import lax
from jax.experimental import pallas as pl
from jax.experimental.pallas import tpu as pltpu
from jax.experimental.pallas import tpu_sc as plsc

N = 10000
E = 160000
DIM = 256
HALF = 128
G = 64

NTILE = 16
EPT = E // NTILE
K = 80
CH = EPT // K
GC = 25
NG = CH // GC
RPT = 624
TAIL = N - NTILE * RPT

NB = 10
BR = N // NB



def _sc_agg_body(h0_hbm, h1_hbm, src_hbm, dst_hbm, out0_hbm, out1_hbm,
                 sidx, didx, buf0, buf1, acc, sem, ssem, isem):
    c = lax.axis_index("c")
    s = lax.axis_index("s")
    base = s * RPT

    def slab_copy(copy):
        copy(pl.ds(base, RPT))

        @pl.when(s == NTILE - 1)
        def _():
            copy(pl.ds(NTILE * RPT, TAIL))

    def run(h_hbm, out_hbm):
        def g_fire(p, j, buf):
            pltpu.async_copy(h_hbm.at[sidx.at[p, j, 0]], buf, sem)

        def g_wait(buf):
            pltpu.make_async_copy(h_hbm.at[sidx.at[0, 0, 0]], buf, sem).wait()

        def s_fire(p, j, buf):
            pltpu.async_copy(buf, acc.at[didx.at[p, j, 0]], ssem, add=True)

        def s_wait(buf):
            pltpu.make_async_copy(buf, acc.at[didx.at[0, 0, 0]], ssem).wait()

        def idx_fire(g, p):
            pltpu.async_copy(src_hbm.at[s, pl.ds(g * GC, GC)], sidx.at[p], isem)
            pltpu.async_copy(dst_hbm.at[s, pl.ds(g * GC, GC)], didx.at[p], isem)

        def idx_wait():
            pltpu.make_async_copy(src_hbm.at[s, pl.ds(0, GC)], sidx.at[0], isem).wait()
            pltpu.make_async_copy(src_hbm.at[s, pl.ds(0, GC)], didx.at[0], isem).wait()

        slab_copy(lambda rng: pltpu.sync_copy(h_hbm.at[rng], acc.at[rng]))
        idx_fire(0, 0)
        idx_wait()
        plsc.subcore_barrier()

        for g in range(NG):
            p = g % 2
            if g + 1 < NG:
                idx_fire(g + 1, 1 - p)
            g_fire(p, 0, buf0)
            g_wait(buf0)
            g_fire(p, 1, buf1)
            s_fire(p, 0, buf0)

            def body(i, carry, p=p):
                j = 1 + 2 * i
                g_wait(buf1)
                s_wait(buf0)
                g_fire(p, j + 1, buf0)
                s_fire(p, j, buf1)
                g_wait(buf0)
                s_wait(buf1)
                g_fire(p, j + 2, buf1)
                s_fire(p, j + 1, buf0)
                return carry

            lax.fori_loop(0, (GC - 3) // 2, body, 0)
            g_wait(buf1)
            s_wait(buf0)
            g_fire(p, GC - 1, buf0)
            s_fire(p, GC - 2, buf1)
            g_wait(buf0)
            s_wait(buf1)
            s_fire(p, GC - 1, buf0)
            s_wait(buf0)
            if g + 1 < NG:
                idx_wait()
        plsc.subcore_barrier()

        slab_copy(lambda rng: pltpu.sync_copy(acc.at[rng], out_hbm.at[rng]))

    @pl.when(c == 0)
    def _():
        run(h0_hbm, out0_hbm)

    @pl.when(c == 1)
    def _():
        run(h1_hbm, out1_hbm)


@jax.jit
def _sc_aggregate(h0, h1, src_r, dst_r):
    mesh = plsc.VectorSubcoreMesh(core_axis_name="c", subcore_axis_name="s")
    return pl.kernel(
        _sc_agg_body,
        mesh=mesh,
        out_type=(jax.ShapeDtypeStruct((N, HALF), jnp.float32),
                  jax.ShapeDtypeStruct((N, HALF), jnp.float32)),
        scratch_types=[
            pltpu.VMEM((2, GC, 1, K), jnp.int32),
            pltpu.VMEM((2, GC, 1, K), jnp.int32),
            pltpu.VMEM((K, HALF), jnp.float32),
            pltpu.VMEM((K, HALF), jnp.float32),
            pltpu.VMEM_SHARED((N, HALF), jnp.float32),
            pltpu.SemaphoreType.DMA,
            pltpu.SemaphoreType.DMA,
            pltpu.SemaphoreType.DMA,
        ],
    )(h0, h1, src_r, dst_r)



def _tc_body(a0_ref, a1_ref, w1_ref, b1_ref, w2_ref, b2_ref, g_ref, bt_ref,
             gi_ref, z_ref, z0_ref, z1_ref, pool_ref, u_scr, st_scr, pl_scr):
    p = pl.program_id(0)
    i = pl.program_id(1)

    @pl.when(p == 0)
    def _():
        z = jnp.concatenate([a0_ref[...], a1_ref[...]], axis=1)
        u = jnp.dot(z, w1_ref[...], preferred_element_type=jnp.float32) + b1_ref[...]
        u = jnp.maximum(u, 0.0)
        v = jnp.dot(u, w2_ref[...], preferred_element_type=jnp.float32) + b2_ref[...]
        v = jnp.maximum(v, 0.0)
        u_scr[pl.ds(i * BR, BR), :] = v
        blk = jnp.concatenate([jnp.sum(v, axis=0, keepdims=True),
                               jnp.sum(v * v, axis=0, keepdims=True)], axis=0)

        @pl.when(i == 0)
        def _():
            st_scr[...] = blk

        @pl.when(i > 0)
        def _():
            st_scr[...] += blk

    @pl.when(p == 1)
    def _():
        mean = st_scr[0:1, :] * (1.0 / N)
        var = st_scr[1:2, :] * (1.0 / N) - mean * mean
        scale = g_ref[...] * lax.rsqrt(var + 1e-5)
        shift = bt_ref[...] - mean * scale
        z = u_scr[pl.ds(i * BR, BR), :] * scale + shift
        z_ref[...] = z
        z0_ref[...] = z[:, :HALF]
        z1_ref[...] = z[:, HALF:]
        ids = lax.broadcasted_iota(jnp.int32, (G, BR), 0)
        seg = (ids == gi_ref[0]).astype(jnp.float32)
        blk = jnp.dot(seg, z, preferred_element_type=jnp.float32,
                      precision=lax.Precision.HIGHEST)

        @pl.when(i == 0)
        def _():
            pl_scr[...] = blk

        @pl.when(i > 0)
        def _():
            pl_scr[...] += blk

        @pl.when(i == NB - 1)
        def _():
            pool_ref[...] = pl_scr[...]


@jax.jit
def _tc_layer(a0, a1, w1, b1, w2, b2, gamma, beta, gi_r):
    return pl.pallas_call(
        _tc_body,
        grid=(2, NB),
        in_specs=[
            pl.BlockSpec((BR, HALF), lambda p, i: ((1 - p) * i, 0)),
            pl.BlockSpec((BR, HALF), lambda p, i: ((1 - p) * i, 0)),
            pl.BlockSpec((DIM, DIM), lambda p, i: (0, 0)),
            pl.BlockSpec((1, DIM), lambda p, i: (0, 0)),
            pl.BlockSpec((DIM, DIM), lambda p, i: (0, 0)),
            pl.BlockSpec((1, DIM), lambda p, i: (0, 0)),
            pl.BlockSpec((1, DIM), lambda p, i: (0, 0)),
            pl.BlockSpec((1, DIM), lambda p, i: (0, 0)),
            pl.BlockSpec((1, 1, BR), lambda p, i: (p * i, 0, 0)),
        ],
        out_specs=(
            pl.BlockSpec((BR, DIM), lambda p, i: (p * i, 0)),
            pl.BlockSpec((BR, HALF), lambda p, i: (p * i, 0)),
            pl.BlockSpec((BR, HALF), lambda p, i: (p * i, 0)),
            pl.BlockSpec((G, DIM), lambda p, i: (0, 0)),
        ),
        out_shape=(jax.ShapeDtypeStruct((N, DIM), jnp.float32),
                   jax.ShapeDtypeStruct((N, HALF), jnp.float32),
                   jax.ShapeDtypeStruct((N, HALF), jnp.float32),
                   jax.ShapeDtypeStruct((G, DIM), jnp.float32)),
        scratch_shapes=[pltpu.VMEM((N, DIM), jnp.float32),
                        pltpu.VMEM((2, DIM), jnp.float32),
                        pltpu.VMEM((G, DIM), jnp.float32)],
    )(a0, a1, w1, b1, w2, b2, gamma, beta, gi_r)



def kernel(node_features, edge_index, graph_index, params):
    src_r = edge_index[0].reshape(NTILE, CH, 1, K)
    dst_r = edge_index[1].reshape(NTILE, CH, 1, K)
    gi_r = graph_index.reshape(NB, 1, BR)
    h0 = node_features[:, :HALF]
    h1 = node_features[:, HALF:]
    zs, pools = [], []
    for p in params:
        zp0, zp1 = _sc_aggregate(h0, h1, src_r, dst_r)
        z, z0, z1, pool = _tc_layer(zp0, zp1, p["W1"], p["b1"].reshape(1, DIM),
                                    p["W2"], p["b2"].reshape(1, DIM),
                                    p["gamma"].reshape(1, DIM),
                                    p["beta"].reshape(1, DIM), gi_r)
        zs.append(z)
        pools.append(pool)
        h0, h1 = z0, z1
    return jnp.concatenate(pools, axis=1), jnp.concatenate(zs, axis=1)

# --- scband reference (transcript-rebuilt; emitter-appended) ---
"""Pipeline reference for scband-ginencoder-53446573032028 (READ-ONLY COPY).

The authoritative reference and input builder live on the scoring server;
editing this copy changes nothing except your own understanding.
"""

import jax, jax.numpy as jnp
import numpy as np

N = 10000
E = 160000
F_IN = 256
DIM = 256
L = 5
G = 64


def setup_inputs(seed: int = 0) -> dict:
    key = jax.random.key(seed)
    kx, ke, kg, kp = jax.random.split(key, 4)
    x = jax.random.normal(kx, (N, F_IN), dtype=jnp.float32)
    edge_index = jax.random.randint(ke, (2, E), 0, N, dtype=jnp.int32)
    graph_index = jnp.sort(jax.random.randint(kg, (N,), 0, G, dtype=jnp.int32))
    params = []
    pk = kp
    for i in range(L):
        d_in = F_IN if i == 0 else DIM
        pk, k1, k2 = jax.random.split(pk, 3)
        W1 = jax.random.normal(k1, (d_in, DIM), dtype=jnp.float32) / np.sqrt(d_in)
        b1 = jnp.zeros((DIM,), jnp.float32)
        W2 = jax.random.normal(k2, (DIM, DIM), dtype=jnp.float32) / np.sqrt(DIM)
        b2 = jnp.zeros((DIM,), jnp.float32)
        gamma = jnp.ones((DIM,), jnp.float32)
        beta = jnp.zeros((DIM,), jnp.float32)
        params.append({"W1": W1, "b1": b1, "W2": W2, "b2": b2, "gamma": gamma, "beta": beta})
    return {"node_features": x, "edge_index": edge_index, "graph_index": graph_index, "params": params}


def reference(node_features, edge_index, graph_index, params):
    src = edge_index[0]
    dst = edge_index[1]
    h = node_features
    xs = []
    for p in params:
        # GINConv with eps=0: MLP((1+eps)*x + sum_{j in N(i)} x_j)
        agg = jax.ops.segment_sum(h[src], dst, num_segments=N)
        z = h + agg
        z = z @ p["W1"] + p["b1"]
        z = jax.nn.relu(z)
        z = z @ p["W2"] + p["b2"]
        # outer ReLU then BatchNorm1d (training mode, biased batch stats)
        z = jax.nn.relu(z)
        mean = jnp.mean(z, axis=0)
        var = jnp.var(z, axis=0)
        z = p["gamma"] * (z - mean) / jnp.sqrt(var + 1e-5) + p["beta"]
        xs.append(z)
        h = z
    xpool = [jax.ops.segment_sum(xi, graph_index, num_segments=G) for xi in xs]
    out_pool = jnp.concatenate(xpool, axis=1)
    out_nodes = jnp.concatenate(xs, axis=1)
    return (out_pool, out_nodes)

if __name__ == "__main__":
    import jax
    _d = setup_inputs()
    print(jax.jit(kernel)(*tuple(_d.values())))

</pallas_src>

<mosaic_0001>
#map = affine_map<(d0, d1) -> (0, 0)>
#map1 = affine_map<(d0, d1) -> (0, 0, 0, 0)>
module attributes {stable_mosaic.version = 14 : i64} {
  func.func @_sc_agg_body(%arg0: i32, %arg1: i32, %arg2: memref<10000x128xf32, #tpu.memory_space<hbm>>, %arg3: memref<10000x128xf32, #tpu.memory_space<hbm>>, %arg4: memref<16x125x1x80xi32, #tpu.memory_space<hbm>>, %arg5: memref<16x125x1x80xi32, #tpu.memory_space<hbm>>, %arg6: memref<10000x128xf32, #tpu.memory_space<hbm>>, %arg7: memref<10000x128xf32, #tpu.memory_space<hbm>>, %arg8: memref<2x25x1x80xi32, #tpu.memory_space<vmem>>, %arg9: memref<2x25x1x80xi32, #tpu.memory_space<vmem>>, %arg10: memref<80x128xf32, #tpu.memory_space<vmem>>, %arg11: memref<80x128xf32, #tpu.memory_space<vmem>>, %arg12: memref<10000x128xf32, #tpu.memory_space<vmem_shared>>, %arg13: memref<!tpu.dma_semaphore, #tpu.memory_space<semaphore_mem>>, %arg14: memref<!tpu.dma_semaphore, #tpu.memory_space<semaphore_mem>>, %arg15: memref<!tpu.dma_semaphore, #tpu.memory_space<semaphore_mem>>) attributes {dimension_semantics = [#tpu.dimension_semantics<core_parallel>, #tpu.dimension_semantics<subcore_parallel>], iteration_bounds = array<i64: 2, 16>, scalar_prefetch = 0 : i64, scratch_operands = 8 : i64, tpu.core_type = #tpu.core_type<sc_vector_subcore>, window_params = [{transform_indices = #map}, {transform_indices = #map}, {transform_indices = #map1}, {transform_indices = #map1}, {transform_indices = #map}, {transform_indices = #map}]} {
    %mul3A = arith.constant 624 : i32
    %mul3A_0 = arith.muli %arg1, %mul3A : i32
    %eq3A = arith.constant 0 : i32
    %eq3A_1 = arith.cmpi eq, %arg0, %eq3A : i32
    %convert_element_type3A = arith.extui %eq3A_1 : i1 to i32
    %cond3A = arith.constant 0 : i32
    %cond3A_2 = arith.cmpi ne, %convert_element_type3A, %cond3A : i32
    scf.if %cond3A_2 {
      "tpu.region"() ({
        %run_scoped3A = tpu.sem_alloc : memref<!tpu.dma_semaphore, #tpu.memory_space<semaphore_mem>>
        %dma_start3A_1006 = arith.constant 0 : i32
        %dma_start3A_1007 = tpu.memref_slice %arg12[%mul3A_0, %dma_start3A_1006] : memref<10000x128xf32, #tpu.memory_space<vmem_shared>> -> memref<624x128xf32, #tpu.memory_space<vmem_shared>>
        %dma_start3A_1008 = arith.constant 0 : i32
        %dma_start3A_1009 = tpu.memref_slice %arg2[%mul3A_0, %dma_start3A_1008] : memref<10000x128xf32, #tpu.memory_space<hbm>> -> memref<624x128xf32, #tpu.memory_space<hbm>>
        tpu.enqueue_dma source(%dma_start3A_1009 : memref<624x128xf32, #tpu.memory_space<hbm>>) target(%dma_start3A_1007 : memref<624x128xf32, #tpu.memory_space<vmem_shared>>) target_semaphore(%run_scoped3A : memref<!tpu.dma_semaphore, #tpu.memory_space<semaphore_mem>>)
        %dma_wait3A_1010 = arith.constant 0 : i32
        %dma_wait3A_1011 = tpu.memref_slice %arg12[%mul3A_0, %dma_wait3A_1010] : memref<10000x128xf32, #tpu.memory_space<vmem_shared>> -> memref<624x128xf32, #tpu.memory_space<vmem_shared>>
        %dma_wait3A_1012 = arith.constant 0 : i32
        %dma_wait3A_1013 = tpu.memref_slice %arg2[%mul3A_0, %dma_wait3A_1012] : memref<10000x128xf32, #tpu.memory_space<hbm>> -> memref<624x128xf32, #tpu.memory_space<hbm>>
        tpu.wait_dma2 semaphore(%run_scoped3A : memref<!tpu.dma_semaphore, #tpu.memory_space<semaphore_mem>>) src(%dma_wait3A_1013 : memref<624x128xf32, #tpu.memory_space<hbm>>) dst(%dma_wait3A_1011 : memref<624x128xf32, #tpu.memory_space<vmem_shared>>)
        tpu.yield
      }) : () -> ()
      %eq3A_8 = arith.constant 15 : i32
      %eq3A_9 = arith.cmpi eq, %arg1, %eq3A_8 : i32
      %convert_element_type3A_10 = arith.extui %eq3A_9 : i1 to i32
      %cond3A_11 = arith.constant 0 : i32
      %cond3A_12 = arith.cmpi ne, %convert_element_type3A_10, %cond3A_11 : i32
      scf.if %cond3A_12 {
        "tpu.region"() ({
          %run_scoped3A = tpu.sem_alloc : memref<!tpu.dma_semaphore, #tpu.memory_space<semaphore_mem>>
          %dma_start3A_1006 = arith.constant 9984 : i32
          %dma_start3A_1007 = arith.constant 0 : i32
          %dma_start3A_1008 = tpu.memref_slice %arg12[%dma_start3A_1006, %dma_start3A_1007] : memref<10000x128xf32, #tpu.memory_space<vmem_shared>> -> memref<16x128xf32, #tpu.memory_space<vmem_shared>>
          %dma_start3A_1009 = arith.constant 9984 : i32
          %dma_start3A_1010 = arith.constant 0 : i32
          %dma_start3A_1011 = tpu.memref_slice %arg2[%dma_start3A_1009, %dma_start3A_1010] : memref<10000x128xf32, #tpu.memory_space<hbm>> -> memref<16x128xf32, #tpu.memory_space<hbm>>
          tpu.enqueue_dma source(%dma_start3A_1011 : memref<16x128xf32, #tpu.memory_space<hbm>>) target(%dma_start3A_1008 : memref<16x128xf32, #tpu.memory_space<vmem_shared>>) target_semaphore(%run_scoped3A : memref<!tpu.dma_semaphore, #tpu.memory_space<semaphore_mem>>)
          %dma_wait3A_1012 = arith.constant 9984 : i32
          %dma_wait3A_1013 = arith.constant 0 : i32
          %dma_wait3A_1014 = tpu.memref_slice %arg12[%dma_wait3A_1012, %dma_wait3A_1013] : memref<10000x128xf32, #tpu.memory_space<vmem_shared>> -> memref<16x128xf32, #tpu.memory_space<vmem_shared>>
          %dma_wait3A_1015 = arith.constant 9984 : i32
          %dma_wait3A_1016 = arith.constant 0 : i32
          %dma_wait3A_1017 = tpu.memref_slice %arg2[%dma_wait3A_1015, %dma_wait3A_1016] : memref<10000x128xf32, #tpu.memory_space<hbm>> -> memref<16x128xf32, #tpu.memory_space<hbm>>
          tpu.wait_dma2 semaphore(%run_scoped3A : memref<!tpu.dma_semaphore, #tpu.memory_space<semaphore_mem>>) src(%dma_wait3A_1017 : memref<16x128xf32, #tpu.memory_space<hbm>>) dst(%dma_wait3A_1014 : memref<16x128xf32, #tpu.memory_space<vmem_shared>>)
          tpu.yield
        }) : () -> ()
      } else {
      }
      %dma_start3A = arith.constant 0 : i32
      %dma_start3A_13 = arith.constant 0 : i32
      %dma_start3A_14 = arith.constant 0 : i32
      %dma_start3A_15 = arith.constant 0 : i32
      %dma_start3A_16 = tpu.memref_slice %arg8[%dma_start3A, %dma_start3A_13, %dma_start3A_14, %dma_start3A_15] : memref<2x25x1x80xi32, #tpu.memory_space<vmem>> -> memref<1x25x1x80xi32, #tpu.memory_space<vmem>>
      %dma_start3A_17 = tpu.memref_squeeze %dma_start3A_16 : memref<1x25x1x80xi32, #tpu.memory_space<vmem>> -> memref<25x1x80xi32, #tpu.memory_space<vmem>>
      %dma_start3A_18 = arith.constant 0 : i32
      %dma_start3A_19 = arith.constant 0 : i32
      %dma_start3A_20 = arith.constant 0 : i32
      %dma_start3A_21 = tpu.memref_slice %arg4[%arg1, %dma_start3A_18, %dma_start3A_19, %dma_start3A_20] : memref<16x125x1x80xi32, #tpu.memory_space<hbm>> -> memref<1x25x1x80xi32, #tpu.memory_space<hbm>>
      %dma_start3A_22 = tpu.memref_squeeze %dma_start3A_21 : memref<1x25x1x80xi32, #tpu.memory_space<hbm>> -> memref<25x1x80xi32, #tpu.memory_space<hbm>>
      %dma_start3A_23 = arith.constant 0 : i32
      %dma_start3A_24 = arith.constant 0 : i32
      %dma_start3A_25 = arith.constant 0 : i32
      %dma_start3A_26 = tpu.memref_slice %arg8[%dma_start3A, %dma_start3A_23, %dma_start3A_24, %dma_start3A_25] : memref<2x25x1x80xi32, #tpu.memory_space<vmem>> -> memref<1x25x1x80xi32, #tpu.memory_space<vmem>>
      %dma_start3A_27 = tpu.memref_squeeze %dma_start3A_26 : memref<1x25x1x80xi32, #tpu.memory_space<vmem>> -> memref<25x1x80xi32, #tpu.memory_space<vmem>>
      %dma_start3A_28 = arith.constant 0 : i32
      %dma_start3A_29 = arith.constant 0 : i32
      %dma_start3A_30 = arith.constant 0 : i32
      %dma_start3A_31 = tpu.memref_slice %arg4[%arg1, %dma_start3A_28, %dma_start3A_29, %dma_start3A_30] : memref<16x125x1x80xi32, #tpu.memory_space<hbm>> -> memref<1x25x1x80xi32, #tpu.memory_space<hbm>>
      %dma_start3A_32 = tpu.memref_squeeze %dma_start3A_31 : memref<1x25x1x80xi32, #tpu.memory_space<hbm>> -> memref<25x1x80xi32, #tpu.memory_space<hbm>>
      tpu.enqueue_dma source(%dma_start3A_32 : memref<25x1x80xi32, #tpu.memory_space<hbm>>) target(%dma_start3A_27 : memref<25x1x80xi32, #tpu.memory_space<vmem>>) target_semaphore(%arg15 : memref<!tpu.dma_semaphore, #tpu.memory_space<semaphore_mem>>)
      %dma_start3A_33 = arith.constant 0 : i32
      %dma_start3A_34 = arith.constant 0 : i32
      %dma_start3A_35 = arith.constant 0 : i32
      %dma_start3A_36 = arith.constant 0 : i32
      %dma_start3A_37 = tpu.memref_slice %arg9[%dma_start3A_33, %dma_start3A_34, %dma_start3A_35, %dma_start3A_36] : memref<2x25x1x80xi32, #tpu.memory_space<vmem>> -> memref<1x25x1x80xi32, #tpu.memory_space<vmem>>
      %dma_start3A_38 = tpu.memref_squeeze %dma_start3A_37 : memref<1x25x1x80xi32, #tpu.memory_space<vmem>> -> memref<25x1x80xi32, #tpu.memory_space<vmem>>
      %dma_start3A_39 = arith.constant 0 : i32
      %dma_start3A_40 = arith.constant 0 : i32
      %dma_start3A_41 = arith.constant 0 : i32
      %dma_start3A_42 = tpu.memref_slice %arg5[%arg1, %dma_start3A_39, %dma_start3A_40, %dma_start3A_41] : memref<16x125x1x80xi32, #tpu.memory_space<hbm>> -> memref<1x25x1x80xi32, #tpu.memory_space<hbm>>
      %dma_start3A_43 = tpu.memref_squeeze %dma_start3A_42 : memref<1x25x1x80xi32, #tpu.memory_space<hbm>> -> memref<25x1x80xi32, #tpu.memory_space<hbm>>
      %dma_start3A_44 = arith.constant 0 : i32
      %dma_start3A_45 = arith.constant 0 : i32
      %dma_start3A_46 = arith.constant 0 : i32
      %dma_start3A_47 = tpu.memref_slice %arg9[%dma_start3A_33, %dma_start3A_44, %dma_start3A_45, %dma_start3A_46] : memref<2x25x1x80xi32, #tpu.memory_space<vmem>> -> memref<1x25x1x80xi32, #tpu.memory_space<vmem>>
      %dma_start3A_48 = tpu.memref_squeeze %dma_start3A_47 : memref<1x25x1x80xi32, #tpu.memory_space<vmem>> -> memref<25x1x80xi32, #tpu.memory_space<vmem>>
      %dma_start3A_49 = arith.constant 0 : i32
      %dma_start3A_50 = arith.constant 0 : i32
      %dma_start3A_51 = arith.constant 0 : i32
      %dma_start3A_52 = tpu.memref_slice %arg5[%arg1, %dma_start3A_49, %dma_start3A_50, %dma_start3A_51] : memref<16x125x1x80xi32, #tpu.memory_space<hbm>> -> memref<1x25x1x80xi32, #tpu.memory_space<hbm>>
      %dma_start3A_53 = tpu.memref_squeeze %dma_start3A_52 : memref<1x25x1x80xi32, #tpu.memory_space<hbm>> -> memref<25x1x80xi32, #tpu.memory_space<hbm>>
      tpu.enqueue_dma source(%dma_start3A_53 : memref<25x1x80xi32, #tpu.memory_space<hbm>>) target(%dma_start3A_48 : memref<25x1x80xi32, #tpu.memory_space<vmem>>) target_semaphore(%arg15 : memref<!tpu.dma_semaphore, #tpu.memory_space<semaphore_mem>>)
      %dma_wait3A = arith.constant 0 : i32
      %dma_wait3A_54 = arith.constant 0 : i32
      %dma_wait3A_55 = arith.constant 0 : i32
      %dma_wait3A_56 = arith.constant 0 : i32
      %dma_wait3A_57 = tpu.memref_slice %arg8[%dma_wait3A, %dma_wait3A_54, %dma_wait3A_55, %dma_wait3A_56] : memref<2x25x1x80xi32, #tpu.memory_space<vmem>> -> memref<1x25x1x80xi32, #tpu.memory_space<vmem>>
      %dma_wait3A_58 = tpu.memref_squeeze %dma_wait3A_57 : memref<1x25x1x80xi32, #tpu.memory_space<vmem>> -> memref<25x1x80xi32, #tpu.memory_space<vmem>>
      %dma_wait3A_59 = arith.constant 0 : i32
      %dma_wait3A_60 = arith.constant 0 : i32
      %dma_wait3A_61 = arith.constant 0 : i32
      %dma_wait3A_62 = tpu.memref_slice %arg4[%arg1, %dma_wait3A_59, %dma_wait3A_60, %dma_wait3A_61] : memref<16x125x1x80xi32, #tpu.memory_space<hbm>> -> memref<1x25x1x80xi32, #tpu.memory_space<hbm>>
      %dma_wait3A_63 = tpu.memref_squeeze %dma_wait3A_62 : memref<1x25x1x80xi32, #tpu.memory_space<hbm>> -> memref<25x1x80xi32, #tpu.memory_space<hbm>>
      %dma_wait3A_64 = arith.constant 0 : i32
      %dma_wait3A_65 = arith.constant 0 : i32
      %dma_wait3A_66 = arith.constant 0 : i32
      %dma_wait3A_67 = tpu.memref_slice %arg8[%dma_wait3A, %dma_wait3A_64, %dma_wait3A_65, %dma_wait3A_66] : memref<2x25x1x80xi32, #tpu.memory_space<vmem>> -> memref<1x25x1x80xi32, #tpu.memory_space<vmem>>
      %dma_wait3A_68 = tpu.memref_squeeze %dma_wait3A_67 : memref<1x25x1x80xi32, #tpu.memory_space<vmem>> -> memref<25x1x80xi32, #tpu.memory_space<vmem>>
      %dma_wait3A_69 = arith.constant 0 : i32
      %dma_wait3A_70 = arith.constant 0 : i32
      %dma_wait3A_71 = arith.constant 0 : i32
      %dma_wait3A_72 = tpu.memref_slice %arg4[%arg1, %dma_wait3A_69, %dma_wait3A_70, %dma_wait3A_71] : memref<16x125x1x80xi32, #tpu.memory_space<hbm>> -> memref<1x25x1x80xi32, #tpu.memory_space<hbm>>
      %dma_wait3A_73 = tpu.memref_squeeze %dma_wait3A_72 : memref<1x25x1x80xi32, #tpu.memory_space<hbm>> -> memref<25x1x80xi32, #tpu.memory_space<hbm>>
      tpu.wait_dma2 semaphore(%arg15 : memref<!tpu.dma_semaphore, #tpu.memory_space<semaphore_mem>>) src(%dma_wait3A_73 : memref<25x1x80xi32, #tpu.memory_space<hbm>>) dst(%dma_wait3A_68 : memref<25x1x80xi32, #tpu.memory_space<vmem>>)
      %dma_wait3A_74 = arith.constant 0 : i32
      %dma_wait3A_75 = arith.constant 0 : i32
      %dma_wait3A_76 = arith.constant 0 : i32
      %dma_wait3A_77 = arith.constant 0 : i32
      %dma_wait3A_78 = tpu.memref_slice %arg9[%dma_wait3A_74, %dma_wait3A_75, %dma_wait3A_76, %dma_wait3A_77] : memref<2x25x1x80xi32, #tpu.memory_space<vmem>> -> memref<1x25x1x80xi32, #tpu.memory_space<vmem>>
      %dma_wait3A_79 = tpu.memref_squeeze %dma_wait3A_78 : memref<1x25x1x80xi32, #tpu.memory_space<vmem>> -> memref<25x1x80xi32, #tpu.memory_space<vmem>>
      %dma_wait3A_80 = arith.constant 0 : i32
      %dma_wait3A_81 = arith.constant 0 : i32
      %dma_wait3A_82 = arith.constant 0 : i32
      %dma_wait3A_83 = tpu.memref_slice %arg4[%arg1, %dma_wait3A_80, %dma_wait3A_81, %dma_wait3A_82] : memref<16x125x1x80xi32, #tpu.memory_space<hbm>> -> memref<1x25x1x80xi32, #tpu.memory_space<hbm>>
      %dma_wait3A_84 = tpu.memref_squeeze %dma_wait3A_83 : memref<1x25x1x80xi32, #tpu.memory_space<hbm>> -> memref<25x1x80xi32, #tpu.memory_space<hbm>>
      %dma_wait3A_85 = arith.constant 0 : i32
      %dma_wait3A_86 = arith.constant 0 : i32
      %dma_wait3A_87 = arith.constant 0 : i32
      %dma_wait3A_88 = tpu.memref_slice %arg9[%dma_wait3A_74, %dma_wait3A_85, %dma_wait3A_86, %dma_wait3A_87] : memref<2x25x1x80xi32, #tpu.memory_space<vmem>> -> memref<1x25x1x80xi32, #tpu.memory_space<vmem>>
      %dma_wait3A_89 = tpu.memref_squeeze %dma_wait3A_88 : memref<1x25x1x80xi32, #tpu.memory_space<vmem>> -> memref<25x1x80xi32, #tpu.memory_space<vmem>>
      %dma_wait3A_90 = arith.constant 0 : i32
      %dma_wait3A_91 = arith.constant 0 : i32
      %dma_wait3A_92 = arith.constant 0 : i32
      %dma_wait3A_93 = tpu.memref_slice %arg4[%arg1, %dma_wait3A_90, %dma_wait3A_91, %dma_wait3A_92] : memref<16x125x1x80xi32, #tpu.memory_space<hbm>> -> memref<1x25x1x80xi32, #tpu.memory_space<hbm>>
      %dma_wait3A_94 = tpu.memref_squeeze %dma_wait3A_93 : memref<1x25x1x80xi32, #tpu.memory_space<hbm>> -> memref<25x1x80xi32, #tpu.memory_space<hbm>>
      tpu.wait_dma2 semaphore(%arg15 : memref<!tpu.dma_semaphore, #tpu.memory_space<semaphore_mem>>) src(%dma_wait3A_94 : memref<25x1x80xi32, #tpu.memory_space<hbm>>) dst(%dma_wait3A_89 : memref<25x1x80xi32, #tpu.memory_space<vmem>>)
      %barrier3A = arith.constant 0 : index
      tpu.barrier barrier_id(%barrier3A)
      %dma_start3A_95 = arith.constant 1 : i32
      %dma_start3A_96 = arith.constant 0 : i32
      %dma_start3A_97 = arith.constant 0 : i32
      %dma_start3A_98 = arith.constant 0 : i32
      %dma_start3A_99 = tpu.memref_slice %arg8[%dma_start3A_95, %dma_start3A_96, %dma_start3A_97, %dma_start3A_98] : memref<2x25x1x80xi32, #tpu.memory_space<vmem>> -> memref<1x25x1x80xi32, #tpu.memory_space<vmem>>
      %dma_start3A_100 = tpu.memref_squeeze %dma_start3A_99 : memref<1x25x1x80xi32, #tpu.memory_space<vmem>> -> memref<25x1x80xi32, #tpu.memory_space<vmem>>
      %dma_start3A_101 = arith.constant 25 : i32
      %dma_start3A_102 = arith.constant 0 : i32
      %dma_start3A_103 = arith.constant 0 : i32
      %dma_start3A_104 = tpu.memref_slice %arg4[%arg1, %dma_start3A_101, %dma_start3A_102, %dma_start3A_103] : memref<16x125x1x80xi32, #tpu.memory_space<hbm>> -> memref<1x25x1x80xi32, #tpu.memory_space<hbm>>
      %dma_start3A_105 = tpu.memref_squeeze %dma_start3A_104 : memref<1x25x1x80xi32, #tpu.memory_space<hbm>> -> memref<25x1x80xi32, #tpu.memory_space<hbm>>
      %dma_start3A_106 = arith.constant 0 : i32
      %dma_start3A_107 = arith.constant 0 : i32
      %dma_start3A_108 = arith.constant 0 : i32
      %dma_start3A_109 = tpu.memref_slice %arg8[%dma_start3A_95, %dma_start3A_106, %dma_start3A_107, %dma_start3A_108] : memref<2x25x1x80xi32, #tpu.memory_space<vmem>> -> memref<1x25x1x80xi32, #tpu.memory_space<vmem>>
      %dma_start3A_110 = tpu.memref_squeeze %dma_start3A_109 : memref<1x25x1x80xi32, #tpu.memory_space<vmem>> -> memref<25x1x80xi32, #tpu.memory_space<vmem>>
      %dma_start3A_111 = arith.constant 25 : i32
      %dma_start3A_112 = arith.constant 0 : i32
      %dma_start3A_113 = arith.constant 0 : i32
      %dma_start3A_114 = tpu.memref_slice %arg4[%arg1, %dma_start3A_111, %dma_start3A_112, %dma_start3A_113] : memref<16x125x1x80xi32, #tpu.memory_space<hbm>> -> memref<1x25x1x80xi32, #tpu.memory_space<hbm>>
      %dma_start3A_115 = tpu.memref_squeeze %dma_start3A_114 : memref<1x25x1x80xi32, #tpu.memory_space<hbm>> -> memref<25x1x80xi32, #tpu.memory_space<hbm>>
      tpu.enqueue_dma source(%dma_start3A_115 : memref<25x1x80xi32, #tpu.memory_space<hbm>>) target(%dma_start3A_110 : memref<25x1x80xi32, #tpu.memory_space<vmem>>) target_semaphore(%arg15 : memref<!tpu.dma_semaphore, #tpu.memory_space<semaphore_mem>>)
      %dma_start3A_116 = arith.constant 1 : i32
      %dma_start3A_117 = arith.constant 0 : i32
      %dma_start3A_118 = arith.constant 0 : i32
      %dma_start3A_119 = arith.constant 0 : i32
      %dma_start3A_120 = tpu.memref_slice %arg9[%dma_start3A_116, %dma_start3A_117, %dma_start3A_118, %dma_start3A_119] : memref<2x25x1x80xi32, #tpu.memory_space<vmem>> -> memref<1x25x1x80xi32, #tpu.memory_space<vmem>>
      %dma_start3A_121 = tpu.memref_squeeze %dma_start3A_120 : memref<1x25x1x80xi32, #tpu.memory_space<vmem>> -> memref<25x1x80xi32, #tpu.memory_space<vmem>>
      %dma_start3A_122 = arith.constant 25 : i32
      %dma_start3A_123 = arith.constant 0 : i32
      %dma_start3A_124 = arith.constant 0 : i32
      %dma_start3A_125 = tpu.memref_slice %arg5[%arg1, %dma_start3A_122, %dma_start3A_123, %dma_start3A_124] : memref<16x125x1x80xi32, #tpu.memory_space<hbm>> -> memref<1x25x1x80xi32, #tpu.memory_space<hbm>>
      %dma_start3A_126 = tpu.memref_squeeze %dma_start3A_125 : memref<1x25x1x80xi32, #tpu.memory_space<hbm>> -> memref<25x1x80xi32, #tpu.memory_space<hbm>>
      %dma_start3A_127 = arith.constant 0 : i32
      %dma_start3A_128 = arith.constant 0 : i32
      %dma_start3A_129 = arith.constant 0 : i32
      %dma_start3A_130 = tpu.memref_slice %arg9[%dma_start3A_116, %dma_start3A_127, %dma_start3A_128, %dma_start3A_129] : memref<2x25x1x80xi32, #tpu.memory_space<vmem>> -> memref<1x25x1x80xi32, #tpu.memory_space<vmem>>
      %dma_start3A_131 = tpu.memref_squeeze %dma_start3A_130 : memref<1x25x1x80xi32, #tpu.memory_space<vmem>> -> memref<25x1x80xi32, #tpu.memory_space<vmem>>
      %dma_start3A_132 = arith.constant 25 : i32
      %dma_start3A_133 = arith.constant 0 : i32
      %dma_start3A_134 = arith.constant 0 : i32
      %dma_start3A_135 = tpu.memref_slice %arg5[%arg1, %dma_start3A_132, %dma_start3A_133, %dma_start3A_134] : memref<16x125x1x80xi32, #tpu.memory_space<hbm>> -> memref<1x25x1x80xi32, #tpu.memory_space<hbm>>
      %dma_start3A_136 = tpu.memref_squeeze %dma_start3A_135 : memref<1x25x1x80xi32, #tpu.memory_space<hbm>> -> memref<25x1x80xi32, #tpu.memory_space<hbm>>
      tpu.enqueue_dma source(%dma_start3A_136 : memref<25x1x80xi32, #tpu.memory_space<hbm>>) target(%dma_start3A_131 : memref<25x1x80xi32, #tpu.memory_space<vmem>>) target_semaphore(%arg15 : memref<!tpu.dma_semaphore, #tpu.memory_space<semaphore_mem>>)
      %dma_start3A_137 = arith.constant 0 : i32
      %dma_start3A_138 = arith.constant 0 : i32
      %dma_start3A_139 = arith.constant 0 : i32
      %dma_start3A_140 = arith.constant 0 : i32
      %dma_start3A_141 = tpu.memref_slice %arg8[%dma_start3A_137, %dma_start3A_138, %dma_start3A_139, %dma_start3A_140] : memref<2x25x1x80xi32, #tpu.memory_space<vmem>> -> memref<1x1x1x80xi32, #tpu.memory_space<vmem>>
      %dma_start3A_142 = tpu.memref_squeeze %dma_start3A_141 : memref<1x1x1x80xi32, #tpu.memory_space<vmem>> -> memref<80xi32, #tpu.memory_space<vmem>>
      %dma_start3A_143 = arith.constant 0 : i32
      %dma_start3A_144 = arith.constant 0 : i32
      %dma_start3A_145 = tpu.memref_slice %arg2[%dma_start3A_143, %dma_start3A_144] : memref<10000x128xf32, #tpu.memory_space<hbm>> -> memref<10000x128xf32, #tpu.memory_space<hbm>>
      tpu.enqueue_indirect_dma source(%dma_start3A_145 : memref<10000x128xf32, #tpu.memory_space<hbm>>) target(%arg10 : memref<80x128xf32, #tpu.memory_space<vmem>>) offsets(%dma_start3A_142 : memref<80xi32, #tpu.memory_space<vmem>>) semaphore(%arg13 : memref<!tpu.dma_semaphore, #tpu.memory_space<semaphore_mem>>)
      %dma_wait3A_146 = arith.constant 0 : i32
      %dma_wait3A_147 = arith.constant 0 : i32
      %dma_wait3A_148 = arith.constant 0 : i32
      %dma_wait3A_149 = arith.constant 0 : i32
      %dma_wait3A_150 = tpu.memref_slice %arg8[%dma_wait3A_146, %dma_wait3A_147, %dma_wait3A_148, %dma_wait3A_149] : memref<2x25x1x80xi32, #tpu.memory_space<vmem>> -> memref<1x1x1x80xi32, #tpu.memory_space<vmem>>
      %dma_wait3A_151 = tpu.memref_squeeze %dma_wait3A_150 : memref<1x1x1x80xi32, #tpu.memory_space<vmem>> -> memref<80xi32, #tpu.memory_space<vmem>>
      %dma_wait3A_152 = arith.constant 0 : i32
      %dma_wait3A_153 = arith.constant 0 : i32
      %dma_wait3A_154 = tpu.memref_slice %arg2[%dma_wait3A_152, %dma_wait3A_153] : memref<10000x128xf32, #tpu.memory_space<hbm>> -> memref<10000x128xf32, #tpu.memory_space<hbm>>
      tpu.wait_indirect_dma semaphore(%arg13 : memref<!tpu.dma_semaphore, #tpu.memory_space<semaphore_mem>>) src(%dma_wait3A_154 : memref<10000x128xf32, #tpu.memory_space<hbm>>) dst(%arg10 : memref<80x128xf32, #tpu.memory_space<vmem>>)
      %dma_start3A_155 = arith.constant 0 : i32
      %dma_start3A_156 = arith.constant 1 : i32
      %dma_start3A_157 = arith.constant 0 : i32
      %dma_start3A_158 = arith.constant 0 : i32
      %dma_start3A_159 = tpu.memref_slice %arg8[%dma_start3A_155, %dma_start3A_156, %dma_start3A_157, %dma_start3A_158] : memref<2x25x1x80xi32, #tpu.memory_space<vmem>> -> memref<1x1x1x80xi32, #tpu.memory_space<vmem>>
      %dma_start3A_160 = tpu.memref_squeeze %dma_start3A_159 : memref<1x1x1x80xi32, #tpu.memory_space<vmem>> -> memref<80xi32, #tpu.memory_space<vmem>>
      %dma_start3A_161 = arith.constant 0 : i32
      %dma_start3A_162 = arith.constant 0 : i32
      %dma_start3A_163 = tpu.memref_slice %arg2[%dma_start3A_161, %dma_start3A_162] : memref<10000x128xf32, #tpu.memory_space<hbm>> -> memref<10000x128xf32, #tpu.memory_space<hbm>>
      tpu.enqueue_indirect_dma source(%dma_start3A_163 : memref<10000x128xf32, #tpu.memory_space<hbm>>) target(%arg11 : memref<80x128xf32, #tpu.memory_space<vmem>>) offsets(%dma_start3A_160 : memref<80xi32, #tpu.memory_space<vmem>>) semaphore(%arg13 : memref<!tpu.dma_semaphore, #tpu.memory_space<semaphore_mem>>)
      %dma_start3A_164 = arith.constant 0 : i32
      %dma_start3A_165 = arith.constant 0 : i32
      %dma_start3A_166 = arith.constant 0 : i32
      %dma_start3A_167 = arith.constant 0 : i32
      %dma_start3A_168 = tpu.memref_slice %arg9[%dma_start3A_164, %dma_start3A_165, %dma_start3A_166, %dma_start3A_167] : memref<2x25x1x80xi32, #tpu.memory_space<vmem>> -> memref<1x1x1x80xi32, #tpu.memory_space<vmem>>
      %dma_start3A_169 = tpu.memref_squeeze %dma_start3A_168 : memref<1x1x1x80xi32, #tpu.memory_space<vmem>> -> memref<80xi32, #tpu.memory_space<vmem>>
      %dma_start3A_170 = arith.constant 0 : i32
      %dma_start3A_171 = arith.constant 0 : i32
      %dma_start3A_172 = tpu.memref_slice %arg12[%dma_start3A_170, %dma_start3A_171] : memref<10000x128xf32, #tpu.memory_space<vmem_shared>> -> memref<10000x128xf32, #tpu.memory_space<vmem_shared>>
      tpu.enqueue_indirect_dma source(%arg10 : memref<80x128xf32, #tpu.memory_space<vmem>>) target(%dma_start3A_172 : memref<10000x128xf32, #tpu.memory_space<vmem_shared>>) offsets(%dma_start3A_169 : memref<80xi32, #tpu.memory_space<vmem>>) semaphore(%arg14 : memref<!tpu.dma_semaphore, #tpu.memory_space<semaphore_mem>>) {add = true}
      %scan3A = arith.constant 0 : i32
      %scan3A_173 = arith.constant 0 : i32
      %scan3A_174 = arith.constant 11 : i32
      %scan3A_175 = arith.addi %scan3A_173, %scan3A_174 : i32
      %scan3A_176 = arith.constant 1 : i32
      scf.for %scan3A_1006 = %scan3A_173 to %scan3A_175 step %scan3A_176  : i32 {
        %mul3A_1007 = arith.constant 2 : i32
        %mul3A_1008 = arith.muli %mul3A_1007, %scan3A_1006 : i32
        %add3A = arith.constant 1 : i32
        %add3A_1009 = arith.addi %add3A, %mul3A_1008 : i32
        %dma_wait3A_1010 = arith.constant 0 : i32
        %dma_wait3A_1011 = arith.constant 0 : i32
        %dma_wait3A_1012 = arith.constant 0 : i32
        %dma_wait3A_1013 = arith.constant 0 : i32
        %dma_wait3A_1014 = tpu.memref_slice %arg8[%dma_wait3A_1010, %dma_wait3A_1011, %dma_wait3A_1012, %dma_wait3A_1013] : memref<2x25x1x80xi32, #tpu.memory_space<vmem>> -> memref<1x1x1x80xi32, #tpu.memory_space<vmem>>
        %dma_wait3A_1015 = tpu.memref_squeeze %dma_wait3A_1014 : memref<1x1x1x80xi32, #tpu.memory_space<vmem>> -> memref<80xi32, #tpu.memory_space<vmem>>
        %dma_wait3A_1016 = arith.constant 0 : i32
        %dma_wait3A_1017 = arith.constant 0 : i32
        %dma_wait3A_1018 = tpu.memref_slice %arg2[%dma_wait3A_1016, %dma_wait3A_1017] : memref<10000x128xf32, #tpu.memory_space<hbm>> -> memref<10000x128xf32, #tpu.memory_space<hbm>>
        tpu.wait_indirect_dma semaphore(%arg13 : memref<!tpu.dma_semaphore, #tpu.memory_space<semaphore_mem>>) src(%dma_wait3A_1018 : memref<10000x128xf32, #tpu.memory_space<hbm>>) dst(%arg11 : memref<80x128xf32, #tpu.memory_space<vmem>>)
        %dma_wait3A_1019 = arith.constant 0 : i32
        %dma_wait3A_1020 = arith.constant 0 : i32
        %dma_wait3A_1021 = arith.constant 0 : i32
        %dma_wait3A_1022 = arith.constant 0 : i32
        %dma_wait3A_1023 = tpu.memref_slice %arg9[%dma_wait3A_1019, %dma_wait3A_1020, %dma_wait3A_1021, %dma_wait3A_1022] : memref<2x25x1x80xi32, #tpu.memory_space<vmem>> -> memref<1x1x1x80xi32, #tpu.memory_space<vmem>>
        %dma_wait3A_1024 = tpu.memref_squeeze %dma_wait3A_1023 : memref<1x1x1x80xi32, #tpu.memory_space<vmem>> -> memref<80xi32, #tpu.memory_space<vmem>>
        %dma_wait3A_1025 = arith.constant 0 : i32
        %dma_wait3A_1026 = arith.constant 0 : i32
        %dma_wait3A_1027 = tpu.memref_slice %arg12[%dma_wait3A_1025, %dma_wait3A_1026] : memref<10000x128xf32, #tpu.memory_space<vmem_shared>> -> memref<10000x128xf32, #tpu.memory_space<vmem_shared>>
        tpu.wait_indirect_dma semaphore(%arg14 : memref<!tpu.dma_semaphore, #tpu.memory_space<semaphore_mem>>) src(%arg10 : memref<80x128xf32, #tpu.memory_space<vmem>>) dst(%dma_wait3A_1027 : memref<10000x128xf32, #tpu.memory_space<vmem_shared>>)
        %add3A_1028 = arith.constant 1 : i32
        %add3A_1029 = arith.addi %add3A_1009, %add3A_1028 : i32
        %dma_start3A_1030 = arith.constant 0 : i32
        %dma_start3A_1031 = arith.constant 0 : i32
        %dma_start3A_1032 = arith.constant 0 : i32
        %dma_start3A_1033 = tpu.memref_slice %arg8[%dma_start3A_1030, %add3A_1029, %dma_start3A_1031, %dma_start3A_1032] : memref<2x25x1x80xi32, #tpu.memory_space<vmem>> -> memref<1x1x1x80xi32, #tpu.memory_space<vmem>>
        %dma_start3A_1034 = tpu.memref_squeeze %dma_start3A_1033 : memref<1x1x1x80xi32, #tpu.memory_space<vmem>> -> memref<80xi32, #tpu.memory_space<vmem>>
        %dma_start3A_1035 = arith.constant 0 : i32
        %dma_start3A_1036 = arith.constant 0 : i32
        %dma_start3A_1037 = tpu.memref_slice %arg2[%dma_start3A_1035, %dma_start3A_1036] : memref<10000x128xf32, #tpu.memory_space<hbm>> -> memref<10000x128xf32, #tpu.memory_space<hbm>>
        tpu.enqueue_indirect_dma source(%dma_start3A_1037 : memref<10000x128xf32, #tpu.memory_space<hbm>>) target(%arg10 : memref<80x128xf32, #tpu.memory_space<vmem>>) offsets(%dma_start3A_1034 : memref<80xi32, #tpu.memory_space<vmem>>) semaphore(%arg13 : memref<!tpu.dma_semaphore, #tpu.memory_space<semaphore_mem>>)
        %dma_start3A_1038 = arith.constant 0 : i32
        %dma_start3A_1039 = arith.constant 0 : i32
        %dma_start3A_1040 = arith.constant 0 : i32
        %dma_start3A_1041 = tpu.memref_slice %arg9[%dma_start3A_1038, %add3A_1009, %dma_start3A_1039, %dma_start3A_1040] : memref<2x25x1x80xi32, #tpu.memory_space<vmem>> -> memref<1x1x1x80xi32, #tpu.memory_space<vmem>>
        %dma_start3A_1042 = tpu.memref_squeeze %dma_start3A_1041 : memref<1x1x1x80xi32, #tpu.memory_space<vmem>> -> memref<80xi32, #tpu.memory_space<vmem>>
        %dma_start3A_1043 = arith.constant 0 : i32
        %dma_start3A_1044 = arith.constant 0 : i32
        %dma_start3A_1045 = tpu.memref_slice %arg12[%dma_start3A_1043, %dma_start3A_1044] : memref<10000x128xf32, #tpu.memory_space<vmem_shared>> -> memref<10000x128xf32, #tpu.memory_space<vmem_shared>>
        tpu.enqueue_indirect_dma source(%arg11 : memref<80x128xf32, #tpu.memory_space<vmem>>) target(%dma_start3A_1045 : memref<10000x128xf32, #tpu.memory_space<vmem_shared>>) offsets(%dma_start3A_1042 : memref<80xi32, #tpu.memory_space<vmem>>) semaphore(%arg14 : memref<!tpu.dma_semaphore, #tpu.memory_space<semaphore_mem>>) {add = true}
        %dma_wait3A_1046 = arith.constant 0 : i32
        %dma_wait3A_1047 = arith.constant 0 : i32
        %dma_wait3A_1048 = arith.constant 0 : i32
        %dma_wait3A_1049 = arith.constant 0 : i32
        %dma_wait3A_1050 = tpu.memref_slice %arg8[%dma_wait3A_1046, %dma_wait3A_1047, %dma_wait3A_1048, %dma_wait3A_1049] : memref<2x25x1x80xi32, #tpu.memory_space<vmem>> -> memref<1x1x1x80xi32, #tpu.memory_space<vmem>>
        %dma_wait3A_1051 = tpu.memref_squeeze %dma_wait3A_1050 : memref<1x1x1x80xi32, #tpu.memory_space<vmem>> -> memref<80xi32, #tpu.memory_space<vmem>>
        %dma_wait3A_1052 = arith.constant 0 : i32
        %dma_wait3A_1053 = arith.constant 0 : i32
        %dma_wait3A_1054 = tpu.memref_slice %arg2[%dma_wait3A_1052, %dma_wait3A_1053] : memref<10000x128xf32, #tpu.memory_space<hbm>> -> memref<10000x128xf32, #tpu.memory_space<hbm>>
        tpu.wait_indirect_dma semaphore(%arg13 : memref<!tpu.dma_semaphore, #tpu.memory_space<semaphore_mem>>) src(%dma_wait3A_1054 : memref<10000x128xf32, #tpu.memory_space<hbm>>) dst(%arg10 : memref<80x128xf32, #tpu.memory_space<vmem>>)
        %dma_wait3A_1055 = arith.constant 0 : i32
        %dma_wait3A_1056 = arith.constant 0 : i32
        %dma_wait3A_1057 = arith.constant 0 : i32
        %dma_wait3A_1058 = arith.constant 0 : i32
        %dma_wait3A_1059 = tpu.memref_slice %arg9[%dma_wait3A_1055, %dma_wait3A_1056, %dma_wait3A_1057, %dma_wait3A_1058] : memref<2x25x1x80xi32, #tpu.memory_space<vmem>> -> memref<1x1x1x80xi32, #tpu.memory_space<vmem>>
        %dma_wait3A_1060 = tpu.memref_squeeze %dma_wait3A_1059 : memref<1x1x1x80xi32, #tpu.memory_space<vmem>> -> memref<80xi32, #tpu.memory_space<vmem>>
        %dma_wait3A_1061 = arith.constant 0 : i32
        %dma_wait3A_1062 = arith.constant 0 : i32
        %dma_wait3A_1063 = tpu.memref_slice %arg12[%dma_wait3A_1061, %dma_wait3A_1062] : memref<10000x128xf32, #tpu.memory_space<vmem_shared>> -> memref<10000x128xf32, #tpu.memory_space<vmem_shared>>
        tpu.wait_indirect_dma semaphore(%arg14 : memref<!tpu.dma_semaphore, #tpu.memory_space<semaphore_mem>>) src(%arg11 : memref<80x128xf32, #tpu.memory_space<vmem>>) dst(%dma_wait3A_1063 : memref<10000x128xf32, #tpu.memory_space<vmem_shared>>)
        %add3A_1064 = arith.constant 2 : i32
        %add3A_1065 = arith.addi %add3A_1009, %add3A_1064 : i32
        %dma_start3A_1066 = arith.constant 0 : i32
        %dma_start3A_1067 = arith.constant 0 : i32
        %dma_start3A_1068 = arith.constant 0 : i32
        %dma_start3A_1069 = tpu.memref_slice %arg8[%dma_start3A_1066, %add3A_1065, %dma_start3A_1067, %dma_start3A_1068] : memref<2x25x1x80xi32, #tpu.memory_space<vmem>> -> memref<1x1x1x80xi32, #tpu.memory_space<vmem>>
        %dma_start3A_1070 = tpu.memref_squeeze %dma_start3A_1069 : memref<1x1x1x80xi32, #tpu.memory_space<vmem>> -> memref<80xi32, #tpu.memory_space<vmem>>
        %dma_start3A_1071 = arith.constant 0 : i32
        %dma_start3A_1072 = arith.constant 0 : i32
        %dma_start3A_1073 = tpu.memref_slice %arg2[%dma_start3A_1071, %dma_start3A_1072] : memref<10000x128xf32, #tpu.memory_space<hbm>> -> memref<10000x128xf32, #tpu.memory_space<hbm>>
        tpu.enqueue_indirect_dma source(%dma_start3A_1073 : memref<10000x128xf32, #tpu.memory_space<hbm>>) target(%arg11 : memref<80x128xf32, #tpu.memory_space<vmem>>) offsets(%dma_start3A_1070 : memref<80xi32, #tpu.memory_space<vmem>>) semaphore(%arg13 : memref<!tpu.dma_semaphore, #tpu.memory_space<semaphore_mem>>)
        %add3A_1074 = arith.constant 1 : i32
        %add3A_1075 = arith.addi %add3A_1009, %add3A_1074 : i32
        %dma_start3A_1076 = arith.constant 0 : i32
        %dma_start3A_1077 = arith.constant 0 : i32
        %dma_start3A_1078 = arith.constant 0 : i32
        %dma_start3A_1079 = tpu.memref_slice %arg9[%dma_start3A_1076, %add3A_1075, %dma_start3A_1077, %dma_start3A_1078] : memref<2x25x1x80xi32, #tpu.memory_space<vmem>> -> memref<1x1x1x80xi32, #tpu.memory_space<vmem>>
        %dma_start3A_1080 = tpu.memref_squeeze %dma_start3A_1079 : memref<1x1x1x80xi32, #tpu.memory_space<vmem>> -> memref<80xi32, #tpu.memory_space<vmem>>
        %dma_start3A_1081 = arith.constant 0 : i32
        %dma_start3A_1082 = arith.constant 0 : i32
        %dma_start3A_1083 = tpu.memref_slice %arg12[%dma_start3A_1081, %dma_start3A_1082] : memref<10000x128xf32, #tpu.memory_space<vmem_shared>> -> memref<10000x128xf32, #tpu.memory_space<vmem_shared>>
        tpu.enqueue_indirect_dma source(%arg10 : memref<80x128xf32, #tpu.memory_space<vmem>>) target(%dma_start3A_1083 : memref<10000x128xf32, #tpu.memory_space<vmem_shared>>) offsets(%dma_start3A_1080 : memref<80xi32, #tpu.memory_space<vmem>>) semaphore(%arg14 : memref<!tpu.dma_semaphore, #tpu.memory_space<semaphore_mem>>) {add = true}
      }
      %scan3A_177 = arith.constant 11 : i32
      %dma_wait3A_178 = arith.constant 0 : i32
      %dma_wait3A_179 = arith.constant 0 : i32
      %dma_wait3A_180 = arith.constant 0 : i32
      %dma_wait3A_181 = arith.constant 0 : i32
      %dma_wait3A_182 = tpu.memref_slice %arg8[%dma_wait3A_178, %dma_wait3A_179, %dma_wait3A_180, %dma_wait3A_181] : memref<2x25x1x80xi32, #tpu.memory_space<vmem>> -> memref<1x1x1x80xi32, #tpu.memory_space<vmem>>
      %dma_wait3A_183 = tpu.memref_squeeze %dma_wait3A_182 : memref<1x1x1x80xi32, #tpu.memory_space<vmem>> -> memref<80xi32, #tpu.memory_space<vmem>>
      %dma_wait3A_184 = arith.constant 0 : i32
      %dma_wait3A_185 = arith.constant 0 : i32
      %dma_wait3A_186 = tpu.memref_slice %arg2[%dma_wait3A_184, %dma_wait3A_185] : memref<10000x128xf32, #tpu.memory_space<hbm>> -> memref<10000x128xf32, #tpu.memory_space<hbm>>
      tpu.wait_indirect_dma semaphore(%arg13 : memref<!tpu.dma_semaphore, #tpu.memory_space<semaphore_mem>>) src(%dma_wait3A_186 : memref<10000x128xf32, #tpu.memory_space<hbm>>) dst(%arg11 : memref<80x128xf32, #tpu.memory_space<vmem>>)
      %dma_wait3A_187 = arith.constant 0 : i32
      %dma_wait3A_188 = arith.constant 0 : i32
      %dma_wait3A_189 = arith.constant 0 : i32
      %dma_wait3A_190 = arith.constant 0 : i32
      %dma_wait3A_191 = tpu.memref_slice %arg9[%dma_wait3A_187, %dma_wait3A_188, %dma_wait3A_189, %dma_wait3A_190] : memref<2x25x1x80xi32, #tpu.memory_space<vmem>> -> memref<1x1x1x80xi32, #tpu.memory_space<vmem>>
      %dma_wait3A_192 = tpu.memref_squeeze %dma_wait3A_191 : memref<1x1x1x80xi32, #tpu.memory_space<vmem>> -> memref<80xi32, #tpu.memory_space<vmem>>
      %dma_wait3A_193 = arith.constant 0 : i32
      %dma_wait3A_194 = arith.constant 0 : i32
      %dma_wait3A_195 = tpu.memref_slice %arg12[%dma_wait3A_193, %dma_wait3A_194] : memref<10000x128xf32, #tpu.memory_space<vmem_shared>> -> memref<10000x128xf32, #tpu.memory_space<vmem_shared>>
      tpu.wait_indirect_dma semaphore(%arg14 : memref<!tpu.dma_semaphore, #tpu.memory_space<semaphore_mem>>) src(%arg10 : memref<80x128xf32, #tpu.memory_space<vmem>>) dst(%dma_wait3A_195 : memref<10000x128xf32, #tpu.memory_space<vmem_shared>>)
      %dma_start3A_196 = arith.constant 0 : i32
      %dma_start3A_197 = arith.constant 24 : i32
      %dma_start3A_198 = arith.constant 0 : i32
      %dma_start3A_199 = arith.constant 0 : i32
      %dma_start3A_200 = tpu.memref_slice %arg8[%dma_start3A_196, %dma_start3A_197, %dma_start3A_198, %dma_start3A_199] : memref<2x25x1x80xi32, #tpu.memory_space<vmem>> -> memref<1x1x1x80xi32, #tpu.memory_space<vmem>>
      %dma_start3A_201 = tpu.memref_squeeze %dma_start3A_200 : memref<1x1x1x80xi32, #tpu.memory_space<vmem>> -> memref<80xi32, #tpu.memory_space<vmem>>
      %dma_start3A_202 = arith.constant 0 : i32
      %dma_start3A_203 = arith.constant 0 : i32
      %dma_start3A_204 = tpu.memref_slice %arg2[%dma_start3A_202, %dma_start3A_203] : memref<10000x128xf32, #tpu.memory_space<hbm>> -> memref<10000x128xf32, #tpu.memory_space<hbm>>
      tpu.enqueue_indirect_dma source(%dma_start3A_204 : memref<10000x128xf32, #tpu.memory_space<hbm>>) target(%arg10 : memref<80x128xf32, #tpu.memory_space<vmem>>) offsets(%dma_start3A_201 : memref<80xi32, #tpu.memory_space<vmem>>) semaphore(%arg13 : memref<!tpu.dma_semaphore, #tpu.memory_space<semaphore_mem>>)
      %dma_start3A_205 = arith.constant 0 : i32
      %dma_start3A_206 = arith.constant 23 : i32
      %dma_start3A_207 = arith.constant 0 : i32
      %dma_start3A_208 = arith.constant 0 : i32
      %dma_start3A_209 = tpu.memref_slice %arg9[%dma_start3A_205, %dma_start3A_206, %dma_start3A_207, %dma_start3A_208] : memref<2x25x1x80xi32, #tpu.memory_space<vmem>> -> memref<1x1x1x80xi32, #tpu.memory_space<vmem>>
      %dma_start3A_210 = tpu.memref_squeeze %dma_start3A_209 : memref<1x1x1x80xi32, #tpu.memory_space<vmem>> -> memref<80xi32, #tpu.memory_space<vmem>>
      %dma_start3A_211 = arith.constant 0 : i32
      %dma_start3A_212 = arith.constant 0 : i32
      %dma_start3A_213 = tpu.memref_slice %arg12[%dma_start3A_211, %dma_start3A_212] : memref<10000x128xf32, #tpu.memory_space<vmem_shared>> -> memref<10000x128xf32, #tpu.memory_space<vmem_shared>>
      tpu.enqueue_indirect_dma source(%arg11 : memref<80x128xf32, #tpu.memory_space<vmem>>) target(%dma_start3A_213 : memref<10000x128xf32, #tpu.memory_space<vmem_shared>>) offsets(%dma_start3A_210 : memref<80xi32, #tpu.memory_space<vmem>>) semaphore(%arg14 : memref<!tpu.dma_semaphore, #tpu.memory_space<semaphore_mem>>) {add = true}
      %dma_wait3A_214 = arith.constant 0 : i32
      %dma_wait3A_215 = arith.constant 0 : i32
      %dma_wait3A_216 = arith.constant 0 : i32
      %dma_wait3A_217 = arith.constant 0 : i32
      %dma_wait3A_218 = tpu.memref_slice %arg8[%dma_wait3A_214, %dma_wait3A_215, %dma_wait3A_216, %dma_wait3A_217] : memref<2x25x1x80xi32, #tpu.memory_space<vmem>> -> memref<1x1x1x80xi32, #tpu.memory_space<vmem>>
      %dma_wait3A_219 = tpu.memref_squeeze %dma_wait3A_218 : memref<1x1x1x80xi32, #tpu.memory_space<vmem>> -> memref<80xi32, #tpu.memory_space<vmem>>
      %dma_wait3A_220 = arith.constant 0 : i32
      %dma_wait3A_221 = arith.constant 0 : i32
      %dma_wait3A_222 = tpu.memref_slice %arg2[%dma_wait3A_220, %dma_wait3A_221] : memref<10000x128xf32, #tpu.memory_space<hbm>> -> memref<10000x128xf32, #tpu.memory_space<hbm>>
      tpu.wait_indirect_dma semaphore(%arg13 : memref<!tpu.dma_semaphore, #tpu.memory_space<semaphore_mem>>) src(%dma_wait3A_222 : memref<10000x128xf32, #tpu.memory_space<hbm>>) dst(%arg10 : memref<80x128xf32, #tpu.memory_space<vmem>>)
      %dma_wait3A_223 = arith.constant 0 : i32
      %dma_wait3A_224 = arith.constant 0 : i32
      %dma_wait3A_225 = arith.constant 0 : i32
      %dma_wait3A_226 = arith.constant 0 : i32
      %dma_wait3A_227 = tpu.memref_slice %arg9[%dma_wait3A_223, %dma_wait3A_224, %dma_wait3A_225, %dma_wait3A_226] : memref<2x25x1x80xi32, #tpu.memory_space<vmem>> -> memref<1x1x1x80xi32, #tpu.memory_space<vmem>>
      %dma_wait3A_228 = tpu.memref_squeeze %dma_wait3A_227 : memref<1x1x1x80xi32, #tpu.memory_space<vmem>> -> memref<80xi32, #tpu.memory_space<vmem>>
      %dma_wait3A_229 = arith.constant 0 : i32
      %dma_wait3A_230 = arith.constant 0 : i32
      %dma_wait3A_231 = tpu.memref_slice %arg12[%dma_wait3A_229, %dma_wait3A_230] : memref<10000x128xf32, #tpu.memory_space<vmem_shared>> -> memref<10000x128xf32, #tpu.memory_space<vmem_shared>>
      tpu.wait_indirect_dma semaphore(%arg14 : memref<!tpu.dma_semaphore, #tpu.memory_space<semaphore_mem>>) src(%arg11 : memref<80x128xf32, #tpu.memory_space<vmem>>) dst(%dma_wait3A_231 : memref<10000x128xf32, #tpu.memory_space<vmem_shared>>)
      %dma_start3A_232 = arith.constant 0 : i32
      %dma_start3A_233 = arith.constant 24 : i32
      %dma_start3A_234 = arith.constant 0 : i32
      %dma_start3A_235 = arith.constant 0 : i32
      %dma_start3A_236 = tpu.memref_slice %arg9[%dma_start3A_232, %dma_start3A_233, %dma_start3A_234, %dma_start3A_235] : memref<2x25x1x80xi32, #tpu.memory_space<vmem>> -> memref<1x1x1x80xi32, #tpu.memory_space<vmem>>
      %dma_start3A_237 = tpu.memref_squeeze %dma_start3A_236 : memref<1x1x1x80xi32, #tpu.memory_space<vmem>> -> memref<80xi32, #tpu.memory_space<vmem>>
      %dma_start3A_238 = arith.constant 0 : i32
      %dma_start3A_239 = arith.constant 0 : i32
      %dma_start3A_240 = tpu.memref_slice %arg12[%dma_start3A_238, %dma_start3A_239] : memref<10000x128xf32, #tpu.memory_space<vmem_shared>> -> memref<10000x128xf32, #tpu.memory_space<vmem_shared>>
      tpu.enqueue_indirect_dma source(%arg10 : memref<80x128xf32, #tpu.memory_space<vmem>>) target(%dma_start3A_240 : memref<10000x128xf32, #tpu.memory_space<vmem_shared>>) offsets(%dma_start3A_237 : memref<80xi32, #tpu.memory_space<vmem>>) semaphore(%arg14 : memref<!tpu.dma_semaphore, #tpu.memory_space<semaphore_mem>>) {add = true}
      %dma_wait3A_241 = arith.constant 0 : i32
      %dma_wait3A_242 = arith.constant 0 : i32
      %dma_wait3A_243 = arith.constant 0 : i32
      %dma_wait3A_244 = arith.constant 0 : i32
      %dma_wait3A_245 = tpu.memref_slice %arg9[%dma_wait3A_241, %dma_wait3A_242, %dma_wait3A_243, %dma_wait3A_244] : memref<2x25x1x80xi32, #tpu.memory_space<vmem>> -> memref<1x1x1x80xi32, #tpu.memory_space<vmem>>
      %dma_wait3A_246 = tpu.memref_squeeze %dma_wait3A_245 : memref<1x1x1x80xi32, #tpu.memory_space<vmem>> -> memref<80xi32, #tpu.memory_space<vmem>>
      %dma_wait3A_247 = arith.constant 0 : i32
      %dma_wait3A_248 = arith.constant 0 : i32
      %dma_wait3A_249 = tpu.memref_slice %arg12[%dma_wait3A_247, %dma_wait3A_248] : memref<10000x128xf32, #tpu.memory_space<vmem_shared>> -> memref<10000x128xf32, #tpu.memory_space<vmem_shared>>
      tpu.wait_indirect_dma semaphore(%arg14 : memref<!tpu.dma_semaphore, #tpu.memory_space<semaphore_mem>>) src(%arg10 : memref<80x128xf32, #tpu.memory_space<vmem>>) dst(%dma_wait3A_249 : memref<10000x128xf32, #tpu.memory_space<vmem_shared>>)
      %dma_wait3A_250 = arith.constant 0 : i32
      %dma_wait3A_251 = arith.constant 0 : i32
      %dma_wait3A_252 = arith.constant 0 : i32
      %dma_wait3A_253 = arith.constant 0 : i32
      %dma_wait3A_254 = tpu.memref_slice %arg8[%dma_wait3A_250, %dma_wait3A_251, %dma_wait3A_252, %dma_wait3A_253] : memref<2x25x1x80xi32, #tpu.memory_space<vmem>> -> memref<1x25x1x80xi32, #tpu.memory_space<vmem>>
      %dma_wait3A_255 = tpu.memref_squeeze %dma_wait3A_254 : memref<1x25x1x80xi32, #tpu.memory_space<vmem>> -> memref<25x1x80xi32, #tpu.memory_space<vmem>>
      %dma_wait3A_256 = arith.constant 0 : i32
      %dma_wait3A_257 = arith.constant 0 : i32
      %dma_wait3A_258 = arith.constant 0 : i32
      %dma_wait3A_259 = tpu.memref_slice %arg4[%arg1, %dma_wait3A_256, %dma_wait3A_257, %dma_wait3A_258] : memref<16x125x1x80xi32, #tpu.memory_space<hbm>> -> memref<1x25x1x80xi32, #tpu.memory_space<hbm>>
      %dma_wait3A_260 = tpu.memref_squeeze %dma_wait3A_259 : memref<1x25x1x80xi32, #tpu.memory_space<hbm>> -> memref<25x1x80xi32, #tpu.memory_space<hbm>>
      %dma_wait3A_261 = arith.constant 0 : i32
      %dma_wait3A_262 = arith.constant 0 : i32
      %dma_wait3A_263 = arith.constant 0 : i32
      %dma_wait3A_264 = tpu.memref_slice %arg8[%dma_wait3A_250, %dma_wait3A_261, %dma_wait3A_262, %dma_wait3A_263] : memref<2x25x1x80xi32, #tpu.memory_space<vmem>> -> memref<1x25x1x80xi32, #tpu.memory_space<vmem>>
      %dma_wait3A_265 = tpu.memref_squeeze %dma_wait3A_264 : memref<1x25x1x80xi32, #tpu.memory_space<vmem>> -> memref<25x1x80xi32, #tpu.memory_space<vmem>>
      %dma_wait3A_266 = arith.constant 0 : i32
      %dma_wait3A_267 = arith.constant 0 : i32
      %dma_wait3A_268 = arith.constant 0 : i32
      %dma_wait3A_269 = tpu.memref_slice %arg4[%arg1, %dma_wait3A_266, %dma_wait3A_267, %dma_wait3A_268] : memref<16x125x1x80xi32, #tpu.memory_space<hbm>> -> memref<1x25x1x80xi32, #tpu.memory_space<hbm>>
      %dma_wait3A_270 = tpu.memref_squeeze %dma_wait3A_269 : memref<1x25x1x80xi32, #tpu.memory_space<hbm>> -> memref<25x1x80xi32, #tpu.memory_space<hbm>>
      tpu.wait_dma2 semaphore(%arg15 : memref<!tpu.dma_semaphore, #tpu.memory_space<semaphore_mem>>) src(%dma_wait3A_270 : memref<25x1x80xi32, #tpu.memory_space<hbm>>) dst(%dma_wait3A_265 : memref<25x1x80xi32, #tpu.memory_space<vmem>>)
      %dma_wait3A_271 = arith.constant 0 : i32
      %dma_wait3A_272 = arith.constant 0 : i32
      %dma_wait3A_273 = arith.constant 0 : i32
      %dma_wait3A_274 = arith.constant 0 : i32
      %dma_wait3A_275 = tpu.memref_slice %arg9[%dma_wait3A_271, %dma_wait3A_272, %dma_wait3A_273, %dma_wait3A_274] : memref<2x25x1x80xi32, #tpu.memory_space<vmem>> -> memref<1x25x1x80xi32, #tpu.memory_space<vmem>>
      %dma_wait3A_276 = tpu.memref_squeeze %dma_wait3A_275 : memref<1x25x1x80xi32, #tpu.memory_space<vmem>> -> memref<25x1x80xi32, #tpu.memory_space<vmem>>
      %dma_wait3A_277 = arith.constant 0 : i32
      %dma_wait3A_278 = arith.constant 0 : i32
      %dma_wait3A_279 = arith.constant 0 : i32
      %dma_wait3A_280 = tpu.memref_slice %arg4[%arg1, %dma_wait3A_277, %dma_wait3A_278, %dma_wait3A_279] : memref<16x125x1x80xi32, #tpu.memory_space<hbm>> -> memref<1x25x1x80xi32, #tpu.memory_space<hbm>>
      %dma_wait3A_281 = tpu.memref_squeeze %dma_wait3A_280 : memref<1x25x1x80xi32, #tpu.memory_space<hbm>> -> memref<25x1x80xi32, #tpu.memory_space<hbm>>
      %dma_wait3A_282 = arith.constant 0 : i32
      %dma_wait3A_283 = arith.constant 0 : i32
      %dma_wait3A_284 = arith.constant 0 : i32
      %dma_wait3A_285 = tpu.memref_slice %arg9[%dma_wait3A_271, %dma_wait3A_282, %dma_wait3A_283, %dma_wait3A_284] : memref<2x25x1x80xi32, #tpu.memory_space<vmem>> -> memref<1x25x1x80xi32, #tpu.memory_space<vmem>>
      %dma_wait3A_286 = tpu.memref_squeeze %dma_wait3A_285 : memref<1x25x1x80xi32, #tpu.memory_space<vmem>> -> memref<25x1x80xi32, #tpu.memory_space<vmem>>
      %dma_wait3A_287 = arith.constant 0 : i32
      %dma_wait3A_288 = arith.constant 0 : i32
      %dma_wait3A_289 = arith.constant 0 : i32
      %dma_wait3A_290 = tpu.memref_slice %arg4[%arg1, %dma_wait3A_287, %dma_wait3A_288, %dma_wait3A_289] : memref<16x125x1x80xi32, #tpu.memory_space<hbm>> -> memref<1x25x1x80xi32, #tpu.memory_space<hbm>>
      %dma_wait3A_291 = tpu.memref_squeeze %dma_wait3A_290 : memref<1x25x1x80xi32, #tpu.memory_space<hbm>> -> memref<25x1x80xi32, #tpu.memory_space<hbm>>
      tpu.wait_dma2 semaphore(%arg15 : memref<!tpu.dma_semaphore, #tpu.memory_space<semaphore_mem>>) src(%dma_wait3A_291 : memref<25x1x80xi32, #tpu.memory_space<hbm>>) dst(%dma_wait3A_286 : memref<25x1x80xi32, #tpu.memory_space<vmem>>)
      %dma_start3A_292 = arith.constant 0 : i32
      %dma_start3A_293 = arith.constant 0 : i32
      %dma_start3A_294 = arith.constant 0 : i32
      %dma_start3A_295 = arith.constant 0 : i32
      %dma_start3A_296 = tpu.memref_slice %arg8[%dma_start3A_292, %dma_start3A_293, %dma_start3A_294, %dma_start3A_295] : memref<2x25x1x80xi32, #tpu.memory_space<vmem>> -> memref<1x25x1x80xi32, #tpu.memory_space<vmem>>
      %dma_start3A_297 = tpu.memref_squeeze %dma_start3A_296 : memref<1x25x1x80xi32, #tpu.memory_space<vmem>> -> memref<25x1x80xi32, #tpu.memory_space<vmem>>
      %dma_start3A_298 = arith.constant 50 : i32
      %dma_start3A_299 = arith.constant 0 : i32
      %dma_start3A_300 = arith.constant 0 : i32
      %dma_start3A_301 = tpu.memref_slice %arg4[%arg1, %dma_start3A_298, %dma_start3A_299, %dma_start3A_300] : memref<16x125x1x80xi32, #tpu.memory_space<hbm>> -> memref<1x25x1x80xi32, #tpu.memory_space<hbm>>
      %dma_start3A_302 = tpu.memref_squeeze %dma_start3A_301 : memref<1x25x1x80xi32, #tpu.memory_space<hbm>> -> memref<25x1x80xi32, #tpu.memory_space<hbm>>
      %dma_start3A_303 = arith.constant 0 : i32
      %dma_start3A_304 = arith.constant 0 : i32
      %dma_start3A_305 = arith.constant 0 : i32
      %dma_start3A_306 = tpu.memref_slice %arg8[%dma_start3A_292, %dma_start3A_303, %dma_start3A_304, %dma_start3A_305] : memref<2x25x1x80xi32, #tpu.memory_space<vmem>> -> memref<1x25x1x80xi32, #tpu.memory_space<vmem>>
      %dma_start3A_307 = tpu.memref_squeeze %dma_start3A_306 : memref<1x25x1x80xi32, #tpu.memory_space<vmem>> -> memref<25x1x80xi32, #tpu.memory_space<vmem>>
      %dma_start3A_308 = arith.constant 50 : i32
      %dma_start3A_309 = arith.constant 0 : i32
      %dma_start3A_310 = arith.constant 0 : i32
      %dma_start3A_311 = tpu.memref_slice %arg4[%arg1, %dma_start3A_308, %dma_start3A_309, %dma_start3A_310] : memref<16x125x1x80xi32, #tpu.memory_space<hbm>> -> memref<1x25x1x80xi32, #tpu.memory_space<hbm>>
      %dma_start3A_312 = tpu.memref_squeeze %dma_start3A_311 : memref<1x25x1x80xi32, #tpu.memory_space<hbm>> -> memref<25x1x80xi32, #tpu.memory_space<hbm>>
      tpu.enqueue_dma source(%dma_start3A_312 : memref<25x1x80xi32, #tpu.memory_space<hbm>>) target(%dma_start3A_307 : memref<25x1x80xi32, #tpu.memory_space<vmem>>) target_semaphore(%arg15 : memref<!tpu.dma_semaphore, #tpu.memory_space<semaphore_mem>>)
      %dma_start3A_313 = arith.constant 0 : i32
      %dma_start3A_314 = arith.constant 0 : i32
      %dma_start3A_315 = arith.constant 0 : i32
      %dma_start3A_316 = arith.constant 0 : i32
      %dma_start3A_317 = tpu.memref_slice %arg9[%dma_start3A_313, %dma_start3A_314, %dma_start3A_315, %dma_start3A_316] : memref<2x25x1x80xi32, #tpu.memory_space<vmem>> -> memref<1x25x1x80xi32, #tpu.memory_space<vmem>>
      %dma_start3A_318 = tpu.memref_squeeze %dma_start3A_317 : memref<1x25x1x80xi32, #tpu.memory_space<vmem>> -> memref<25x1x80xi32, #tpu.memory_space<vmem>>
      %dma_start3A_319 = arith.constant 50 : i32
      %dma_start3A_320 = arith.constant 0 : i32
      %dma_start3A_321 = arith.constant 0 : i32
      %dma_start3A_322 = tpu.memref_slice %arg5[%arg1, %dma_start3A_319, %dma_start3A_320, %dma_start3A_321] : memref<16x125x1x80xi32, #tpu.memory_space<hbm>> -> memref<1x25x1x80xi32, #tpu.memory_space<hbm>>
      %dma_start3A_323 = tpu.memref_squeeze %dma_start3A_322 : memref<1x25x1x80xi32, #tpu.memory_space<hbm>> -> memref<25x1x80xi32, #tpu.memory_space<hbm>>
      %dma_start3A_324 = arith.constant 0 : i32
      %dma_start3A_325 = arith.constant 0 : i32
      %dma_start3A_326 = arith.constant 0 : i32
      %dma_start3A_327 = tpu.memref_slice %arg9[%dma_start3A_313, %dma_start3A_324, %dma_start3A_325, %dma_start3A_326] : memref<2x25x1x80xi32, #tpu.memory_space<vmem>> -> memref<1x25x1x80xi32, #tpu.memory_space<vmem>>
      %dma_start3A_328 = tpu.memref_squeeze %dma_start3A_327 : memref<1x25x1x80xi32, #tpu.memory_space<vmem>> -> memref<25x1x80xi32, #tpu.memory_space<vmem>>
      %dma_start3A_329 = arith.constant 50 : i32
      %dma_start3A_330 = arith.constant 0 : i32
      %dma_start3A_331 = arith.constant 0 : i32
      %dma_start3A_332 = tpu.memref_slice %arg5[%arg1, %dma_start3A_329, %dma_start3A_330, %dma_start3A_331] : memref<16x125x1x80xi32, #tpu.memory_space<hbm>> -> memref<1x25x1x80xi32, #tpu.memory_space<hbm>>
      %dma_start3A_333 = tpu.memref_squeeze %dma_start3A_332 : memref<1x25x1x80xi32, #tpu.memory_space<hbm>> -> memref<25x1x80xi32, #tpu.memory_space<hbm>>
      tpu.enqueue_dma source(%dma_start3A_333 : memref<25x1x80xi32, #tpu.memory_space<hbm>>) target(%dma_start3A_328 : memref<25x1x80xi32, #tpu.memory_space<vmem>>) target_semaphore(%arg15 : memref<!tpu.dma_semaphore, #tpu.memory_space<semaphore_mem>>)
      %dma_start3A_334 = arith.constant 1 : i32
      %dma_start3A_335 = arith.constant 0 : i32
      %dma_start3A_336 = arith.constant 0 : i32
      %dma_start3A_337 = arith.constant 0 : i32
      %dma_start3A_338 = tpu.memref_slice %arg8[%dma_start3A_334, %dma_start3A_335, %dma_start3A_336, %dma_start3A_337] : memref<2x25x1x80xi32, #tpu.memory_space<vmem>> -> memref<1x1x1x80xi32, #tpu.memory_space<vmem>>
      %dma_start3A_339 = tpu.memref_squeeze %dma_start3A_338 : memref<1x1x1x80xi32, #tpu.memory_space<vmem>> -> memref<80xi32, #tpu.memory_space<vmem>>
      %dma_start3A_340 = arith.constant 0 : i32
      %dma_start3A_341 = arith.constant 0 : i32
      %dma_start3A_342 = tpu.memref_slice %arg2[%dma_start3A_340, %dma_start3A_341] : memref<10000x128xf32, #tpu.memory_space<hbm>> -> memref<10000x128xf32, #tpu.memory_space<hbm>>
      tpu.enqueue_indirect_dma source(%dma_start3A_342 : memref<10000x128xf32, #tpu.memory_space<hbm>>) target(%arg10 : memref<80x128xf32, #tpu.memory_space<vmem>>) offsets(%dma_start3A_339 : memref<80xi32, #tpu.memory_space<vmem>>) semaphore(%arg13 : memref<!tpu.dma_semaphore, #tpu.memory_space<semaphore_mem>>)
      %dma_wait3A_343 = arith.constant 0 : i32
      %dma_wait3A_344 = arith.constant 0 : i32
      %dma_wait3A_345 = arith.constant 0 : i32
      %dma_wait3A_346 = arith.constant 0 : i32
      %dma_wait3A_347 = tpu.memref_slice %arg8[%dma_wait3A_343, %dma_wait3A_344, %dma_wait3A_345, %dma_wait3A_346] : memref<2x25x1x80xi32, #tpu.memory_space<vmem>> -> memref<1x1x1x80xi32, #tpu.memory_space<vmem>>
      %dma_wait3A_348 = tpu.memref_squeeze %dma_wait3A_347 : memref<1x1x1x80xi32, #tpu.memory_space<vmem>> -> memref<80xi32, #tpu.memory_space<vmem>>
      %dma_wait3A_349 = arith.constant 0 : i32
      %dma_wait3A_350 = arith.constant 0 : i32
      %dma_wait3A_351 = tpu.memref_slice %arg2[%dma_wait3A_349, %dma_wait3A_350] : memref<10000x128xf32, #tpu.memory_space<hbm>> -> memref<10000x128xf32, #tpu.memory_space<hbm>>
      tpu.wait_indirect_dma semaphore(%arg13 : memref<!tpu.dma_semaphore, #tpu.memory_space<semaphore_mem>>) src(%dma_wait3A_351 : memref<10000x128xf32, #tpu.memory_space<hbm>>) dst(%arg10 : memref<80x128xf32, #tpu.memory_space<vmem>>)
      %dma_start3A_352 = arith.constant 1 : i32
      %dma_start3A_353 = arith.constant 1 : i32
      %dma_start3A_354 = arith.constant 0 : i32
      %dma_start3A_355 = arith.constant 0 : i32
      %dma_start3A_356 = tpu.memref_slice %arg8[%dma_start3A_352, %dma_start3A_353, %dma_start3A_354, %dma_start3A_355] : memref<2x25x1x80xi32, #tpu.memory_space<vmem>> -> memref<1x1x1x80xi32, #tpu.memory_space<vmem>>
      %dma_start3A_357 = tpu.memref_squeeze %dma_start3A_356 : memref<1x1x1x80xi32, #tpu.memory_space<vmem>> -> memref<80xi32, #tpu.memory_space<vmem>>
      %dma_start3A_358 = arith.constant 0 : i32
      %dma_start3A_359 = arith.constant 0 : i32
      %dma_start3A_360 = tpu.memref_slice %arg2[%dma_start3A_358, %dma_start3A_359] : memref<10000x128xf32, #tpu.memory_space<hbm>> -> memref<10000x128xf32, #tpu.memory_space<hbm>>
      tpu.enqueue_indirect_dma source(%dma_start3A_360 : memref<10000x128xf32, #tpu.memory_space<hbm>>) target(%arg11 : memref<80x128xf32, #tpu.memory_space<vmem>>) offsets(%dma_start3A_357 : memref<80xi32, #tpu.memory_space<vmem>>) semaphore(%arg13 : memref<!tpu.dma_semaphore, #tpu.memory_space<semaphore_mem>>)
      %dma_start3A_361 = arith.constant 1 : i32
      %dma_start3A_362 = arith.constant 0 : i32
      %dma_start3A_363 = arith.constant 0 : i32
      %dma_start3A_364 = arith.constant 0 : i32
      %dma_start3A_365 = tpu.memref_slice %arg9[%dma_start3A_361, %dma_start3A_362, %dma_start3A_363, %dma_start3A_364] : memref<2x25x1x80xi32, #tpu.memory_space<vmem>> -> memref<1x1x1x80xi32, #tpu.memory_space<vmem>>
      %dma_start3A_366 = tpu.memref_squeeze %dma_start3A_365 : memref<1x1x1x80xi32, #tpu.memory_space<vmem>> -> memref<80xi32, #tpu.memory_space<vmem>>
      %dma_start3A_367 = arith.constant 0 : i32
      %dma_start3A_368 = arith.constant 0 : i32
      %dma_start3A_369 = tpu.memref_slice %arg12[%dma_start3A_367, %dma_start3A_368] : memref<10000x128xf32, #tpu.memory_space<vmem_shared>> -> memref<10000x128xf32, #tpu.memory_space<vmem_shared>>
      tpu.enqueue_indirect_dma source(%arg10 : memref<80x128xf32, #tpu.memory_space<vmem>>) target(%dma_start3A_369 : memref<10000x128xf32, #tpu.memory_space<vmem_shared>>) offsets(%dma_start3A_366 : memref<80xi32, #tpu.memory_space<vmem>>) semaphore(%arg14 : memref<!tpu.dma_semaphore, #tpu.memory_space<semaphore_mem>>) {add = true}
      %scan3A_370 = arith.constant 0 : i32
      %scan3A_371 = arith.constant 0 : i32
      %scan3A_372 = arith.constant 11 : i32
      %scan3A_373 = arith.addi %scan3A_371, %scan3A_372 : i32
      %scan3A_374 = arith.constant 1 : i32
      scf.for %scan3A_1006 = %scan3A_371 to %scan3A_373 step %scan3A_374  : i32 {
        %mul3A_1007 = arith.constant 2 : i32
        %mul3A_1008 = arith.muli %mul3A_1007, %scan3A_1006 : i32
        %add3A = arith.constant 1 : i32
        %add3A_1009 = arith.addi %add3A, %mul3A_1008 : i32
        %dma_wait3A_1010 = arith.constant 0 : i32
        %dma_wait3A_1011 = arith.constant 0 : i32
        %dma_wait3A_1012 = arith.constant 0 : i32
        %dma_wait3A_1013 = arith.constant 0 : i32
        %dma_wait3A_1014 = tpu.memref_slice %arg8[%dma_wait3A_1010, %dma_wait3A_1011, %dma_wait3A_1012, %dma_wait3A_1013] : memref<2x25x1x80xi32, #tpu.memory_space<vmem>> -> memref<1x1x1x80xi32, #tpu.memory_space<vmem>>
        %dma_wait3A_1015 = tpu.memref_squeeze %dma_wait3A_1014 : memref<1x1x1x80xi32, #tpu.memory_space<vmem>> -> memref<80xi32, #tpu.memory_space<vmem>>
        %dma_wait3A_1016 = arith.constant 0 : i32
        %dma_wait3A_1017 = arith.constant 0 : i32
        %dma_wait3A_1018 = tpu.memref_slice %arg2[%dma_wait3A_1016, %dma_wait3A_1017] : memref<10000x128xf32, #tpu.memory_space<hbm>> -> memref<10000x128xf32, #tpu.memory_space<hbm>>
        tpu.wait_indirect_dma semaphore(%arg13 : memref<!tpu.dma_semaphore, #tpu.memory_space<semaphore_mem>>) src(%dma_wait3A_1018 : memref<10000x128xf32, #tpu.memory_space<hbm>>) dst(%arg11 : memref<80x128xf32, #tpu.memory_space<vmem>>)
        %dma_wait3A_1019 = arith.constant 0 : i32
        %dma_wait3A_1020 = arith.constant 0 : i32
        %dma_wait3A_1021 = arith.constant 0 : i32
        %dma_wait3A_1022 = arith.constant 0 : i32
        %dma_wait3A_1023 = tpu.memref_slice %arg9[%dma_wait3A_1019, %dma_wait3A_1020, %dma_wait3A_1021, %dma_wait3A_1022] : memref<2x25x1x80xi32, #tpu.memory_space<vmem>> -> memref<1x1x1x80xi32, #tpu.memory_space<vmem>>
        %dma_wait3A_1024 = tpu.memref_squeeze %dma_wait3A_1023 : memref<1x1x1x80xi32, #tpu.memory_space<vmem>> -> memref<80xi32, #tpu.memory_space<vmem>>
        %dma_wait3A_1025 = arith.constant 0 : i32
        %dma_wait3A_1026 = arith.constant 0 : i32
        %dma_wait3A_1027 = tpu.memref_slice %arg12[%dma_wait3A_1025, %dma_wait3A_1026] : memref<10000x128xf32, #tpu.memory_space<vmem_shared>> -> memref<10000x128xf32, #tpu.memory_space<vmem_shared>>
        tpu.wait_indirect_dma semaphore(%arg14 : memref<!tpu.dma_semaphore, #tpu.memory_space<semaphore_mem>>) src(%arg10 : memref<80x128xf32, #tpu.memory_space<vmem>>) dst(%dma_wait3A_1027 : memref<10000x128xf32, #tpu.memory_space<vmem_shared>>)
        %add3A_1028 = arith.constant 1 : i32
        %add3A_1029 = arith.addi %add3A_1009, %add3A_1028 : i32
        %dma_start3A_1030 = arith.constant 1 : i32
        %dma_start3A_1031 = arith.constant 0 : i32
        %dma_start3A_1032 = arith.constant 0 : i32
        %dma_start3A_1033 = tpu.memref_slice %arg8[%dma_start3A_1030, %add3A_1029, %dma_start3A_1031, %dma_start3A_1032] : memref<2x25x1x80xi32, #tpu.memory_space<vmem>> -> memref<1x1x1x80xi32, #tpu.memory_space<vmem>>
        %dma_start3A_1034 = tpu.memref_squeeze %dma_start3A_1033 : memref<1x1x1x80xi32, #tpu.memory_space<vmem>> -> memref<80xi32, #tpu.memory_space<vmem>>
        %dma_start3A_1035 = arith.constant 0 : i32
        %dma_start3A_1036 = arith.constant 0 : i32
        %dma_start3A_1037 = tpu.memref_slice %arg2[%dma_start3A_1035, %dma_start3A_1036] : memref<10000x128xf32, #tpu.memory_space<hbm>> -> memref<10000x128xf32, #tpu.memory_space<hbm>>
        tpu.enqueue_indirect_dma source(%dma_start3A_1037 : memref<10000x128xf32, #tpu.memory_space<hbm>>) target(%arg10 : memref<80x128xf32, #tpu.memory_space<vmem>>) offsets(%dma_start3A_1034 : memref<80xi32, #tpu.memory_space<vmem>>) semaphore(%arg13 : memref<!tpu.dma_semaphore, #tpu.memory_space<semaphore_mem>>)
        %dma_start3A_1038 = arith.constant 1 : i32
        %dma_start3A_1039 = arith.constant 0 : i32
        %dma_start3A_1040 = arith.constant 0 : i32
        %dma_start3A_1041 = tpu.memref_slice %arg9[%dma_start3A_1038, %add3A_1009, %dma_start3A_1039, %dma_start3A_1040] : memref<2x25x1x80xi32, #tpu.memory_space<vmem>> -> memref<1x1x1x80xi32, #tpu.memory_space<vmem>>
        %dma_start3A_1042 = tpu.memref_squeeze %dma_start3A_1041 : memref<1x1x1x80xi32, #tpu.memory_space<vmem>> -> memref<80xi32, #tpu.memory_space<vmem>>
        %dma_start3A_1043 = arith.constant 0 : i32
        %dma_start3A_1044 = arith.constant 0 : i32
        %dma_start3A_1045 = tpu.memref_slice %arg12[%dma_start3A_1043, %dma_start3A_1044] : memref<10000x128xf32, #tpu.memory_space<vmem_shared>> -> memref<10000x128xf32, #tpu.memory_space<vmem_shared>>
        tpu.enqueue_indirect_dma source(%arg11 : memref<80x128xf32, #tpu.memory_space<vmem>>) target(%dma_start3A_1045 : memref<10000x128xf32, #tpu.memory_space<vmem_shared>>) offsets(%dma_start3A_1042 : memref<80xi32, #tpu.memory_space<vmem>>) semaphore(%arg14 : memref<!tpu.dma_semaphore, #tpu.memory_space<semaphore_mem>>) {add = true}
        %dma_wait3A_1046 = arith.constant 0 : i32
        %dma_wait3A_1047 = arith.constant 0 : i32
        %dma_wait3A_1048 = arith.constant 0 : i32
        %dma_wait3A_1049 = arith.constant 0 : i32
        %dma_wait3A_1050 = tpu.memref_slice %arg8[%dma_wait3A_1046, %dma_wait3A_1047, %dma_wait3A_1048, %dma_wait3A_1049] : memref<2x25x1x80xi32, #tpu.memory_space<vmem>> -> memref<1x1x1x80xi32, #tpu.memory_space<vmem>>
        %dma_wait3A_1051 = tpu.memref_squeeze %dma_wait3A_1050 : memref<1x1x1x80xi32, #tpu.memory_space<vmem>> -> memref<80xi32, #tpu.memory_space<vmem>>
        %dma_wait3A_1052 = arith.constant 0 : i32
        %dma_wait3A_1053 = arith.constant 0 : i32
        %dma_wait3A_1054 = tpu.memref_slice %arg2[%dma_wait3A_1052, %dma_wait3A_1053] : memref<10000x128xf32, #tpu.memory_space<hbm>> -> memref<10000x128xf32, #tpu.memory_space<hbm>>
        tpu.wait_indirect_dma semaphore(%arg13 : memref<!tpu.dma_semaphore, #tpu.memory_space<semaphore_mem>>) src(%dma_wait3A_1054 : memref<10000x128xf32, #tpu.memory_space<hbm>>) dst(%arg10 : memref<80x128xf32, #tpu.memory_space<vmem>>)
        %dma_wait3A_1055 = arith.constant 0 : i32
        %dma_wait3A_1056 = arith.constant 0 : i32
        %dma_wait3A_1057 = arith.constant 0 : i32
        %dma_wait3A_1058 = arith.constant 0 : i32
        %dma_wait3A_1059 = tpu.memref_slice %arg9[%dma_wait3A_1055, %dma_wait3A_1056, %dma_wait3A_1057, %dma_wait3A_1058] : memref<2x25x1x80xi32, #tpu.memory_space<vmem>> -> memref<1x1x1x80xi32, #tpu.memory_space<vmem>>
        %dma_wait3A_1060 = tpu.memref_squeeze %dma_wait3A_1059 : memref<1x1x1x80xi32, #tpu.memory_space<vmem>> -> memref<80xi32, #tpu.memory_space<vmem>>
        %dma_wait3A_1061 = arith.constant 0 : i32
        %dma_wait3A_1062 = arith.constant 0 : i32
        %dma_wait3A_1063 = tpu.memref_slice %arg12[%dma_wait3A_1061, %dma_wait3A_1062] : memref<10000x128xf32, #tpu.memory_space<vmem_shared>> -> memref<10000x128xf32, #tpu.memory_space<vmem_shared>>
        tpu.wait_indirect_dma semaphore(%arg14 : memref<!tpu.dma_semaphore, #tpu.memory_space<semaphore_mem>>) src(%arg11 : memref<80x128xf32, #tpu.memory_space<vmem>>) dst(%dma_wait3A_1063 : memref<10000x128xf32, #tpu.memory_space<vmem_shared>>)
        %add3A_1064 = arith.constant 2 : i32
        %add3A_1065 = arith.addi %add3A_1009, %add3A_1064 : i32
        %dma_start3A_1066 = arith.constant 1 : i32
        %dma_start3A_1067 = arith.constant 0 : i32
        %dma_start3A_1068 = arith.constant 0 : i32
        %dma_start3A_1069 = tpu.memref_slice %arg8[%dma_start3A_1066, %add3A_1065, %dma_start3A_1067, %dma_start3A_1068] : memref<2x25x1x80xi32, #tpu.memory_space<vmem>> -> memref<1x1x1x80xi32, #tpu.memory_space<vmem>>
        %dma_start3A_1070 = tpu.memref_squeeze %dma_start3A_1069 : memref<1x1x1x80xi32, #tpu.memory_space<vmem>> -> memref<80xi32, #tpu.memory_space<vmem>>
        %dma_start3A_1071 = arith.constant 0 : i32
        %dma_start3A_1072 = arith.constant 0 : i32
        %dma_start3A_1073 = tpu.memref_slice %arg2[%dma_start3A_1071, %dma_start3A_1072] : memref<10000x128xf32, #tpu.memory_space<hbm>> -> memref<10000x128xf32, #tpu.memory_space<hbm>>
        tpu.enqueue_indirect_dma source(%dma_start3A_1073 : memref<10000x128xf32, #tpu.memory_space<hbm>>) target(%arg11 : memref<80x128xf32, #tpu.memory_space<vmem>>) offsets(%dma_start3A_1070 : memref<80xi32, #tpu.memory_space<vmem>>) semaphore(%arg13 : memref<!tpu.dma_semaphore, #tpu.memory_space<semaphore_mem>>)
        %add3A_1074 = arith.constant 1 : i32
        %add3A_1075 = arith.addi %add3A_1009, %add3A_1074 : i32
        %dma_start3A_1076 = arith.constant 1 : i32
        %dma_start3A_1077 = arith.constant 0 : i32
        %dma_start3A_1078 = arith.constant 0 : i32
        %dma_start3A_1079 = tpu.memref_slice %arg9[%dma_start3A_1076, %add3A_1075, %dma_start3A_1077, %dma_start3A_1078] : memref<2x25x1x80xi32, #tpu.memory_space<vmem>> -> memref<1x1x1x80xi32, #tpu.memory_space<vmem>>
        %dma_start3A_1080 = tpu.memref_squeeze %dma_start3A_1079 : memref<1x1x1x80xi32, #tpu.memory_space<vmem>> -> memref<80xi32, #tpu.memory_space<vmem>>
        %dma_start3A_1081 = arith.constant 0 : i32
        %dma_start3A_1082 = arith.constant 0 : i32
        %dma_start3A_1083 = tpu.memref_slice %arg12[%dma_start3A_1081, %dma_start3A_1082] : memref<10000x128xf32, #tpu.memory_space<vmem_shared>> -> memref<10000x128xf32, #tpu.memory_space<vmem_shared>>
        tpu.enqueue_indirect_dma source(%arg10 : memref<80x128xf32, #tpu.memory_space<vmem>>) target(%dma_start3A_1083 : memref<10000x128xf32, #tpu.memory_space<vmem_shared>>) offsets(%dma_start3A_1080 : memref<80xi32, #tpu.memory_space<vmem>>) semaphore(%arg14 : memref<!tpu.dma_semaphore, #tpu.memory_space<semaphore_mem>>) {add = true}
      }
      %scan3A_375 = arith.constant 11 : i32
      %dma_wait3A_376 = arith.constant 0 : i32
      %dma_wait3A_377 = arith.constant 0 : i32
      %dma_wait3A_378 = arith.constant 0 : i32
      %dma_wait3A_379 = arith.constant 0 : i32
      %dma_wait3A_380 = tpu.memref_slice %arg8[%dma_wait3A_376, %dma_wait3A_377, %dma_wait3A_378, %dma_wait3A_379] : memref<2x25x1x80xi32, #tpu.memory_space<vmem>> -> memref<1x1x1x80xi32, #tpu.memory_space<vmem>>
      %dma_wait3A_381 = tpu.memref_squeeze %dma_wait3A_380 : memref<1x1x1x80xi32, #tpu.memory_space<vmem>> -> memref<80xi32, #tpu.memory_space<vmem>>
      %dma_wait3A_382 = arith.constant 0 : i32
      %dma_wait3A_383 = arith.constant 0 : i32
      %dma_wait3A_384 = tpu.memref_slice %arg2[%dma_wait3A_382, %dma_wait3A_383] : memref<10000x128xf32, #tpu.memory_space<hbm>> -> memref<10000x128xf32, #tpu.memory_space<hbm>>
      tpu.wait_indirect_dma semaphore(%arg13 : memref<!tpu.dma_semaphore, #tpu.memory_space<semaphore_mem>>) src(%dma_wait3A_384 : memref<10000x128xf32, #tpu.memory_space<hbm>>) dst(%arg11 : memref<80x128xf32, #tpu.memory_space<vmem>>)
      %dma_wait3A_385 = arith.constant 0 : i32
      %dma_wait3A_386 = arith.constant 0 : i32
      %dma_wait3A_387 = arith.constant 0 : i32
      %dma_wait3A_388 = arith.constant 0 : i32
      %dma_wait3A_389 = tpu.memref_slice %arg9[%dma_wait3A_385, %dma_wait3A_386, %dma_wait3A_387, %dma_wait3A_388] : memref<2x25x1x80xi32, #tpu.memory_space<vmem>> -> memref<1x1x1x80xi32, #tpu.memory_space<vmem>>
      %dma_wait3A_390 = tpu.memref_squeeze %dma_wait3A_389 : memref<1x1x1x80xi32, #tpu.memory_space<vmem>> -> memref<80xi32, #tpu.memory_space<vmem>>
      %dma_wait3A_391 = arith.constant 0 : i32
      %dma_wait3A_392 = arith.constant 0 : i32
      %dma_wait3A_393 = tpu.memref_slice %arg12[%dma_wait3A_391, %dma_wait3A_392] : memref<10000x128xf32, #tpu.memory_space<vmem_shared>> -> memref<10000x128xf32, #tpu.memory_space<vmem_shared>>
      tpu.wait_indirect_dma semaphore(%arg14 : memref<!tpu.dma_semaphore, #tpu.memory_space<semaphore_mem>>) src(%arg10 : memref<80x128xf32, #tpu.memory_space<vmem>>) dst(%dma_wait3A_393 : memref<10000x128xf32, #tpu.memory_space<vmem_shared>>)
      %dma_start3A_394 = arith.constant 1 : i32
      %dma_start3A_395 = arith.constant 24 : i32
      %dma_start3A_396 = arith.constant 0 : i32
      %dma_start3A_397 = arith.constant 0 : i32
      %dma_start3A_398 = tpu.memref_slice %arg8[%dma_start3A_394, %dma_start3A_395, %dma_start3A_396, %dma_start3A_397] : memref<2x25x1x80xi32, #tpu.memory_space<vmem>> -> memref<1x1x1x80xi32, #tpu.memory_space<vmem>>
      %dma_start3A_399 = tpu.memref_squeeze %dma_start3A_398 : memref<1x1x1x80xi32, #tpu.memory_space<vmem>> -> memref<80xi32, #tpu.memory_space<vmem>>
      %dma_start3A_400 = arith.constant 0 : i32
      %dma_start3A_401 = arith.constant 0 : i32
      %dma_start3A_402 = tpu.memref_slice %arg2[%dma_start3A_400, %dma_start3A_401] : memref<10000x128xf32, #tpu.memory_space<hbm>> -> memref<10000x128xf32, #tpu.memory_space<hbm>>
      tpu.enqueue_indirect_dma source(%dma_start3A_402 : memref<10000x128xf32, #tpu.memory_space<hbm>>) target(%arg10 : memref<80x128xf32, #tpu.memory_space<vmem>>) offsets(%dma_start3A_399 : memref<80xi32, #tpu.memory_space<vmem>>) semaphore(%arg13 : memref<!tpu.dma_semaphore, #tpu.memory_space<semaphore_mem>>)
      %dma_start3A_403 = arith.constant 1 : i32
      %dma_start3A_404 = arith.constant 23 : i32
      %dma_start3A_405 = arith.constant 0 : i32
      %dma_start3A_406 = arith.constant 0 : i32
      %dma_start3A_407 = tpu.memref_slice %arg9[%dma_start3A_403, %dma_start3A_404, %dma_start3A_405, %dma_start3A_406] : memref<2x25x1x80xi32, #tpu.memory_space<vmem>> -> memref<1x1x1x80xi32, #tpu.memory_space<vmem>>
      %dma_start3A_408 = tpu.memref_squeeze %dma_start3A_407 : memref<1x1x1x80xi32, #tpu.memory_space<vmem>> -> memref<80xi32, #tpu.memory_space<vmem>>
      %dma_start3A_409 = arith.constant 0 : i32
      %dma_start3A_410 = arith.constant 0 : i32
      %dma_start3A_411 = tpu.memref_slice %arg12[%dma_start3A_409, %dma_start3A_410] : memref<10000x128xf32, #tpu.memory_space<vmem_shared>> -> memref<10000x128xf32, #tpu.memory_space<vmem_shared>>
      tpu.enqueue_indirect_dma source(%arg11 : memref<80x128xf32, #tpu.memory_space<vmem>>) target(%dma_start3A_411 : memref<10000x128xf32, #tpu.memory_space<vmem_shared>>) offsets(%dma_start3A_408 : memref<80xi32, #tpu.memory_space<vmem>>) semaphore(%arg14 : memref<!tpu.dma_semaphore, #tpu.memory_space<semaphore_mem>>) {add = true}
      %dma_wait3A_412 = arith.constant 0 : i32
      %dma_wait3A_413 = arith.constant 0 : i32
      %dma_wait3A_414 = arith.constant 0 : i32
      %dma_wait3A_415 = arith.constant 0 : i32
      %dma_wait3A_416 = tpu.memref_slice %arg8[%dma_wait3A_412, %dma_wait3A_413, %dma_wait3A_414, %dma_wait3A_415] : memref<2x25x1x80xi32, #tpu.memory_space<vmem>> -> memref<1x1x1x80xi32, #tpu.memory_space<vmem>>
      %dma_wait3A_417 = tpu.memref_squeeze %dma_wait3A_416 : memref<1x1x1x80xi32, #tpu.memory_space<vmem>> -> memref<80xi32, #tpu.memory_space<vmem>>
      %dma_wait3A_418 = arith.constant 0 : i32
      %dma_wait3A_419 = arith.constant 0 : i32
      %dma_wait3A_420 = tpu.memref_slice %arg2[%dma_wait3A_418, %dma_wait3A_419] : memref<10000x128xf32, #tpu.memory_space<hbm>> -> memref<10000x128xf32, #tpu.memory_space<hbm>>
      tpu.wait_indirect_dma semaphore(%arg13 : memref<!tpu.dma_semaphore, #tpu.memory_space<semaphore_mem>>) src(%dma_wait3A_420 : memref<10000x128xf32, #tpu.memory_space<hbm>>) dst(%arg10 : memref<80x128xf32, #tpu.memory_space<vmem>>)
      %dma_wait3A_421 = arith.constant 0 : i32
      %dma_wait3A_422 = arith.constant 0 : i32
      %dma_wait3A_423 = arith.constant 0 : i32
      %dma_wait3A_424 = arith.constant 0 : i32
      %dma_wait3A_425 = tpu.memref_slice %arg9[%dma_wait3A_421, %dma_wait3A_422, %dma_wait3A_423, %dma_wait3A_424] : memref<2x25x1x80xi32, #tpu.memory_space<vmem>> -> memref<1x1x1x80xi32, #tpu.memory_space<vmem>>
      %dma_wait3A_426 = tpu.memref_squeeze %dma_wait3A_425 : memref<1x1x1x80xi32, #tpu.memory_space<vmem>> -> memref<80xi32, #tpu.memory_space<vmem>>
      %dma_wait3A_427 = arith.constant 0 : i32
      %dma_wait3A_428 = arith.constant 0 : i32
      %dma_wait3A_429 = tpu.memref_slice %arg12[%dma_wait3A_427, %dma_wait3A_428] : memref<10000x128xf32, #tpu.memory_space<vmem_shared>> -> memref<10000x128xf32, #tpu.memory_space<vmem_shared>>
      tpu.wait_indirect_dma semaphore(%arg14 : memref<!tpu.dma_semaphore, #tpu.memory_space<semaphore_mem>>) src(%arg11 : memref<80x128xf32, #tpu.memory_space<vmem>>) dst(%dma_wait3A_429 : memref<10000x128xf32, #tpu.memory_space<vmem_shared>>)
      %dma_start3A_430 = arith.constant 1 : i32
      %dma_start3A_431 = arith.constant 24 : i32
      %dma_start3A_432 = arith.constant 0 : i32
      %dma_start3A_433 = arith.constant 0 : i32
      %dma_start3A_434 = tpu.memref_slice %arg9[%dma_start3A_430, %dma_start3A_431, %dma_start3A_432, %dma_start3A_433] : memref<2x25x1x80xi32, #tpu.memory_space<vmem>> -> memref<1x1x1x80xi32, #tpu.memory_space<vmem>>
      %dma_start3A_435 = tpu.memref_squeeze %dma_start3A_434 : memref<1x1x1x80xi32, #tpu.memory_space<vmem>> -> memref<80xi32, #tpu.memory_space<vmem>>
      %dma_start3A_436 = arith.constant 0 : i32
      %dma_start3A_437 = arith.constant 0 : i32
      %dma_start3A_438 = tpu.memref_slice %arg12[%dma_start3A_436, %dma_start3A_437] : memref<10000x128xf32, #tpu.memory_space<vmem_shared>> -> memref<10000x128xf32, #tpu.memory_space<vmem_shared>>
      tpu.enqueue_indirect_dma source(%arg10 : memref<80x128xf32, #tpu.memory_space<vmem>>) target(%dma_start3A_438 : memref<10000x128xf32, #tpu.memory_space<vmem_shared>>) offsets(%dma_start3A_435 : memref<80xi32, #tpu.memory_space<vmem>>) semaphore(%arg14 : memref<!tpu.dma_semaphore, #tpu.memory_space<semaphore_mem>>) {add = true}
      %dma_wait3A_439 = arith.constant 0 : i32
      %dma_wait3A_440 = arith.constant 0 : i32
      %dma_wait3A_441 = arith.constant 0 : i32
      %dma_wait3A_442 = arith.constant 0 : i32
      %dma_wait3A_443 = tpu.memref_slice %arg9[%dma_wait3A_439, %dma_wait3A_440, %dma_wait3A_441, %dma_wait3A_442] : memref<2x25x1x80xi32, #tpu.memory_space<vmem>> -> memref<1x1x1x80xi32, #tpu.memory_space<vmem>>
      %dma_wait3A_444 = tpu.memref_squeeze %dma_wait3A_443 : memref<1x1x1x80xi32, #tpu.memory_space<vmem>> -> memref<80xi32, #tpu.memory_space<vmem>>
      %dma_wait3A_445 = arith.constant 0 : i32
      %dma_wait3A_446 = arith.constant 0 : i32
      %dma_wait3A_447 = tpu.memref_slice %arg12[%dma_wait3A_445, %dma_wait3A_446] : memref<10000x128xf32, #tpu.memory_space<vmem_shared>> -> memref<10000x128xf32, #tpu.memory_space<vmem_shared>>
      tpu.wait_indirect_dma semaphore(%arg14 : memref<!tpu.dma_semaphore, #tpu.memory_space<semaphore_mem>>) src(%arg10 : memref<80x128xf32, #tpu.memory_space<vmem>>) dst(%dma_wait3A_447 : memref<10000x128xf32, #tpu.memory_space<vmem_shared>>)
      %dma_wait3A_448 = arith.constant 0 : i32
      %dma_wait3A_449 = arith.constant 0 : i32
      %dma_wait3A_450 = arith.constant 0 : i32
      %dma_wait3A_451 = arith.constant 0 : i32
      %dma_wait3A_452 = tpu.memref_slice %arg8[%dma_wait3A_448, %dma_wait3A_449, %dma_wait3A_450, %dma_wait3A_451] : memref<2x25x1x80xi32, #tpu.memory_space<vmem>> -> memref<1x25x1x80xi32, #tpu.memory_space<vmem>>
      %dma_wait3A_453 = tpu.memref_squeeze %dma_wait3A_452 : memref<1x25x1x80xi32, #tpu.memory_space<vmem>> -> memref<25x1x80xi32, #tpu.memory_space<vmem>>
      %dma_wait3A_454 = arith.constant 0 : i32
      %dma_wait3A_455 = arith.constant 0 : i32
      %dma_wait3A_456 = arith.constant 0 : i32
      %dma_wait3A_457 = tpu.memref_slice %arg4[%arg1, %dma_wait3A_454, %dma_wait3A_455, %dma_wait3A_456] : memref<16x125x1x80xi32, #tpu.memory_space<hbm>> -> memref<1x25x1x80xi32, #tpu.memory_space<hbm>>
      %dma_wait3A_458 = tpu.memref_squeeze %dma_wait3A_457 : memref<1x25x1x80xi32, #tpu.memory_space<hbm>> -> memref<25x1x80xi32, #tpu.memory_space<hbm>>
      %dma_wait3A_459 = arith.constant 0 : i32
      %dma_wait3A_460 = arith.constant 0 : i32
      %dma_wait3A_461 = arith.constant 0 : i32
      %dma_wait3A_462 = tpu.memref_slice %arg8[%dma_wait3A_448, %dma_wait3A_459, %dma_wait3A_460, %dma_wait3A_461] : memref<2x25x1x80xi32, #tpu.memory_space<vmem>> -> memref<1x25x1x80xi32, #tpu.memory_space<vmem>>
      %dma_wait3A_463 = tpu.memref_squeeze %dma_wait3A_462 : memref<1x25x1x80xi32, #tpu.memory_space<vmem>> -> memref<25x1x80xi32, #tpu.memory_space<vmem>>
      %dma_wait3A_464 = arith.constant 0 : i32
      %dma_wait3A_465 = arith.constant 0 : i32
      %dma_wait3A_466 = arith.constant 0 : i32
      %dma_wait3A_467 = tpu.memref_slice %arg4[%arg1, %dma_wait3A_464, %dma_wait3A_465, %dma_wait3A_466] : memref<16x125x1x80xi32, #tpu.memory_space<hbm>> -> memref<1x25x1x80xi32, #tpu.memory_space<hbm>>
      %dma_wait3A_468 = tpu.memref_squeeze %dma_wait3A_467 : memref<1x25x1x80xi32, #tpu.memory_space<hbm>> -> memref<25x1x80xi32, #tpu.memory_space<hbm>>
      tpu.wait_dma2 semaphore(%arg15 : memref<!tpu.dma_semaphore, #tpu.memory_space<semaphore_mem>>) src(%dma_wait3A_468 : memref<25x1x80xi32, #tpu.memory_space<hbm>>) dst(%dma_wait3A_463 : memref<25x1x80xi32, #tpu.memory_space<vmem>>)
      %dma_wait3A_469 = arith.constant 0 : i32
      %dma_wait3A_470 = arith.constant 0 : i32
      %dma_wait3A_471 = arith.constant 0 : i32
      %dma_wait3A_472 = arith.constant 0 : i32
      %dma_wait3A_473 = tpu.memref_slice %arg9[%dma_wait3A_469, %dma_wait3A_470, %dma_wait3A_471, %dma_wait3A_472] : memref<2x25x1x80xi32, #tpu.memory_space<vmem>> -> memref<1x25x1x80xi32, #tpu.memory_space<vmem>>
      %dma_wait3A_474 = tpu.memref_squeeze %dma_wait3A_473 : memref<1x25x1x80xi32, #tpu.memory_space<vmem>> -> memref<25x1x80xi32, #tpu.memory_space<vmem>>
      %dma_wait3A_475 = arith.constant 0 : i32
      %dma_wait3A_476 = arith.constant 0 : i32
      %dma_wait3A_477 = arith.constant 0 : i32
      %dma_wait3A_478 = tpu.memref_slice %arg4[%arg1, %dma_wait3A_475, %dma_wait3A_476, %dma_wait3A_477] : memref<16x125x1x80xi32, #tpu.memory_space<hbm>> -> memref<1x25x1x80xi32, #tpu.memory_space<hbm>>
      %dma_wait3A_479 = tpu.memref_squeeze %dma_wait3A_478 : memref<1x25x1x80xi32, #tpu.memory_space<hbm>> -> memref<25x1x80xi32, #tpu.memory_space<hbm>>
      %dma_wait3A_480 = arith.constant 0 : i32
      %dma_wait3A_481 = arith.constant 0 : i32
      %dma_wait3A_482 = arith.constant 0 : i32
      %dma_wait3A_483 = tpu.memref_slice %arg9[%dma_wait3A_469, %dma_wait3A_480, %dma_wait3A_481, %dma_wait3A_482] : memref<2x25x1x80xi32, #tpu.memory_space<vmem>> -> memref<1x25x1x80xi32, #tpu.memory_space<vmem>>
      %dma_wait3A_484 = tpu.memref_squeeze %dma_wait3A_483 : memref<1x25x1x80xi32, #tpu.memory_space<vmem>> -> memref<25x1x80xi32, #tpu.memory_space<vmem>>
      %dma_wait3A_485 = arith.constant 0 : i32
      %dma_wait3A_486 = arith.constant 0 : i32
      %dma_wait3A_487 = arith.constant 0 : i32
      %dma_wait3A_488 = tpu.memref_slice %arg4[%arg1, %dma_wait3A_485, %dma_wait3A_486, %dma_wait3A_487] : memref<16x125x1x80xi32, #tpu.memory_space<hbm>> -> memref<1x25x1x80xi32, #tpu.memory_space<hbm>>
      %dma_wait3A_489 = tpu.memref_squeeze %dma_wait3A_488 : memref<1x25x1x80xi32, #tpu.memory_space<hbm>> -> memref<25x1x80xi32, #tpu.memory_space<hbm>>
      tpu.wait_dma2 semaphore(%arg15 : memref<!tpu.dma_semaphore, #tpu.memory_space<semaphore_mem>>) src(%dma_wait3A_489 : memref<25x1x80xi32, #tpu.memory_space<hbm>>) dst(%dma_wait3A_484 : memref<25x1x80xi32, #tpu.memory_space<vmem>>)
      %dma_start3A_490 = arith.constant 1 : i32
      %dma_start3A_491 = arith.constant 0 : i32
      %dma_start3A_492 = arith.constant 0 : i32
      %dma_start3A_493 = arith.constant 0 : i32
      %dma_start3A_494 = tpu.memref_slice %arg8[%dma_start3A_490, %dma_start3A_491, %dma_start3A_492, %dma_start3A_493] : memref<2x25x1x80xi32, #tpu.memory_space<vmem>> -> memref<1x25x1x80xi32, #tpu.memory_space<vmem>>
      %dma_start3A_495 = tpu.memref_squeeze %dma_start3A_494 : memref<1x25x1x80xi32, #tpu.memory_space<vmem>> -> memref<25x1x80xi32, #tpu.memory_space<vmem>>
      %dma_start3A_496 = arith.constant 75 : i32
      %dma_start3A_497 = arith.constant 0 : i32
      %dma_start3A_498 = arith.constant 0 : i32
      %dma_start3A_499 = tpu.memref_slice %arg4[%arg1, %dma_start3A_496, %dma_start3A_497, %dma_start3A_498] : memref<16x125x1x80xi32, #tpu.memory_space<hbm>> -> memref<1x25x1x80xi32, #tpu.memory_space<hbm>>
      %dma_start3A_500 = tpu.memref_squeeze %dma_start3A_499 : memref<1x25x1x80xi32, #tpu.memory_space<hbm>> -> memref<25x1x80xi32, #tpu.memory_space<hbm>>
      %dma_start3A_501 = arith.constant 0 : i32
      %dma_start3A_502 = arith.constant 0 : i32
      %dma_start3A_503 = arith.constant 0 : i32
      %dma_start3A_504 = tpu.memref_slice %arg8[%dma_start3A_490, %dma_start3A_501, %dma_start3A_502, %dma_start3A_503] : memref<2x25x1x80xi32, #tpu.memory_space<vmem>> -> memref<1x25x1x80xi32, #tpu.memory_space<vmem>>
      %dma_start3A_505 = tpu.memref_squeeze %dma_start3A_504 : memref<1x25x1x80xi32, #tpu.memory_space<vmem>> -> memref<25x1x80xi32, #tpu.memory_space<vmem>>
      %dma_start3A_506 = arith.constant 75 : i32
      %dma_start3A_507 = arith.constant 0 : i32
      %dma_start3A_508 = arith.constant 0 : i32
      %dma_start3A_509 = tpu.memref_slice %arg4[%arg1, %dma_start3A_506, %dma_start3A_507, %dma_start3A_508] : memref<16x125x1x80xi32, #tpu.memory_space<hbm>> -> memref<1x25x1x80xi32, #tpu.memory_space<hbm>>
      %dma_start3A_510 = tpu.memref_squeeze %dma_start3A_509 : memref<1x25x1x80xi32, #tpu.memory_space<hbm>> -> memref<25x1x80xi32, #tpu.memory_space<hbm>>
      tpu.enqueue_dma source(%dma_start3A_510 : memref<25x1x80xi32, #tpu.memory_space<hbm>>) target(%dma_start3A_505 : memref<25x1x80xi32, #tpu.memory_space<vmem>>) target_semaphore(%arg15 : memref<!tpu.dma_semaphore, #tpu.memory_space<semaphore_mem>>)
      %dma_start3A_511 = arith.constant 1 : i32
      %dma_start3A_512 = arith.constant 0 : i32
      %dma_start3A_513 = arith.constant 0 : i32
      %dma_start3A_514 = arith.constant 0 : i32
      %dma_start3A_515 = tpu.memref_slice %arg9[%dma_start3A_511, %dma_start3A_512, %dma_start3A_513, %dma_start3A_514] : memref<2x25x1x80xi32, #tpu.memory_space<vmem>> -> memref<1x25x1x80xi32, #tpu.memory_space<vmem>>
      %dma_start3A_516 = tpu.memref_squeeze %dma_start3A_515 : memref<1x25x1x80xi32, #tpu.memory_space<vmem>> -> memref<25x1x80xi32, #tpu.memory_space<vmem>>
      %dma_start3A_517 = arith.constant 75 : i32
      %dma_start3A_518 = arith.constant 0 : i32
      %dma_start3A_519 = arith.constant 0 : i32
      %dma_start3A_520 = tpu.memref_slice %arg5[%arg1, %dma_start3A_517, %dma_start3A_518, %dma_start3A_519] : memref<16x125x1x80xi32, #tpu.memory_space<hbm>> -> memref<1x25x1x80xi32, #tpu.memory_space<hbm>>
      %dma_start3A_521 = tpu.memref_squeeze %dma_start3A_520 : memref<1x25x1x80xi32, #tpu.memory_space<hbm>> -> memref<25x1x80xi32, #tpu.memory_space<hbm>>
      %dma_start3A_522 = arith.constant 0 : i32
      %dma_start3A_523 = arith.constant 0 : i32
      %dma_start3A_524 = arith.constant 0 : i32
      %dma_start3A_525 = tpu.memref_slice %arg9[%dma_start3A_511, %dma_start3A_522, %dma_start3A_523, %dma_start3A_524] : memref<2x25x1x80xi32, #tpu.memory_space<vmem>> -> memref<1x25x1x80xi32, #tpu.memory_space<vmem>>
      %dma_start3A_526 = tpu.memref_squeeze %dma_start3A_525 : memref<1x25x1x80xi32, #tpu.memory_space<vmem>> -> memref<25x1x80xi32, #tpu.memory_space<vmem>>
      %dma_start3A_527 = arith.constant 75 : i32
      %dma_start3A_528 = arith.constant 0 : i32
      %dma_start3A_529 = arith.constant 0 : i32
      %dma_start3A_530 = tpu.memref_slice %arg5[%arg1, %dma_start3A_527, %dma_start3A_528, %dma_start3A_529] : memref<16x125x1x80xi32, #tpu.memory_space<hbm>> -> memref<1x25x1x80xi32, #tpu.memory_space<hbm>>
      %dma_start3A_531 = tpu.memref_squeeze %dma_start3A_530 : memref<1x25x1x80xi32, #tpu.memory_space<hbm>> -> memref<25x1x80xi32, #tpu.memory_space<hbm>>
      tpu.enqueue_dma source(%dma_start3A_531 : memref<25x1x80xi32, #tpu.memory_space<hbm>>) target(%dma_start3A_526 : memref<25x1x80xi32, #tpu.memory_space<vmem>>) target_semaphore(%arg15 : memref<!tpu.dma_semaphore, #tpu.memory_space<semaphore_mem>>)
      %dma_start3A_532 = arith.constant 0 : i32
      %dma_start3A_533 = arith.constant 0 : i32
      %dma_start3A_534 = arith.constant 0 : i32
      %dma_start3A_535 = arith.constant 0 : i32
      %dma_start3A_536 = tpu.memref_slice %arg8[%dma_start3A_532, %dma_start3A_533, %dma_start3A_534, %dma_start3A_535] : memref<2x25x1x80xi32, #tpu.memory_space<vmem>> -> memref<1x1x1x80xi32, #tpu.memory_space<vmem>>
      %dma_start3A_537 = tpu.memref_squeeze %dma_start3A_536 : memref<1x1x1x80xi32, #tpu.memory_space<vmem>> -> memref<80xi32, #tpu.memory_space<vmem>>
      %dma_start3A_538 = arith.constant 0 : i32
      %dma_start3A_539 = arith.constant 0 : i32
      %dma_start3A_540 = tpu.memref_slice %arg2[%dma_start3A_538, %dma_start3A_539] : memref<10000x128xf32, #tpu.memory_space<hbm>> -> memref<10000x128xf32, #tpu.memory_space<hbm>>
      tpu.enqueue_indirect_dma source(%dma_start3A_540 : memref<10000x128xf32, #tpu.memory_space<hbm>>) target(%arg10 : memref<80x128xf32, #tpu.memory_space<vmem>>) offsets(%dma_start3A_537 : memref<80xi32, #tpu.memory_space<vmem>>) semaphore(%arg13 : memref<!tpu.dma_semaphore, #tpu.memory_space<semaphore_mem>>)
      %dma_wait3A_541 = arith.constant 0 : i32
      %dma_wait3A_542 = arith.constant 0 : i32
      %dma_wait3A_543 = arith.constant 0 : i32
      %dma_wait3A_544 = arith.constant 0 : i32
      %dma_wait3A_545 = tpu.memref_slice %arg8[%dma_wait3A_541, %dma_wait3A_542, %dma_wait3A_543, %dma_wait3A_544] : memref<2x25x1x80xi32, #tpu.memory_space<vmem>> -> memref<1x1x1x80xi32, #tpu.memory_space<vmem>>
      %dma_wait3A_546 = tpu.memref_squeeze %dma_wait3A_545 : memref<1x1x1x80xi32, #tpu.memory_space<vmem>> -> memref<80xi32, #tpu.memory_space<vmem>>
      %dma_wait3A_547 = arith.constant 0 : i32
      %dma_wait3A_548 = arith.constant 0 : i32
      %dma_wait3A_549 = tpu.memref_slice %arg2[%dma_wait3A_547, %dma_wait3A_548] : memref<10000x128xf32, #tpu.memory_space<hbm>> -> memref<10000x128xf32, #tpu.memory_space<hbm>>
      tpu.wait_indirect_dma semaphore(%arg13 : memref<!tpu.dma_semaphore, #tpu.memory_space<semaphore_mem>>) src(%dma_wait3A_549 : memref<10000x128xf32, #tpu.memory_space<hbm>>) dst(%arg10 : memref<80x128xf32, #tpu.memory_space<vmem>>)
      %dma_start3A_550 = arith.constant 0 : i32
      %dma_start3A_551 = arith.constant 1 : i32
      %dma_start3A_552 = arith.constant 0 : i32
      %dma_start3A_553 = arith.constant 0 : i32
      %dma_start3A_554 = tpu.memref_slice %arg8[%dma_start3A_550, %dma_start3A_551, %dma_start3A_552, %dma_start3A_553] : memref<2x25x1x80xi32, #tpu.memory_space<vmem>> -> memref<1x1x1x80xi32, #tpu.memory_space<vmem>>
      %dma_start3A_555 = tpu.memref_squeeze %dma_start3A_554 : memref<1x1x1x80xi32, #tpu.memory_space<vmem>> -> memref<80xi32, #tpu.memory_space<vmem>>
      %dma_start3A_556 = arith.constant 0 : i32
      %dma_start3A_557 = arith.constant 0 : i32
      %dma_start3A_558 = tpu.memref_slice %arg2[%dma_start3A_556, %dma_start3A_557] : memref<10000x128xf32, #tpu.memory_space<hbm>> -> memref<10000x128xf32, #tpu.memory_space<hbm>>
      tpu.enqueue_indirect_dma source(%dma_start3A_558 : memref<10000x128xf32, #tpu.memory_space<hbm>>) target(%arg11 : memref<80x128xf32, #tpu.memory_space<vmem>>) offsets(%dma_start3A_555 : memref<80xi32, #tpu.memory_space<vmem>>) semaphore(%arg13 : memref<!tpu.dma_semaphore, #tpu.memory_space<semaphore_mem>>)
      %dma_start3A_559 = arith.constant 0 : i32
      %dma_start3A_560 = arith.constant 0 : i32
      %dma_start3A_561 = arith.constant 0 : i32
      %dma_start3A_562 = arith.constant 0 : i32
      %dma_start3A_563 = tpu.memref_slice %arg9[%dma_start3A_559, %dma_start3A_560, %dma_start3A_561, %dma_start3A_562] : memref<2x25x1x80xi32, #tpu.memory_space<vmem>> -> memref<1x1x1x80xi32, #tpu.memory_space<vmem>>
      %dma_start3A_564 = tpu.memref_squeeze %dma_start3A_563 : memref<1x1x1x80xi32, #tpu.memory_space<vmem>> -> memref<80xi32, #tpu.memory_space<vmem>>
      %dma_start3A_565 = arith.constant 0 : i32
      %dma_start3A_566 = arith.constant 0 : i32
      %dma_start3A_567 = tpu.memref_slice %arg12[%dma_start3A_565, %dma_start3A_566] : memref<10000x128xf32, #tpu.memory_space<vmem_shared>> -> memref<10000x128xf32, #tpu.memory_space<vmem_shared>>
      tpu.enqueue_indirect_dma source(%arg10 : memref<80x128xf32, #tpu.memory_space<vmem>>) target(%dma_start3A_567 : memref<10000x128xf32, #tpu.memory_space<vmem_shared>>) offsets(%dma_start3A_564 : memref<80xi32, #tpu.memory_space<vmem>>) semaphore(%arg14 : memref<!tpu.dma_semaphore, #tpu.memory_space<semaphore_mem>>) {add = true}
      %scan3A_568 = arith.constant 0 : i32
      %scan3A_569 = arith.constant 0 : i32
      %scan3A_570 = arith.constant 11 : i32
      %scan3A_571 = arith.addi %scan3A_569, %scan3A_570 : i32
      %scan3A_572 = arith.constant 1 : i32
      scf.for %scan3A_1006 = %scan3A_569 to %scan3A_571 step %scan3A_572  : i32 {
        %mul3A_1007 = arith.constant 2 : i32
        %mul3A_1008 = arith.muli %mul3A_1007, %scan3A_1006 : i32
        %add3A = arith.constant 1 : i32
        %add3A_1009 = arith.addi %add3A, %mul3A_1008 : i32
        %dma_wait3A_1010 = arith.constant 0 : i32
        %dma_wait3A_1011 = arith.constant 0 : i32
        %dma_wait3A_1012 = arith.constant 0 : i32
        %dma_wait3A_1013 = arith.constant 0 : i32
        %dma_wait3A_1014 = tpu.memref_slice %arg8[%dma_wait3A_1010, %dma_wait3A_1011, %dma_wait3A_1012, %dma_wait3A_1013] : memref<2x25x1x80xi32, #tpu.memory_space<vmem>> -> memref<1x1x1x80xi32, #tpu.memory_space<vmem>>
        %dma_wait3A_1015 = tpu.memref_squeeze %dma_wait3A_1014 : memref<1x1x1x80xi32, #tpu.memory_space<vmem>> -> memref<80xi32, #tpu.memory_space<vmem>>
        %dma_wait3A_1016 = arith.constant 0 : i32
        %dma_wait3A_1017 = arith.constant 0 : i32
        %dma_wait3A_1018 = tpu.memref_slice %arg2[%dma_wait3A_1016, %dma_wait3A_1017] : memref<10000x128xf32, #tpu.memory_space<hbm>> -> memref<10000x128xf32, #tpu.memory_space<hbm>>
        tpu.wait_indirect_dma semaphore(%arg13 : memref<!tpu.dma_semaphore, #tpu.memory_space<semaphore_mem>>) src(%dma_wait3A_1018 : memref<10000x128xf32, #tpu.memory_space<hbm>>) dst(%arg11 : memref<80x128xf32, #tpu.memory_space<vmem>>)
        %dma_wait3A_1019 = arith.constant 0 : i32
        %dma_wait3A_1020 = arith.constant 0 : i32
        %dma_wait3A_1021 = arith.constant 0 : i32
        %dma_wait3A_1022 = arith.constant 0 : i32
        %dma_wait3A_1023 = tpu.memref_slice %arg9[%dma_wait3A_1019, %dma_wait3A_1020, %dma_wait3A_1021, %dma_wait3A_1022] : memref<2x25x1x80xi32, #tpu.memory_space<vmem>> -> memref<1x1x1x80xi32, #tpu.memory_space<vmem>>
        %dma_wait3A_1024 = tpu.memref_squeeze %dma_wait3A_1023 : memref<1x1x1x80xi32, #tpu.memory_space<vmem>> -> memref<80xi32, #tpu.memory_space<vmem>>
        %dma_wait3A_1025 = arith.constant 0 : i32
        %dma_wait3A_1026 = arith.constant 0 : i32
        %dma_wait3A_1027 = tpu.memref_slice %arg12[%dma_wait3A_1025, %dma_wait3A_1026] : memref<10000x128xf32, #tpu.memory_space<vmem_shared>> -> memref<10000x128xf32, #tpu.memory_space<vmem_shared>>
        tpu.wait_indirect_dma semaphore(%arg14 : memref<!tpu.dma_semaphore, #tpu.memory_space<semaphore_mem>>) src(%arg10 : memref<80x128xf32, #tpu.memory_space<vmem>>) dst(%dma_wait3A_1027 : memref<10000x128xf32, #tpu.memory_space<vmem_shared>>)
        %add3A_1028 = arith.constant 1 : i32
        %add3A_1029 = arith.addi %add3A_1009, %add3A_1028 : i32
        %dma_start3A_1030 = arith.constant 0 : i32
        %dma_start3A_1031 = arith.constant 0 : i32
        %dma_start3A_1032 = arith.constant 0 : i32
        %dma_start3A_1033 = tpu.memref_slice %arg8[%dma_start3A_1030, %add3A_1029, %dma_start3A_1031, %dma_start3A_1032] : memref<2x25x1x80xi32, #tpu.memory_space<vmem>> -> memref<1x1x1x80xi32, #tpu.memory_space<vmem>>
        %dma_start3A_1034 = tpu.memref_squeeze %dma_start3A_1033 : memref<1x1x1x80xi32, #tpu.memory_space<vmem>> -> memref<80xi32, #tpu.memory_space<vmem>>
        %dma_start3A_1035 = arith.constant 0 : i32
        %dma_start3A_1036 = arith.constant 0 : i32
        %dma_start3A_1037 = tpu.memref_slice %arg2[%dma_start3A_1035, %dma_start3A_1036] : memref<10000x128xf32, #tpu.memory_space<hbm>> -> memref<10000x128xf32, #tpu.memory_space<hbm>>
        tpu.enqueue_indirect_dma source(%dma_start3A_1037 : memref<10000x128xf32, #tpu.memory_space<hbm>>) target(%arg10 : memref<80x128xf32, #tpu.memory_space<vmem>>) offsets(%dma_start3A_1034 : memref<80xi32, #tpu.memory_space<vmem>>) semaphore(%arg13 : memref<!tpu.dma_semaphore, #tpu.memory_space<semaphore_mem>>)
        %dma_start3A_1038 = arith.constant 0 : i32
        %dma_start3A_1039 = arith.constant 0 : i32
        %dma_start3A_1040 = arith.constant 0 : i32
        %dma_start3A_1041 = tpu.memref_slice %arg9[%dma_start3A_1038, %add3A_1009, %dma_start3A_1039, %dma_start3A_1040] : memref<2x25x1x80xi32, #tpu.memory_space<vmem>> -> memref<1x1x1x80xi32, #tpu.memory_space<vmem>>
        %dma_start3A_1042 = tpu.memref_squeeze %dma_start3A_1041 : memref<1x1x1x80xi32, #tpu.memory_space<vmem>> -> memref<80xi32, #tpu.memory_space<vmem>>
        %dma_start3A_1043 = arith.constant 0 : i32
        %dma_start3A_1044 = arith.constant 0 : i32
        %dma_start3A_1045 = tpu.memref_slice %arg12[%dma_start3A_1043, %dma_start3A_1044] : memref<10000x128xf32, #tpu.memory_space<vmem_shared>> -> memref<10000x128xf32, #tpu.memory_space<vmem_shared>>
        tpu.enqueue_indirect_dma source(%arg11 : memref<80x128xf32, #tpu.memory_space<vmem>>) target(%dma_start3A_1045 : memref<10000x128xf32, #tpu.memory_space<vmem_shared>>) offsets(%dma_start3A_1042 : memref<80xi32, #tpu.memory_space<vmem>>) semaphore(%arg14 : memref<!tpu.dma_semaphore, #tpu.memory_space<semaphore_mem>>) {add = true}
        %dma_wait3A_1046 = arith.constant 0 : i32
        %dma_wait3A_1047 = arith.constant 0 : i32
        %dma_wait3A_1048 = arith.constant 0 : i32
        %dma_wait3A_1049 = arith.constant 0 : i32
        %dma_wait3A_1050 = tpu.memref_slice %arg8[%dma_wait3A_1046, %dma_wait3A_1047, %dma_wait3A_1048, %dma_wait3A_1049] : memref<2x25x1x80xi32, #tpu.memory_space<vmem>> -> memref<1x1x1x80xi32, #tpu.memory_space<vmem>>
        %dma_wait3A_1051 = tpu.memref_squeeze %dma_wait3A_1050 : memref<1x1x1x80xi32, #tpu.memory_space<vmem>> -> memref<80xi32, #tpu.memory_space<vmem>>
        %dma_wait3A_1052 = arith.constant 0 : i32
        %dma_wait3A_1053 = arith.constant 0 : i32
        %dma_wait3A_1054 = tpu.memref_slice %arg2[%dma_wait3A_1052, %dma_wait3A_1053] : memref<10000x128xf32, #tpu.memory_space<hbm>> -> memref<10000x128xf32, #tpu.memory_space<hbm>>
        tpu.wait_indirect_dma semaphore(%arg13 : memref<!tpu.dma_semaphore, #tpu.memory_space<semaphore_mem>>) src(%dma_wait3A_1054 : memref<10000x128xf32, #tpu.memory_space<hbm>>) dst(%arg10 : memref<80x128xf32, #tpu.memory_space<vmem>>)
        %dma_wait3A_1055 = arith.constant 0 : i32
        %dma_wait3A_1056 = arith.constant 0 : i32
        %dma_wait3A_1057 = arith.constant 0 : i32
        %dma_wait3A_1058 = arith.constant 0 : i32
        %dma_wait3A_1059 = tpu.memref_slice %arg9[%dma_wait3A_1055, %dma_wait3A_1056, %dma_wait3A_1057, %dma_wait3A_1058] : memref<2x25x1x80xi32, #tpu.memory_space<vmem>> -> memref<1x1x1x80xi32, #tpu.memory_space<vmem>>
        %dma_wait3A_1060 = tpu.memref_squeeze %dma_wait3A_1059 : memref<1x1x1x80xi32, #tpu.memory_space<vmem>> -> memref<80xi32, #tpu.memory_space<vmem>>
        %dma_wait3A_1061 = arith.constant 0 : i32
        %dma_wait3A_1062 = arith.constant 0 : i32
        %dma_wait3A_1063 = tpu.memref_slice %arg12[%dma_wait3A_1061, %dma_wait3A_1062] : memref<10000x128xf32, #tpu.memory_space<vmem_shared>> -> memref<10000x128xf32, #tpu.memory_space<vmem_shared>>
        tpu.wait_indirect_dma semaphore(%arg14 : memref<!tpu.dma_semaphore, #tpu.memory_space<semaphore_mem>>) src(%arg11 : memref<80x128xf32, #tpu.memory_space<vmem>>) dst(%dma_wait3A_1063 : memref<10000x128xf32, #tpu.memory_space<vmem_shared>>)
        %add3A_1064 = arith.constant 2 : i32
        %add3A_1065 = arith.addi %add3A_1009, %add3A_1064 : i32
        %dma_start3A_1066 = arith.constant 0 : i32
        %dma_start3A_1067 = arith.constant 0 : i32
        %dma_start3A_1068 = arith.constant 0 : i32
        %dma_start3A_1069 = tpu.memref_slice %arg8[%dma_start3A_1066, %add3A_1065, %dma_start3A_1067, %dma_start3A_1068] : memref<2x25x1x80xi32, #tpu.memory_space<vmem>> -> memref<1x1x1x80xi32, #tpu.memory_space<vmem>>
        %dma_start3A_1070 = tpu.memref_squeeze %dma_start3A_1069 : memref<1x1x1x80xi32, #tpu.memory_space<vmem>> -> memref<80xi32, #tpu.memory_space<vmem>>
        %dma_start3A_1071 = arith.constant 0 : i32
        %dma_start3A_1072 = arith.constant 0 : i32
        %dma_start3A_1073 = tpu.memref_slice %arg2[%dma_start3A_1071, %dma_start3A_1072] : memref<10000x128xf32, #tpu.memory_space<hbm>> -> memref<10000x128xf32, #tpu.memory_space<hbm>>
        tpu.enqueue_indirect_dma source(%dma_start3A_1073 : memref<10000x128xf32, #tpu.memory_space<hbm>>) target(%arg11 : memref<80x128xf32, #tpu.memory_space<vmem>>) offsets(%dma_start3A_1070 : memref<80xi32, #tpu.memory_space<vmem>>) semaphore(%arg13 : memref<!tpu.dma_semaphore, #tpu.memory_space<semaphore_mem>>)
        %add3A_1074 = arith.constant 1 : i32
        %add3A_1075 = arith.addi %add3A_1009, %add3A_1074 : i32
        %dma_start3A_1076 = arith.constant 0 : i32
        %dma_start3A_1077 = arith.constant 0 : i32
        %dma_start3A_1078 = arith.constant 0 : i32
        %dma_start3A_1079 = tpu.memref_slice %arg9[%dma_start3A_1076, %add3A_1075, %dma_start3A_1077, %dma_start3A_1078] : memref<2x25x1x80xi32, #tpu.memory_space<vmem>> -> memref<1x1x1x80xi32, #tpu.memory_space<vmem>>
        %dma_start3A_1080 = tpu.memref_squeeze %dma_start3A_1079 : memref<1x1x1x80xi32, #tpu.memory_space<vmem>> -> memref<80xi32, #tpu.memory_space<vmem>>
        %dma_start3A_1081 = arith.constant 0 : i32
        %dma_start3A_1082 = arith.constant 0 : i32
        %dma_start3A_1083 = tpu.memref_slice %arg12[%dma_start3A_1081, %dma_start3A_1082] : memref<10000x128xf32, #tpu.memory_space<vmem_shared>> -> memref<10000x128xf32, #tpu.memory_space<vmem_shared>>
        tpu.enqueue_indirect_dma source(%arg10 : memref<80x128xf32, #tpu.memory_space<vmem>>) target(%dma_start3A_1083 : memref<10000x128xf32, #tpu.memory_space<vmem_shared>>) offsets(%dma_start3A_1080 : memref<80xi32, #tpu.memory_space<vmem>>) semaphore(%arg14 : memref<!tpu.dma_semaphore, #tpu.memory_space<semaphore_mem>>) {add = true}
      }
      %scan3A_573 = arith.constant 11 : i32
      %dma_wait3A_574 = arith.constant 0 : i32
      %dma_wait3A_575 = arith.constant 0 : i32
      %dma_wait3A_576 = arith.constant 0 : i32
      %dma_wait3A_577 = arith.constant 0 : i32
      %dma_wait3A_578 = tpu.memref_slice %arg8[%dma_wait3A_574, %dma_wait3A_575, %dma_wait3A_576, %dma_wait3A_577] : memref<2x25x1x80xi32, #tpu.memory_space<vmem>> -> memref<1x1x1x80xi32, #tpu.memory_space<vmem>>
      %dma_wait3A_579 = tpu.memref_squeeze %dma_wait3A_578 : memref<1x1x1x80xi32, #tpu.memory_space<vmem>> -> memref<80xi32, #tpu.memory_space<vmem>>
      %dma_wait3A_580 = arith.constant 0 : i32
      %dma_wait3A_581 = arith.constant 0 : i32
      %dma_wait3A_582 = tpu.memref_slice %arg2[%dma_wait3A_580, %dma_wait3A_581] : memref<10000x128xf32, #tpu.memory_space<hbm>> -> memref<10000x128xf32, #tpu.memory_space<hbm>>
      tpu.wait_indirect_dma semaphore(%arg13 : memref<!tpu.dma_semaphore, #tpu.memory_space<semaphore_mem>>) src(%dma_wait3A_582 : memref<10000x128xf32, #tpu.memory_space<hbm>>) dst(%arg11 : memref<80x128xf32, #tpu.memory_space<vmem>>)
      %dma_wait3A_583 = arith.constant 0 : i32
      %dma_wait3A_584 = arith.constant 0 : i32
      %dma_wait3A_585 = arith.constant 0 : i32
      %dma_wait3A_586 = arith.constant 0 : i32
      %dma_wait3A_587 = tpu.memref_slice %arg9[%dma_wait3A_583, %dma_wait3A_584, %dma_wait3A_585, %dma_wait3A_586] : memref<2x25x1x80xi32, #tpu.memory_space<vmem>> -> memref<1x1x1x80xi32, #tpu.memory_space<vmem>>
      %dma_wait3A_588 = tpu.memref_squeeze %dma_wait3A_587 : memref<1x1x1x80xi32, #tpu.memory_space<vmem>> -> memref<80xi32, #tpu.memory_space<vmem>>
      %dma_wait3A_589 = arith.constant 0 : i32
      %dma_wait3A_590 = arith.constant 0 : i32
      %dma_wait3A_591 = tpu.memref_slice %arg12[%dma_wait3A_589, %dma_wait3A_590] : memref<10000x128xf32, #tpu.memory_space<vmem_shared>> -> memref<10000x128xf32, #tpu.memory_space<vmem_shared>>
      tpu.wait_indirect_dma semaphore(%arg14 : memref<!tpu.dma_semaphore, #tpu.memory_space<semaphore_mem>>) src(%arg10 : memref<80x128xf32, #tpu.memory_space<vmem>>) dst(%dma_wait3A_591 : memref<10000x128xf32, #tpu.memory_space<vmem_shared>>)
      %dma_start3A_592 = arith.constant 0 : i32
      %dma_start3A_593 = arith.constant 24 : i32
      %dma_start3A_594 = arith.constant 0 : i32
      %dma_start3A_595 = arith.constant 0 : i32
      %dma_start3A_596 = tpu.memref_slice %arg8[%dma_start3A_592, %dma_start3A_593, %dma_start3A_594, %dma_start3A_595] : memref<2x25x1x80xi32, #tpu.memory_space<vmem>> -> memref<1x1x1x80xi32, #tpu.memory_space<vmem>>
      %dma_start3A_597 = tpu.memref_squeeze %dma_start3A_596 : memref<1x1x1x80xi32, #tpu.memory_space<vmem>> -> memref<80xi32, #tpu.memory_space<vmem>>
      %dma_start3A_598 = arith.constant 0 : i32
      %dma_start3A_599 = arith.constant 0 : i32
      %dma_start3A_600 = tpu.memref_slice %arg2[%dma_start3A_598, %dma_start3A_599] : memref<10000x128xf32, #tpu.memory_space<hbm>> -> memref<10000x128xf32, #tpu.memory_space<hbm>>
      tpu.enqueue_indirect_dma source(%dma_start3A_600 : memref<10000x128xf32, #tpu.memory_space<hbm>>) target(%arg10 : memref<80x128xf32, #tpu.memory_space<vmem>>) offsets(%dma_start3A_597 : memref<80xi32, #tpu.memory_space<vmem>>) semaphore(%arg13 : memref<!tpu.dma_semaphore, #tpu.memory_space<semaphore_mem>>)
      %dma_start3A_601 = arith.constant 0 : i32
      %dma_start3A_602 = arith.constant 23 : i32
      %dma_start3A_603 = arith.constant 0 : i32
      %dma_start3A_604 = arith.constant 0 : i32
      %dma_start3A_605 = tpu.memref_slice %arg9[%dma_start3A_601, %dma_start3A_602, %dma_start3A_603, %dma_start3A_604] : memref<2x25x1x80xi32, #tpu.memory_space<vmem>> -> memref<1x1x1x80xi32, #tpu.memory_space<vmem>>
      %dma_start3A_606 = tpu.memref_squeeze %dma_start3A_605 : memref<1x1x1x80xi32, #tpu.memory_space<vmem>> -> memref<80xi32, #tpu.memory_space<vmem>>
      %dma_start3A_607 = arith.constant 0 : i32
      %dma_start3A_608 = arith.constant 0 : i32
      %dma_start3A_609 = tpu.memref_slice %arg12[%dma_start3A_607, %dma_start3A_608] : memref<10000x128xf32, #tpu.memory_space<vmem_shared>> -> memref<10000x128xf32, #tpu.memory_space<vmem_shared>>
      tpu.enqueue_indirect_dma source(%arg11 : memref<80x128xf32, #tpu.memory_space<vmem>>) target(%dma_start3A_609 : memref<10000x128xf32, #tpu.memory_space<vmem_shared>>) offsets(%dma_start3A_606 : memref<80xi32, #tpu.memory_space<vmem>>) semaphore(%arg14 : memref<!tpu.dma_semaphore, #tpu.memory_space<semaphore_mem>>) {add = true}
      %dma_wait3A_610 = arith.constant 0 : i32
      %dma_wait3A_611 = arith.constant 0 : i32
      %dma_wait3A_612 = arith.constant 0 : i32
      %dma_wait3A_613 = arith.constant 0 : i32
      %dma_wait3A_614 = tpu.memref_slice %arg8[%dma_wait3A_610, %dma_wait3A_611, %dma_wait3A_612, %dma_wait3A_613] : memref<2x25x1x80xi32, #tpu.memory_space<vmem>> -> memref<1x1x1x80xi32, #tpu.memory_space<vmem>>
      %dma_wait3A_615 = tpu.memref_squeeze %dma_wait3A_614 : memref<1x1x1x80xi32, #tpu.memory_space<vmem>> -> memref<80xi32, #tpu.memory_space<vmem>>
      %dma_wait3A_616 = arith.constant 0 : i32
      %dma_wait3A_617 = arith.constant 0 : i32
      %dma_wait3A_618 = tpu.memref_slice %arg2[%dma_wait3A_616, %dma_wait3A_617] : memref<10000x128xf32, #tpu.memory_space<hbm>> -> memref<10000x128xf32, #tpu.memory_space<hbm>>
      tpu.wait_indirect_dma semaphore(%arg13 : memref<!tpu.dma_semaphore, #tpu.memory_space<semaphore_mem>>) src(%dma_wait3A_618 : memref<10000x128xf32, #tpu.memory_space<hbm>>) dst(%arg10 : memref<80x128xf32, #tpu.memory_space<vmem>>)
      %dma_wait3A_619 = arith.constant 0 : i32
      %dma_wait3A_620 = arith.constant 0 : i32
      %dma_wait3A_621 = arith.constant 0 : i32
      %dma_wait3A_622 = arith.constant 0 : i32
      %dma_wait3A_623 = tpu.memref_slice %arg9[%dma_wait3A_619, %dma_wait3A_620, %dma_wait3A_621, %dma_wait3A_622] : memref<2x25x1x80xi32, #tpu.memory_space<vmem>> -> memref<1x1x1x80xi32, #tpu.memory_space<vmem>>
      %dma_wait3A_624 = tpu.memref_squeeze %dma_wait3A_623 : memref<1x1x1x80xi32, #tpu.memory_space<vmem>> -> memref<80xi32, #tpu.memory_space<vmem>>
      %dma_wait3A_625 = arith.constant 0 : i32
      %dma_wait3A_626 = arith.constant 0 : i32
      %dma_wait3A_627 = tpu.memref_slice %arg12[%dma_wait3A_625, %dma_wait3A_626] : memref<10000x128xf32, #tpu.memory_space<vmem_shared>> -> memref<10000x128xf32, #tpu.memory_space<vmem_shared>>
      tpu.wait_indirect_dma semaphore(%arg14 : memref<!tpu.dma_semaphore, #tpu.memory_space<semaphore_mem>>) src(%arg11 : memref<80x128xf32, #tpu.memory_space<vmem>>) dst(%dma_wait3A_627 : memref<10000x128xf32, #tpu.memory_space<vmem_shared>>)
      %dma_start3A_628 = arith.constant 0 : i32
      %dma_start3A_629 = arith.constant 24 : i32
      %dma_start3A_630 = arith.constant 0 : i32
      %dma_start3A_631 = arith.constant 0 : i32
      %dma_start3A_632 = tpu.memref_slice %arg9[%dma_start3A_628, %dma_start3A_629, %dma_start3A_630, %dma_start3A_631] : memref<2x25x1x80xi32, #tpu.memory_space<vmem>> -> memref<1x1x1x80xi32, #tpu.memory_space<vmem>>
      %dma_start3A_633 = tpu.memref_squeeze %dma_start3A_632 : memref<1x1x1x80xi32, #tpu.memory_space<vmem>> -> memref<80xi32, #tpu.memory_space<vmem>>
      %dma_start3A_634 = arith.constant 0 : i32
      %dma_start3A_635 = arith.constant 0 : i32
      %dma_start3A_636 = tpu.memref_slice %arg12[%dma_start3A_634, %dma_start3A_635] : memref<10000x128xf32, #tpu.memory_space<vmem_shared>> -> memref<10000x128xf32, #tpu.memory_space<vmem_shared>>
      tpu.enqueue_indirect_dma source(%arg10 : memref<80x128xf32, #tpu.memory_space<vmem>>) target(%dma_start3A_636 : memref<10000x128xf32, #tpu.memory_space<vmem_shared>>) offsets(%dma_start3A_633 : memref<80xi32, #tpu.memory_space<vmem>>) semaphore(%arg14 : memref<!tpu.dma_semaphore, #tpu.memory_space<semaphore_mem>>) {add = true}
      %dma_wait3A_637 = arith.constant 0 : i32
      %dma_wait3A_638 = arith.constant 0 : i32
      %dma_wait3A_639 = arith.constant 0 : i32
      %dma_wait3A_640 = arith.constant 0 : i32
      %dma_wait3A_641 = tpu.memref_slice %arg9[%dma_wait3A_637, %dma_wait3A_638, %dma_wait3A_639, %dma_wait3A_640] : memref<2x25x1x80xi32, #tpu.memory_space<vmem>> -> memref<1x1x1x80xi32, #tpu.memory_space<vmem>>
      %dma_wait3A_642 = tpu.memref_squeeze %dma_wait3A_641 : memref<1x1x1x80xi32, #tpu.memory_space<vmem>> -> memref<80xi32, #tpu.memory_space<vmem>>
      %dma_wait3A_643 = arith.constant 0 : i32
      %dma_wait3A_644 = arith.constant 0 : i32
      %dma_wait3A_645 = tpu.memref_slice %arg12[%dma_wait3A_643, %dma_wait3A_644] : memref<10000x128xf32, #tpu.memory_space<vmem_shared>> -> memref<10000x128xf32, #tpu.memory_space<vmem_shared>>
      tpu.wait_indirect_dma semaphore(%arg14 : memref<!tpu.dma_semaphore, #tpu.memory_space<semaphore_mem>>) src(%arg10 : memref<80x128xf32, #tpu.memory_space<vmem>>) dst(%dma_wait3A_645 : memref<10000x128xf32, #tpu.memory_space<vmem_shared>>)
      %dma_wait3A_646 = arith.constant 0 : i32
      %dma_wait3A_647 = arith.constant 0 : i32
      %dma_wait3A_648 = arith.constant 0 : i32
      %dma_wait3A_649 = arith.constant 0 : i32
      %dma_wait3A_650 = tpu.memref_slice %arg8[%dma_wait3A_646, %dma_wait3A_647, %dma_wait3A_648, %dma_wait3A_649] : memref<2x25x1x80xi32, #tpu.memory_space<vmem>> -> memref<1x25x1x80xi32, #tpu.memory_space<vmem>>
      %dma_wait3A_651 = tpu.memref_squeeze %dma_wait3A_650 : memref<1x25x1x80xi32, #tpu.memory_space<vmem>> -> memref<25x1x80xi32, #tpu.memory_space<vmem>>
      %dma_wait3A_652 = arith.constant 0 : i32
      %dma_wait3A_653 = arith.constant 0 : i32
      %dma_wait3A_654 = arith.constant 0 : i32
      %dma_wait3A_655 = tpu.memref_slice %arg4[%arg1, %dma_wait3A_652, %dma_wait3A_653, %dma_wait3A_654] : memref<16x125x1x80xi32, #tpu.memory_space<hbm>> -> memref<1x25x1x80xi32, #tpu.memory_space<hbm>>
      %dma_wait3A_656 = tpu.memref_squeeze %dma_wait3A_655 : memref<1x25x1x80xi32, #tpu.memory_space<hbm>> -> memref<25x1x80xi32, #tpu.memory_space<hbm>>
      %dma_wait3A_657 = arith.constant 0 : i32
      %dma_wait3A_658 = arith.constant 0 : i32
      %dma_wait3A_659 = arith.constant 0 : i32
      %dma_wait3A_660 = tpu.memref_slice %arg8[%dma_wait3A_646, %dma_wait3A_657, %dma_wait3A_658, %dma_wait3A_659] : memref<2x25x1x80xi32, #tpu.memory_space<vmem>> -> memref<1x25x1x80xi32, #tpu.memory_space<vmem>>
      %dma_wait3A_661 = tpu.memref_squeeze %dma_wait3A_660 : memref<1x25x1x80xi32, #tpu.memory_space<vmem>> -> memref<25x1x80xi32, #tpu.memory_space<vmem>>
      %dma_wait3A_662 = arith.constant 0 : i32
      %dma_wait3A_663 = arith.constant 0 : i32
      %dma_wait3A_664 = arith.constant 0 : i32
      %dma_wait3A_665 = tpu.memref_slice %arg4[%arg1, %dma_wait3A_662, %dma_wait3A_663, %dma_wait3A_664] : memref<16x125x1x80xi32, #tpu.memory_space<hbm>> -> memref<1x25x1x80xi32, #tpu.memory_space<hbm>>
      %dma_wait3A_666 = tpu.memref_squeeze %dma_wait3A_665 : memref<1x25x1x80xi32, #tpu.memory_space<hbm>> -> memref<25x1x80xi32, #tpu.memory_space<hbm>>
      tpu.wait_dma2 semaphore(%arg15 : memref<!tpu.dma_semaphore, #tpu.memory_space<semaphore_mem>>) src(%dma_wait3A_666 : memref<25x1x80xi32, #tpu.memory_space<hbm>>) dst(%dma_wait3A_661 : memref<25x1x80xi32, #tpu.memory_space<vmem>>)
      %dma_wait3A_667 = arith.constant 0 : i32
      %dma_wait3A_668 = arith.constant 0 : i32
      %dma_wait3A_669 = arith.constant 0 : i32
      %dma_wait3A_670 = arith.constant 0 : i32
      %dma_wait3A_671 = tpu.memref_slice %arg9[%dma_wait3A_667, %dma_wait3A_668, %dma_wait3A_669, %dma_wait3A_670] : memref<2x25x1x80xi32, #tpu.memory_space<vmem>> -> memref<1x25x1x80xi32, #tpu.memory_space<vmem>>
      %dma_wait3A_672 = tpu.memref_squeeze %dma_wait3A_671 : memref<1x25x1x80xi32, #tpu.memory_space<vmem>> -> memref<25x1x80xi32, #tpu.memory_space<vmem>>
      %dma_wait3A_673 = arith.constant 0 : i32
      %dma_wait3A_674 = arith.constant 0 : i32
      %dma_wait3A_675 = arith.constant 0 : i32
      %dma_wait3A_676 = tpu.memref_slice %arg4[%arg1, %dma_wait3A_673, %dma_wait3A_674, %dma_wait3A_675] : memref<16x125x1x80xi32, #tpu.memory_space<hbm>> -> memref<1x25x1x80xi32, #tpu.memory_space<hbm>>
      %dma_wait3A_677 = tpu.memref_squeeze %dma_wait3A_676 : memref<1x25x1x80xi32, #tpu.memory_space<hbm>> -> memref<25x1x80xi32, #tpu.memory_space<hbm>>
      %dma_wait3A_678 = arith.constant 0 : i32
      %dma_wait3A_679 = arith.constant 0 : i32
      %dma_wait3A_680 = arith.constant 0 : i32
      %dma_wait3A_681 = tpu.memref_slice %arg9[%dma_wait3A_667, %dma_wait3A_678, %dma_wait3A_679, %dma_wait3A_680] : memref<2x25x1x80xi32, #tpu.memory_space<vmem>> -> memref<1x25x1x80xi32, #tpu.memory_space<vmem>>
      %dma_wait3A_682 = tpu.memref_squeeze %dma_wait3A_681 : memref<1x25x1x80xi32, #tpu.memory_space<vmem>> -> memref<25x1x80xi32, #tpu.memory_space<vmem>>
      %dma_wait3A_683 = arith.constant 0 : i32
      %dma_wait3A_684 = arith.constant 0 : i32
      %dma_wait3A_685 = arith.constant 0 : i32
      %dma_wait3A_686 = tpu.memref_slice %arg4[%arg1, %dma_wait3A_683, %dma_wait3A_684, %dma_wait3A_685] : memref<16x125x1x80xi32, #tpu.memory_space<hbm>> -> memref<1x25x1x80xi32, #tpu.memory_space<hbm>>
      %dma_wait3A_687 = tpu.memref_squeeze %dma_wait3A_686 : memref<1x25x1x80xi32, #tpu.memory_space<hbm>> -> memref<25x1x80xi32, #tpu.memory_space<hbm>>
      tpu.wait_dma2 semaphore(%arg15 : memref<!tpu.dma_semaphore, #tpu.memory_space<semaphore_mem>>) src(%dma_wait3A_687 : memref<25x1x80xi32, #tpu.memory_space<hbm>>) dst(%dma_wait3A_682 : memref<25x1x80xi32, #tpu.memory_space<vmem>>)
      %dma_start3A_688 = arith.constant 0 : i32
      %dma_start3A_689 = arith.constant 0 : i32
      %dma_start3A_690 = arith.constant 0 : i32
      %dma_start3A_691 = arith.constant 0 : i32
      %dma_start3A_692 = tpu.memref_slice %arg8[%dma_start3A_688, %dma_start3A_689, %dma_start3A_690, %dma_start3A_691] : memref<2x25x1x80xi32, #tpu.memory_space<vmem>> -> memref<1x25x1x80xi32, #tpu.memory_space<vmem>>
      %dma_start3A_693 = tpu.memref_squeeze %dma_start3A_692 : memref<1x25x1x80xi32, #tpu.memory_space<vmem>> -> memref<25x1x80xi32, #tpu.memory_space<vmem>>
      %dma_start3A_694 = arith.constant 100 : i32
      %dma_start3A_695 = arith.constant 0 : i32
      %dma_start3A_696 = arith.constant 0 : i32
      %dma_start3A_697 = tpu.memref_slice %arg4[%arg1, %dma_start3A_694, %dma_start3A_695, %dma_start3A_696] : memref<16x125x1x80xi32, #tpu.memory_space<hbm>> -> memref<1x25x1x80xi32, #tpu.memory_space<hbm>>
      %dma_start3A_698 = tpu.memref_squeeze %dma_start3A_697 : memref<1x25x1x80xi32, #tpu.memory_space<hbm>> -> memref<25x1x80xi32, #tpu.memory_space<hbm>>
      %dma_start3A_699 = arith.constant 0 : i32
      %dma_start3A_700 = arith.constant 0 : i32
      %dma_start3A_701 = arith.constant 0 : i32
      %dma_start3A_702 = tpu.memref_slice %arg8[%dma_start3A_688, %dma_start3A_699, %dma_start3A_700, %dma_start3A_701] : memref<2x25x1x80xi32, #tpu.memory_space<vmem>> -> memref<1x25x1x80xi32, #tpu.memory_space<vmem>>
      %dma_start3A_703 = tpu.memref_squeeze %dma_start3A_702 : memref<1x25x1x80xi32, #tpu.memory_space<vmem>> -> memref<25x1x80xi32, #tpu.memory_space<vmem>>
      %dma_start3A_704 = arith.constant 100 : i32
      %dma_start3A_705 = arith.constant 0 : i32
      %dma_start3A_706 = arith.constant 0 : i32
      %dma_start3A_707 = tpu.memref_slice %arg4[%arg1, %dma_start3A_704, %dma_start3A_705, %dma_start3A_706] : memref<16x125x1x80xi32, #tpu.memory_space<hbm>> -> memref<1x25x1x80xi32, #tpu.memory_space<hbm>>
      %dma_start3A_708 = tpu.memref_squeeze %dma_start3A_707 : memref<1x25x1x80xi32, #tpu.memory_space<hbm>> -> memref<25x1x80xi32, #tpu.memory_space<hbm>>
      tpu.enqueue_dma source(%dma_start3A_708 : memref<25x1x80xi32, #tpu.memory_space<hbm>>) target(%dma_start3A_703 : memref<25x1x80xi32, #tpu.memory_space<vmem>>) target_semaphore(%arg15 : memref<!tpu.dma_semaphore, #tpu.memory_space<semaphore_mem>>)
      %dma_start3A_709 = arith.constant 0 : i32
      %dma_start3A_710 = arith.constant 0 : i32
      %dma_start3A_711 = arith.constant 0 : i32
      %dma_start3A_712 = arith.constant 0 : i32
      %dma_start3A_713 = tpu.memref_slice %arg9[%dma_start3A_709, %dma_start3A_710, %dma_start3A_711, %dma_start3A_712] : memref<2x25x1x80xi32, #tpu.memory_space<vmem>> -> memref<1x25x1x80xi32, #tpu.memory_space<vmem>>
      %dma_start3A_714 = tpu.memref_squeeze %dma_start3A_713 : memref<1x25x1x80xi32, #tpu.memory_space<vmem>> -> memref<25x1x80xi32, #tpu.memory_space<vmem>>
      %dma_start3A_715 = arith.constant 100 : i32
      %dma_start3A_716 = arith.constant 0 : i32
      %dma_start3A_717 = arith.constant 0 : i32
      %dma_start3A_718 = tpu.memref_slice %arg5[%arg1, %dma_start3A_715, %dma_start3A_716, %dma_start3A_717] : memref<16x125x1x80xi32, #tpu.memory_space<hbm>> -> memref<1x25x1x80xi32, #tpu.memory_space<hbm>>
      %dma_start3A_719 = tpu.memref_squeeze %dma_start3A_718 : memref<1x25x1x80xi32, #tpu.memory_space<hbm>> -> memref<25x1x80xi32, #tpu.memory_space<hbm>>
      %dma_start3A_720 = arith.constant 0 : i32
      %dma_start3A_721 = arith.constant 0 : i32
      %dma_start3A_722 = arith.constant 0 : i32
      %dma_start3A_723 = tpu.memref_slice %arg9[%dma_start3A_709, %dma_start3A_720, %dma_start3A_721, %dma_start3A_722] : memref<2x25x1x80xi32, #tpu.memory_space<vmem>> -> memref<1x25x1x80xi32, #tpu.memory_space<vmem>>
      %dma_start3A_724 = tpu.memref_squeeze %dma_start3A_723 : memref<1x25x1x80xi32, #tpu.memory_space<vmem>> -> memref<25x1x80xi32, #tpu.memory_space<vmem>>
      %dma_start3A_725 = arith.constant 100 : i32
      %dma_start3A_726 = arith.constant 0 : i32
      %dma_start3A_727 = arith.constant 0 : i32
      %dma_start3A_728 = tpu.memref_slice %arg5[%arg1, %dma_start3A_725, %dma_start3A_726, %dma_start3A_727] : memref<16x125x1x80xi32, #tpu.memory_space<hbm>> -> memref<1x25x1x80xi32, #tpu.memory_space<hbm>>
      %dma_start3A_729 = tpu.memref_squeeze %dma_start3A_728 : memref<1x25x1x80xi32, #tpu.memory_space<hbm>> -> memref<25x1x80xi32, #tpu.memory_space<hbm>>
      tpu.enqueue_dma source(%dma_start3A_729 : memref<25x1x80xi32, #tpu.memory_space<hbm>>) target(%dma_start3A_724 : memref<25x1x80xi32, #tpu.memory_space<vmem>>) target_semaphore(%arg15 : memref<!tpu.dma_semaphore, #tpu.memory_space<semaphore_mem>>)
      %dma_start3A_730 = arith.constant 1 : i32
      %dma_start3A_731 = arith.constant 0 : i32
      %dma_start3A_732 = arith.constant 0 : i32
      %dma_start3A_733 = arith.constant 0 : i32
      %dma_start3A_734 = tpu.memref_slice %arg8[%dma_start3A_730, %dma_start3A_731, %dma_start3A_732, %dma_start3A_733] : memref<2x25x1x80xi32, #tpu.memory_space<vmem>> -> memref<1x1x1x80xi32, #tpu.memory_space<vmem>>
      %dma_start3A_735 = tpu.memref_squeeze %dma_start3A_734 : memref<1x1x1x80xi32, #tpu.memory_space<vmem>> -> memref<80xi32, #tpu.memory_space<vmem>>
      %dma_start3A_736 = arith.constant 0 : i32
      %dma_start3A_737 = arith.constant 0 : i32
      %dma_start3A_738 = tpu.memref_slice %arg2[%dma_start3A_736, %dma_start3A_737] : memref<10000x128xf32, #tpu.memory_space<hbm>> -> memref<10000x128xf32, #tpu.memory_space<hbm>>
      tpu.enqueue_indirect_dma source(%dma_start3A_738 : memref<10000x128xf32, #tpu.memory_space<hbm>>) target(%arg10 : memref<80x128xf32, #tpu.memory_space<vmem>>) offsets(%dma_start3A_735 : memref<80xi32, #tpu.memory_space<vmem>>) semaphore(%arg13 : memref<!tpu.dma_semaphore, #tpu.memory_space<semaphore_mem>>)
      %dma_wait3A_739 = arith.constant 0 : i32
      %dma_wait3A_740 = arith.constant 0 : i32
      %dma_wait3A_741 = arith.constant 0 : i32
      %dma_wait3A_742 = arith.constant 0 : i32
      %dma_wait3A_743 = tpu.memref_slice %arg8[%dma_wait3A_739, %dma_wait3A_740, %dma_wait3A_741, %dma_wait3A_742] : memref<2x25x1x80xi32, #tpu.memory_space<vmem>> -> memref<1x1x1x80xi32, #tpu.memory_space<vmem>>
      %dma_wait3A_744 = tpu.memref_squeeze %dma_wait3A_743 : memref<1x1x1x80xi32, #tpu.memory_space<vmem>> -> memref<80xi32, #tpu.memory_space<vmem>>
      %dma_wait3A_745 = arith.constant 0 : i32
      %dma_wait3A_746 = arith.constant 0 : i32
      %dma_wait3A_747 = tpu.memref_slice %arg2[%dma_wait3A_745, %dma_wait3A_746] : memref<10000x128xf32, #tpu.memory_space<hbm>> -> memref<10000x128xf32, #tpu.memory_space<hbm>>
      tpu.wait_indirect_dma semaphore(%arg13 : memref<!tpu.dma_semaphore, #tpu.memory_space<semaphore_mem>>) src(%dma_wait3A_747 : memref<10000x128xf32, #tpu.memory_space<hbm>>) dst(%arg10 : memref<80x128xf32, #tpu.memory_space<vmem>>)
      %dma_start3A_748 = arith.constant 1 : i32
      %dma_start3A_749 = arith.constant 1 : i32
      %dma_start3A_750 = arith.constant 0 : i32
      %dma_start3A_751 = arith.constant 0 : i32
      %dma_start3A_752 = tpu.memref_slice %arg8[%dma_start3A_748, %dma_start3A_749, %dma_start3A_750, %dma_start3A_751] : memref<2x25x1x80xi32, #tpu.memory_space<vmem>> -> memref<1x1x1x80xi32, #tpu.memory_space<vmem>>
      %dma_start3A_753 = tpu.memref_squeeze %dma_start3A_752 : memref<1x1x1x80xi32, #tpu.memory_space<vmem>> -> memref<80xi32, #tpu.memory_space<vmem>>
      %dma_start3A_754 = arith.constant 0 : i32
      %dma_start3A_755 = arith.constant 0 : i32
      %dma_start3A_756 = tpu.memref_slice %arg2[%dma_start3A_754, %dma_start3A_755] : memref<10000x128xf32, #tpu.memory_space<hbm>> -> memref<10000x128xf32, #tpu.memory_space<hbm>>
      tpu.enqueue_indirect_dma source(%dma_start3A_756 : memref<10000x128xf32, #tpu.memory_space<hbm>>) target(%arg11 : memref<80x128xf32, #tpu.memory_space<vmem>>) offsets(%dma_start3A_753 : memref<80xi32, #tpu.memory_space<vmem>>) semaphore(%arg13 : memref<!tpu.dma_semaphore, #tpu.memory_space<semaphore_mem>>)
      %dma_start3A_757 = arith.constant 1 : i32
      %dma_start3A_758 = arith.constant 0 : i32
      %dma_start3A_759 = arith.constant 0 : i32
      %dma_start3A_760 = arith.constant 0 : i32
      %dma_start3A_761 = tpu.memref_slice %arg9[%dma_start3A_757, %dma_start3A_758, %dma_start3A_759, %dma_start3A_760] : memref<2x25x1x80xi32, #tpu.memory_space<vmem>> -> memref<1x1x1x80xi32, #tpu.memory_space<vmem>>
      %dma_start3A_762 = tpu.memref_squeeze %dma_start3A_761 : memref<1x1x1x80xi32, #tpu.memory_space<vmem>> -> memref<80xi32, #tpu.memory_space<vmem>>
      %dma_start3A_763 = arith.constant 0 : i32
      %dma_start3A_764 = arith.constant 0 : i32
      %dma_start3A_765 = tpu.memref_slice %arg12[%dma_start3A_763, %dma_start3A_764] : memref<10000x128xf32, #tpu.memory_space<vmem_shared>> -> memref<10000x128xf32, #tpu.memory_space<vmem_shared>>
      tpu.enqueue_indirect_dma source(%arg10 : memref<80x128xf32, #tpu.memory_space<vmem>>) target(%dma_start3A_765 : memref<10000x128xf32, #tpu.memory_space<vmem_shared>>) offsets(%dma_start3A_762 : memref<80xi32, #tpu.memory_space<vmem>>) semaphore(%arg14 : memref<!tpu.dma_semaphore, #tpu.memory_space<semaphore_mem>>) {add = true}
      %scan3A_766 = arith.constant 0 : i32
      %scan3A_767 = arith.constant 0 : i32
      %scan3A_768 = arith.constant 11 : i32
      %scan3A_769 = arith.addi %scan3A_767, %scan3A_768 : i32
      %scan3A_770 = arith.constant 1 : i32
      scf.for %scan3A_1006 = %scan3A_767 to %scan3A_769 step %scan3A_770  : i32 {
        %mul3A_1007 = arith.constant 2 : i32
        %mul3A_1008 = arith.muli %mul3A_1007, %scan3A_1006 : i32
        %add3A = arith.constant 1 : i32
        %add3A_1009 = arith.addi %add3A, %mul3A_1008 : i32
        %dma_wait3A_1010 = arith.constant 0 : i32
        %dma_wait3A_1011 = arith.constant 0 : i32
        %dma_wait3A_1012 = arith.constant 0 : i32
        %dma_wait3A_1013 = arith.constant 0 : i32
        %dma_wait3A_1014 = tpu.memref_slice %arg8[%dma_wait3A_1010, %dma_wait3A_1011, %dma_wait3A_1012, %dma_wait3A_1013] : memref<2x25x1x80xi32, #tpu.memory_space<vmem>> -> memref<1x1x1x80xi32, #tpu.memory_space<vmem>>
        %dma_wait3A_1015 = tpu.memref_squeeze %dma_wait3A_1014 : memref<1x1x1x80xi32, #tpu.memory_space<vmem>> -> memref<80xi32, #tpu.memory_space<vmem>>
        %dma_wait3A_1016 = arith.constant 0 : i32
        %dma_wait3A_1017 = arith.constant 0 : i32
        %dma_wait3A_1018 = tpu.memref_slice %arg2[%dma_wait3A_1016, %dma_wait3A_1017] : memref<10000x128xf32, #tpu.memory_space<hbm>> -> memref<10000x128xf32, #tpu.memory_space<hbm>>
        tpu.wait_indirect_dma semaphore(%arg13 : memref<!tpu.dma_semaphore, #tpu.memory_space<semaphore_mem>>) src(%dma_wait3A_1018 : memref<10000x128xf32, #tpu.memory_space<hbm>>) dst(%arg11 : memref<80x128xf32, #tpu.memory_space<vmem>>)
        %dma_wait3A_1019 = arith.constant 0 : i32
        %dma_wait3A_1020 = arith.constant 0 : i32
        %dma_wait3A_1021 = arith.constant 0 : i32
        %dma_wait3A_1022 = arith.constant 0 : i32
        %dma_wait3A_1023 = tpu.memref_slice %arg9[%dma_wait3A_1019, %dma_wait3A_1020, %dma_wait3A_1021, %dma_wait3A_1022] : memref<2x25x1x80xi32, #tpu.memory_space<vmem>> -> memref<1x1x1x80xi32, #tpu.memory_space<vmem>>
        %dma_wait3A_1024 = tpu.memref_squeeze %dma_wait3A_1023 : memref<1x1x1x80xi32, #tpu.memory_space<vmem>> -> memref<80xi32, #tpu.memory_space<vmem>>
        %dma_wait3A_1025 = arith.constant 0 : i32
        %dma_wait3A_1026 = arith.constant 0 : i32
        %dma_wait3A_1027 = tpu.memref_slice %arg12[%dma_wait3A_1025, %dma_wait3A_1026] : memref<10000x128xf32, #tpu.memory_space<vmem_shared>> -> memref<10000x128xf32, #tpu.memory_space<vmem_shared>>
        tpu.wait_indirect_dma semaphore(%arg14 : memref<!tpu.dma_semaphore, #tpu.memory_space<semaphore_mem>>) src(%arg10 : memref<80x128xf32, #tpu.memory_space<vmem>>) dst(%dma_wait3A_1027 : memref<10000x128xf32, #tpu.memory_space<vmem_shared>>)
        %add3A_1028 = arith.constant 1 : i32
        %add3A_1029 = arith.addi %add3A_1009, %add3A_1028 : i32
        %dma_start3A_1030 = arith.constant 1 : i32
        %dma_start3A_1031 = arith.constant 0 : i32
        %dma_start3A_1032 = arith.constant 0 : i32
        %dma_start3A_1033 = tpu.memref_slice %arg8[%dma_start3A_1030, %add3A_1029, %dma_start3A_1031, %dma_start3A_1032] : memref<2x25x1x80xi32, #tpu.memory_space<vmem>> -> memref<1x1x1x80xi32, #tpu.memory_space<vmem>>
        %dma_start3A_1034 = tpu.memref_squeeze %dma_start3A_1033 : memref<1x1x1x80xi32, #tpu.memory_space<vmem>> -> memref<80xi32, #tpu.memory_space<vmem>>
        %dma_start3A_1035 = arith.constant 0 : i32
        %dma_start3A_1036 = arith.constant 0 : i32
        %dma_start3A_1037 = tpu.memref_slice %arg2[%dma_start3A_1035, %dma_start3A_1036] : memref<10000x128xf32, #tpu.memory_space<hbm>> -> memref<10000x128xf32, #tpu.memory_space<hbm>>
        tpu.enqueue_indirect_dma source(%dma_start3A_1037 : memref<10000x128xf32, #tpu.memory_space<hbm>>) target(%arg10 : memref<80x128xf32, #tpu.memory_space<vmem>>) offsets(%dma_start3A_1034 : memref<80xi32, #tpu.memory_space<vmem>>) semaphore(%arg13 : memref<!tpu.dma_semaphore, #tpu.memory_space<semaphore_mem>>)
        %dma_start3A_1038 = arith.constant 1 : i32
        %dma_start3A_1039 = arith.constant 0 : i32
        %dma_start3A_1040 = arith.constant 0 : i32
        %dma_start3A_1041 = tpu.memref_slice %arg9[%dma_start3A_1038, %add3A_1009, %dma_start3A_1039, %dma_start3A_1040] : memref<2x25x1x80xi32, #tpu.memory_space<vmem>> -> memref<1x1x1x80xi32, #tpu.memory_space<vmem>>
        %dma_start3A_1042 = tpu.memref_squeeze %dma_start3A_1041 : memref<1x1x1x80xi32, #tpu.memory_space<vmem>> -> memref<80xi32, #tpu.memory_space<vmem>>
        %dma_start3A_1043 = arith.constant 0 : i32
        %dma_start3A_1044 = arith.constant 0 : i32
        %dma_start3A_1045 = tpu.memref_slice %arg12[%dma_start3A_1043, %dma_start3A_1044] : memref<10000x128xf32, #tpu.memory_space<vmem_shared>> -> memref<10000x128xf32, #tpu.memory_space<vmem_shared>>
        tpu.enqueue_indirect_dma source(%arg11 : memref<80x128xf32, #tpu.memory_space<vmem>>) target(%dma_start3A_1045 : memref<10000x128xf32, #tpu.memory_space<vmem_shared>>) offsets(%dma_start3A_1042 : memref<80xi32, #tpu.memory_space<vmem>>) semaphore(%arg14 : memref<!tpu.dma_semaphore, #tpu.memory_space<semaphore_mem>>) {add = true}
        %dma_wait3A_1046 = arith.constant 0 : i32
        %dma_wait3A_1047 = arith.constant 0 : i32
        %dma_wait3A_1048 = arith.constant 0 : i32
        %dma_wait3A_1049 = arith.constant 0 : i32
        %dma_wait3A_1050 = tpu.memref_slice %arg8[%dma_wait3A_1046, %dma_wait3A_1047, %dma_wait3A_1048, %dma_wait3A_1049] : memref<2x25x1x80xi32, #tpu.memory_space<vmem>> -> memref<1x1x1x80xi32, #tpu.memory_space<vmem>>
        %dma_wait3A_1051 = tpu.memref_squeeze %dma_wait3A_1050 : memref<1x1x1x80xi32, #tpu.memory_space<vmem>> -> memref<80xi32, #tpu.memory_space<vmem>>
        %dma_wait3A_1052 = arith.constant 0 : i32
        %dma_wait3A_1053 = arith.constant 0 : i32
        %dma_wait3A_1054 = tpu.memref_slice %arg2[%dma_wait3A_1052, %dma_wait3A_1053] : memref<10000x128xf32, #tpu.memory_space<hbm>> -> memref<10000x128xf32, #tpu.memory_space<hbm>>
        tpu.wait_indirect_dma semaphore(%arg13 : memref<!tpu.dma_semaphore, #tpu.memory_space<semaphore_mem>>) src(%dma_wait3A_1054 : memref<10000x128xf32, #tpu.memory_space<hbm>>) dst(%arg10 : memref<80x128xf32, #tpu.memory_space<vmem>>)
        %dma_wait3A_1055 = arith.constant 0 : i32
        %dma_wait3A_1056 = arith.constant 0 : i32
        %dma_wait3A_1057 = arith.constant 0 : i32
        %dma_wait3A_1058 = arith.constant 0 : i32
        %dma_wait3A_1059 = tpu.memref_slice %arg9[%dma_wait3A_1055, %dma_wait3A_1056, %dma_wait3A_1057, %dma_wait3A_1058] : memref<2x25x1x80xi32, #tpu.memory_space<vmem>> -> memref<1x1x1x80xi32, #tpu.memory_space<vmem>>
        %dma_wait3A_1060 = tpu.memref_squeeze %dma_wait3A_1059 : memref<1x1x1x80xi32, #tpu.memory_space<vmem>> -> memref<80xi32, #tpu.memory_space<vmem>>
        %dma_wait3A_1061 = arith.constant 0 : i32
        %dma_wait3A_1062 = arith.constant 0 : i32
        %dma_wait3A_1063 = tpu.memref_slice %arg12[%dma_wait3A_1061, %dma_wait3A_1062] : memref<10000x128xf32, #tpu.memory_space<vmem_shared>> -> memref<10000x128xf32, #tpu.memory_space<vmem_shared>>
        tpu.wait_indirect_dma semaphore(%arg14 : memref<!tpu.dma_semaphore, #tpu.memory_space<semaphore_mem>>) src(%arg11 : memref<80x128xf32, #tpu.memory_space<vmem>>) dst(%dma_wait3A_1063 : memref<10000x128xf32, #tpu.memory_space<vmem_shared>>)
        %add3A_1064 = arith.constant 2 : i32
        %add3A_1065 = arith.addi %add3A_1009, %add3A_1064 : i32
        %dma_start3A_1066 = arith.constant 1 : i32
        %dma_start3A_1067 = arith.constant 0 : i32
        %dma_start3A_1068 = arith.constant 0 : i32
        %dma_start3A_1069 = tpu.memref_slice %arg8[%dma_start3A_1066, %add3A_1065, %dma_start3A_1067, %dma_start3A_1068] : memref<2x25x1x80xi32, #tpu.memory_space<vmem>> -> memref<1x1x1x80xi32, #tpu.memory_space<vmem>>
        %dma_start3A_1070 = tpu.memref_squeeze %dma_start3A_1069 : memref<1x1x1x80xi32, #tpu.memory_space<vmem>> -> memref<80xi32, #tpu.memory_space<vmem>>
        %dma_start3A_1071 = arith.constant 0 : i32
        %dma_start3A_1072 = arith.constant 0 : i32
        %dma_start3A_1073 = tpu.memref_slice %arg2[%dma_start3A_1071, %dma_start3A_1072] : memref<10000x128xf32, #tpu.memory_space<hbm>> -> memref<10000x128xf32, #tpu.memory_space<hbm>>
        tpu.enqueue_indirect_dma source(%dma_start3A_1073 : memref<10000x128xf32, #tpu.memory_space<hbm>>) target(%arg11 : memref<80x128xf32, #tpu.memory_space<vmem>>) offsets(%dma_start3A_1070 : memref<80xi32, #tpu.memory_space<vmem>>) semaphore(%arg13 : memref<!tpu.dma_semaphore, #tpu.memory_space<semaphore_mem>>)
        %add3A_1074 = arith.constant 1 : i32
        %add3A_1075 = arith.addi %add3A_1009, %add3A_1074 : i32
        %dma_start3A_1076 = arith.constant 1 : i32
        %dma_start3A_1077 = arith.constant 0 : i32
        %dma_start3A_1078 = arith.constant 0 : i32
        %dma_start3A_1079 = tpu.memref_slice %arg9[%dma_start3A_1076, %add3A_1075, %dma_start3A_1077, %dma_start3A_1078] : memref<2x25x1x80xi32, #tpu.memory_space<vmem>> -> memref<1x1x1x80xi32, #tpu.memory_space<vmem>>
        %dma_start3A_1080 = tpu.memref_squeeze %dma_start3A_1079 : memref<1x1x1x80xi32, #tpu.memory_space<vmem>> -> memref<80xi32, #tpu.memory_space<vmem>>
        %dma_start3A_1081 = arith.constant 0 : i32
        %dma_start3A_1082 = arith.constant 0 : i32
        %dma_start3A_1083 = tpu.memref_slice %arg12[%dma_start3A_1081, %dma_start3A_1082] : memref<10000x128xf32, #tpu.memory_space<vmem_shared>> -> memref<10000x128xf32, #tpu.memory_space<vmem_shared>>
        tpu.enqueue_indirect_dma source(%arg10 : memref<80x128xf32, #tpu.memory_space<vmem>>) target(%dma_start3A_1083 : memref<10000x128xf32, #tpu.memory_space<vmem_shared>>) offsets(%dma_start3A_1080 : memref<80xi32, #tpu.memory_space<vmem>>) semaphore(%arg14 : memref<!tpu.dma_semaphore, #tpu.memory_space<semaphore_mem>>) {add = true}
      }
      %scan3A_771 = arith.constant 11 : i32
      %dma_wait3A_772 = arith.constant 0 : i32
      %dma_wait3A_773 = arith.constant 0 : i32
      %dma_wait3A_774 = arith.constant 0 : i32
      %dma_wait3A_775 = arith.constant 0 : i32
      %dma_wait3A_776 = tpu.memref_slice %arg8[%dma_wait3A_772, %dma_wait3A_773, %dma_wait3A_774, %dma_wait3A_775] : memref<2x25x1x80xi32, #tpu.memory_space<vmem>> -> memref<1x1x1x80xi32, #tpu.memory_space<vmem>>
      %dma_wait3A_777 = tpu.memref_squeeze %dma_wait3A_776 : memref<1x1x1x80xi32, #tpu.memory_space<vmem>> -> memref<80xi32, #tpu.memory_space<vmem>>
      %dma_wait3A_778 = arith.constant 0 : i32
      %dma_wait3A_779 = arith.constant 0 : i32
      %dma_wait3A_780 = tpu.memref_slice %arg2[%dma_wait3A_778, %dma_wait3A_779] : memref<10000x128xf32, #tpu.memory_space<hbm>> -> memref<10000x128xf32, #tpu.memory_space<hbm>>
      tpu.wait_indirect_dma semaphore(%arg13 : memref<!tpu.dma_semaphore, #tpu.memory_space<semaphore_mem>>) src(%dma_wait3A_780 : memref<10000x128xf32, #tpu.memory_space<hbm>>) dst(%arg11 : memref<80x128xf32, #tpu.memory_space<vmem>>)
      %dma_wait3A_781 = arith.constant 0 : i32
      %dma_wait3A_782 = arith.constant 0 : i32
      %dma_wait3A_783 = arith.constant 0 : i32
      %dma_wait3A_784 = arith.constant 0 : i32
      %dma_wait3A_785 = tpu.memref_slice %arg9[%dma_wait3A_781, %dma_wait3A_782, %dma_wait3A_783, %dma_wait3A_784] : memref<2x25x1x80xi32, #tpu.memory_space<vmem>> -> memref<1x1x1x80xi32, #tpu.memory_space<vmem>>
      %dma_wait3A_786 = tpu.memref_squeeze %dma_wait3A_785 : memref<1x1x1x80xi32, #tpu.memory_space<vmem>> -> memref<80xi32, #tpu.memory_space<vmem>>
      %dma_wait3A_787 = arith.constant 0 : i32
      %dma_wait3A_788 = arith.constant 0 : i32
      %dma_wait3A_789 = tpu.memref_slice %arg12[%dma_wait3A_787, %dma_wait3A_788] : memref<10000x128xf32, #tpu.memory_space<vmem_shared>> -> memref<10000x128xf32, #tpu.memory_space<vmem_shared>>
      tpu.wait_indirect_dma semaphore(%arg14 : memref<!tpu.dma_semaphore, #tpu.memory_space<semaphore_mem>>) src(%arg10 : memref<80x128xf32, #tpu.memory_space<vmem>>) dst(%dma_wait3A_789 : memref<10000x128xf32, #tpu.memory_space<vmem_shared>>)
      %dma_start3A_790 = arith.constant 1 : i32
      %dma_start3A_791 = arith.constant 24 : i32
      %dma_start3A_792 = arith.constant 0 : i32
      %dma_start3A_793 = arith.constant 0 : i32
      %dma_start3A_794 = tpu.memref_slice %arg8[%dma_start3A_790, %dma_start3A_791, %dma_start3A_792, %dma_start3A_793] : memref<2x25x1x80xi32, #tpu.memory_space<vmem>> -> memref<1x1x1x80xi32, #tpu.memory_space<vmem>>
      %dma_start3A_795 = tpu.memref_squeeze %dma_start3A_794 : memref<1x1x1x80xi32, #tpu.memory_space<vmem>> -> memref<80xi32, #tpu.memory_space<vmem>>
      %dma_start3A_796 = arith.constant 0 : i32
      %dma_start3A_797 = arith.constant 0 : i32
      %dma_start3A_798 = tpu.memref_slice %arg2[%dma_start3A_796, %dma_start3A_797] : memref<10000x128xf32, #tpu.memory_space<hbm>> -> memref<10000x128xf32, #tpu.memory_space<hbm>>
      tpu.enqueue_indirect_dma source(%dma_start3A_798 : memref<10000x128xf32, #tpu.memory_space<hbm>>) target(%arg10 : memref<80x128xf32, #tpu.memory_space<vmem>>) offsets(%dma_start3A_795 : memref<80xi32, #tpu.memory_space<vmem>>) semaphore(%arg13 : memref<!tpu.dma_semaphore, #tpu.memory_space<semaphore_mem>>)
      %dma_start3A_799 = arith.constant 1 : i32
      %dma_start3A_800 = arith.constant 23 : i32
      %dma_start3A_801 = arith.constant 0 : i32
      %dma_start3A_802 = arith.constant 0 : i32
      %dma_start3A_803 = tpu.memref_slice %arg9[%dma_start3A_799, %dma_start3A_800, %dma_start3A_801, %dma_start3A_802] : memref<2x25x1x80xi32, #tpu.memory_space<vmem>> -> memref<1x1x1x80xi32, #tpu.memory_space<vmem>>
      %dma_start3A_804 = tpu.memref_squeeze %dma_start3A_803 : memref<1x1x1x80xi32, #tpu.memory_space<vmem>> -> memref<80xi32, #tpu.memory_space<vmem>>
      %dma_start3A_805 = arith.constant 0 : i32
      %dma_start3A_806 = arith.constant 0 : i32
      %dma_start3A_807 = tpu.memref_slice %arg12[%dma_start3A_805, %dma_start3A_806] : memref<10000x128xf32, #tpu.memory_space<vmem_shared>> -> memref<10000x128xf32, #tpu.memory_space<vmem_shared>>
      tpu.enqueue_indirect_dma source(%arg11 : memref<80x128xf32, #tpu.memory_space<vmem>>) target(%dma_start3A_807 : memref<10000x128xf32, #tpu.memory_space<vmem_shared>>) offsets(%dma_start3A_804 : memref<80xi32, #tpu.memory_space<vmem>>) semaphore(%arg14 : memref<!tpu.dma_semaphore, #tpu.memory_space<semaphore_mem>>) {add = true}
      %dma_wait3A_808 = arith.constant 0 : i32
      %dma_wait3A_809 = arith.constant 0 : i32
      %dma_wait3A_810 = arith.constant 0 : i32
      %dma_wait3A_811 = arith.constant 0 : i32
      %dma_wait3A_812 = tpu.memref_slice %arg8[%dma_wait3A_808, %dma_wait3A_809, %dma_wait3A_810, %dma_wait3A_811] : memref<2x25x1x80xi32, #tpu.memory_space<vmem>> -> memref<1x1x1x80xi32, #tpu.memory_space<vmem>>
      %dma_wait3A_813 = tpu.memref_squeeze %dma_wait3A_812 : memref<1x1x1x80xi32, #tpu.memory_space<vmem>> -> memref<80xi32, #tpu.memory_space<vmem>>
      %dma_wait3A_814 = arith.constant 0 : i32
      %dma_wait3A_815 = arith.constant 0 : i32
      %dma_wait3A_816 = tpu.memref_slice %arg2[%dma_wait3A_814, %dma_wait3A_815] : memref<10000x128xf32, #tpu.memory_space<hbm>> -> memref<10000x128xf32, #tpu.memory_space<hbm>>
      tpu.wait_indirect_dma semaphore(%arg13 : memref<!tpu.dma_semaphore, #tpu.memory_space<semaphore_mem>>) src(%dma_wait3A_816 : memref<10000x128xf32, #tpu.memory_space<hbm>>) dst(%arg10 : memref<80x128xf32, #tpu.memory_space<vmem>>)
      %dma_wait3A_817 = arith.constant 0 : i32
      %dma_wait3A_818 = arith.constant 0 : i32
      %dma_wait3A_819 = arith.constant 0 : i32
      %dma_wait3A_820 = arith.constant 0 : i32
      %dma_wait3A_821 = tpu.memref_slice %arg9[%dma_wait3A_817, %dma_wait3A_818, %dma_wait3A_819, %dma_wait3A_820] : memref<2x25x1x80xi32, #tpu.memory_space<vmem>> -> memref<1x1x1x80xi32, #tpu.memory_space<vmem>>
      %dma_wait3A_822 = tpu.memref_squeeze %dma_wait3A_821 : memref<1x1x1x80xi32, #tpu.memory_space<vmem>> -> memref<80xi32, #tpu.memory_space<vmem>>
      %dma_wait3A_823 = arith.constant 0 : i32
      %dma_wait3A_824 = arith.constant 0 : i32
      %dma_wait3A_825 = tpu.memref_slice %arg12[%dma_wait3A_823, %dma_wait3A_824] : memref<10000x128xf32, #tpu.memory_space<vmem_shared>> -> memref<10000x128xf32, #tpu.memory_space<vmem_shared>>
      tpu.wait_indirect_dma semaphore(%arg14 : memref<!tpu.dma_semaphore, #tpu.memory_space<semaphore_mem>>) src(%arg11 : memref<80x128xf32, #tpu.memory_space<vmem>>) dst(%dma_wait3A_825 : memref<10000x128xf32, #tpu.memory_space<vmem_shared>>)
      %dma_start3A_826 = arith.constant 1 : i32
      %dma_start3A_827 = arith.constant 24 : i32
      %dma_start3A_828 = arith.constant 0 : i32
      %dma_start3A_829 = arith.constant 0 : i32
      %dma_start3A_830 = tpu.memref_slice %arg9[%dma_start3A_826, %dma_start3A_827, %dma_start3A_828, %dma_start3A_829] : memref<2x25x1x80xi32, #tpu.memory_space<vmem>> -> memref<1x1x1x80xi32, #tpu.memory_space<vmem>>
      %dma_start3A_831 = tpu.memref_squeeze %dma_start3A_830 : memref<1x1x1x80xi32, #tpu.memory_space<vmem>> -> memref<80xi32, #tpu.memory_space<vmem>>
      %dma_start3A_832 = arith.constant 0 : i32
      %dma_start3A_833 = arith.constant 0 : i32
      %dma_start3A_834 = tpu.memref_slice %arg12[%dma_start3A_832, %dma_start3A_833] : memref<10000x128xf32, #tpu.memory_space<vmem_shared>> -> memref<10000x128xf32, #tpu.memory_space<vmem_shared>>
      tpu.enqueue_indirect_dma source(%arg10 : memref<80x128xf32, #tpu.memory_space<vmem>>) target(%dma_start3A_834 : memref<10000x128xf32, #tpu.memory_space<vmem_shared>>) offsets(%dma_start3A_831 : memref<80xi32, #tpu.memory_space<vmem>>) semaphore(%arg14 : memref<!tpu.dma_semaphore, #tpu.memory_space<semaphore_mem>>) {add = true}
      %dma_wait3A_835 = arith.constant 0 : i32
      %dma_wait3A_836 = arith.constant 0 : i32
      %dma_wait3A_837 = arith.constant 0 : i32
      %dma_wait3A_838 = arith.constant 0 : i32
      %dma_wait3A_839 = tpu.memref_slice %arg9[%dma_wait3A_835, %dma_wait3A_836, %dma_wait3A_837, %dma_wait3A_838] : memref<2x25x1x80xi32, #tpu.memory_space<vmem>> -> memref<1x1x1x80xi32, #tpu.memory_space<vmem>>
      %dma_wait3A_840 = tpu.memref_squeeze %dma_wait3A_839 : memref<1x1x1x80xi32, #tpu.memory_space<vmem>> -> memref<80xi32, #tpu.memory_space<vmem>>
      %dma_wait3A_841 = arith.constant 0 : i32
      %dma_wait3A_842 = arith.constant 0 : i32
      %dma_wait3A_843 = tpu.memref_slice %arg12[%dma_wait3A_841, %dma_wait3A_842] : memref<10000x128xf32, #tpu.memory_space<vmem_shared>> -> memref<10000x128xf32, #tpu.memory_space<vmem_shared>>
      tpu.wait_indirect_dma semaphore(%arg14 : memref<!tpu.dma_semaphore, #tpu.memory_space<semaphore_mem>>) src(%arg10 : memref<80x128xf32, #tpu.memory_space<vmem>>) dst(%dma_wait3A_843 : memref<10000x128xf32, #tpu.memory_space<vmem_shared>>)
      %dma_wait3A_844 = arith.constant 0 : i32
      %dma_wait3A_845 = arith.constant 0 : i32
      %dma_wait3A_846 = arith.constant 0 : i32
      %dma_wait3A_847 = arith.constant 0 : i32
      %dma_wait3A_848 = tpu.memref_slice %arg8[%dma_wait3A_844, %dma_wait3A_845, %dma_wait3A_846, %dma_wait3A_847] : memref<2x25x1x80xi32, #tpu.memory_space<vmem>> -> memref<1x25x1x80xi32, #tpu.memory_space<vmem>>
      %dma_wait3A_849 = tpu.memref_squeeze %dma_wait3A_848 : memref<1x25x1x80xi32, #tpu.memory_space<vmem>> -> memref<25x1x80xi32, #tpu.memory_space<vmem>>
      %dma_wait3A_850 = arith.constant 0 : i32
      %dma_wait3A_851 = arith.constant 0 : i32
      %dma_wait3A_852 = arith.constant 0 : i32
      %dma_wait3A_853 = tpu.memref_slice %arg4[%arg1, %dma_wait3A_850, %dma_wait3A_851, %dma_wait3A_852] : memref<16x125x1x80xi32, #tpu.memory_space<hbm>> -> memref<1x25x1x80xi32, #tpu.memory_space<hbm>>
      %dma_wait3A_854 = tpu.memref_squeeze %dma_wait3A_853 : memref<1x25x1x80xi32, #tpu.memory_space<hbm>> -> memref<25x1x80xi32, #tpu.memory_space<hbm>>
      %dma_wait3A_855 = arith.constant 0 : i32
      %dma_wait3A_856 = arith.constant 0 : i32
      %dma_wait3A_857 = arith.constant 0 : i32
      %dma_wait3A_858 = tpu.memref_slice %arg8[%dma_wait3A_844, %dma_wait3A_855, %dma_wait3A_856, %dma_wait3A_857] : memref<2x25x1x80xi32, #tpu.memory_space<vmem>> -> memref<1x25x1x80xi32, #tpu.memory_space<vmem>>
      %dma_wait3A_859 = tpu.memref_squeeze %dma_wait3A_858 : memref<1x25x1x80xi32, #tpu.memory_space<vmem>> -> memref<25x1x80xi32, #tpu.memory_space<vmem>>
      %dma_wait3A_860 = arith.constant 0 : i32
      %dma_wait3A_861 = arith.constant 0 : i32
      %dma_wait3A_862 = arith.constant 0 : i32
      %dma_wait3A_863 = tpu.memref_slice %arg4[%arg1, %dma_wait3A_860, %dma_wait3A_861, %dma_wait3A_862] : memref<16x125x1x80xi32, #tpu.memory_space<hbm>> -> memref<1x25x1x80xi32, #tpu.memory_space<hbm>>
      %dma_wait3A_864 = tpu.memref_squeeze %dma_wait3A_863 : memref<1x25x1x80xi32, #tpu.memory_space<hbm>> -> memref<25x1x80xi32, #tpu.memory_space<hbm>>
      tpu.wait_dma2 semaphore(%arg15 : memref<!tpu.dma_semaphore, #tpu.memory_space<semaphore_mem>>) src(%dma_wait3A_864 : memref<25x1x80xi32, #tpu.memory_space<hbm>>) dst(%dma_wait3A_859 : memref<25x1x80xi32, #tpu.memory_space<vmem>>)
      %dma_wait3A_865 = arith.constant 0 : i32
      %dma_wait3A_866 = arith.constant 0 : i32
      %dma_wait3A_867 = arith.constant 0 : i32
      %dma_wait3A_868 = arith.constant 0 : i32
      %dma_wait3A_869 = tpu.memref_slice %arg9[%dma_wait3A_865, %dma_wait3A_866, %dma_wait3A_867, %dma_wait3A_868] : memref<2x25x1x80xi32, #tpu.memory_space<vmem>> -> memref<1x25x1x80xi32, #tpu.memory_space<vmem>>
      %dma_wait3A_870 = tpu.memref_squeeze %dma_wait3A_869 : memref<1x25x1x80xi32, #tpu.memory_space<vmem>> -> memref<25x1x80xi32, #tpu.memory_space<vmem>>
      %dma_wait3A_871 = arith.constant 0 : i32
      %dma_wait3A_872 = arith.constant 0 : i32
      %dma_wait3A_873 = arith.constant 0 : i32
      %dma_wait3A_874 = tpu.memref_slice %arg4[%arg1, %dma_wait3A_871, %dma_wait3A_872, %dma_wait3A_873] : memref<16x125x1x80xi32, #tpu.memory_space<hbm>> -> memref<1x25x1x80xi32, #tpu.memory_space<hbm>>
      %dma_wait3A_875 = tpu.memref_squeeze %dma_wait3A_874 : memref<1x25x1x80xi32, #tpu.memory_space<hbm>> -> memref<25x1x80xi32, #tpu.memory_space<hbm>>
      %dma_wait3A_876 = arith.constant 0 : i32
      %dma_wait3A_877 = arith.constant 0 : i32
      %dma_wait3A_878 = arith.constant 0 : i32
      %dma_wait3A_879 = tpu.memref_slice %arg9[%dma_wait3A_865, %dma_wait3A_876, %dma_wait3A_877, %dma_wait3A_878] : memref<2x25x1x80xi32, #tpu.memory_space<vmem>> -> memref<1x25x1x80xi32, #tpu.memory_space<vmem>>
      %dma_wait3A_880 = tpu.memref_squeeze %dma_wait3A_879 : memref<1x25x1x80xi32, #tpu.memory_space<vmem>> -> memref<25x1x80xi32, #tpu.memory_space<vmem>>
      %dma_wait3A_881 = arith.constant 0 : i32
      %dma_wait3A_882 = arith.constant 0 : i32
      %dma_wait3A_883 = arith.constant 0 : i32
      %dma_wait3A_884 = tpu.memref_slice %arg4[%arg1, %dma_wait3A_881, %dma_wait3A_882, %dma_wait3A_883] : memref<16x125x1x80xi32, #tpu.memory_space<hbm>> -> memref<1x25x1x80xi32, #tpu.memory_space<hbm>>
      %dma_wait3A_885 = tpu.memref_squeeze %dma_wait3A_884 : memref<1x25x1x80xi32, #tpu.memory_space<hbm>> -> memref<25x1x80xi32, #tpu.memory_space<hbm>>
      tpu.wait_dma2 semaphore(%arg15 : memref<!tpu.dma_semaphore, #tpu.memory_space<semaphore_mem>>) src(%dma_wait3A_885 : memref<25x1x80xi32, #tpu.memory_space<hbm>>) dst(%dma_wait3A_880 : memref<25x1x80xi32, #tpu.memory_space<vmem>>)
      %dma_start3A_886 = arith.constant 0 : i32
      %dma_start3A_887 = arith.constant 0 : i32
      %dma_start3A_888 = arith.constant 0 : i32
      %dma_start3A_889 = arith.constant 0 : i32
      %dma_start3A_890 = tpu.memref_slice %arg8[%dma_start3A_886, %dma_start3A_887, %dma_start3A_888, %dma_start3A_889] : memref<2x25x1x80xi32, #tpu.memory_space<vmem>> -> memref<1x1x1x80xi32, #tpu.memory_space<vmem>>
      %dma_start3A_891 = tpu.memref_squeeze %dma_start3A_890 : memref<1x1x1x80xi32, #tpu.memory_space<vmem>> -> memref<80xi32, #tpu.memory_space<vmem>>
      %dma_start3A_892 = arith.constant 0 : i32
      %dma_start3A_893 = arith.constant 0 : i32
      %dma_start3A_894 = tpu.memref_slice %arg2[%dma_start3A_892, %dma_start3A_893] : memref<10000x128xf32, #tpu.memory_space<hbm>> -> memref<10000x128xf32, #tpu.memory_space<hbm>>
      tpu.enqueue_indirect_dma source(%dma_start3A_894 : memref<10000x128xf32, #tpu.memory_space<hbm>>) target(%arg10 : memref<80x128xf32, #tpu.memory_space<vmem>>) offsets(%dma_start3A_891 : memref<80xi32, #tpu.memory_space<vmem>>) semaphore(%arg13 : memref<!tpu.dma_semaphore, #tpu.memory_space<semaphore_mem>>)
      %dma_wait3A_895 = arith.constant 0 : i32
      %dma_wait3A_896 = arith.constant 0 : i32
      %dma_wait3A_897 = arith.constant 0 : i32
      %dma_wait3A_898 = arith.constant 0 : i32
      %dma_wait3A_899 = tpu.memref_slice %arg8[%dma_wait3A_895, %dma_wait3A_896, %dma_wait3A_897, %dma_wait3A_898] : memref<2x25x1x80xi32, #tpu.memory_space<vmem>> -> memref<1x1x1x80xi32, #tpu.memory_space<vmem>>
      %dma_wait3A_900 = tpu.memref_squeeze %dma_wait3A_899 : memref<1x1x1x80xi32, #tpu.memory_space<vmem>> -> memref<80xi32, #tpu.memory_space<vmem>>
      %dma_wait3A_901 = arith.constant 0 : i32
      %dma_wait3A_902 = arith.constant 0 : i32
      %dma_wait3A_903 = tpu.memref_slice %arg2[%dma_wait3A_901, %dma_wait3A_902] : memref<10000x128xf32, #tpu.memory_space<hbm>> -> memref<10000x128xf32, #tpu.memory_space<hbm>>
      tpu.wait_indirect_dma semaphore(%arg13 : memref<!tpu.dma_semaphore, #tpu.memory_space<semaphore_mem>>) src(%dma_wait3A_903 : memref<10000x128xf32, #tpu.memory_space<hbm>>) dst(%arg10 : memref<80x128xf32, #tpu.memory_space<vmem>>)
      %dma_start3A_904 = arith.constant 0 : i32
      %dma_start3A_905 = arith.constant 1 : i32
      %dma_start3A_906 = arith.constant 0 : i32
      %dma_start3A_907 = arith.constant 0 : i32
      %dma_start3A_908 = tpu.memref_slice %arg8[%dma_start3A_904, %dma_start3A_905, %dma_start3A_906, %dma_start3A_907] : memref<2x25x1x80xi32, #tpu.memory_space<vmem>> -> memref<1x1x1x80xi32, #tpu.memory_space<vmem>>
      %dma_start3A_909 = tpu.memref_squeeze %dma_start3A_908 : memref<1x1x1x80xi32, #tpu.memory_space<vmem>> -> memref<80xi32, #tpu.memory_space<vmem>>
      %dma_start3A_910 = arith.constant 0 : i32
      %dma_start3A_911 = arith.constant 0 : i32
      %dma_start3A_912 = tpu.memref_slice %arg2[%dma_start3A_910, %dma_start3A_911] : memref<10000x128xf32, #tpu.memory_space<hbm>> -> memref<10000x128xf32, #tpu.memory_space<hbm>>
      tpu.enqueue_indirect_dma source(%dma_start3A_912 : memref<10000x128xf32, #tpu.memory_space<hbm>>) target(%arg11 : memref<80x128xf32, #tpu.memory_space<vmem>>) offsets(%dma_start3A_909 : memref<80xi32, #tpu.memory_space<vmem>>) semaphore(%arg13 : memref<!tpu.dma_semaphore, #tpu.memory_space<semaphore_mem>>)
      %dma_start3A_913 = arith.constant 0 : i32
      %dma_start3A_914 = arith.constant 0 : i32
      %dma_start3A_915 = arith.constant 0 : i32
      %dma_start3A_916 = arith.constant 0 : i32
      %dma_start3A_917 = tpu.memref_slice %arg9[%dma_start3A_913, %dma_start3A_914, %dma_start3A_915, %dma_start3A_916] : memref<2x25x1x80xi32, #tpu.memory_space<vmem>> -> memref<1x1x1x80xi32, #tpu.memory_space<vmem>>
      %dma_start3A_918 = tpu.memref_squeeze %dma_start3A_917 : memref<1x1x1x80xi32, #tpu.memory_space<vmem>> -> memref<80xi32, #tpu.memory_space<vmem>>
      %dma_start3A_919 = arith.constant 0 : i32
      %dma_start3A_920 = arith.constant 0 : i32
      %dma_start3A_921 = tpu.memref_slice %arg12[%dma_start3A_919, %dma_start3A_920] : memref<10000x128xf32, #tpu.memory_space<vmem_shared>> -> memref<10000x128xf32, #tpu.memory_space<vmem_shared>>
      tpu.enqueue_indirect_dma source(%arg10 : memref<80x128xf32, #tpu.memory_space<vmem>>) target(%dma_start3A_921 : memref<10000x128xf32, #tpu.memory_space<vmem_shared>>) offsets(%dma_start3A_918 : memref<80xi32, #tpu.memory_space<vmem>>) semaphore(%arg14 : memref<!tpu.dma_semaphore, #tpu.memory_space<semaphore_mem>>) {add = true}
      %scan3A_922 = arith.constant 0 : i32
      %scan3A_923 = arith.constant 0 : i32
      %scan3A_924 = arith.constant 11 : i32
      %scan3A_925 = arith.addi %scan3A_923, %scan3A_924 : i32
      %scan3A_926 = arith.constant 1 : i32
      scf.for %scan3A_1006 = %scan3A_923 to %scan3A_925 step %scan3A_926  : i32 {
        %mul3A_1007 = arith.constant 2 : i32
        %mul3A_1008 = arith.muli %mul3A_1007, %scan3A_1006 : i32
        %add3A = arith.constant 1 : i32
        %add3A_1009 = arith.addi %add3A, %mul3A_1008 : i32
        %dma_wait3A_1010 = arith.constant 0 : i32
        %dma_wait3A_1011 = arith.constant 0 : i32
        %dma_wait3A_1012 = arith.constant 0 : i32
        %dma_wait3A_1013 = arith.constant 0 : i32
        %dma_wait3A_1014 = tpu.memref_slice %arg8[%dma_wait3A_1010, %dma_wait3A_1011, %dma_wait3A_1012, %dma_wait3A_1013] : memref<2x25x1x80xi32, #tpu.memory_space<vmem>> -> memref<1x1x1x80xi32, #tpu.memory_space<vmem>>
        %dma_wait3A_1015 = tpu.memref_squeeze %dma_wait3A_1014 : memref<1x1x1x80xi32, #tpu.memory_space<vmem>> -> memref<80xi32, #tpu.memory_space<vmem>>
        %dma_wait3A_1016 = arith.constant 0 : i32
        %dma_wait3A_1017 = arith.constant 0 : i32
        %dma_wait3A_1018 = tpu.memref_slice %arg2[%dma_wait3A_1016, %dma_wait3A_1017] : memref<10000x128xf32, #tpu.memory_space<hbm>> -> memref<10000x128xf32, #tpu.memory_space<hbm>>
        tpu.wait_indirect_dma semaphore(%arg13 : memref<!tpu.dma_semaphore, #tpu.memory_space<semaphore_mem>>) src(%dma_wait3A_1018 : memref<10000x128xf32, #tpu.memory_space<hbm>>) dst(%arg11 : memref<80x128xf32, #tpu.memory_space<vmem>>)
        %dma_wait3A_1019 = arith.constant 0 : i32
        %dma_wait3A_1020 = arith.constant 0 : i32
        %dma_wait3A_1021 = arith.constant 0 : i32
        %dma_wait3A_1022 = arith.constant 0 : i32
        %dma_wait3A_1023 = tpu.memref_slice %arg9[%dma_wait3A_1019, %dma_wait3A_1020, %dma_wait3A_1021, %dma_wait3A_1022] : memref<2x25x1x80xi32, #tpu.memory_space<vmem>> -> memref<1x1x1x80xi32, #tpu.memory_space<vmem>>
        %dma_wait3A_1024 = tpu.memref_squeeze %dma_wait3A_1023 : memref<1x1x1x80xi32, #tpu.memory_space<vmem>> -> memref<80xi32, #tpu.memory_space<vmem>>
        %dma_wait3A_1025 = arith.constant 0 : i32
        %dma_wait3A_1026 = arith.constant 0 : i32
        %dma_wait3A_1027 = tpu.memref_slice %arg12[%dma_wait3A_1025, %dma_wait3A_1026] : memref<10000x128xf32, #tpu.memory_space<vmem_shared>> -> memref<10000x128xf32, #tpu.memory_space<vmem_shared>>
        tpu.wait_indirect_dma semaphore(%arg14 : memref<!tpu.dma_semaphore, #tpu.memory_space<semaphore_mem>>) src(%arg10 : memref<80x128xf32, #tpu.memory_space<vmem>>) dst(%dma_wait3A_1027 : memref<10000x128xf32, #tpu.memory_space<vmem_shared>>)
        %add3A_1028 = arith.constant 1 : i32
        %add3A_1029 = arith.addi %add3A_1009, %add3A_1028 : i32
        %dma_start3A_1030 = arith.constant 0 : i32
        %dma_start3A_1031 = arith.constant 0 : i32
        %dma_start3A_1032 = arith.constant 0 : i32
        %dma_start3A_1033 = tpu.memref_slice %arg8[%dma_start3A_1030, %add3A_1029, %dma_start3A_1031, %dma_start3A_1032] : memref<2x25x1x80xi32, #tpu.memory_space<vmem>> -> memref<1x1x1x80xi32, #tpu.memory_space<vmem>>
        %dma_start3A_1034 = tpu.memref_squeeze %dma_start3A_1033 : memref<1x1x1x80xi32, #tpu.memory_space<vmem>> -> memref<80xi32, #tpu.memory_space<vmem>>
        %dma_start3A_1035 = arith.constant 0 : i32
        %dma_start3A_1036 = arith.constant 0 : i32
        %dma_start3A_1037 = tpu.memref_slice %arg2[%dma_start3A_1035, %dma_start3A_1036] : memref<10000x128xf32, #tpu.memory_space<hbm>> -> memref<10000x128xf32, #tpu.memory_space<hbm>>
        tpu.enqueue_indirect_dma source(%dma_start3A_1037 : memref<10000x128xf32, #tpu.memory_space<hbm>>) target(%arg10 : memref<80x128xf32, #tpu.memory_space<vmem>>) offsets(%dma_start3A_1034 : memref<80xi32, #tpu.memory_space<vmem>>) semaphore(%arg13 : memref<!tpu.dma_semaphore, #tpu.memory_space<semaphore_mem>>)
        %dma_start3A_1038 = arith.constant 0 : i32
        %dma_start3A_1039 = arith.constant 0 : i32
        %dma_start3A_1040 = arith.constant 0 : i32
        %dma_start3A_1041 = tpu.memref_slice %arg9[%dma_start3A_1038, %add3A_1009, %dma_start3A_1039, %dma_start3A_1040] : memref<2x25x1x80xi32, #tpu.memory_space<vmem>> -> memref<1x1x1x80xi32, #tpu.memory_space<vmem>>
        %dma_start3A_1042 = tpu.memref_squeeze %dma_start3A_1041 : memref<1x1x1x80xi32, #tpu.memory_space<vmem>> -> memref<80xi32, #tpu.memory_space<vmem>>
        %dma_start3A_1043 = arith.constant 0 : i32
        %dma_start3A_1044 = arith.constant 0 : i32
        %dma_start3A_1045 = tpu.memref_slice %arg12[%dma_start3A_1043, %dma_start3A_1044] : memref<10000x128xf32, #tpu.memory_space<vmem_shared>> -> memref<10000x128xf32, #tpu.memory_space<vmem_shared>>
        tpu.enqueue_indirect_dma source(%arg11 : memref<80x128xf32, #tpu.memory_space<vmem>>) target(%dma_start3A_1045 : memref<10000x128xf32, #tpu.memory_space<vmem_shared>>) offsets(%dma_start3A_1042 : memref<80xi32, #tpu.memory_space<vmem>>) semaphore(%arg14 : memref<!tpu.dma_semaphore, #tpu.memory_space<semaphore_mem>>) {add = true}
        %dma_wait3A_1046 = arith.constant 0 : i32
        %dma_wait3A_1047 = arith.constant 0 : i32
        %dma_wait3A_1048 = arith.constant 0 : i32
        %dma_wait3A_1049 = arith.constant 0 : i32
        %dma_wait3A_1050 = tpu.memref_slice %arg8[%dma_wait3A_1046, %dma_wait3A_1047, %dma_wait3A_1048, %dma_wait3A_1049] : memref<2x25x1x80xi32, #tpu.memory_space<vmem>> -> memref<1x1x1x80xi32, #tpu.memory_space<vmem>>
        %dma_wait3A_1051 = tpu.memref_squeeze %dma_wait3A_1050 : memref<1x1x1x80xi32, #tpu.memory_space<vmem>> -> memref<80xi32, #tpu.memory_space<vmem>>
        %dma_wait3A_1052 = arith.constant 0 : i32
        %dma_wait3A_1053 = arith.constant 0 : i32
        %dma_wait3A_1054 = tpu.memref_slice %arg2[%dma_wait3A_1052, %dma_wait3A_1053] : memref<10000x128xf32, #tpu.memory_space<hbm>> -> memref<10000x128xf32, #tpu.memory_space<hbm>>
        tpu.wait_indirect_dma semaphore(%arg13 : memref<!tpu.dma_semaphore, #tpu.memory_space<semaphore_mem>>) src(%dma_wait3A_1054 : memref<10000x128xf32, #tpu.memory_space<hbm>>) dst(%arg10 : memref<80x128xf32, #tpu.memory_space<vmem>>)
        %dma_wait3A_1055 = arith.constant 0 : i32
        %dma_wait3A_1056 = arith.constant 0 : i32
        %dma_wait3A_1057 = arith.constant 0 : i32
        %dma_wait3A_1058 = arith.constant 0 : i32
        %dma_wait3A_1059 = tpu.memref_slice %arg9[%dma_wait3A_1055, %dma_wait3A_1056, %dma_wait3A_1057, %dma_wait3A_1058] : memref<2x25x1x80xi32, #tpu.memory_space<vmem>> -> memref<1x1x1x80xi32, #tpu.memory_space<vmem>>
        %dma_wait3A_1060 = tpu.memref_squeeze %dma_wait3A_1059 : memref<1x1x1x80xi32, #tpu.memory_space<vmem>> -> memref<80xi32, #tpu.memory_space<vmem>>
        %dma_wait3A_1061 = arith.constant 0 : i32
        %dma_wait3A_1062 = arith.constant 0 : i32
        %dma_wait3A_1063 = tpu.memref_slice %arg12[%dma_wait3A_1061, %dma_wait3A_1062] : memref<10000x128xf32, #tpu.memory_space<vmem_shared>> -> memref<10000x128xf32, #tpu.memory_space<vmem_shared>>
        tpu.wait_indirect_dma semaphore(%arg14 : memref<!tpu.dma_semaphore, #tpu.memory_space<semaphore_mem>>) src(%arg11 : memref<80x128xf32, #tpu.memory_space<vmem>>) dst(%dma_wait3A_1063 : memref<10000x128xf32, #tpu.memory_space<vmem_shared>>)
        %add3A_1064 = arith.constant 2 : i32
        %add3A_1065 = arith.addi %add3A_1009, %add3A_1064 : i32
        %dma_start3A_1066 = arith.constant 0 : i32
        %dma_start3A_1067 = arith.constant 0 : i32
        %dma_start3A_1068 = arith.constant 0 : i32
        %dma_start3A_1069 = tpu.memref_slice %arg8[%dma_start3A_1066, %add3A_1065, %dma_start3A_1067, %dma_start3A_1068] : memref<2x25x1x80xi32, #tpu.memory_space<vmem>> -> memref<1x1x1x80xi32, #tpu.memory_space<vmem>>
        %dma_start3A_1070 = tpu.memref_squeeze %dma_start3A_1069 : memref<1x1x1x80xi32, #tpu.memory_space<vmem>> -> memref<80xi32, #tpu.memory_space<vmem>>
        %dma_start3A_1071 = arith.constant 0 : i32
        %dma_start3A_1072 = arith.constant 0 : i32
        %dma_start3A_1073 = tpu.memref_slice %arg2[%dma_start3A_1071, %dma_start3A_1072] : memref<10000x128xf32, #tpu.memory_space<hbm>> -> memref<10000x128xf32, #tpu.memory_space<hbm>>
        tpu.enqueue_indirect_dma source(%dma_start3A_1073 : memref<10000x128xf32, #tpu.memory_space<hbm>>) target(%arg11 : memref<80x128xf32, #tpu.memory_space<vmem>>) offsets(%dma_start3A_1070 : memref<80xi32, #tpu.memory_space<vmem>>) semaphore(%arg13 : memref<!tpu.dma_semaphore, #tpu.memory_space<semaphore_mem>>)
        %add3A_1074 = arith.constant 1 : i32
        %add3A_1075 = arith.addi %add3A_1009, %add3A_1074 : i32
        %dma_start3A_1076 = arith.constant 0 : i32
        %dma_start3A_1077 = arith.constant 0 : i32
        %dma_start3A_1078 = arith.constant 0 : i32
        %dma_start3A_1079 = tpu.memref_slice %arg9[%dma_start3A_1076, %add3A_1075, %dma_start3A_1077, %dma_start3A_1078] : memref<2x25x1x80xi32, #tpu.memory_space<vmem>> -> memref<1x1x1x80xi32, #tpu.memory_space<vmem>>
        %dma_start3A_1080 = tpu.memref_squeeze %dma_start3A_1079 : memref<1x1x1x80xi32, #tpu.memory_space<vmem>> -> memref<80xi32, #tpu.memory_space<vmem>>
        %dma_start3A_1081 = arith.constant 0 : i32
        %dma_start3A_1082 = arith.constant 0 : i32
        %dma_start3A_1083 = tpu.memref_slice %arg12[%dma_start3A_1081, %dma_start3A_1082] : memref<10000x128xf32, #tpu.memory_space<vmem_shared>> -> memref<10000x128xf32, #tpu.memory_space<vmem_shared>>
        tpu.enqueue_indirect_dma source(%arg10 : memref<80x128xf32, #tpu.memory_space<vmem>>) target(%dma_start3A_1083 : memref<10000x128xf32, #tpu.memory_space<vmem_shared>>) offsets(%dma_start3A_1080 : memref<80xi32, #tpu.memory_space<vmem>>) semaphore(%arg14 : memref<!tpu.dma_semaphore, #tpu.memory_space<semaphore_mem>>) {add = true}
      }
      %scan3A_927 = arith.constant 11 : i32
      %dma_wait3A_928 = arith.constant 0 : i32
      %dma_wait3A_929 = arith.constant 0 : i32
      %dma_wait3A_930 = arith.constant 0 : i32
      %dma_wait3A_931 = arith.constant 0 : i32
      %dma_wait3A_932 = tpu.memref_slice %arg8[%dma_wait3A_928, %dma_wait3A_929, %dma_wait3A_930, %dma_wait3A_931] : memref<2x25x1x80xi32, #tpu.memory_space<vmem>> -> memref<1x1x1x80xi32, #tpu.memory_space<vmem>>
      %dma_wait3A_933 = tpu.memref_squeeze %dma_wait3A_932 : memref<1x1x1x80xi32, #tpu.memory_space<vmem>> -> memref<80xi32, #tpu.memory_space<vmem>>
      %dma_wait3A_934 = arith.constant 0 : i32
      %dma_wait3A_935 = arith.constant 0 : i32
      %dma_wait3A_936 = tpu.memref_slice %arg2[%dma_wait3A_934, %dma_wait3A_935] : memref<10000x128xf32, #tpu.memory_space<hbm>> -> memref<10000x128xf32, #tpu.memory_space<hbm>>
      tpu.wait_indirect_dma semaphore(%arg13 : memref<!tpu.dma_semaphore, #tpu.memory_space<semaphore_mem>>) src(%dma_wait3A_936 : memref<10000x128xf32, #tpu.memory_space<hbm>>) dst(%arg11 : memref<80x128xf32, #tpu.memory_space<vmem>>)
      %dma_wait3A_937 = arith.constant 0 : i32
      %dma_wait3A_938 = arith.constant 0 : i32
      %dma_wait3A_939 = arith.constant 0 : i32
      %dma_wait3A_940 = arith.constant 0 : i32
      %dma_wait3A_941 = tpu.memref_slice %arg9[%dma_wait3A_937, %dma_wait3A_938, %dma_wait3A_939, %dma_wait3A_940] : memref<2x25x1x80xi32, #tpu.memory_space<vmem>> -> memref<1x1x1x80xi32, #tpu.memory_space<vmem>>
      %dma_wait3A_942 = tpu.memref_squeeze %dma_wait3A_941 : memref<1x1x1x80xi32, #tpu.memory_space<vmem>> -> memref<80xi32, #tpu.memory_space<vmem>>
      %dma_wait3A_943 = arith.constant 0 : i32
      %dma_wait3A_944 = arith.constant 0 : i32
      %dma_wait3A_945 = tpu.memref_slice %arg12[%dma_wait3A_943, %dma_wait3A_944] : memref<10000x128xf32, #tpu.memory_space<vmem_shared>> -> memref<10000x128xf32, #tpu.memory_space<vmem_shared>>
      tpu.wait_indirect_dma semaphore(%arg14 : memref<!tpu.dma_semaphore, #tpu.memory_space<semaphore_mem>>) src(%arg10 : memref<80x128xf32, #tpu.memory_space<vmem>>) dst(%dma_wait3A_945 : memref<10000x128xf32, #tpu.memory_space<vmem_shared>>)
      %dma_start3A_946 = arith.constant 0 : i32
      %dma_start3A_947 = arith.constant 24 : i32
      %dma_start3A_948 = arith.constant 0 : i32
      %dma_start3A_949 = arith.constant 0 : i32
      %dma_start3A_950 = tpu.memref_slice %arg8[%dma_start3A_946, %dma_start3A_947, %dma_start3A_948, %dma_start3A_949] : memref<2x25x1x80xi32, #tpu.memory_space<vmem>> -> memref<1x1x1x80xi32, #tpu.memory_space<vmem>>
      %dma_start3A_951 = tpu.memref_squeeze %dma_start3A_950 : memref<1x1x1x80xi32, #tpu.memory_space<vmem>> -> memref<80xi32, #tpu.memory_space<vmem>>
      %dma_start3A_952 = arith.constant 0 : i32
      %dma_start3A_953 = arith.constant 0 : i32
      %dma_start3A_954 = tpu.memref_slice %arg2[%dma_start3A_952, %dma_start3A_953] : memref<10000x128xf32, #tpu.memory_space<hbm>> -> memref<10000x128xf32, #tpu.memory_space<hbm>>
      tpu.enqueue_indirect_dma source(%dma_start3A_954 : memref<10000x128xf32, #tpu.memory_space<hbm>>) target(%arg10 : memref<80x128xf32, #tpu.memory_space<vmem>>) offsets(%dma_start3A_951 : memref<80xi32, #tpu.memory_space<vmem>>) semaphore(%arg13 : memref<!tpu.dma_semaphore, #tpu.memory_space<semaphore_mem>>)
      %dma_start3A_955 = arith.constant 0 : i32
      %dma_start3A_956 = arith.constant 23 : i32
      %dma_start3A_957 = arith.constant 0 : i32
      %dma_start3A_958 = arith.constant 0 : i32
      %dma_start3A_959 = tpu.memref_slice %arg9[%dma_start3A_955, %dma_start3A_956, %dma_start3A_957, %dma_start3A_958] : memref<2x25x1x80xi32, #tpu.memory_space<vmem>> -> memref<1x1x1x80xi32, #tpu.memory_space<vmem>>
      %dma_start3A_960 = tpu.memref_squeeze %dma_start3A_959 : memref<1x1x1x80xi32, #tpu.memory_space<vmem>> -> memref<80xi32, #tpu.memory_space<vmem>>
      %dma_start3A_961 = arith.constant 0 : i32
      %dma_start3A_962 = arith.constant 0 : i32
      %dma_start3A_963 = tpu.memref_slice %arg12[%dma_start3A_961, %dma_start3A_962] : memref<10000x128xf32, #tpu.memory_space<vmem_shared>> -> memref<10000x128xf32, #tpu.memory_space<vmem_shared>>
      tpu.enqueue_indirect_dma source(%arg11 : memref<80x128xf32, #tpu.memory_space<vmem>>) target(%dma_start3A_963 : memref<10000x128xf32, #tpu.memory_space<vmem_shared>>) offsets(%dma_start3A_960 : memref<80xi32, #tpu.memory_space<vmem>>) semaphore(%arg14 : memref<!tpu.dma_semaphore, #tpu.memory_space<semaphore_mem>>) {add = true}
      %dma_wait3A_964 = arith.constant 0 : i32
      %dma_wait3A_965 = arith.constant 0 : i32
      %dma_wait3A_966 = arith.constant 0 : i32
      %dma_wait3A_967 = arith.constant 0 : i32
      %dma_wait3A_968 = tpu.memref_slice %arg8[%dma_wait3A_964, %dma_wait3A_965, %dma_wait3A_966, %dma_wait3A_967] : memref<2x25x1x80xi32, #tpu.memory_space<vmem>> -> memref<1x1x1x80xi32, #tpu.memory_space<vmem>>
      %dma_wait3A_969 = tpu.memref_squeeze %dma_wait3A_968 : memref<1x1x1x80xi32, #tpu.memory_space<vmem>> -> memref<80xi32, #tpu.memory_space<vmem>>
      %dma_wait3A_970 = arith.constant 0 : i32
      %dma_wait3A_971 = arith.constant 0 : i32
      %dma_wait3A_972 = tpu.memref_slice %arg2[%dma_wait3A_970, %dma_wait3A_971] : memref<10000x128xf32, #tpu.memory_space<hbm>> -> memref<10000x128xf32, #tpu.memory_space<hbm>>
      tpu.wait_indirect_dma semaphore(%arg13 : memref<!tpu.dma_semaphore, #tpu.memory_space<semaphore_mem>>) src(%dma_wait3A_972 : memref<10000x128xf32, #tpu.memory_space<hbm>>) dst(%arg10 : memref<80x128xf32, #tpu.memory_space<vmem>>)
      %dma_wait3A_973 = arith.constant 0 : i32
      %dma_wait3A_974 = arith.constant 0 : i32
      %dma_wait3A_975 = arith.constant 0 : i32
      %dma_wait3A_976 = arith.constant 0 : i32
      %dma_wait3A_977 = tpu.memref_slice %arg9[%dma_wait3A_973, %dma_wait3A_974, %dma_wait3A_975, %dma_wait3A_976] : memref<2x25x1x80xi32, #tpu.memory_space<vmem>> -> memref<1x1x1x80xi32, #tpu.memory_space<vmem>>
      %dma_wait3A_978 = tpu.memref_squeeze %dma_wait3A_977 : memref<1x1x1x80xi32, #tpu.memory_space<vmem>> -> memref<80xi32, #tpu.memory_space<vmem>>
      %dma_wait3A_979 = arith.constant 0 : i32
      %dma_wait3A_980 = arith.constant 0 : i32
      %dma_wait3A_981 = tpu.memref_slice %arg12[%dma_wait3A_979, %dma_wait3A_980] : memref<10000x128xf32, #tpu.memory_space<vmem_shared>> -> memref<10000x128xf32, #tpu.memory_space<vmem_shared>>
      tpu.wait_indirect_dma semaphore(%arg14 : memref<!tpu.dma_semaphore, #tpu.memory_space<semaphore_mem>>) src(%arg11 : memref<80x128xf32, #tpu.memory_space<vmem>>) dst(%dma_wait3A_981 : memref<10000x128xf32, #tpu.memory_space<vmem_shared>>)
      %dma_start3A_982 = arith.constant 0 : i32
      %dma_start3A_983 = arith.constant 24 : i32
      %dma_start3A_984 = arith.constant 0 : i32
      %dma_start3A_985 = arith.constant 0 : i32
      %dma_start3A_986 = tpu.memref_slice %arg9[%dma_start3A_982, %dma_start3A_983, %dma_start3A_984, %dma_start3A_985] : memref<2x25x1x80xi32, #tpu.memory_space<vmem>> -> memref<1x1x1x80xi32, #tpu.memory_space<vmem>>
      %dma_start3A_987 = tpu.memref_squeeze %dma_start3A_986 : memref<1x1x1x80xi32, #tpu.memory_space<vmem>> -> memref<80xi32, #tpu.memory_space<vmem>>
      %dma_start3A_988 = arith.constant 0 : i32
      %dma_start3A_989 = arith.constant 0 : i32
      %dma_start3A_990 = tpu.memref_slice %arg12[%dma_start3A_988, %dma_start3A_989] : memref<10000x128xf32, #tpu.memory_space<vmem_shared>> -> memref<10000x128xf32, #tpu.memory_space<vmem_shared>>
      tpu.enqueue_indirect_dma source(%arg10 : memref<80x128xf32, #tpu.memory_space<vmem>>) target(%dma_start3A_990 : memref<10000x128xf32, #tpu.memory_space<vmem_shared>>) offsets(%dma_start3A_987 : memref<80xi32, #tpu.memory_space<vmem>>) semaphore(%arg14 : memref<!tpu.dma_semaphore, #tpu.memory_space<semaphore_mem>>) {add = true}
      %dma_wait3A_991 = arith.constant 0 : i32
      %dma_wait3A_992 = arith.constant 0 : i32
      %dma_wait3A_993 = arith.constant 0 : i32
      %dma_wait3A_994 = arith.constant 0 : i32
      %dma_wait3A_995 = tpu.memref_slice %arg9[%dma_wait3A_991, %dma_wait3A_992, %dma_wait3A_993, %dma_wait3A_994] : memref<2x25x1x80xi32, #tpu.memory_space<vmem>> -> memref<1x1x1x80xi32, #tpu.memory_space<vmem>>
      %dma_wait3A_996 = tpu.memref_squeeze %dma_wait3A_995 : memref<1x1x1x80xi32, #tpu.memory_space<vmem>> -> memref<80xi32, #tpu.memory_space<vmem>>
      %dma_wait3A_997 = arith.constant 0 : i32
      %dma_wait3A_998 = arith.constant 0 : i32
      %dma_wait3A_999 = tpu.memref_slice %arg12[%dma_wait3A_997, %dma_wait3A_998] : memref<10000x128xf32, #tpu.memory_space<vmem_shared>> -> memref<10000x128xf32, #tpu.memory_space<vmem_shared>>
      tpu.wait_indirect_dma semaphore(%arg14 : memref<!tpu.dma_semaphore, #tpu.memory_space<semaphore_mem>>) src(%arg10 : memref<80x128xf32, #tpu.memory_space<vmem>>) dst(%dma_wait3A_999 : memref<10000x128xf32, #tpu.memory_space<vmem_shared>>)
      %barrier3A_1000 = arith.constant 0 : index
      tpu.barrier barrier_id(%barrier3A_1000)
      "tpu.region"() ({
        %run_scoped3A = tpu.sem_alloc : memref<!tpu.dma_semaphore, #tpu.memory_space<semaphore_mem>>
        %dma_start3A_1006 = arith.constant 0 : i32
        %dma_start3A_1007 = tpu.memref_slice %arg6[%mul3A_0, %dma_start3A_1006] : memref<10000x128xf32, #tpu.memory_space<hbm>> -> memref<624x128xf32, #tpu.memory_space<hbm>>
        %dma_start3A_1008 = arith.constant 0 : i32
        %dma_start3A_1009 = tpu.memref_slice %arg12[%mul3A_0, %dma_start3A_1008] : memref<10000x128xf32, #tpu.memory_space<vmem_shared>> -> memref<624x128xf32, #tpu.memory_space<vmem_shared>>
        tpu.enqueue_dma source(%dma_start3A_1009 : memref<624x128xf32, #tpu.memory_space<vmem_shared>>) target(%dma_start3A_1007 : memref<624x128xf32, #tpu.memory_space<hbm>>) target_semaphore(%run_scoped3A : memref<!tpu.dma_semaphore, #tpu.memory_space<semaphore_mem>>)
        %dma_wait3A_1010 = arith.constant 0 : i32
        %dma_wait3A_1011 = tpu.memref_slice %arg6[%mul3A_0, %dma_wait3A_1010] : memref<10000x128xf32, #tpu.memory_space<hbm>> -> memref<624x128xf32, #tpu.memory_space<hbm>>
        %dma_wait3A_1012 = arith.constant 0 : i32
        %dma_wait3A_1013 = tpu.memref_slice %arg12[%mul3A_0, %dma_wait3A_1012] : memref<10000x128xf32, #tpu.memory_space<vmem_shared>> -> memref<624x128xf32, #tpu.memory_space<vmem_shared>>
        tpu.wait_dma2 semaphore(%run_scoped3A : memref<!tpu.dma_semaphore, #tpu.memory_space<semaphore_mem>>) src(%dma_wait3A_1013 : memref<624x128xf32, #tpu.memory_space<vmem_shared>>) dst(%dma_wait3A_1011 : memref<624x128xf32, #tpu.memory_space<hbm>>)
        tpu.yield
      }) : () -> ()
      %eq3A_1001 = arith.constant 15 : i32
      %eq3A_1002 = arith.cmpi eq, %arg1, %eq3A_1001 : i32
      %convert_element_type3A_1003 = arith.extui %eq3A_1002 : i1 to i32
      %cond3A_1004 = arith.constant 0 : i32
      %cond3A_1005 = arith.cmpi ne, %convert_element_type3A_1003, %cond3A_1004 : i32
      scf.if %cond3A_1005 {
        "tpu.region"() ({
          %run_scoped3A = tpu.sem_alloc : memref<!tpu.dma_semaphore, #tpu.memory_space<semaphore_mem>>
          %dma_start3A_1006 = arith.constant 9984 : i32
          %dma_start3A_1007 = arith.constant 0 : i32
          %dma_start3A_1008 = tpu.memref_slice %arg6[%dma_start3A_1006, %dma_start3A_1007] : memref<10000x128xf32, #tpu.memory_space<hbm>> -> memref<16x128xf32, #tpu.memory_space<hbm>>
          %dma_start3A_1009 = arith.constant 9984 : i32
          %dma_start3A_1010 = arith.constant 0 : i32
          %dma_start3A_1011 = tpu.memref_slice %arg12[%dma_start3A_1009, %dma_start3A_1010] : memref<10000x128xf32, #tpu.memory_space<vmem_shared>> -> memref<16x128xf32, #tpu.memory_space<vmem_shared>>
          tpu.enqueue_dma source(%dma_start3A_1011 : memref<16x128xf32, #tpu.memory_space<vmem_shared>>) target(%dma_start3A_1008 : memref<16x128xf32, #tpu.memory_space<hbm>>) target_semaphore(%run_scoped3A : memref<!tpu.dma_semaphore, #tpu.memory_space<semaphore_mem>>)
          %dma_wait3A_1012 = arith.constant 9984 : i32
          %dma_wait3A_1013 = arith.constant 0 : i32
          %dma_wait3A_1014 = tpu.memref_slice %arg6[%dma_wait3A_1012, %dma_wait3A_1013] : memref<10000x128xf32, #tpu.memory_space<hbm>> -> memref<16x128xf32, #tpu.memory_space<hbm>>
          %dma_wait3A_1015 = arith.constant 9984 : i32
          %dma_wait3A_1016 = arith.constant 0 : i32
          %dma_wait3A_1017 = tpu.memref_slice %arg12[%dma_wait3A_1015, %dma_wait3A_1016] : memref<10000x128xf32, #tpu.memory_space<vmem_shared>> -> memref<16x128xf32, #tpu.memory_space<vmem_shared>>
          tpu.wait_dma2 semaphore(%run_scoped3A : memref<!tpu.dma_semaphore, #tpu.memory_space<semaphore_mem>>) src(%dma_wait3A_1017 : memref<16x128xf32, #tpu.memory_space<vmem_shared>>) dst(%dma_wait3A_1014 : memref<16x128xf32, #tpu.memory_space<hbm>>)
          tpu.yield
        }) : () -> ()
      } else {
      }
    } else {
    }
    %eq3A_3 = arith.constant 1 : i32
    %eq3A_4 = arith.cmpi eq, %arg0, %eq3A_3 : i32
    %convert_element_type3A_5 = arith.extui %eq3A_4 : i1 to i32
    %cond3A_6 = arith.constant 0 : i32
    %cond3A_7 = arith.cmpi ne, %convert_element_type3A_5, %cond3A_6 : i32
    scf.if %cond3A_7 {
      "tpu.region"() ({
        %run_scoped3A = tpu.sem_alloc : memref<!tpu.dma_semaphore, #tpu.memory_space<semaphore_mem>>
        %dma_start3A_1006 = arith.constant 0 : i32
        %dma_start3A_1007 = tpu.memref_slice %arg12[%mul3A_0, %dma_start3A_1006] : memref<10000x128xf32, #tpu.memory_space<vmem_shared>> -> memref<624x128xf32, #tpu.memory_space<vmem_shared>>
        %dma_start3A_1008 = arith.constant 0 : i32
        %dma_start3A_1009 = tpu.memref_slice %arg3[%mul3A_0, %dma_start3A_1008] : memref<10000x128xf32, #tpu.memory_space<hbm>> -> memref<624x128xf32, #tpu.memory_space<hbm>>
        tpu.enqueue_dma source(%dma_start3A_1009 : memref<624x128xf32, #tpu.memory_space<hbm>>) target(%dma_start3A_1007 : memref<624x128xf32, #tpu.memory_space<vmem_shared>>) target_semaphore(%run_scoped3A : memref<!tpu.dma_semaphore, #tpu.memory_space<semaphore_mem>>)
        %dma_wait3A_1010 = arith.constant 0 : i32
        %dma_wait3A_1011 = tpu.memref_slice %arg12[%mul3A_0, %dma_wait3A_1010] : memref<10000x128xf32, #tpu.memory_space<vmem_shared>> -> memref<624x128xf32, #tpu.memory_space<vmem_shared>>
        %dma_wait3A_1012 = arith.constant 0 : i32
        %dma_wait3A_1013 = tpu.memref_slice %arg3[%mul3A_0, %dma_wait3A_1012] : memref<10000x128xf32, #tpu.memory_space<hbm>> -> memref<624x128xf32, #tpu.memory_space<hbm>>
        tpu.wait_dma2 semaphore(%run_scoped3A : memref<!tpu.dma_semaphore, #tpu.memory_space<semaphore_mem>>) src(%dma_wait3A_1013 : memref<624x128xf32, #tpu.memory_space<hbm>>) dst(%dma_wait3A_1011 : memref<624x128xf32, #tpu.memory_space<vmem_shared>>)
        tpu.yield
      }) : () -> ()
      %eq3A_8 = arith.constant 15 : i32
      %eq3A_9 = arith.cmpi eq, %arg1, %eq3A_8 : i32
      %convert_element_type3A_10 = arith.extui %eq3A_9 : i1 to i32
      %cond3A_11 = arith.constant 0 : i32
      %cond3A_12 = arith.cmpi ne, %convert_element_type3A_10, %cond3A_11 : i32
      scf.if %cond3A_12 {
        "tpu.region"() ({
          %run_scoped3A = tpu.sem_alloc : memref<!tpu.dma_semaphore, #tpu.memory_space<semaphore_mem>>
          %dma_start3A_1006 = arith.constant 9984 : i32
          %dma_start3A_1007 = arith.constant 0 : i32
          %dma_start3A_1008 = tpu.memref_slice %arg12[%dma_start3A_1006, %dma_start3A_1007] : memref<10000x128xf32, #tpu.memory_space<vmem_shared>> -> memref<16x128xf32, #tpu.memory_space<vmem_shared>>
          %dma_start3A_1009 = arith.constant 9984 : i32
          %dma_start3A_1010 = arith.constant 0 : i32
          %dma_start3A_1011 = tpu.memref_slice %arg3[%dma_start3A_1009, %dma_start3A_1010] : memref<10000x128xf32, #tpu.memory_space<hbm>> -> memref<16x128xf32, #tpu.memory_space<hbm>>
          tpu.enqueue_dma source(%dma_start3A_1011 : memref<16x128xf32, #tpu.memory_space<hbm>>) target(%dma_start3A_1008 : memref<16x128xf32, #tpu.memory_space<vmem_shared>>) target_semaphore(%run_scoped3A : memref<!tpu.dma_semaphore, #tpu.memory_space<semaphore_mem>>)
          %dma_wait3A_1012 = arith.constant 9984 : i32
          %dma_wait3A_1013 = arith.constant 0 : i32
          %dma_wait3A_1014 = tpu.memref_slice %arg12[%dma_wait3A_1012, %dma_wait3A_1013] : memref<10000x128xf32, #tpu.memory_space<vmem_shared>> -> memref<16x128xf32, #tpu.memory_space<vmem_shared>>
          %dma_wait3A_1015 = arith.constant 9984 : i32
          %dma_wait3A_1016 = arith.constant 0 : i32
          %dma_wait3A_1017 = tpu.memref_slice %arg3[%dma_wait3A_1015, %dma_wait3A_1016] : memref<10000x128xf32, #tpu.memory_space<hbm>> -> memref<16x128xf32, #tpu.memory_space<hbm>>
          tpu.wait_dma2 semaphore(%run_scoped3A : memref<!tpu.dma_semaphore, #tpu.memory_space<semaphore_mem>>) src(%dma_wait3A_1017 : memref<16x128xf32, #tpu.memory_space<hbm>>) dst(%dma_wait3A_1014 : memref<16x128xf32, #tpu.memory_space<vmem_shared>>)
          tpu.yield
        }) : () -> ()
      } else {
      }
      %dma_start3A = arith.constant 0 : i32
      %dma_start3A_13 = arith.constant 0 : i32
      %dma_start3A_14 = arith.constant 0 : i32
      %dma_start3A_15 = arith.constant 0 : i32
      %dma_start3A_16 = tpu.memref_slice %arg8[%dma_start3A, %dma_start3A_13, %dma_start3A_14, %dma_start3A_15] : memref<2x25x1x80xi32, #tpu.memory_space<vmem>> -> memref<1x25x1x80xi32, #tpu.memory_space<vmem>>
      %dma_start3A_17 = tpu.memref_squeeze %dma_start3A_16 : memref<1x25x1x80xi32, #tpu.memory_space<vmem>> -> memref<25x1x80xi32, #tpu.memory_space<vmem>>
      %dma_start3A_18 = arith.constant 0 : i32
      %dma_start3A_19 = arith.constant 0 : i32
      %dma_start3A_20 = arith.constant 0 : i32
      %dma_start3A_21 = tpu.memref_slice %arg4[%arg1, %dma_start3A_18, %dma_start3A_19, %dma_start3A_20] : memref<16x125x1x80xi32, #tpu.memory_space<hbm>> -> memref<1x25x1x80xi32, #tpu.memory_space<hbm>>
      %dma_start3A_22 = tpu.memref_squeeze %dma_start3A_21 : memref<1x25x1x80xi32, #tpu.memory_space<hbm>> -> memref<25x1x80xi32, #tpu.memory_space<hbm>>
      %dma_start3A_23 = arith.constant 0 : i32
      %dma_start3A_24 = arith.constant 0 : i32
      %dma_start3A_25 = arith.constant 0 : i32
      %dma_start3A_26 = tpu.memref_slice %arg8[%dma_start3A, %dma_start3A_23, %dma_start3A_24, %dma_start3A_25] : memref<2x25x1x80xi32, #tpu.memory_space<vmem>> -> memref<1x25x1x80xi32, #tpu.memory_space<vmem>>
      %dma_start3A_27 = tpu.memref_squeeze %dma_start3A_26 : memref<1x25x1x80xi32, #tpu.memory_space<vmem>> -> memref<25x1x80xi32, #tpu.memory_space<vmem>>
      %dma_start3A_28 = arith.constant 0 : i32
      %dma_start3A_29 = arith.constant 0 : i32
      %dma_start3A_30 = arith.constant 0 : i32
      %dma_start3A_31 = tpu.memref_slice %arg4[%arg1, %dma_start3A_28, %dma_start3A_29, %dma_start3A_30] : memref<16x125x1x80xi32, #tpu.memory_space<hbm>> -> memref<1x25x1x80xi32, #tpu.memory_space<hbm>>
      %dma_start3A_32 = tpu.memref_squeeze %dma_start3A_31 : memref<1x25x1x80xi32, #tpu.memory_space<hbm>> -> memref<25x1x80xi32, #tpu.memory_space<hbm>>
      tpu.enqueue_dma source(%dma_start3A_32 : memref<25x1x80xi32, #tpu.memory_space<hbm>>) target(%dma_start3A_27 : memref<25x1x80xi32, #tpu.memory_space<vmem>>) target_semaphore(%arg15 : memref<!tpu.dma_semaphore, #tpu.memory_space<semaphore_mem>>)
      %dma_start3A_33 = arith.constant 0 : i32
      %dma_start3A_34 = arith.constant 0 : i32
      %dma_start3A_35 = arith.constant 0 : i32
      %dma_start3A_36 = arith.constant 0 : i32
      %dma_start3A_37 = tpu.memref_slice %arg9[%dma_start3A_33, %dma_start3A_34, %dma_start3A_35, %dma_start3A_36] : memref<2x25x1x80xi32, #tpu.memory_space<vmem>> -> memref<1x25x1x80xi32, #tpu.memory_space<vmem>>
      %dma_start3A_38 = tpu.memref_squeeze %dma_start3A_37 : memref<1x25x1x80xi32, #tpu.memory_space<vmem>> -> memref<25x1x80xi32, #tpu.memory_space<vmem>>
      %dma_start3A_39 = arith.constant 0 : i32
      %dma_start3A_40 = arith.constant 0 : i32
      %dma_start3A_41 = arith.constant 0 : i32
      %dma_start3A_42 = tpu.memref_slice %arg5[%arg1, %dma_start3A_39, %dma_start3A_40, %dma_start3A_41] : memref<16x125x1x80xi32, #tpu.memory_space<hbm>> -> memref<1x25x1x80xi32, #tpu.memory_space<hbm>>
      %dma_start3A_43 = tpu.memref_squeeze %dma_start3A_42 : memref<1x25x1x80xi32, #tpu.memory_space<hbm>> -> memref<25x1x80xi32, #tpu.memory_space<hbm>>
      %dma_start3A_44 = arith.constant 0 : i32
      %dma_start3A_45 = arith.constant 0 : i32
      %dma_start3A_46 = arith.constant 0 : i32
      %dma_start3A_47 = tpu.memref_slice %arg9[%dma_start3A_33, %dma_start3A_44, %dma_start3A_45, %dma_start3A_46] : memref<2x25x1x80xi32, #tpu.memory_space<vmem>> -> memref<1x25x1x80xi32, #tpu.memory_space<vmem>>
      %dma_start3A_48 = tpu.memref_squeeze %dma_start3A_47 : memref<1x25x1x80xi32, #tpu.memory_space<vmem>> -> memref<25x1x80xi32, #tpu.memory_space<vmem>>
      %dma_start3A_49 = arith.constant 0 : i32
      %dma_start3A_50 = arith.constant 0 : i32
      %dma_start3A_51 = arith.constant 0 : i32
      %dma_start3A_52 = tpu.memref_slice %arg5[%arg1, %dma_start3A_49, %dma_start3A_50, %dma_start3A_51] : memref<16x125x1x80xi32, #tpu.memory_space<hbm>> -> memref<1x25x1x80xi32, #tpu.memory_space<hbm>>
      %dma_start3A_53 = tpu.memref_squeeze %dma_start3A_52 : memref<1x25x1x80xi32, #tpu.memory_space<hbm>> -> memref<25x1x80xi32, #tpu.memory_space<hbm>>
      tpu.enqueue_dma source(%dma_start3A_53 : memref<25x1x80xi32, #tpu.memory_space<hbm>>) target(%dma_start3A_48 : memref<25x1x80xi32, #tpu.memory_space<vmem>>) target_semaphore(%arg15 : memref<!tpu.dma_semaphore, #tpu.memory_space<semaphore_mem>>)
      %dma_wait3A = arith.constant 0 : i32
      %dma_wait3A_54 = arith.constant 0 : i32
      %dma_wait3A_55 = arith.constant 0 : i32
      %dma_wait3A_56 = arith.constant 0 : i32
      %dma_wait3A_57 = tpu.memref_slice %arg8[%dma_wait3A, %dma_wait3A_54, %dma_wait3A_55, %dma_wait3A_56] : memref<2x25x1x80xi32, #tpu.memory_space<vmem>> -> memref<1x25x1x80xi32, #tpu.memory_space<vmem>>
      %dma_wait3A_58 = tpu.memref_squeeze %dma_wait3A_57 : memref<1x25x1x80xi32, #tpu.memory_space<vmem>> -> memref<25x1x80xi32, #tpu.memory_space<vmem>>
      %dma_wait3A_59 = arith.constant 0 : i32
      %dma_wait3A_60 = arith.constant 0 : i32
      %dma_wait3A_61 = arith.constant 0 : i32
      %dma_wait3A_62 = tpu.memref_slice %arg4[%arg1, %dma_wait3A_59, %dma_wait3A_60, %dma_wait3A_61] : memref<16x125x1x80xi32, #tpu.memory_space<hbm>> -> memref<1x25x1x80xi32, #tpu.memory_space<hbm>>
      %dma_wait3A_63 = tpu.memref_squeeze %dma_wait3A_62 : memref<1x25x1x80xi32, #tpu.memory_space<hbm>> -> memref<25x1x80xi32, #tpu.memory_space<hbm>>
      %dma_wait3A_64 = arith.constant 0 : i32
      %dma_wait3A_65 = arith.constant 0 : i32
      %dma_wait3A_66 = arith.constant 0 : i32
      %dma_wait3A_67 = tpu.memref_slice %arg8[%dma_wait3A, %dma_wait3A_64, %dma_wait3A_65, %dma_wait3A_66] : memref<2x25x1x80xi32, #tpu.memory_space<vmem>> -> memref<1x25x1x80xi32, #tpu.memory_space<vmem>>
      %dma_wait3A_68 = tpu.memref_squeeze %dma_wait3A_67 : memref<1x25x1x80xi32, #tpu.memory_space<vmem>> -> memref<25x1x80xi32, #tpu.memory_space<vmem>>
      %dma_wait3A_69 = arith.constant 0 : i32
      %dma_wait3A_70 = arith.constant 0 : i32
      %dma_wait3A_71 = arith.constant 0 : i32
      %dma_wait3A_72 = tpu.memref_slice %arg4[%arg1, %dma_wait3A_69, %dma_wait3A_70, %dma_wait3A_71] : memref<16x125x1x80xi32, #tpu.memory_space<hbm>> -> memref<1x25x1x80xi32, #tpu.memory_space<hbm>>
      %dma_wait3A_73 = tpu.memref_squeeze %dma_wait3A_72 : memref<1x25x1x80xi32, #tpu.memory_space<hbm>> -> memref<25x1x80xi32, #tpu.memory_space<hbm>>
      tpu.wait_dma2 semaphore(%arg15 : memref<!tpu.dma_semaphore, #tpu.memory_space<semaphore_mem>>) src(%dma_wait3A_73 : memref<25x1x80xi32, #tpu.memory_space<hbm>>) dst(%dma_wait3A_68 : memref<25x1x80xi32, #tpu.memory_space<vmem>>)
      %dma_wait3A_74 = arith.constant 0 : i32
      %dma_wait3A_75 = arith.constant 0 : i32
      %dma_wait3A_76 = arith.constant 0 : i32
      %dma_wait3A_77 = arith.constant 0 : i32
      %dma_wait3A_78 = tpu.memref_slice %arg9[%dma_wait3A_74, %dma_wait3A_75, %dma_wait3A_76, %dma_wait3A_77] : memref<2x25x1x80xi32, #tpu.memory_space<vmem>> -> memref<1x25x1x80xi32, #tpu.memory_space<vmem>>
      %dma_wait3A_79 = tpu.memref_squeeze %dma_wait3A_78 : memref<1x25x1x80xi32, #tpu.memory_space<vmem>> -> memref<25x1x80xi32, #tpu.memory_space<vmem>>
      %dma_wait3A_80 = arith.constant 0 : i32
      %dma_wait3A_81 = arith.constant 0 : i32
      %dma_wait3A_82 = arith.constant 0 : i32
      %dma_wait3A_83 = tpu.memref_slice %arg4[%arg1, %dma_wait3A_80, %dma_wait3A_81, %dma_wait3A_82] : memref<16x125x1x80xi32, #tpu.memory_space<hbm>> -> memref<1x25x1x80xi32, #tpu.memory_space<hbm>>
      %dma_wait3A_84 = tpu.memref_squeeze %dma_wait3A_83 : memref<1x25x1x80xi32, #tpu.memory_space<hbm>> -> memref<25x1x80xi32, #tpu.memory_space<hbm>>
      %dma_wait3A_85 = arith.constant 0 : i32
      %dma_wait3A_86 = arith.constant 0 : i32
      %dma_wait3A_87 = arith.constant 0 : i32
      %dma_wait3A_88 = tpu.memref_slice %arg9[%dma_wait3A_74, %dma_wait3A_85, %dma_wait3A_86, %dma_wait3A_87] : memref<2x25x1x80xi32, #tpu.memory_space<vmem>> -> memref<1x25x1x80xi32, #tpu.memory_space<vmem>>
      %dma_wait3A_89 = tpu.memref_squeeze %dma_wait3A_88 : memref<1x25x1x80xi32, #tpu.memory_space<vmem>> -> memref<25x1x80xi32, #tpu.memory_space<vmem>>
      %dma_wait3A_90 = arith.constant 0 : i32
      %dma_wait3A_91 = arith.constant 0 : i32
      %dma_wait3A_92 = arith.constant 0 : i32
      %dma_wait3A_93 = tpu.memref_slice %arg4[%arg1, %dma_wait3A_90, %dma_wait3A_91, %dma_wait3A_92] : memref<16x125x1x80xi32, #tpu.memory_space<hbm>> -> memref<1x25x1x80xi32, #tpu.memory_space<hbm>>
      %dma_wait3A_94 = tpu.memref_squeeze %dma_wait3A_93 : memref<1x25x1x80xi32, #tpu.memory_space<hbm>> -> memref<25x1x80xi32, #tpu.memory_space<hbm>>
      tpu.wait_dma2 semaphore(%arg15 : memref<!tpu.dma_semaphore, #tpu.memory_space<semaphore_mem>>) src(%dma_wait3A_94 : memref<25x1x80xi32, #tpu.memory_space<hbm>>) dst(%dma_wait3A_89 : memref<25x1x80xi32, #tpu.memory_space<vmem>>)
      %barrier3A = arith.constant 0 : index
      tpu.barrier barrier_id(%barrier3A)
      %dma_start3A_95 = arith.constant 1 : i32
      %dma_start3A_96 = arith.constant 0 : i32
      %dma_start3A_97 = arith.constant 0 : i32
      %dma_start3A_98 = arith.constant 0 : i32
      %dma_start3A_99 = tpu.memref_slice %arg8[%dma_start3A_95, %dma_start3A_96, %dma_start3A_97, %dma_start3A_98] : memref<2x25x1x80xi32, #tpu.memory_space<vmem>> -> memref<1x25x1x80xi32, #tpu.memory_space<vmem>>
      %dma_start3A_100 = tpu.memref_squeeze %dma_start3A_99 : memref<1x25x1x80xi32, #tpu.memory_space<vmem>> -> memref<25x1x80xi32, #tpu.memory_space<vmem>>
      %dma_start3A_101 = arith.constant 25 : i32
      %dma_start3A_102 = arith.constant 0 : i32
      %dma_start3A_103 = arith.constant 0 : i32
      %dma_start3A_104 = tpu.memref_slice %arg4[%arg1, %dma_start3A_101, %dma_start3A_102, %dma_start3A_103] : memref<16x125x1x80xi32, #tpu.memory_space<hbm>> -> memref<1x25x1x80xi32, #tpu.memory_space<hbm>>
      %dma_start3A_105 = tpu.memref_squeeze %dma_start3A_104 : memref<1x25x1x80xi32, #tpu.memory_space<hbm>> -> memref<25x1x80xi32, #tpu.memory_space<hbm>>
      %dma_start3A_106 = arith.constant 0 : i32
      %dma_start3A_107 = arith.constant 0 : i32
      %dma_start3A_108 = arith.constant 0 : i32
      %dma_start3A_109 = tpu.memref_slice %arg8[%dma_start3A_95, %dma_start3A_106, %dma_start3A_107, %dma_start3A_108] : memref<2x25x1x80xi32, #tpu.memory_space<vmem>> -> memref<1x25x1x80xi32, #tpu.memory_space<vmem>>
      %dma_start3A_110 = tpu.memref_squeeze %dma_start3A_109 : memref<1x25x1x80xi32, #tpu.memory_space<vmem>> -> memref<25x1x80xi32, #tpu.memory_space<vmem>>
      %dma_start3A_111 = arith.constant 25 : i32
      %dma_start3A_112 = arith.constant 0 : i32
      %dma_start3A_113 = arith.constant 0 : i32
      %dma_start3A_114 = tpu.memref_slice %arg4[%arg1, %dma_start3A_111, %dma_start3A_112, %dma_start3A_113] : memref<16x125x1x80xi32, #tpu.memory_space<hbm>> -> memref<1x25x1x80xi32, #tpu.memory_space<hbm>>
      %dma_start3A_115 = tpu.memref_squeeze %dma_start3A_114 : memref<1x25x1x80xi32, #tpu.memory_space<hbm>> -> memref<25x1x80xi32, #tpu.memory_space<hbm>>
      tpu.enqueue_dma source(%dma_start3A_115 : memref<25x1x80xi32, #tpu.memory_space<hbm>>) target(%dma_start3A_110 : memref<25x1x80xi32, #tpu.memory_space<vmem>>) target_semaphore(%arg15 : memref<!tpu.dma_semaphore, #tpu.memory_space<semaphore_mem>>)
      %dma_start3A_116 = arith.constant 1 : i32
      %dma_start3A_117 = arith.constant 0 : i32
      %dma_start3A_118 = arith.constant 0 : i32
      %dma_start3A_119 = arith.constant 0 : i32
      %dma_start3A_120 = tpu.memref_slice %arg9[%dma_start3A_116, %dma_start3A_117, %dma_start3A_118, %dma_start3A_119] : memref<2x25x1x80xi32, #tpu.memory_space<vmem>> -> memref<1x25x1x80xi32, #tpu.memory_space<vmem>>
      %dma_start3A_121 = tpu.memref_squeeze %dma_start3A_120 : memref<1x25x1x80xi32, #tpu.memory_space<vmem>> -> memref<25x1x80xi32, #tpu.memory_space<vmem>>
      %dma_start3A_122 = arith.constant 25 : i32
      %dma_start3A_123 = arith.constant 0 : i32
      %dma_start3A_124 = arith.constant 0 : i32
      %dma_start3A_125 = tpu.memref_slice %arg5[%arg1, %dma_start3A_122, %dma_start3A_123, %dma_start3A_124] : memref<16x125x1x80xi32, #tpu.memory_space<hbm>> -> memref<1x25x1x80xi32, #tpu.memory_space<hbm>>
      %dma_start3A_126 = tpu.memref_squeeze %dma_start3A_125 : memref<1x25x1x80xi32, #tpu.memory_space<hbm>> -> memref<25x1x80xi32, #tpu.memory_space<hbm>>
      %dma_start3A_127 = arith.constant 0 : i32
      %dma_start3A_128 = arith.constant 0 : i32
      %dma_start3A_129 = arith.constant 0 : i32
      %dma_start3A_130 = tpu.memref_slice %arg9[%dma_start3A_116, %dma_start3A_127, %dma_start3A_128, %dma_start3A_129] : memref<2x25x1x80xi32, #tpu.memory_space<vmem>> -> memref<1x25x1x80xi32, #tpu.memory_space<vmem>>
      %dma_start3A_131 = tpu.memref_squeeze %dma_start3A_130 : memref<1x25x1x80xi32, #tpu.memory_space<vmem>> -> memref<25x1x80xi32, #tpu.memory_space<vmem>>
      %dma_start3A_132 = arith.constant 25 : i32
      %dma_start3A_133 = arith.constant 0 : i32
      %dma_start3A_134 = arith.constant 0 : i32
      %dma_start3A_135 = tpu.memref_slice %arg5[%arg1, %dma_start3A_132, %dma_start3A_133, %dma_start3A_134] : memref<16x125x1x80xi32, #tpu.memory_space<hbm>> -> memref<1x25x1x80xi32, #tpu.memory_space<hbm>>
      %dma_start3A_136 = tpu.memref_squeeze %dma_start3A_135 : memref<1x25x1x80xi32, #tpu.memory_space<hbm>> -> memref<25x1x80xi32, #tpu.memory_space<hbm>>
      tpu.enqueue_dma source(%dma_start3A_136 : memref<25x1x80xi32, #tpu.memory_space<hbm>>) target(%dma_start3A_131 : memref<25x1x80xi32, #tpu.memory_space<vmem>>) target_semaphore(%arg15 : memref<!tpu.dma_semaphore, #tpu.memory_space<semaphore_mem>>)
      %dma_start3A_137 = arith.constant 0 : i32
      %dma_start3A_138 = arith.constant 0 : i32
      %dma_start3A_139 = arith.constant 0 : i32
      %dma_start3A_140 = arith.constant 0 : i32
      %dma_start3A_141 = tpu.memref_slice %arg8[%dma_start3A_137, %dma_start3A_138, %dma_start3A_139, %dma_start3A_140] : memref<2x25x1x80xi32, #tpu.memory_space<vmem>> -> memref<1x1x1x80xi32, #tpu.memory_space<vmem>>
      %dma_start3A_142 = tpu.memref_squeeze %dma_start3A_141 : memref<1x1x1x80xi32, #tpu.memory_space<vmem>> -> memref<80xi32, #tpu.memory_space<vmem>>
      %dma_start3A_143 = arith.constant 0 : i32
      %dma_start3A_144 = arith.constant 0 : i32
      %dma_start3A_145 = tpu.memref_slice %arg3[%dma_start3A_143, %dma_start3A_144] : memref<10000x128xf32, #tpu.memory_space<hbm>> -> memref<10000x128xf32, #tpu.memory_space<hbm>>
      tpu.enqueue_indirect_dma source(%dma_start3A_145 : memref<10000x128xf32, #tpu.memory_space<hbm>>) target(%arg10 : memref<80x128xf32, #tpu.memory_space<vmem>>) offsets(%dma_start3A_142 : memref<80xi32, #tpu.memory_space<vmem>>) semaphore(%arg13 : memref<!tpu.dma_semaphore, #tpu.memory_space<semaphore_mem>>)
      %dma_wait3A_146 = arith.constant 0 : i32
      %dma_wait3A_147 = arith.constant 0 : i32
      %dma_wait3A_148 = arith.constant 0 : i32
      %dma_wait3A_149 = arith.constant 0 : i32
      %dma_wait3A_150 = tpu.memref_slice %arg8[%dma_wait3A_146, %dma_wait3A_147, %dma_wait3A_148, %dma_wait3A_149] : memref<2x25x1x80xi32, #tpu.memory_space<vmem>> -> memref<1x1x1x80xi32, #tpu.memory_space<vmem>>
      %dma_wait3A_151 = tpu.memref_squeeze %dma_wait3A_150 : memref<1x1x1x80xi32, #tpu.memory_space<vmem>> -> memref<80xi32, #tpu.memory_space<vmem>>
      %dma_wait3A_152 = arith.constant 0 : i32
      %dma_wait3A_153 = arith.constant 0 : i32
      %dma_wait3A_154 = tpu.memref_slice %arg3[%dma_wait3A_152, %dma_wait3A_153] : memref<10000x128xf32, #tpu.memory_space<hbm>> -> memref<10000x128xf32, #tpu.memory_space<hbm>>
      tpu.wait_indirect_dma semaphore(%arg13 : memref<!tpu.dma_semaphore, #tpu.memory_space<semaphore_mem>>) src(%dma_wait3A_154 : memref<10000x128xf32, #tpu.memory_space<hbm>>) dst(%arg10 : memref<80x128xf32, #tpu.memory_space<vmem>>)
      %dma_start3A_155 = arith.constant 0 : i32
      %dma_start3A_156 = arith.constant 1 : i32
      %dma_start3A_157 = arith.constant 0 : i32
      %dma_start3A_158 = arith.constant 0 : i32
      %dma_start3A_159 = tpu.memref_slice %arg8[%dma_start3A_155, %dma_start3A_156, %dma_start3A_157, %dma_start3A_158] : memref<2x25x1x80xi32, #tpu.memory_space<vmem>> -> memref<1x1x1x80xi32, #tpu.memory_space<vmem>>
      %dma_start3A_160 = tpu.memref_squeeze %dma_start3A_159 : memref<1x1x1x80xi32, #tpu.memory_space<vmem>> -> memref<80xi32, #tpu.memory_space<vmem>>
      %dma_start3A_161 = arith.constant 0 : i32
      %dma_start3A_162 = arith.constant 0 : i32
      %dma_start3A_163 = tpu.memref_slice %arg3[%dma_start3A_161, %dma_start3A_162] : memref<10000x128xf32, #tpu.memory_space<hbm>> -> memref<10000x128xf32, #tpu.memory_space<hbm>>
      tpu.enqueue_indirect_dma source(%dma_start3A_163 : memref<10000x128xf32, #tpu.memory_space<hbm>>) target(%arg11 : memref<80x128xf32, #tpu.memory_space<vmem>>) offsets(%dma_start3A_160 : memref<80xi32, #tpu.memory_space<vmem>>) semaphore(%arg13 : memref<!tpu.dma_semaphore, #tpu.memory_space<semaphore_mem>>)
      %dma_start3A_164 = arith.constant 0 : i32
      %dma_start3A_165 = arith.constant 0 : i32
      %dma_start3A_166 = arith.constant 0 : i32
      %dma_start3A_167 = arith.constant 0 : i32
      %dma_start3A_168 = tpu.memref_slice %arg9[%dma_start3A_164, %dma_start3A_165, %dma_start3A_166, %dma_start3A_167] : memref<2x25x1x80xi32, #tpu.memory_space<vmem>> -> memref<1x1x1x80xi32, #tpu.memory_space<vmem>>
      %dma_start3A_169 = tpu.memref_squeeze %dma_start3A_168 : memref<1x1x1x80xi32, #tpu.memory_space<vmem>> -> memref<80xi32, #tpu.memory_space<vmem>>
      %dma_start3A_170 = arith.constant 0 : i32
      %dma_start3A_171 = arith.constant 0 : i32
      %dma_start3A_172 = tpu.memref_slice %arg12[%dma_start3A_170, %dma_start3A_171] : memref<10000x128xf32, #tpu.memory_space<vmem_shared>> -> memref<10000x128xf32, #tpu.memory_space<vmem_shared>>
      tpu.enqueue_indirect_dma source(%arg10 : memref<80x128xf32, #tpu.memory_space<vmem>>) target(%dma_start3A_172 : memref<10000x128xf32, #tpu.memory_space<vmem_shared>>) offsets(%dma_start3A_169 : memref<80xi32, #tpu.memory_space<vmem>>) semaphore(%arg14 : memref<!tpu.dma_semaphore, #tpu.memory_space<semaphore_mem>>) {add = true}
      %scan3A = arith.constant 0 : i32
      %scan3A_173 = arith.constant 0 : i32
      %scan3A_174 = arith.constant 11 : i32
      %scan3A_175 = arith.addi %scan3A_173, %scan3A_174 : i32
      %scan3A_176 = arith.constant 1 : i32
      scf.for %scan3A_1006 = %scan3A_173 to %scan3A_175 step %scan3A_176  : i32 {
        %mul3A_1007 = arith.constant 2 : i32
        %mul3A_1008 = arith.muli %mul3A_1007, %scan3A_1006 : i32
        %add3A = arith.constant 1 : i32
        %add3A_1009 = arith.addi %add3A, %mul3A_1008 : i32
        %dma_wait3A_1010 = arith.constant 0 : i32
        %dma_wait3A_1011 = arith.constant 0 : i32
        %dma_wait3A_1012 = arith.constant 0 : i32
        %dma_wait3A_1013 = arith.constant 0 : i32
        %dma_wait3A_1014 = tpu.memref_slice %arg8[%dma_wait3A_1010, %dma_wait3A_1011, %dma_wait3A_1012, %dma_wait3A_1013] : memref<2x25x1x80xi32, #tpu.memory_space<vmem>> -> memref<1x1x1x80xi32, #tpu.memory_space<vmem>>
        %dma_wait3A_1015 = tpu.memref_squeeze %dma_wait3A_1014 : memref<1x1x1x80xi32, #tpu.memory_space<vmem>> -> memref<80xi32, #tpu.memory_space<vmem>>
        %dma_wait3A_1016 = arith.constant 0 : i32
        %dma_wait3A_1017 = arith.constant 0 : i32
        %dma_wait3A_1018 = tpu.memref_slice %arg3[%dma_wait3A_1016, %dma_wait3A_1017] : memref<10000x128xf32, #tpu.memory_space<hbm>> -> memref<10000x128xf32, #tpu.memory_space<hbm>>
        tpu.wait_indirect_dma semaphore(%arg13 : memref<!tpu.dma_semaphore, #tpu.memory_space<semaphore_mem>>) src(%dma_wait3A_1018 : memref<10000x128xf32, #tpu.memory_space<hbm>>) dst(%arg11 : memref<80x128xf32, #tpu.memory_space<vmem>>)
        %dma_wait3A_1019 = arith.constant 0 : i32
        %dma_wait3A_1020 = arith.constant 0 : i32
        %dma_wait3A_1021 = arith.constant 0 : i32
        %dma_wait3A_1022 = arith.constant 0 : i32
        %dma_wait3A_1023 = tpu.memref_slice %arg9[%dma_wait3A_1019, %dma_wait3A_1020, %dma_wait3A_1021, %dma_wait3A_1022] : memref<2x25x1x80xi32, #tpu.memory_space<vmem>> -> memref<1x1x1x80xi32, #tpu.memory_space<vmem>>
        %dma_wait3A_1024 = tpu.memref_squeeze %dma_wait3A_1023 : memref<1x1x1x80xi32, #tpu.memory_space<vmem>> -> memref<80xi32, #tpu.memory_space<vmem>>
        %dma_wait3A_1025 = arith.constant 0 : i32
        %dma_wait3A_1026 = arith.constant 0 : i32
        %dma_wait3A_1027 = tpu.memref_slice %arg12[%dma_wait3A_1025, %dma_wait3A_1026] : memref<10000x128xf32, #tpu.memory_space<vmem_shared>> -> memref<10000x128xf32, #tpu.memory_space<vmem_shared>>
        tpu.wait_indirect_dma semaphore(%arg14 : memref<!tpu.dma_semaphore, #tpu.memory_space<semaphore_mem>>) src(%arg10 : memref<80x128xf32, #tpu.memory_space<vmem>>) dst(%dma_wait3A_1027 : memref<10000x128xf32, #tpu.memory_space<vmem_shared>>)
        %add3A_1028 = arith.constant 1 : i32
        %add3A_1029 = arith.addi %add3A_1009, %add3A_1028 : i32
        %dma_start3A_1030 = arith.constant 0 : i32
        %dma_start3A_1031 = arith.constant 0 : i32
        %dma_start3A_1032 = arith.constant 0 : i32
        %dma_start3A_1033 = tpu.memref_slice %arg8[%dma_start3A_1030, %add3A_1029, %dma_start3A_1031, %dma_start3A_1032] : memref<2x25x1x80xi32, #tpu.memory_space<vmem>> -> memref<1x1x1x80xi32, #tpu.memory_space<vmem>>
        %dma_start3A_1034 = tpu.memref_squeeze %dma_start3A_1033 : memref<1x1x1x80xi32, #tpu.memory_space<vmem>> -> memref<80xi32, #tpu.memory_space<vmem>>
        %dma_start3A_1035 = arith.constant 0 : i32
        %dma_start3A_1036 = arith.constant 0 : i32
        %dma_start3A_1037 = tpu.memref_slice %arg3[%dma_start3A_1035, %dma_start3A_1036] : memref<10000x128xf32, #tpu.memory_space<hbm>> -> memref<10000x128xf32, #tpu.memory_space<hbm>>
        tpu.enqueue_indirect_dma source(%dma_start3A_1037 : memref<10000x128xf32, #tpu.memory_space<hbm>>) target(%arg10 : memref<80x128xf32, #tpu.memory_space<vmem>>) offsets(%dma_start3A_1034 : memref<80xi32, #tpu.memory_space<vmem>>) semaphore(%arg13 : memref<!tpu.dma_semaphore, #tpu.memory_space<semaphore_mem>>)
        %dma_start3A_1038 = arith.constant 0 : i32
        %dma_start3A_1039 = arith.constant 0 : i32
        %dma_start3A_1040 = arith.constant 0 : i32
        %dma_start3A_1041 = tpu.memref_slice %arg9[%dma_start3A_1038, %add3A_1009, %dma_start3A_1039, %dma_start3A_1040] : memref<2x25x1x80xi32, #tpu.memory_space<vmem>> -> memref<1x1x1x80xi32, #tpu.memory_space<vmem>>
        %dma_start3A_1042 = tpu.memref_squeeze %dma_start3A_1041 : memref<1x1x1x80xi32, #tpu.memory_space<vmem>> -> memref<80xi32, #tpu.memory_space<vmem>>
        %dma_start3A_1043 = arith.constant 0 : i32
        %dma_start3A_1044 = arith.constant 0 : i32
        %dma_start3A_1045 = tpu.memref_slice %arg12[%dma_start3A_1043, %dma_start3A_1044] : memref<10000x128xf32, #tpu.memory_space<vmem_shared>> -> memref<10000x128xf32, #tpu.memory_space<vmem_shared>>
        tpu.enqueue_indirect_dma source(%arg11 : memref<80x128xf32, #tpu.memory_space<vmem>>) target(%dma_start3A_1045 : memref<10000x128xf32, #tpu.memory_space<vmem_shared>>) offsets(%dma_start3A_1042 : memref<80xi32, #tpu.memory_space<vmem>>) semaphore(%arg14 : memref<!tpu.dma_semaphore, #tpu.memory_space<semaphore_mem>>) {add = true}
        %dma_wait3A_1046 = arith.constant 0 : i32
        %dma_wait3A_1047 = arith.constant 0 : i32
        %dma_wait3A_1048 = arith.constant 0 : i32
        %dma_wait3A_1049 = arith.constant 0 : i32
        %dma_wait3A_1050 = tpu.memref_slice %arg8[%dma_wait3A_1046, %dma_wait3A_1047, %dma_wait3A_1048, %dma_wait3A_1049] : memref<2x25x1x80xi32, #tpu.memory_space<vmem>> -> memref<1x1x1x80xi32, #tpu.memory_space<vmem>>
        %dma_wait3A_1051 = tpu.memref_squeeze %dma_wait3A_1050 : memref<1x1x1x80xi32, #tpu.memory_space<vmem>> -> memref<80xi32, #tpu.memory_space<vmem>>
        %dma_wait3A_1052 = arith.constant 0 : i32
        %dma_wait3A_1053 = arith.constant 0 : i32
        %dma_wait3A_1054 = tpu.memref_slice %arg3[%dma_wait3A_1052, %dma_wait3A_1053] : memref<10000x128xf32, #tpu.memory_space<hbm>> -> memref<10000x128xf32, #tpu.memory_space<hbm>>
        tpu.wait_indirect_dma semaphore(%arg13 : memref<!tpu.dma_semaphore, #tpu.memory_space<semaphore_mem>>) src(%dma_wait3A_1054 : memref<10000x128xf32, #tpu.memory_space<hbm>>) dst(%arg10 : memref<80x128xf32, #tpu.memory_space<vmem>>)
        %dma_wait3A_1055 = arith.constant 0 : i32
        %dma_wait3A_1056 = arith.constant 0 : i32
        %dma_wait3A_1057 = arith.constant 0 : i32
        %dma_wait3A_1058 = arith.constant 0 : i32
        %dma_wait3A_1059 = tpu.memref_slice %arg9[%dma_wait3A_1055, %dma_wait3A_1056, %dma_wait3A_1057, %dma_wait3A_1058] : memref<2x25x1x80xi32, #tpu.memory_space<vmem>> -> memref<1x1x1x80xi32, #tpu.memory_space<vmem>>
        %dma_wait3A_1060 = tpu.memref_squeeze %dma_wait3A_1059 : memref<1x1x1x80xi32, #tpu.memory_space<vmem>> -> memref<80xi32, #tpu.memory_space<vmem>>
        %dma_wait3A_1061 = arith.constant 0 : i32
        %dma_wait3A_1062 = arith.constant 0 : i32
        %dma_wait3A_1063 = tpu.memref_slice %arg12[%dma_wait3A_1061, %dma_wait3A_1062] : memref<10000x128xf32, #tpu.memory_space<vmem_shared>> -> memref<10000x128xf32, #tpu.memory_space<vmem_shared>>
        tpu.wait_indirect_dma semaphore(%arg14 : memref<!tpu.dma_semaphore, #tpu.memory_space<semaphore_mem>>) src(%arg11 : memref<80x128xf32, #tpu.memory_space<vmem>>) dst(%dma_wait3A_1063 : memref<10000x128xf32, #tpu.memory_space<vmem_shared>>)
        %add3A_1064 = arith.constant 2 : i32
        %add3A_1065 = arith.addi %add3A_1009, %add3A_1064 : i32
        %dma_start3A_1066 = arith.constant 0 : i32
        %dma_start3A_1067 = arith.constant 0 : i32
        %dma_start3A_1068 = arith.constant 0 : i32
        %dma_start3A_1069 = tpu.memref_slice %arg8[%dma_start3A_1066, %add3A_1065, %dma_start3A_1067, %dma_start3A_1068] : memref<2x25x1x80xi32, #tpu.memory_space<vmem>> -> memref<1x1x1x80xi32, #tpu.memory_space<vmem>>
        %dma_start3A_1070 = tpu.memref_squeeze %dma_start3A_1069 : memref<1x1x1x80xi32, #tpu.memory_space<vmem>> -> memref<80xi32, #tpu.memory_space<vmem>>
        %dma_start3A_1071 = arith.constant 0 : i32
        %dma_start3A_1072 = arith.constant 0 : i32
        %dma_start3A_1073 = tpu.memref_slice %arg3[%dma_start3A_1071, %dma_start3A_1072] : memref<10000x128xf32, #tpu.memory_space<hbm>> -> memref<10000x128xf32, #tpu.memory_space<hbm>>
        tpu.enqueue_indirect_dma source(%dma_start3A_1073 : memref<10000x128xf32, #tpu.memory_space<hbm>>) target(%arg11 : memref<80x128xf32, #tpu.memory_space<vmem>>) offsets(%dma_start3A_1070 : memref<80xi32, #tpu.memory_space<vmem>>) semaphore(%arg13 : memref<!tpu.dma_semaphore, #tpu.memory_space<semaphore_mem>>)
        %add3A_1074 = arith.constant 1 : i32
        %add3A_1075 = arith.addi %add3A_1009, %add3A_1074 : i32
        %dma_start3A_1076 = arith.constant 0 : i32
        %dma_start3A_1077 = arith.constant 0 : i32
        %dma_start3A_1078 = arith.constant 0 : i32
        %dma_start3A_1079 = tpu.memref_slice %arg9[%dma_start3A_1076, %add3A_1075, %dma_start3A_1077, %dma_start3A_1078] : memref<2x25x1x80xi32, #tpu.memory_space<vmem>> -> memref<1x1x1x80xi32, #tpu.memory_space<vmem>>
        %dma_start3A_1080 = tpu.memref_squeeze %dma_start3A_1079 : memref<1x1x1x80xi32, #tpu.memory_space<vmem>> -> memref<80xi32, #tpu.memory_space<vmem>>
        %dma_start3A_1081 = arith.constant 0 : i32
        %dma_start3A_1082 = arith.constant 0 : i32
        %dma_start3A_1083 = tpu.memref_slice %arg12[%dma_start3A_1081, %dma_start3A_1082] : memref<10000x128xf32, #tpu.memory_space<vmem_shared>> -> memref<10000x128xf32, #tpu.memory_space<vmem_shared>>
        tpu.enqueue_indirect_dma source(%arg10 : memref<80x128xf32, #tpu.memory_space<vmem>>) target(%dma_start3A_1083 : memref<10000x128xf32, #tpu.memory_space<vmem_shared>>) offsets(%dma_start3A_1080 : memref<80xi32, #tpu.memory_space<vmem>>) semaphore(%arg14 : memref<!tpu.dma_semaphore, #tpu.memory_space<semaphore_mem>>) {add = true}
      }
      %scan3A_177 = arith.constant 11 : i32
      %dma_wait3A_178 = arith.constant 0 : i32
      %dma_wait3A_179 = arith.constant 0 : i32
      %dma_wait3A_180 = arith.constant 0 : i32
      %dma_wait3A_181 = arith.constant 0 : i32
      %dma_wait3A_182 = tpu.memref_slice %arg8[%dma_wait3A_178, %dma_wait3A_179, %dma_wait3A_180, %dma_wait3A_181] : memref<2x25x1x80xi32, #tpu.memory_space<vmem>> -> memref<1x1x1x80xi32, #tpu.memory_space<vmem>>
      %dma_wait3A_183 = tpu.memref_squeeze %dma_wait3A_182 : memref<1x1x1x80xi32, #tpu.memory_space<vmem>> -> memref<80xi32, #tpu.memory_space<vmem>>
      %dma_wait3A_184 = arith.constant 0 : i32
      %dma_wait3A_185 = arith.constant 0 : i32
      %dma_wait3A_186 = tpu.memref_slice %arg3[%dma_wait3A_184, %dma_wait3A_185] : memref<10000x128xf32, #tpu.memory_space<hbm>> -> memref<10000x128xf32, #tpu.memory_space<hbm>>
      tpu.wait_indirect_dma semaphore(%arg13 : memref<!tpu.dma_semaphore, #tpu.memory_space<semaphore_mem>>) src(%dma_wait3A_186 : memref<10000x128xf32, #tpu.memory_space<hbm>>) dst(%arg11 : memref<80x128xf32, #tpu.memory_space<vmem>>)
      %dma_wait3A_187 = arith.constant 0 : i32
      %dma_wait3A_188 = arith.constant 0 : i32
      %dma_wait3A_189 = arith.constant 0 : i32
      %dma_wait3A_190 = arith.constant 0 : i32
      %dma_wait3A_191 = tpu.memref_slice %arg9[%dma_wait3A_187, %dma_wait3A_188, %dma_wait3A_189, %dma_wait3A_190] : memref<2x25x1x80xi32, #tpu.memory_space<vmem>> -> memref<1x1x1x80xi32, #tpu.memory_space<vmem>>
      %dma_wait3A_192 = tpu.memref_squeeze %dma_wait3A_191 : memref<1x1x1x80xi32, #tpu.memory_space<vmem>> -> memref<80xi32, #tpu.memory_space<vmem>>
      %dma_wait3A_193 = arith.constant 0 : i32
      %dma_wait3A_194 = arith.constant 0 : i32
      %dma_wait3A_195 = tpu.memref_slice %arg12[%dma_wait3A_193, %dma_wait3A_194] : memref<10000x128xf32, #tpu.memory_space<vmem_shared>> -> memref<10000x128xf32, #tpu.memory_space<vmem_shared>>
      tpu.wait_indirect_dma semaphore(%arg14 : memref<!tpu.dma_semaphore, #tpu.memory_space<semaphore_mem>>) src(%arg10 : memref<80x128xf32, #tpu.memory_space<vmem>>) dst(%dma_wait3A_195 : memref<10000x128xf32, #tpu.memory_space<vmem_shared>>)
      %dma_start3A_196 = arith.constant 0 : i32
      %dma_start3A_197 = arith.constant 24 : i32
      %dma_start3A_198 = arith.constant 0 : i32
      %dma_start3A_199 = arith.constant 0 : i32
      %dma_start3A_200 = tpu.memref_slice %arg8[%dma_start3A_196, %dma_start3A_197, %dma_start3A_198, %dma_start3A_199] : memref<2x25x1x80xi32, #tpu.memory_space<vmem>> -> memref<1x1x1x80xi32, #tpu.memory_space<vmem>>
      %dma_start3A_201 = tpu.memref_squeeze %dma_start3A_200 : memref<1x1x1x80xi32, #tpu.memory_space<vmem>> -> memref<80xi32, #tpu.memory_space<vmem>>
      %dma_start3A_202 = arith.constant 0 : i32
      %dma_start3A_203 = arith.constant 0 : i32
      %dma_start3A_204 = tpu.memref_slice %arg3[%dma_start3A_202, %dma_start3A_203] : memref<10000x128xf32, #tpu.memory_space<hbm>> -> memref<10000x128xf32, #tpu.memory_space<hbm>>
      tpu.enqueue_indirect_dma source(%dma_start3A_204 : memref<10000x128xf32, #tpu.memory_space<hbm>>) target(%arg10 : memref<80x128xf32, #tpu.memory_space<vmem>>) offsets(%dma_start3A_201 : memref<80xi32, #tpu.memory_space<vmem>>) semaphore(%arg13 : memref<!tpu.dma_semaphore, #tpu.memory_space<semaphore_mem>>)
      %dma_start3A_205 = arith.constant 0 : i32
      %dma_start3A_206 = arith.constant 23 : i32
      %dma_start3A_207 = arith.constant 0 : i32
      %dma_start3A_208 = arith.constant 0 : i32
      %dma_start3A_209 = tpu.memref_slice %arg9[%dma_start3A_205, %dma_start3A_206, %dma_start3A_207, %dma_start3A_208] : memref<2x25x1x80xi32, #tpu.memory_space<vmem>> -> memref<1x1x1x80xi32, #tpu.memory_space<vmem>>
      %dma_start3A_210 = tpu.memref_squeeze %dma_start3A_209 : memref<1x1x1x80xi32, #tpu.memory_space<vmem>> -> memref<80xi32, #tpu.memory_space<vmem>>
      %dma_start3A_211 = arith.constant 0 : i32
      %dma_start3A_212 = arith.constant 0 : i32
      %dma_start3A_213 = tpu.memref_slice %arg12[%dma_start3A_211, %dma_start3A_212] : memref<10000x128xf32, #tpu.memory_space<vmem_shared>> -> memref<10000x128xf32, #tpu.memory_space<vmem_shared>>
      tpu.enqueue_indirect_dma source(%arg11 : memref<80x128xf32, #tpu.memory_space<vmem>>) target(%dma_start3A_213 : memref<10000x128xf32, #tpu.memory_space<vmem_shared>>) offsets(%dma_start3A_210 : memref<80xi32, #tpu.memory_space<vmem>>) semaphore(%arg14 : memref<!tpu.dma_semaphore, #tpu.memory_space<semaphore_mem>>) {add = true}
      %dma_wait3A_214 = arith.constant 0 : i32
      %dma_wait3A_215 = arith.constant 0 : i32
      %dma_wait3A_216 = arith.constant 0 : i32
      %dma_wait3A_217 = arith.constant 0 : i32
      %dma_wait3A_218 = tpu.memref_slice %arg8[%dma_wait3A_214, %dma_wait3A_215, %dma_wait3A_216, %dma_wait3A_217] : memref<2x25x1x80xi32, #tpu.memory_space<vmem>> -> memref<1x1x1x80xi32, #tpu.memory_space<vmem>>
      %dma_wait3A_219 = tpu.memref_squeeze %dma_wait3A_218 : memref<1x1x1x80xi32, #tpu.memory_space<vmem>> -> memref<80xi32, #tpu.memory_space<vmem>>
      %dma_wait3A_220 = arith.constant 0 : i32
      %dma_wait3A_221 = arith.constant 0 : i32
      %dma_wait3A_222 = tpu.memref_slice %arg3[%dma_wait3A_220, %dma_wait3A_221] : memref<10000x128xf32, #tpu.memory_space<hbm>> -> memref<10000x128xf32, #tpu.memory_space<hbm>>
      tpu.wait_indirect_dma semaphore(%arg13 : memref<!tpu.dma_semaphore, #tpu.memory_space<semaphore_mem>>) src(%dma_wait3A_222 : memref<10000x128xf32, #tpu.memory_space<hbm>>) dst(%arg10 : memref<80x128xf32, #tpu.memory_space<vmem>>)
      %dma_wait3A_223 = arith.constant 0 : i32
      %dma_wait3A_224 = arith.constant 0 : i32
      %dma_wait3A_225 = arith.constant 0 : i32
      %dma_wait3A_226 = arith.constant 0 : i32
      %dma_wait3A_227 = tpu.memref_slice %arg9[%dma_wait3A_223, %dma_wait3A_224, %dma_wait3A_225, %dma_wait3A_226] : memref<2x25x1x80xi32, #tpu.memory_space<vmem>> -> memref<1x1x1x80xi32, #tpu.memory_space<vmem>>
      %dma_wait3A_228 = tpu.memref_squeeze %dma_wait3A_227 : memref<1x1x1x80xi32, #tpu.memory_space<vmem>> -> memref<80xi32, #tpu.memory_space<vmem>>
      %dma_wait3A_229 = arith.constant 0 : i32
      %dma_wait3A_230 = arith.constant 0 : i32
      %dma_wait3A_231 = tpu.memref_slice %arg12[%dma_wait3A_229, %dma_wait3A_230] : memref<10000x128xf32, #tpu.memory_space<vmem_shared>> -> memref<10000x128xf32, #tpu.memory_space<vmem_shared>>
      tpu.wait_indirect_dma semaphore(%arg14 : memref<!tpu.dma_semaphore, #tpu.memory_space<semaphore_mem>>) src(%arg11 : memref<80x128xf32, #tpu.memory_space<vmem>>) dst(%dma_wait3A_231 : memref<10000x128xf32, #tpu.memory_space<vmem_shared>>)
      %dma_start3A_232 = arith.constant 0 : i32
      %dma_start3A_233 = arith.constant 24 : i32
      %dma_start3A_234 = arith.constant 0 : i32
      %dma_start3A_235 = arith.constant 0 : i32
      %dma_start3A_236 = tpu.memref_slice %arg9[%dma_start3A_232, %dma_start3A_233, %dma_start3A_234, %dma_start3A_235] : memref<2x25x1x80xi32, #tpu.memory_space<vmem>> -> memref<1x1x1x80xi32, #tpu.memory_space<vmem>>
      %dma_start3A_237 = tpu.memref_squeeze %dma_start3A_236 : memref<1x1x1x80xi32, #tpu.memory_space<vmem>> -> memref<80xi32, #tpu.memory_space<vmem>>
      %dma_start3A_238 = arith.constant 0 : i32
      %dma_start3A_239 = arith.constant 0 : i32
      %dma_start3A_240 = tpu.memref_slice %arg12[%dma_start3A_238, %dma_start3A_239] : memref<10000x128xf32, #tpu.memory_space<vmem_shared>> -> memref<10000x128xf32, #tpu.memory_space<vmem_shared>>
      tpu.enqueue_indirect_dma source(%arg10 : memref<80x128xf32, #tpu.memory_space<vmem>>) target(%dma_start3A_240 : memref<10000x128xf32, #tpu.memory_space<vmem_shared>>) offsets(%dma_start3A_237 : memref<80xi32, #tpu.memory_space<vmem>>) semaphore(%arg14 : memref<!tpu.dma_semaphore, #tpu.memory_space<semaphore_mem>>) {add = true}
      %dma_wait3A_241 = arith.constant 0 : i32
      %dma_wait3A_242 = arith.constant 0 : i32
      %dma_wait3A_243 = arith.constant 0 : i32
      %dma_wait3A_244 = arith.constant 0 : i32
      %dma_wait3A_245 = tpu.memref_slice %arg9[%dma_wait3A_241, %dma_wait3A_242, %dma_wait3A_243, %dma_wait3A_244] : memref<2x25x1x80xi32, #tpu.memory_space<vmem>> -> memref<1x1x1x80xi32, #tpu.memory_space<vmem>>
      %dma_wait3A_246 = tpu.memref_squeeze %dma_wait3A_245 : memref<1x1x1x80xi32, #tpu.memory_space<vmem>> -> memref<80xi32, #tpu.memory_space<vmem>>
      %dma_wait3A_247 = arith.constant 0 : i32
      %dma_wait3A_248 = arith.constant 0 : i32
      %dma_wait3A_249 = tpu.memref_slice %arg12[%dma_wait3A_247, %dma_wait3A_248] : memref<10000x128xf32, #tpu.memory_space<vmem_shared>> -> memref<10000x128xf32, #tpu.memory_space<vmem_shared>>
      tpu.wait_indirect_dma semaphore(%arg14 : memref<!tpu.dma_semaphore, #tpu.memory_space<semaphore_mem>>) src(%arg10 : memref<80x128xf32, #tpu.memory_space<vmem>>) dst(%dma_wait3A_249 : memref<10000x128xf32, #tpu.memory_space<vmem_shared>>)
      %dma_wait3A_250 = arith.constant 0 : i32
      %dma_wait3A_251 = arith.constant 0 : i32
      %dma_wait3A_252 = arith.constant 0 : i32
      %dma_wait3A_253 = arith.constant 0 : i32
      %dma_wait3A_254 = tpu.memref_slice %arg8[%dma_wait3A_250, %dma_wait3A_251, %dma_wait3A_252, %dma_wait3A_253] : memref<2x25x1x80xi32, #tpu.memory_space<vmem>> -> memref<1x25x1x80xi32, #tpu.memory_space<vmem>>
      %dma_wait3A_255 = tpu.memref_squeeze %dma_wait3A_254 : memref<1x25x1x80xi32, #tpu.memory_space<vmem>> -> memref<25x1x80xi32, #tpu.memory_space<vmem>>
      %dma_wait3A_256 = arith.constant 0 : i32
      %dma_wait3A_257 = arith.constant 0 : i32
      %dma_wait3A_258 = arith.constant 0 : i32
      %dma_wait3A_259 = tpu.memref_slice %arg4[%arg1, %dma_wait3A_256, %dma_wait3A_257, %dma_wait3A_258] : memref<16x125x1x80xi32, #tpu.memory_space<hbm>> -> memref<1x25x1x80xi32, #tpu.memory_space<hbm>>
      %dma_wait3A_260 = tpu.memref_squeeze %dma_wait3A_259 : memref<1x25x1x80xi32, #tpu.memory_space<hbm>> -> memref<25x1x80xi32, #tpu.memory_space<hbm>>
      %dma_wait3A_261 = arith.constant 0 : i32
      %dma_wait3A_262 = arith.constant 0 : i32
      %dma_wait3A_263 = arith.constant 0 : i32
      %dma_wait3A_264 = tpu.memref_slice %arg8[%dma_wait3A_250, %dma_wait3A_261, %dma_wait3A_262, %dma_wait3A_263] : memref<2x25x1x80xi32, #tpu.memory_space<vmem>> -> memref<1x25x1x80xi32, #tpu.memory_space<vmem>>
      %dma_wait3A_265 = tpu.memref_squeeze %dma_wait3A_264 : memref<1x25x1x80xi32, #tpu.memory_space<vmem>> -> memref<25x1x80xi32, #tpu.memory_space<vmem>>
      %dma_wait3A_266 = arith.constant 0 : i32
      %dma_wait3A_267 = arith.constant 0 : i32
      %dma_wait3A_268 = arith.constant 0 : i32
      %dma_wait3A_269 = tpu.memref_slice %arg4[%arg1, %dma_wait3A_266, %dma_wait3A_267, %dma_wait3A_268] : memref<16x125x1x80xi32, #tpu.memory_space<hbm>> -> memref<1x25x1x80xi32, #tpu.memory_space<hbm>>
      %dma_wait3A_270 = tpu.memref_squeeze %dma_wait3A_269 : memref<1x25x1x80xi32, #tpu.memory_space<hbm>> -> memref<25x1x80xi32, #tpu.memory_space<hbm>>
      tpu.wait_dma2 semaphore(%arg15 : memref<!tpu.dma_semaphore, #tpu.memory_space<semaphore_mem>>) src(%dma_wait3A_270 : memref<25x1x80xi32, #tpu.memory_space<hbm>>) dst(%dma_wait3A_265 : memref<25x1x80xi32, #tpu.memory_space<vmem>>)
      %dma_wait3A_271 = arith.constant 0 : i32
      %dma_wait3A_272 = arith.constant 0 : i32
      %dma_wait3A_273 = arith.constant 0 : i32
      %dma_wait3A_274 = arith.constant 0 : i32
      %dma_wait3A_275 = tpu.memref_slice %arg9[%dma_wait3A_271, %dma_wait3A_272, %dma_wait3A_273, %dma_wait3A_274] : memref<2x25x1x80xi32, #tpu.memory_space<vmem>> -> memref<1x25x1x80xi32, #tpu.memory_space<vmem>>
      %dma_wait3A_276 = tpu.memref_squeeze %dma_wait3A_275 : memref<1x25x1x80xi32, #tpu.memory_space<vmem>> -> memref<25x1x80xi32, #tpu.memory_space<vmem>>
      %dma_wait3A_277 = arith.constant 0 : i32
      %dma_wait3A_278 = arith.constant 0 : i32
      %dma_wait3A_279 = arith.constant 0 : i32
      %dma_wait3A_280 = tpu.memref_slice %arg4[%arg1, %dma_wait3A_277, %dma_wait3A_278, %dma_wait3A_279] : memref<16x125x1x80xi32, #tpu.memory_space<hbm>> -> memref<1x25x1x80xi32, #tpu.memory_space<hbm>>
      %dma_wait3A_281 = tpu.memref_squeeze %dma_wait3A_280 : memref<1x25x1x80xi32, #tpu.memory_space<hbm>> -> memref<25x1x80xi32, #tpu.memory_space<hbm>>
      %dma_wait3A_282 = arith.constant 0 : i32
      %dma_wait3A_283 = arith.constant 0 : i32
      %dma_wait3A_284 = arith.constant 0 : i32
      %dma_wait3A_285 = tpu.memref_slice %arg9[%dma_wait3A_271, %dma_wait3A_282, %dma_wait3A_283, %dma_wait3A_284] : memref<2x25x1x80xi32, #tpu.memory_space<vmem>> -> memref<1x25x1x80xi32, #tpu.memory_space<vmem>>
      %dma_wait3A_286 = tpu.memref_squeeze %dma_wait3A_285 : memref<1x25x1x80xi32, #tpu.memory_space<vmem>> -> memref<25x1x80xi32, #tpu.memory_space<vmem>>
      %dma_wait3A_287 = arith.constant 0 : i32
      %dma_wait3A_288 = arith.constant 0 : i32
      %dma_wait3A_289 = arith.constant 0 : i32
      %dma_wait3A_290 = tpu.memref_slice %arg4[%arg1, %dma_wait3A_287, %dma_wait3A_288, %dma_wait3A_289] : memref<16x125x1x80xi32, #tpu.memory_space<hbm>> -> memref<1x25x1x80xi32, #tpu.memory_space<hbm>>
      %dma_wait3A_291 = tpu.memref_squeeze %dma_wait3A_290 : memref<1x25x1x80xi32, #tpu.memory_space<hbm>> -> memref<25x1x80xi32, #tpu.memory_space<hbm>>
      tpu.wait_dma2 semaphore(%arg15 : memref<!tpu.dma_semaphore, #tpu.memory_space<semaphore_mem>>) src(%dma_wait3A_291 : memref<25x1x80xi32, #tpu.memory_space<hbm>>) dst(%dma_wait3A_286 : memref<25x1x80xi32, #tpu.memory_space<vmem>>)
      %dma_start3A_292 = arith.constant 0 : i32
      %dma_start3A_293 = arith.constant 0 : i32
      %dma_start3A_294 = arith.constant 0 : i32
      %dma_start3A_295 = arith.constant 0 : i32
      %dma_start3A_296 = tpu.memref_slice %arg8[%dma_start3A_292, %dma_start3A_293, %dma_start3A_294, %dma_start3A_295] : memref<2x25x1x80xi32, #tpu.memory_space<vmem>> -> memref<1x25x1x80xi32, #tpu.memory_space<vmem>>
      %dma_start3A_297 = tpu.memref_squeeze %dma_start3A_296 : memref<1x25x1x80xi32, #tpu.memory_space<vmem>> -> memref<25x1x80xi32, #tpu.memory_space<vmem>>
      %dma_start3A_298 = arith.constant 50 : i32
      %dma_start3A_299 = arith.constant 0 : i32
      %dma_start3A_300 = arith.constant 0 : i32
      %dma_start3A_301 = tpu.memref_slice %arg4[%arg1, %dma_start3A_298, %dma_start3A_299, %dma_start3A_300] : memref<16x125x1x80xi32, #tpu.memory_space<hbm>> -> memref<1x25x1x80xi32, #tpu.memory_space<hbm>>
      %dma_start3A_302 = tpu.memref_squeeze %dma_start3A_301 : memref<1x25x1x80xi32, #tpu.memory_space<hbm>> -> memref<25x1x80xi32, #tpu.memory_space<hbm>>
      %dma_start3A_303 = arith.constant 0 : i32
      %dma_start3A_304 = arith.constant 0 : i32
      %dma_start3A_305 = arith.constant 0 : i32
      %dma_start3A_306 = tpu.memref_slice %arg8[%dma_start3A_292, %dma_start3A_303, %dma_start3A_304, %dma_start3A_305] : memref<2x25x1x80xi32, #tpu.memory_space<vmem>> -> memref<1x25x1x80xi32, #tpu.memory_space<vmem>>
      %dma_start3A_307 = tpu.memref_squeeze %dma_start3A_306 : memref<1x25x1x80xi32, #tpu.memory_space<vmem>> -> memref<25x1x80xi32, #tpu.memory_space<vmem>>
      %dma_start3A_308 = arith.constant 50 : i32
      %dma_start3A_309 = arith.constant 0 : i32
      %dma_start3A_310 = arith.constant 0 : i32
      %dma_start3A_311 = tpu.memref_slice %arg4[%arg1, %dma_start3A_308, %dma_start3A_309, %dma_start3A_310] : memref<16x125x1x80xi32, #tpu.memory_space<hbm>> -> memref<1x25x1x80xi32, #tpu.memory_space<hbm>>
      %dma_start3A_312 = tpu.memref_squeeze %dma_start3A_311 : memref<1x25x1x80xi32, #tpu.memory_space<hbm>> -> memref<25x1x80xi32, #tpu.memory_space<hbm>>
      tpu.enqueue_dma source(%dma_start3A_312 : memref<25x1x80xi32, #tpu.memory_space<hbm>>) target(%dma_start3A_307 : memref<25x1x80xi32, #tpu.memory_space<vmem>>) target_semaphore(%arg15 : memref<!tpu.dma_semaphore, #tpu.memory_space<semaphore_mem>>)
      %dma_start3A_313 = arith.constant 0 : i32
      %dma_start3A_314 = arith.constant 0 : i32
      %dma_start3A_315 = arith.constant 0 : i32
      %dma_start3A_316 = arith.constant 0 : i32
      %dma_start3A_317 = tpu.memref_slice %arg9[%dma_start3A_313, %dma_start3A_314, %dma_start3A_315, %dma_start3A_316] : memref<2x25x1x80xi32, #tpu.memory_space<vmem>> -> memref<1x25x1x80xi32, #tpu.memory_space<vmem>>
      %dma_start3A_318 = tpu.memref_squeeze %dma_start3A_317 : memref<1x25x1x80xi32, #tpu.memory_space<vmem>> -> memref<25x1x80xi32, #tpu.memory_space<vmem>>
      %dma_start3A_319 = arith.constant 50 : i32
      %dma_start3A_320 = arith.constant 0 : i32
      %dma_start3A_321 = arith.constant 0 : i32
      %dma_start3A_322 = tpu.memref_slice %arg5[%arg1, %dma_start3A_319, %dma_start3A_320, %dma_start3A_321] : memref<16x125x1x80xi32, #tpu.memory_space<hbm>> -> memref<1x25x1x80xi32, #tpu.memory_space<hbm>>
      %dma_start3A_323 = tpu.memref_squeeze %dma_start3A_322 : memref<1x25x1x80xi32, #tpu.memory_space<hbm>> -> memref<25x1x80xi32, #tpu.memory_space<hbm>>
      %dma_start3A_324 = arith.constant 0 : i32
      %dma_start3A_325 = arith.constant 0 : i32
      %dma_start3A_326 = arith.constant 0 : i32
      %dma_start3A_327 = tpu.memref_slice %arg9[%dma_start3A_313, %dma_start3A_324, %dma_start3A_325, %dma_start3A_326] : memref<2x25x1x80xi32, #tpu.memory_space<vmem>> -> memref<1x25x1x80xi32, #tpu.memory_space<vmem>>
      %dma_start3A_328 = tpu.memref_squeeze %dma_start3A_327 : memref<1x25x1x80xi32, #tpu.memory_space<vmem>> -> memref<25x1x80xi32, #tpu.memory_space<vmem>>
      %dma_start3A_329 = arith.constant 50 : i32
      %dma_start3A_330 = arith.constant 0 : i32
      %dma_start3A_331 = arith.constant 0 : i32
      %dma_start3A_332 = tpu.memref_slice %arg5[%arg1, %dma_start3A_329, %dma_start3A_330, %dma_start3A_331] : memref<16x125x1x80xi32, #tpu.memory_space<hbm>> -> memref<1x25x1x80xi32, #tpu.memory_space<hbm>>
      %dma_start3A_333 = tpu.memref_squeeze %dma_start3A_332 : memref<1x25x1x80xi32, #tpu.memory_space<hbm>> -> memref<25x1x80xi32, #tpu.memory_space<hbm>>
      tpu.enqueue_dma source(%dma_start3A_333 : memref<25x1x80xi32, #tpu.memory_space<hbm>>) target(%dma_start3A_328 : memref<25x1x80xi32, #tpu.memory_space<vmem>>) target_semaphore(%arg15 : memref<!tpu.dma_semaphore, #tpu.memory_space<semaphore_mem>>)
      %dma_start3A_334 = arith.constant 1 : i32
      %dma_start3A_335 = arith.constant 0 : i32
      %dma_start3A_336 = arith.constant 0 : i32
      %dma_start3A_337 = arith.constant 0 : i32
      %dma_start3A_338 = tpu.memref_slice %arg8[%dma_start3A_334, %dma_start3A_335, %dma_start3A_336, %dma_start3A_337] : memref<2x25x1x80xi32, #tpu.memory_space<vmem>> -> memref<1x1x1x80xi32, #tpu.memory_space<vmem>>
      %dma_start3A_339 = tpu.memref_squeeze %dma_start3A_338 : memref<1x1x1x80xi32, #tpu.memory_space<vmem>> -> memref<80xi32, #tpu.memory_space<vmem>>
      %dma_start3A_340 = arith.constant 0 : i32
      %dma_start3A_341 = arith.constant 0 : i32
      %dma_start3A_342 = tpu.memref_slice %arg3[%dma_start3A_340, %dma_start3A_341] : memref<10000x128xf32, #tpu.memory_space<hbm>> -> memref<10000x128xf32, #tpu.memory_space<hbm>>
      tpu.enqueue_indirect_dma source(%dma_start3A_342 : memref<10000x128xf32, #tpu.memory_space<hbm>>) target(%arg10 : memref<80x128xf32, #tpu.memory_space<vmem>>) offsets(%dma_start3A_339 : memref<80xi32, #tpu.memory_space<vmem>>) semaphore(%arg13 : memref<!tpu.dma_semaphore, #tpu.memory_space<semaphore_mem>>)
      %dma_wait3A_343 = arith.constant 0 : i32
      %dma_wait3A_344 = arith.constant 0 : i32
      %dma_wait3A_345 = arith.constant 0 : i32
      %dma_wait3A_346 = arith.constant 0 : i32
      %dma_wait3A_347 = tpu.memref_slice %arg8[%dma_wait3A_343, %dma_wait3A_344, %dma_wait3A_345, %dma_wait3A_346] : memref<2x25x1x80xi32, #tpu.memory_space<vmem>> -> memref<1x1x1x80xi32, #tpu.memory_space<vmem>>
      %dma_wait3A_348 = tpu.memref_squeeze %dma_wait3A_347 : memref<1x1x1x80xi32, #tpu.memory_space<vmem>> -> memref<80xi32, #tpu.memory_space<vmem>>
      %dma_wait3A_349 = arith.constant 0 : i32
      %dma_wait3A_350 = arith.constant 0 : i32
      %dma_wait3A_351 = tpu.memref_slice %arg3[%dma_wait3A_349, %dma_wait3A_350] : memref<10000x128xf32, #tpu.memory_space<hbm>> -> memref<10000x128xf32, #tpu.memory_space<hbm>>
      tpu.wait_indirect_dma semaphore(%arg13 : memref<!tpu.dma_semaphore, #tpu.memory_space<semaphore_mem>>) src(%dma_wait3A_351 : memref<10000x128xf32, #tpu.memory_space<hbm>>) dst(%arg10 : memref<80x128xf32, #tpu.memory_space<vmem>>)
      %dma_start3A_352 = arith.constant 1 : i32
      %dma_start3A_353 = arith.constant 1 : i32
      %dma_start3A_354 = arith.constant 0 : i32
      %dma_start3A_355 = arith.constant 0 : i32
      %dma_start3A_356 = tpu.memref_slice %arg8[%dma_start3A_352, %dma_start3A_353, %dma_start3A_354, %dma_start3A_355] : memref<2x25x1x80xi32, #tpu.memory_space<vmem>> -> memref<1x1x1x80xi32, #tpu.memory_space<vmem>>
      %dma_start3A_357 = tpu.memref_squeeze %dma_start3A_356 : memref<1x1x1x80xi32, #tpu.memory_space<vmem>> -> memref<80xi32, #tpu.memory_space<vmem>>
      %dma_start3A_358 = arith.constant 0 : i32
      %dma_start3A_359 = arith.constant 0 : i32
      %dma_start3A_360 = tpu.memref_slice %arg3[%dma_start3A_358, %dma_start3A_359] : memref<10000x128xf32, #tpu.memory_space<hbm>> -> memref<10000x128xf32, #tpu.memory_space<hbm>>
      tpu.enqueue_indirect_dma source(%dma_start3A_360 : memref<10000x128xf32, #tpu.memory_space<hbm>>) target(%arg11 : memref<80x128xf32, #tpu.memory_space<vmem>>) offsets(%dma_start3A_357 : memref<80xi32, #tpu.memory_space<vmem>>) semaphore(%arg13 : memref<!tpu.dma_semaphore, #tpu.memory_space<semaphore_mem>>)
      %dma_start3A_361 = arith.constant 1 : i32
      %dma_start3A_362 = arith.constant 0 : i32
      %dma_start3A_363 = arith.constant 0 : i32
      %dma_start3A_364 = arith.constant 0 : i32
      %dma_start3A_365 = tpu.memref_slice %arg9[%dma_start3A_361, %dma_start3A_362, %dma_start3A_363, %dma_start3A_364] : memref<2x25x1x80xi32, #tpu.memory_space<vmem>> -> memref<1x1x1x80xi32, #tpu.memory_space<vmem>>
      %dma_start3A_366 = tpu.memref_squeeze %dma_start3A_365 : memref<1x1x1x80xi32, #tpu.memory_space<vmem>> -> memref<80xi32, #tpu.memory_space<vmem>>
      %dma_start3A_367 = arith.constant 0 : i32
      %dma_start3A_368 = arith.constant 0 : i32
      %dma_start3A_369 = tpu.memref_slice %arg12[%dma_start3A_367, %dma_start3A_368] : memref<10000x128xf32, #tpu.memory_space<vmem_shared>> -> memref<10000x128xf32, #tpu.memory_space<vmem_shared>>
      tpu.enqueue_indirect_dma source(%arg10 : memref<80x128xf32, #tpu.memory_space<vmem>>) target(%dma_start3A_369 : memref<10000x128xf32, #tpu.memory_space<vmem_shared>>) offsets(%dma_start3A_366 : memref<80xi32, #tpu.memory_space<vmem>>) semaphore(%arg14 : memref<!tpu.dma_semaphore, #tpu.memory_space<semaphore_mem>>) {add = true}
      %scan3A_370 = arith.constant 0 : i32
      %scan3A_371 = arith.constant 0 : i32
      %scan3A_372 = arith.constant 11 : i32
      %scan3A_373 = arith.addi %scan3A_371, %scan3A_372 : i32
      %scan3A_374 = arith.constant 1 : i32
      scf.for %scan3A_1006 = %scan3A_371 to %scan3A_373 step %scan3A_374  : i32 {
        %mul3A_1007 = arith.constant 2 : i32
        %mul3A_1008 = arith.muli %mul3A_1007, %scan3A_1006 : i32
        %add3A = arith.constant 1 : i32
        %add3A_1009 = arith.addi %add3A, %mul3A_1008 : i32
        %dma_wait3A_1010 = arith.constant 0 : i32
        %dma_wait3A_1011 = arith.constant 0 : i32
        %dma_wait3A_1012 = arith.constant 0 : i32
        %dma_wait3A_1013 = arith.constant 0 : i32
        %dma_wait3A_1014 = tpu.memref_slice %arg8[%dma_wait3A_1010, %dma_wait3A_1011, %dma_wait3A_1012, %dma_wait3A_1013] : memref<2x25x1x80xi32, #tpu.memory_space<vmem>> -> memref<1x1x1x80xi32, #tpu.memory_space<vmem>>
        %dma_wait3A_1015 = tpu.memref_squeeze %dma_wait3A_1014 : memref<1x1x1x80xi32, #tpu.memory_space<vmem>> -> memref<80xi32, #tpu.memory_space<vmem>>
        %dma_wait3A_1016 = arith.constant 0 : i32
        %dma_wait3A_1017 = arith.constant 0 : i32
        %dma_wait3A_1018 = tpu.memref_slice %arg3[%dma_wait3A_1016, %dma_wait3A_1017] : memref<10000x128xf32, #tpu.memory_space<hbm>> -> memref<10000x128xf32, #tpu.memory_space<hbm>>
        tpu.wait_indirect_dma semaphore(%arg13 : memref<!tpu.dma_semaphore, #tpu.memory_space<semaphore_mem>>) src(%dma_wait3A_1018 : memref<10000x128xf32, #tpu.memory_space<hbm>>) dst(%arg11 : memref<80x128xf32, #tpu.memory_space<vmem>>)
        %dma_wait3A_1019 = arith.constant 0 : i32
        %dma_wait3A_1020 = arith.constant 0 : i32
        %dma_wait3A_1021 = arith.constant 0 : i32
        %dma_wait3A_1022 = arith.constant 0 : i32
        %dma_wait3A_1023 = tpu.memref_slice %arg9[%dma_wait3A_1019, %dma_wait3A_1020, %dma_wait3A_1021, %dma_wait3A_1022] : memref<2x25x1x80xi32, #tpu.memory_space<vmem>> -> memref<1x1x1x80xi32, #tpu.memory_space<vmem>>
        %dma_wait3A_1024 = tpu.memref_squeeze %dma_wait3A_1023 : memref<1x1x1x80xi32, #tpu.memory_space<vmem>> -> memref<80xi32, #tpu.memory_space<vmem>>
        %dma_wait3A_1025 = arith.constant 0 : i32
        %dma_wait3A_1026 = arith.constant 0 : i32
        %dma_wait3A_1027 = tpu.memref_slice %arg12[%dma_wait3A_1025, %dma_wait3A_1026] : memref<10000x128xf32, #tpu.memory_space<vmem_shared>> -> memref<10000x128xf32, #tpu.memory_space<vmem_shared>>
        tpu.wait_indirect_dma semaphore(%arg14 : memref<!tpu.dma_semaphore, #tpu.memory_space<semaphore_mem>>) src(%arg10 : memref<80x128xf32, #tpu.memory_space<vmem>>) dst(%dma_wait3A_1027 : memref<10000x128xf32, #tpu.memory_space<vmem_shared>>)
        %add3A_1028 = arith.constant 1 : i32
        %add3A_1029 = arith.addi %add3A_1009, %add3A_1028 : i32
        %dma_start3A_1030 = arith.constant 1 : i32
        %dma_start3A_1031 = arith.constant 0 : i32
        %dma_start3A_1032 = arith.constant 0 : i32
        %dma_start3A_1033 = tpu.memref_slice %arg8[%dma_start3A_1030, %add3A_1029, %dma_start3A_1031, %dma_start3A_1032] : memref<2x25x1x80xi32, #tpu.memory_space<vmem>> -> memref<1x1x1x80xi32, #tpu.memory_space<vmem>>
        %dma_start3A_1034 = tpu.memref_squeeze %dma_start3A_1033 : memref<1x1x1x80xi32, #tpu.memory_space<vmem>> -> memref<80xi32, #tpu.memory_space<vmem>>
        %dma_start3A_1035 = arith.constant 0 : i32
        %dma_start3A_1036 = arith.constant 0 : i32
        %dma_start3A_1037 = tpu.memref_slice %arg3[%dma_start3A_1035, %dma_start3A_1036] : memref<10000x128xf32, #tpu.memory_space<hbm>> -> memref<10000x128xf32, #tpu.memory_space<hbm>>
        tpu.enqueue_indirect_dma source(%dma_start3A_1037 : memref<10000x128xf32, #tpu.memory_space<hbm>>) target(%arg10 : memref<80x128xf32, #tpu.memory_space<vmem>>) offsets(%dma_start3A_1034 : memref<80xi32, #tpu.memory_space<vmem>>) semaphore(%arg13 : memref<!tpu.dma_semaphore, #tpu.memory_space<semaphore_mem>>)
        %dma_start3A_1038 = arith.constant 1 : i32
        %dma_start3A_1039 = arith.constant 0 : i32
        %dma_start3A_1040 = arith.constant 0 : i32
        %dma_start3A_1041 = tpu.memref_slice %arg9[%dma_start3A_1038, %add3A_1009, %dma_start3A_1039, %dma_start3A_1040] : memref<2x25x1x80xi32, #tpu.memory_space<vmem>> -> memref<1x1x1x80xi32, #tpu.memory_space<vmem>>
        %dma_start3A_1042 = tpu.memref_squeeze %dma_start3A_1041 : memref<1x1x1x80xi32, #tpu.memory_space<vmem>> -> memref<80xi32, #tpu.memory_space<vmem>>
        %dma_start3A_1043 = arith.constant 0 : i32
        %dma_start3A_1044 = arith.constant 0 : i32
        %dma_start3A_1045 = tpu.memref_slice %arg12[%dma_start3A_1043, %dma_start3A_1044] : memref<10000x128xf32, #tpu.memory_space<vmem_shared>> -> memref<10000x128xf32, #tpu.memory_space<vmem_shared>>
        tpu.enqueue_indirect_dma source(%arg11 : memref<80x128xf32, #tpu.memory_space<vmem>>) target(%dma_start3A_1045 : memref<10000x128xf32, #tpu.memory_space<vmem_shared>>) offsets(%dma_start3A_1042 : memref<80xi32, #tpu.memory_space<vmem>>) semaphore(%arg14 : memref<!tpu.dma_semaphore, #tpu.memory_space<semaphore_mem>>) {add = true}
        %dma_wait3A_1046 = arith.constant 0 : i32
        %dma_wait3A_1047 = arith.constant 0 : i32
        %dma_wait3A_1048 = arith.constant 0 : i32
        %dma_wait3A_1049 = arith.constant 0 : i32
        %dma_wait3A_1050 = tpu.memref_slice %arg8[%dma_wait3A_1046, %dma_wait3A_1047, %dma_wait3A_1048, %dma_wait3A_1049] : memref<2x25x1x80xi32, #tpu.memory_space<vmem>> -> memref<1x1x1x80xi32, #tpu.memory_space<vmem>>
        %dma_wait3A_1051 = tpu.memref_squeeze %dma_wait3A_1050 : memref<1x1x1x80xi32, #tpu.memory_space<vmem>> -> memref<80xi32, #tpu.memory_space<vmem>>
        %dma_wait3A_1052 = arith.constant 0 : i32
        %dma_wait3A_1053 = arith.constant 0 : i32
        %dma_wait3A_1054 = tpu.memref_slice %arg3[%dma_wait3A_1052, %dma_wait3A_1053] : memref<10000x128xf32, #tpu.memory_space<hbm>> -> memref<10000x128xf32, #tpu.memory_space<hbm>>
        tpu.wait_indirect_dma semaphore(%arg13 : memref<!tpu.dma_semaphore, #tpu.memory_space<semaphore_mem>>) src(%dma_wait3A_1054 : memref<10000x128xf32, #tpu.memory_space<hbm>>) dst(%arg10 : memref<80x128xf32, #tpu.memory_space<vmem>>)
        %dma_wait3A_1055 = arith.constant 0 : i32
        %dma_wait3A_1056 = arith.constant 0 : i32
        %dma_wait3A_1057 = arith.constant 0 : i32
        %dma_wait3A_1058 = arith.constant 0 : i32
        %dma_wait3A_1059 = tpu.memref_slice %arg9[%dma_wait3A_1055, %dma_wait3A_1056, %dma_wait3A_1057, %dma_wait3A_1058] : memref<2x25x1x80xi32, #tpu.memory_space<vmem>> -> memref<1x1x1x80xi32, #tpu.memory_space<vmem>>
        %dma_wait3A_1060 = tpu.memref_squeeze %dma_wait3A_1059 : memref<1x1x1x80xi32, #tpu.memory_space<vmem>> -> memref<80xi32, #tpu.memory_space<vmem>>
        %dma_wait3A_1061 = arith.constant 0 : i32
        %dma_wait3A_1062 = arith.constant 0 : i32
        %dma_wait3A_1063 = tpu.memref_slice %arg12[%dma_wait3A_1061, %dma_wait3A_1062] : memref<10000x128xf32, #tpu.memory_space<vmem_shared>> -> memref<10000x128xf32, #tpu.memory_space<vmem_shared>>
        tpu.wait_indirect_dma semaphore(%arg14 : memref<!tpu.dma_semaphore, #tpu.memory_space<semaphore_mem>>) src(%arg11 : memref<80x128xf32, #tpu.memory_space<vmem>>) dst(%dma_wait3A_1063 : memref<10000x128xf32, #tpu.memory_space<vmem_shared>>)
        %add3A_1064 = arith.constant 2 : i32
        %add3A_1065 = arith.addi %add3A_1009, %add3A_1064 : i32
        %dma_start3A_1066 = arith.constant 1 : i32
        %dma_start3A_1067 = arith.constant 0 : i32
        %dma_start3A_1068 = arith.constant 0 : i32
        %dma_start3A_1069 = tpu.memref_slice %arg8[%dma_start3A_1066, %add3A_1065, %dma_start3A_1067, %dma_start3A_1068] : memref<2x25x1x80xi32, #tpu.memory_space<vmem>> -> memref<1x1x1x80xi32, #tpu.memory_space<vmem>>
        %dma_start3A_1070 = tpu.memref_squeeze %dma_start3A_1069 : memref<1x1x1x80xi32, #tpu.memory_space<vmem>> -> memref<80xi32, #tpu.memory_space<vmem>>
        %dma_start3A_1071 = arith.constant 0 : i32
        %dma_start3A_1072 = arith.constant 0 : i32
        %dma_start3A_1073 = tpu.memref_slice %arg3[%dma_start3A_1071, %dma_start3A_1072] : memref<10000x128xf32, #tpu.memory_space<hbm>> -> memref<10000x128xf32, #tpu.memory_space<hbm>>
        tpu.enqueue_indirect_dma source(%dma_start3A_1073 : memref<10000x128xf32, #tpu.memory_space<hbm>>) target(%arg11 : memref<80x128xf32, #tpu.memory_space<vmem>>) offsets(%dma_start3A_1070 : memref<80xi32, #tpu.memory_space<vmem>>) semaphore(%arg13 : memref<!tpu.dma_semaphore, #tpu.memory_space<semaphore_mem>>)
        %add3A_1074 = arith.constant 1 : i32
        %add3A_1075 = arith.addi %add3A_1009, %add3A_1074 : i32
        %dma_start3A_1076 = arith.constant 1 : i32
        %dma_start3A_1077 = arith.constant 0 : i32
        %dma_start3A_1078 = arith.constant 0 : i32
        %dma_start3A_1079 = tpu.memref_slice %arg9[%dma_start3A_1076, %add3A_1075, %dma_start3A_1077, %dma_start3A_1078] : memref<2x25x1x80xi32, #tpu.memory_space<vmem>> -> memref<1x1x1x80xi32, #tpu.memory_space<vmem>>
        %dma_start3A_1080 = tpu.memref_squeeze %dma_start3A_1079 : memref<1x1x1x80xi32, #tpu.memory_space<vmem>> -> memref<80xi32, #tpu.memory_space<vmem>>
        %dma_start3A_1081 = arith.constant 0 : i32
        %dma_start3A_1082 = arith.constant 0 : i32
        %dma_start3A_1083 = tpu.memref_slice %arg12[%dma_start3A_1081, %dma_start3A_1082] : memref<10000x128xf32, #tpu.memory_space<vmem_shared>> -> memref<10000x128xf32, #tpu.memory_space<vmem_shared>>
        tpu.enqueue_indirect_dma source(%arg10 : memref<80x128xf32, #tpu.memory_space<vmem>>) target(%dma_start3A_1083 : memref<10000x128xf32, #tpu.memory_space<vmem_shared>>) offsets(%dma_start3A_1080 : memref<80xi32, #tpu.memory_space<vmem>>) semaphore(%arg14 : memref<!tpu.dma_semaphore, #tpu.memory_space<semaphore_mem>>) {add = true}
      }
      %scan3A_375 = arith.constant 11 : i32
      %dma_wait3A_376 = arith.constant 0 : i32
      %dma_wait3A_377 = arith.constant 0 : i32
      %dma_wait3A_378 = arith.constant 0 : i32
      %dma_wait3A_379 = arith.constant 0 : i32
      %dma_wait3A_380 = tpu.memref_slice %arg8[%dma_wait3A_376, %dma_wait3A_377, %dma_wait3A_378, %dma_wait3A_379] : memref<2x25x1x80xi32, #tpu.memory_space<vmem>> -> memref<1x1x1x80xi32, #tpu.memory_space<vmem>>
      %dma_wait3A_381 = tpu.memref_squeeze %dma_wait3A_380 : memref<1x1x1x80xi32, #tpu.memory_space<vmem>> -> memref<80xi32, #tpu.memory_space<vmem>>
      %dma_wait3A_382 = arith.constant 0 : i32
      %dma_wait3A_383 = arith.constant 0 : i32
      %dma_wait3A_384 = tpu.memref_slice %arg3[%dma_wait3A_382, %dma_wait3A_383] : memref<10000x128xf32, #tpu.memory_space<hbm>> -> memref<10000x128xf32, #tpu.memory_space<hbm>>
      tpu.wait_indirect_dma semaphore(%arg13 : memref<!tpu.dma_semaphore, #tpu.memory_space<semaphore_mem>>) src(%dma_wait3A_384 : memref<10000x128xf32, #tpu.memory_space<hbm>>) dst(%arg11 : memref<80x128xf32, #tpu.memory_space<vmem>>)
      %dma_wait3A_385 = arith.constant 0 : i32
      %dma_wait3A_386 = arith.constant 0 : i32
      %dma_wait3A_387 = arith.constant 0 : i32
      %dma_wait3A_388 = arith.constant 0 : i32
      %dma_wait3A_389 = tpu.memref_slice %arg9[%dma_wait3A_385, %dma_wait3A_386, %dma_wait3A_387, %dma_wait3A_388] : memref<2x25x1x80xi32, #tpu.memory_space<vmem>> -> memref<1x1x1x80xi32, #tpu.memory_space<vmem>>
      %dma_wait3A_390 = tpu.memref_squeeze %dma_wait3A_389 : memref<1x1x1x80xi32, #tpu.memory_space<vmem>> -> memref<80xi32, #tpu.memory_space<vmem>>
      %dma_wait3A_391 = arith.constant 0 : i32
      %dma_wait3A_392 = arith.constant 0 : i32
      %dma_wait3A_393 = tpu.memref_slice %arg12[%dma_wait3A_391, %dma_wait3A_392] : memref<10000x128xf32, #tpu.memory_space<vmem_shared>> -> memref<10000x128xf32, #tpu.memory_space<vmem_shared>>
      tpu.wait_indirect_dma semaphore(%arg14 : memref<!tpu.dma_semaphore, #tpu.memory_space<semaphore_mem>>) src(%arg10 : memref<80x128xf32, #tpu.memory_space<vmem>>) dst(%dma_wait3A_393 : memref<10000x128xf32, #tpu.memory_space<vmem_shared>>)
      %dma_start3A_394 = arith.constant 1 : i32
      %dma_start3A_395 = arith.constant 24 : i32
      %dma_start3A_396 = arith.constant 0 : i32
      %dma_start3A_397 = arith.constant 0 : i32
      %dma_start3A_398 = tpu.memref_slice %arg8[%dma_start3A_394, %dma_start3A_395, %dma_start3A_396, %dma_start3A_397] : memref<2x25x1x80xi32, #tpu.memory_space<vmem>> -> memref<1x1x1x80xi32, #tpu.memory_space<vmem>>
      %dma_start3A_399 = tpu.memref_squeeze %dma_start3A_398 : memref<1x1x1x80xi32, #tpu.memory_space<vmem>> -> memref<80xi32, #tpu.memory_space<vmem>>
      %dma_start3A_400 = arith.constant 0 : i32
      %dma_start3A_401 = arith.constant 0 : i32
      %dma_start3A_402 = tpu.memref_slice %arg3[%dma_start3A_400, %dma_start3A_401] : memref<10000x128xf32, #tpu.memory_space<hbm>> -> memref<10000x128xf32, #tpu.memory_space<hbm>>
      tpu.enqueue_indirect_dma source(%dma_start3A_402 : memref<10000x128xf32, #tpu.memory_space<hbm>>) target(%arg10 : memref<80x128xf32, #tpu.memory_space<vmem>>) offsets(%dma_start3A_399 : memref<80xi32, #tpu.memory_space<vmem>>) semaphore(%arg13 : memref<!tpu.dma_semaphore, #tpu.memory_space<semaphore_mem>>)
      %dma_start3A_403 = arith.constant 1 : i32
      %dma_start3A_404 = arith.constant 23 : i32
      %dma_start3A_405 = arith.constant 0 : i32
      %dma_start3A_406 = arith.constant 0 : i32
      %dma_start3A_407 = tpu.memref_slice %arg9[%dma_start3A_403, %dma_start3A_404, %dma_start3A_405, %dma_start3A_406] : memref<2x25x1x80xi32, #tpu.memory_space<vmem>> -> memref<1x1x1x80xi32, #tpu.memory_space<vmem>>
      %dma_start3A_408 = tpu.memref_squeeze %dma_start3A_407 : memref<1x1x1x80xi32, #tpu.memory_space<vmem>> -> memref<80xi32, #tpu.memory_space<vmem>>
      %dma_start3A_409 = arith.constant 0 : i32
      %dma_start3A_410 = arith.constant 0 : i32
      %dma_start3A_411 = tpu.memref_slice %arg12[%dma_start3A_409, %dma_start3A_410] : memref<10000x128xf32, #tpu.memory_space<vmem_shared>> -> memref<10000x128xf32, #tpu.memory_space<vmem_shared>>
      tpu.enqueue_indirect_dma source(%arg11 : memref<80x128xf32, #tpu.memory_space<vmem>>) target(%dma_start3A_411 : memref<10000x128xf32, #tpu.memory_space<vmem_shared>>) offsets(%dma_start3A_408 : memref<80xi32, #tpu.memory_space<vmem>>) semaphore(%arg14 : memref<!tpu.dma_semaphore, #tpu.memory_space<semaphore_mem>>) {add = true}
      %dma_wait3A_412 = arith.constant 0 : i32
      %dma_wait3A_413 = arith.constant 0 : i32
      %dma_wait3A_414 = arith.constant 0 : i32
      %dma_wait3A_415 = arith.constant 0 : i32
      %dma_wait3A_416 = tpu.memref_slice %arg8[%dma_wait3A_412, %dma_wait3A_413, %dma_wait3A_414, %dma_wait3A_415] : memref<2x25x1x80xi32, #tpu.memory_space<vmem>> -> memref<1x1x1x80xi32, #tpu.memory_space<vmem>>
      %dma_wait3A_417 = tpu.memref_squeeze %dma_wait3A_416 : memref<1x1x1x80xi32, #tpu.memory_space<vmem>> -> memref<80xi32, #tpu.memory_space<vmem>>
      %dma_wait3A_418 = arith.constant 0 : i32
      %dma_wait3A_419 = arith.constant 0 : i32
      %dma_wait3A_420 = tpu.memref_slice %arg3[%dma_wait3A_418, %dma_wait3A_419] : memref<10000x128xf32, #tpu.memory_space<hbm>> -> memref<10000x128xf32, #tpu.memory_space<hbm>>
      tpu.wait_indirect_dma semaphore(%arg13 : memref<!tpu.dma_semaphore, #tpu.memory_space<semaphore_mem>>) src(%dma_wait3A_420 : memref<10000x128xf32, #tpu.memory_space<hbm>>) dst(%arg10 : memref<80x128xf32, #tpu.memory_space<vmem>>)
      %dma_wait3A_421 = arith.constant 0 : i32
      %dma_wait3A_422 = arith.constant 0 : i32
      %dma_wait3A_423 = arith.constant 0 : i32
      %dma_wait3A_424 = arith.constant 0 : i32
      %dma_wait3A_425 = tpu.memref_slice %arg9[%dma_wait3A_421, %dma_wait3A_422, %dma_wait3A_423, %dma_wait3A_424] : memref<2x25x1x80xi32, #tpu.memory_space<vmem>> -> memref<1x1x1x80xi32, #tpu.memory_space<vmem>>
      %dma_wait3A_426 = tpu.memref_squeeze %dma_wait3A_425 : memref<1x1x1x80xi32, #tpu.memory_space<vmem>> -> memref<80xi32, #tpu.memory_space<vmem>>
      %dma_wait3A_427 = arith.constant 0 : i32
      %dma_wait3A_428 = arith.constant 0 : i32
      %dma_wait3A_429 = tpu.memref_slice %arg12[%dma_wait3A_427, %dma_wait3A_428] : memref<10000x128xf32, #tpu.memory_space<vmem_shared>> -> memref<10000x128xf32, #tpu.memory_space<vmem_shared>>
      tpu.wait_indirect_dma semaphore(%arg14 : memref<!tpu.dma_semaphore, #tpu.memory_space<semaphore_mem>>) src(%arg11 : memref<80x128xf32, #tpu.memory_space<vmem>>) dst(%dma_wait3A_429 : memref<10000x128xf32, #tpu.memory_space<vmem_shared>>)
      %dma_start3A_430 = arith.constant 1 : i32
      %dma_start3A_431 = arith.constant 24 : i32
      %dma_start3A_432 = arith.constant 0 : i32
      %dma_start3A_433 = arith.constant 0 : i32
      %dma_start3A_434 = tpu.memref_slice %arg9[%dma_start3A_430, %dma_start3A_431, %dma_start3A_432, %dma_start3A_433] : memref<2x25x1x80xi32, #tpu.memory_space<vmem>> -> memref<1x1x1x80xi32, #tpu.memory_space<vmem>>
      %dma_start3A_435 = tpu.memref_squeeze %dma_start3A_434 : memref<1x1x1x80xi32, #tpu.memory_space<vmem>> -> memref<80xi32, #tpu.memory_space<vmem>>
      %dma_start3A_436 = arith.constant 0 : i32
      %dma_start3A_437 = arith.constant 0 : i32
      %dma_start3A_438 = tpu.memref_slice %arg12[%dma_start3A_436, %dma_start3A_437] : memref<10000x128xf32, #tpu.memory_space<vmem_shared>> -> memref<10000x128xf32, #tpu.memory_space<vmem_shared>>
      tpu.enqueue_indirect_dma source(%arg10 : memref<80x128xf32, #tpu.memory_space<vmem>>) target(%dma_start3A_438 : memref<10000x128xf32, #tpu.memory_space<vmem_shared>>) offsets(%dma_start3A_435 : memref<80xi32, #tpu.memory_space<vmem>>) semaphore(%arg14 : memref<!tpu.dma_semaphore, #tpu.memory_space<semaphore_mem>>) {add = true}
      %dma_wait3A_439 = arith.constant 0 : i32
      %dma_wait3A_440 = arith.constant 0 : i32
      %dma_wait3A_441 = arith.constant 0 : i32
      %dma_wait3A_442 = arith.constant 0 : i32
      %dma_wait3A_443 = tpu.memref_slice %arg9[%dma_wait3A_439, %dma_wait3A_440, %dma_wait3A_441, %dma_wait3A_442] : memref<2x25x1x80xi32, #tpu.memory_space<vmem>> -> memref<1x1x1x80xi32, #tpu.memory_space<vmem>>
      %dma_wait3A_444 = tpu.memref_squeeze %dma_wait3A_443 : memref<1x1x1x80xi32, #tpu.memory_space<vmem>> -> memref<80xi32, #tpu.memory_space<vmem>>
      %dma_wait3A_445 = arith.constant 0 : i32
      %dma_wait3A_446 = arith.constant 0 : i32
      %dma_wait3A_447 = tpu.memref_slice %arg12[%dma_wait3A_445, %dma_wait3A_446] : memref<10000x128xf32, #tpu.memory_space<vmem_shared>> -> memref<10000x128xf32, #tpu.memory_space<vmem_shared>>
      tpu.wait_indirect_dma semaphore(%arg14 : memref<!tpu.dma_semaphore, #tpu.memory_space<semaphore_mem>>) src(%arg10 : memref<80x128xf32, #tpu.memory_space<vmem>>) dst(%dma_wait3A_447 : memref<10000x128xf32, #tpu.memory_space<vmem_shared>>)
      %dma_wait3A_448 = arith.constant 0 : i32
      %dma_wait3A_449 = arith.constant 0 : i32
      %dma_wait3A_450 = arith.constant 0 : i32
      %dma_wait3A_451 = arith.constant 0 : i32
      %dma_wait3A_452 = tpu.memref_slice %arg8[%dma_wait3A_448, %dma_wait3A_449, %dma_wait3A_450, %dma_wait3A_451] : memref<2x25x1x80xi32, #tpu.memory_space<vmem>> -> memref<1x25x1x80xi32, #tpu.memory_space<vmem>>
      %dma_wait3A_453 = tpu.memref_squeeze %dma_wait3A_452 : memref<1x25x1x80xi32, #tpu.memory_space<vmem>> -> memref<25x1x80xi32, #tpu.memory_space<vmem>>
      %dma_wait3A_454 = arith.constant 0 : i32
      %dma_wait3A_455 = arith.constant 0 : i32
      %dma_wait3A_456 = arith.constant 0 : i32
      %dma_wait3A_457 = tpu.memref_slice %arg4[%arg1, %dma_wait3A_454, %dma_wait3A_455, %dma_wait3A_456] : memref<16x125x1x80xi32, #tpu.memory_space<hbm>> -> memref<1x25x1x80xi32, #tpu.memory_space<hbm>>
      %dma_wait3A_458 = tpu.memref_squeeze %dma_wait3A_457 : memref<1x25x1x80xi32, #tpu.memory_space<hbm>> -> memref<25x1x80xi32, #tpu.memory_space<hbm>>
      %dma_wait3A_459 = arith.constant 0 : i32
      %dma_wait3A_460 = arith.constant 0 : i32
      %dma_wait3A_461 = arith.constant 0 : i32
      %dma_wait3A_462 = tpu.memref_slice %arg8[%dma_wait3A_448, %dma_wait3A_459, %dma_wait3A_460, %dma_wait3A_461] : memref<2x25x1x80xi32, #tpu.memory_space<vmem>> -> memref<1x25x1x80xi32, #tpu.memory_space<vmem>>
      %dma_wait3A_463 = tpu.memref_squeeze %dma_wait3A_462 : memref<1x25x1x80xi32, #tpu.memory_space<vmem>> -> memref<25x1x80xi32, #tpu.memory_space<vmem>>
      %dma_wait3A_464 = arith.constant 0 : i32
      %dma_wait3A_465 = arith.constant 0 : i32
      %dma_wait3A_466 = arith.constant 0 : i32
      %dma_wait3A_467 = tpu.memref_slice %arg4[%arg1, %dma_wait3A_464, %dma_wait3A_465, %dma_wait3A_466] : memref<16x125x1x80xi32, #tpu.memory_space<hbm>> -> memref<1x25x1x80xi32, #tpu.memory_space<hbm>>
      %dma_wait3A_468 = tpu.memref_squeeze %dma_wait3A_467 : memref<1x25x1x80xi32, #tpu.memory_space<hbm>> -> memref<25x1x80xi32, #tpu.memory_space<hbm>>
      tpu.wait_dma2 semaphore(%arg15 : memref<!tpu.dma_semaphore, #tpu.memory_space<semaphore_mem>>) src(%dma_wait3A_468 : memref<25x1x80xi32, #tpu.memory_space<hbm>>) dst(%dma_wait3A_463 : memref<25x1x80xi32, #tpu.memory_space<vmem>>)
      %dma_wait3A_469 = arith.constant 0 : i32
      %dma_wait3A_470 = arith.constant 0 : i32
      %dma_wait3A_471 = arith.constant 0 : i32
      %dma_wait3A_472 = arith.constant 0 : i32
      %dma_wait3A_473 = tpu.memref_slice %arg9[%dma_wait3A_469, %dma_wait3A_470, %dma_wait3A_471, %dma_wait3A_472] : memref<2x25x1x80xi32, #tpu.memory_space<vmem>> -> memref<1x25x1x80xi32, #tpu.memory_space<vmem>>
      %dma_wait3A_474 = tpu.memref_squeeze %dma_wait3A_473 : memref<1x25x1x80xi32, #tpu.memory_space<vmem>> -> memref<25x1x80xi32, #tpu.memory_space<vmem>>
      %dma_wait3A_475 = arith.constant 0 : i32
      %dma_wait3A_476 = arith.constant 0 : i32
      %dma_wait3A_477 = arith.constant 0 : i32
      %dma_wait3A_478 = tpu.memref_slice %arg4[%arg1, %dma_wait3A_475, %dma_wait3A_476, %dma_wait3A_477] : memref<16x125x1x80xi32, #tpu.memory_space<hbm>> -> memref<1x25x1x80xi32, #tpu.memory_space<hbm>>
      %dma_wait3A_479 = tpu.memref_squeeze %dma_wait3A_478 : memref<1x25x1x80xi32, #tpu.memory_space<hbm>> -> memref<25x1x80xi32, #tpu.memory_space<hbm>>
      %dma_wait3A_480 = arith.constant 0 : i32
      %dma_wait3A_481 = arith.constant 0 : i32
      %dma_wait3A_482 = arith.constant 0 : i32
      %dma_wait3A_483 = tpu.memref_slice %arg9[%dma_wait3A_469, %dma_wait3A_480, %dma_wait3A_481, %dma_wait3A_482] : memref<2x25x1x80xi32, #tpu.memory_space<vmem>> -> memref<1x25x1x80xi32, #tpu.memory_space<vmem>>
      %dma_wait3A_484 = tpu.memref_squeeze %dma_wait3A_483 : memref<1x25x1x80xi32, #tpu.memory_space<vmem>> -> memref<25x1x80xi32, #tpu.memory_space<vmem>>
      %dma_wait3A_485 = arith.constant 0 : i32
      %dma_wait3A_486 = arith.constant 0 : i32
      %dma_wait3A_487 = arith.constant 0 : i32
      %dma_wait3A_488 = tpu.memref_slice %arg4[%arg1, %dma_wait3A_485, %dma_wait3A_486, %dma_wait3A_487] : memref<16x125x1x80xi32, #tpu.memory_space<hbm>> -> memref<1x25x1x80xi32, #tpu.memory_space<hbm>>
      %dma_wait3A_489 = tpu.memref_squeeze %dma_wait3A_488 : memref<1x25x1x80xi32, #tpu.memory_space<hbm>> -> memref<25x1x80xi32, #tpu.memory_space<hbm>>
      tpu.wait_dma2 semaphore(%arg15 : memref<!tpu.dma_semaphore, #tpu.memory_space<semaphore_mem>>) src(%dma_wait3A_489 : memref<25x1x80xi32, #tpu.memory_space<hbm>>) dst(%dma_wait3A_484 : memref<25x1x80xi32, #tpu.memory_space<vmem>>)
      %dma_start3A_490 = arith.constant 1 : i32
      %dma_start3A_491 = arith.constant 0 : i32
      %dma_start3A_492 = arith.constant 0 : i32
      %dma_start3A_493 = arith.constant 0 : i32
      %dma_start3A_494 = tpu.memref_slice %arg8[%dma_start3A_490, %dma_start3A_491, %dma_start3A_492, %dma_start3A_493] : memref<2x25x1x80xi32, #tpu.memory_space<vmem>> -> memref<1x25x1x80xi32, #tpu.memory_space<vmem>>
      %dma_start3A_495 = tpu.memref_squeeze %dma_start3A_494 : memref<1x25x1x80xi32, #tpu.memory_space<vmem>> -> memref<25x1x80xi32, #tpu.memory_space<vmem>>
      %dma_start3A_496 = arith.constant 75 : i32
      %dma_start3A_497 = arith.constant 0 : i32
      %dma_start3A_498 = arith.constant 0 : i32
      %dma_start3A_499 = tpu.memref_slice %arg4[%arg1, %dma_start3A_496, %dma_start3A_497, %dma_start3A_498] : memref<16x125x1x80xi32, #tpu.memory_space<hbm>> -> memref<1x25x1x80xi32, #tpu.memory_space<hbm>>
      %dma_start3A_500 = tpu.memref_squeeze %dma_start3A_499 : memref<1x25x1x80xi32, #tpu.memory_space<hbm>> -> memref<25x1x80xi32, #tpu.memory_space<hbm>>
      %dma_start3A_501 = arith.constant 0 : i32
      %dma_start3A_502 = arith.constant 0 : i32
      %dma_start3A_503 = arith.constant 0 : i32
      %dma_start3A_504 = tpu.memref_slice %arg8[%dma_start3A_490, %dma_start3A_501, %dma_start3A_502, %dma_start3A_503] : memref<2x25x1x80xi32, #tpu.memory_space<vmem>> -> memref<1x25x1x80xi32, #tpu.memory_space<vmem>>
      %dma_start3A_505 = tpu.memref_squeeze %dma_start3A_504 : memref<1x25x1x80xi32, #tpu.memory_space<vmem>> -> memref<25x1x80xi32, #tpu.memory_space<vmem>>
      %dma_start3A_506 = arith.constant 75 : i32
      %dma_start3A_507 = arith.constant 0 : i32
      %dma_start3A_508 = arith.constant 0 : i32
      %dma_start3A_509 = tpu.memref_slice %arg4[%arg1, %dma_start3A_506, %dma_start3A_507, %dma_start3A_508] : memref<16x125x1x80xi32, #tpu.memory_space<hbm>> -> memref<1x25x1x80xi32, #tpu.memory_space<hbm>>
      %dma_start3A_510 = tpu.memref_squeeze %dma_start3A_509 : memref<1x25x1x80xi32, #tpu.memory_space<hbm>> -> memref<25x1x80xi32, #tpu.memory_space<hbm>>
      tpu.enqueue_dma source(%dma_start3A_510 : memref<25x1x80xi32, #tpu.memory_space<hbm>>) target(%dma_start3A_505 : memref<25x1x80xi32, #tpu.memory_space<vmem>>) target_semaphore(%arg15 : memref<!tpu.dma_semaphore, #tpu.memory_space<semaphore_mem>>)
      %dma_start3A_511 = arith.constant 1 : i32
      %dma_start3A_512 = arith.constant 0 : i32
      %dma_start3A_513 = arith.constant 0 : i32
      %dma_start3A_514 = arith.constant 0 : i32
      %dma_start3A_515 = tpu.memref_slice %arg9[%dma_start3A_511, %dma_start3A_512, %dma_start3A_513, %dma_start3A_514] : memref<2x25x1x80xi32, #tpu.memory_space<vmem>> -> memref<1x25x1x80xi32, #tpu.memory_space<vmem>>
      %dma_start3A_516 = tpu.memref_squeeze %dma_start3A_515 : memref<1x25x1x80xi32, #tpu.memory_space<vmem>> -> memref<25x1x80xi32, #tpu.memory_space<vmem>>
      %dma_start3A_517 = arith.constant 75 : i32
      %dma_start3A_518 = arith.constant 0 : i32
      %dma_start3A_519 = arith.constant 0 : i32
      %dma_start3A_520 = tpu.memref_slice %arg5[%arg1, %dma_start3A_517, %dma_start3A_518, %dma_start3A_519] : memref<16x125x1x80xi32, #tpu.memory_space<hbm>> -> memref<1x25x1x80xi32, #tpu.memory_space<hbm>>
      %dma_start3A_521 = tpu.memref_squeeze %dma_start3A_520 : memref<1x25x1x80xi32, #tpu.memory_space<hbm>> -> memref<25x1x80xi32, #tpu.memory_space<hbm>>
      %dma_start3A_522 = arith.constant 0 : i32
      %dma_start3A_523 = arith.constant 0 : i32
      %dma_start3A_524 = arith.constant 0 : i32
      %dma_start3A_525 = tpu.memref_slice %arg9[%dma_start3A_511, %dma_start3A_522, %dma_start3A_523, %dma_start3A_524] : memref<2x25x1x80xi32, #tpu.memory_space<vmem>> -> memref<1x25x1x80xi32, #tpu.memory_space<vmem>>
      %dma_start3A_526 = tpu.memref_squeeze %dma_start3A_525 : memref<1x25x1x80xi32, #tpu.memory_space<vmem>> -> memref<25x1x80xi32, #tpu.memory_space<vmem>>
      %dma_start3A_527 = arith.constant 75 : i32
      %dma_start3A_528 = arith.constant 0 : i32
      %dma_start3A_529 = arith.constant 0 : i32
      %dma_start3A_530 = tpu.memref_slice %arg5[%arg1, %dma_start3A_527, %dma_start3A_528, %dma_start3A_529] : memref<16x125x1x80xi32, #tpu.memory_space<hbm>> -> memref<1x25x1x80xi32, #tpu.memory_space<hbm>>
      %dma_start3A_531 = tpu.memref_squeeze %dma_start3A_530 : memref<1x25x1x80xi32, #tpu.memory_space<hbm>> -> memref<25x1x80xi32, #tpu.memory_space<hbm>>
      tpu.enqueue_dma source(%dma_start3A_531 : memref<25x1x80xi32, #tpu.memory_space<hbm>>) target(%dma_start3A_526 : memref<25x1x80xi32, #tpu.memory_space<vmem>>) target_semaphore(%arg15 : memref<!tpu.dma_semaphore, #tpu.memory_space<semaphore_mem>>)
      %dma_start3A_532 = arith.constant 0 : i32
      %dma_start3A_533 = arith.constant 0 : i32
      %dma_start3A_534 = arith.constant 0 : i32
      %dma_start3A_535 = arith.constant 0 : i32
      %dma_start3A_536 = tpu.memref_slice %arg8[%dma_start3A_532, %dma_start3A_533, %dma_start3A_534, %dma_start3A_535] : memref<2x25x1x80xi32, #tpu.memory_space<vmem>> -> memref<1x1x1x80xi32, #tpu.memory_space<vmem>>
      %dma_start3A_537 = tpu.memref_squeeze %dma_start3A_536 : memref<1x1x1x80xi32, #tpu.memory_space<vmem>> -> memref<80xi32, #tpu.memory_space<vmem>>
      %dma_start3A_538 = arith.constant 0 : i32
      %dma_start3A_539 = arith.constant 0 : i32
      %dma_start3A_540 = tpu.memref_slice %arg3[%dma_start3A_538, %dma_start3A_539] : memref<10000x128xf32, #tpu.memory_space<hbm>> -> memref<10000x128xf32, #tpu.memory_space<hbm>>
      tpu.enqueue_indirect_dma source(%dma_start3A_540 : memref<10000x128xf32, #tpu.memory_space<hbm>>) target(%arg10 : memref<80x128xf32, #tpu.memory_space<vmem>>) offsets(%dma_start3A_537 : memref<80xi32, #tpu.memory_space<vmem>>) semaphore(%arg13 : memref<!tpu.dma_semaphore, #tpu.memory_space<semaphore_mem>>)
      %dma_wait3A_541 = arith.constant 0 : i32
      %dma_wait3A_542 = arith.constant 0 : i32
      %dma_wait3A_543 = arith.constant 0 : i32
      %dma_wait3A_544 = arith.constant 0 : i32
      %dma_wait3A_545 = tpu.memref_slice %arg8[%dma_wait3A_541, %dma_wait3A_542, %dma_wait3A_543, %dma_wait3A_544] : memref<2x25x1x80xi32, #tpu.memory_space<vmem>> -> memref<1x1x1x80xi32, #tpu.memory_space<vmem>>
      %dma_wait3A_546 = tpu.memref_squeeze %dma_wait3A_545 : memref<1x1x1x80xi32, #tpu.memory_space<vmem>> -> memref<80xi32, #tpu.memory_space<vmem>>
      %dma_wait3A_547 = arith.constant 0 : i32
      %dma_wait3A_548 = arith.constant 0 : i32
      %dma_wait3A_549 = tpu.memref_slice %arg3[%dma_wait3A_547, %dma_wait3A_548] : memref<10000x128xf32, #tpu.memory_space<hbm>> -> memref<10000x128xf32, #tpu.memory_space<hbm>>
      tpu.wait_indirect_dma semaphore(%arg13 : memref<!tpu.dma_semaphore, #tpu.memory_space<semaphore_mem>>) src(%dma_wait3A_549 : memref<10000x128xf32, #tpu.memory_space<hbm>>) dst(%arg10 : memref<80x128xf32, #tpu.memory_space<vmem>>)
      %dma_start3A_550 = arith.constant 0 : i32
      %dma_start3A_551 = arith.constant 1 : i32
      %dma_start3A_552 = arith.constant 0 : i32
      %dma_start3A_553 = arith.constant 0 : i32
      %dma_start3A_554 = tpu.memref_slice %arg8[%dma_start3A_550, %dma_start3A_551, %dma_start3A_552, %dma_start3A_553] : memref<2x25x1x80xi32, #tpu.memory_space<vmem>> -> memref<1x1x1x80xi32, #tpu.memory_space<vmem>>
      %dma_start3A_555 = tpu.memref_squeeze %dma_start3A_554 : memref<1x1x1x80xi32, #tpu.memory_space<vmem>> -> memref<80xi32, #tpu.memory_space<vmem>>
      %dma_start3A_556 = arith.constant 0 : i32
      %dma_start3A_557 = arith.constant 0 : i32
      %dma_start3A_558 = tpu.memref_slice %arg3[%dma_start3A_556, %dma_start3A_557] : memref<10000x128xf32, #tpu.memory_space<hbm>> -> memref<10000x128xf32, #tpu.memory_space<hbm>>
      tpu.enqueue_indirect_dma source(%dma_start3A_558 : memref<10000x128xf32, #tpu.memory_space<hbm>>) target(%arg11 : memref<80x128xf32, #tpu.memory_space<vmem>>) offsets(%dma_start3A_555 : memref<80xi32, #tpu.memory_space<vmem>>) semaphore(%arg13 : memref<!tpu.dma_semaphore, #tpu.memory_space<semaphore_mem>>)
      %dma_start3A_559 = arith.constant 0 : i32
      %dma_start3A_560 = arith.constant 0 : i32
      %dma_start3A_561 = arith.constant 0 : i32
      %dma_start3A_562 = arith.constant 0 : i32
      %dma_start3A_563 = tpu.memref_slice %arg9[%dma_start3A_559, %dma_start3A_560, %dma_start3A_561, %dma_start3A_562] : memref<2x25x1x80xi32, #tpu.memory_space<vmem>> -> memref<1x1x1x80xi32, #tpu.memory_space<vmem>>
      %dma_start3A_564 = tpu.memref_squeeze %dma_start3A_563 : memref<1x1x1x80xi32, #tpu.memory_space<vmem>> -> memref<80xi32, #tpu.memory_space<vmem>>
      %dma_start3A_565 = arith.constant 0 : i32
      %dma_start3A_566 = arith.constant 0 : i32
      %dma_start3A_567 = tpu.memref_slice %arg12[%dma_start3A_565, %dma_start3A_566] : memref<10000x128xf32, #tpu.memory_space<vmem_shared>> -> memref<10000x128xf32, #tpu.memory_space<vmem_shared>>
      tpu.enqueue_indirect_dma source(%arg10 : memref<80x128xf32, #tpu.memory_space<vmem>>) target(%dma_start3A_567 : memref<10000x128xf32, #tpu.memory_space<vmem_shared>>) offsets(%dma_start3A_564 : memref<80xi32, #tpu.memory_space<vmem>>) semaphore(%arg14 : memref<!tpu.dma_semaphore, #tpu.memory_space<semaphore_mem>>) {add = true}
      %scan3A_568 = arith.constant 0 : i32
      %scan3A_569 = arith.constant 0 : i32
      %scan3A_570 = arith.constant 11 : i32
      %scan3A_571 = arith.addi %scan3A_569, %scan3A_570 : i32
      %scan3A_572 = arith.constant 1 : i32
      scf.for %scan3A_1006 = %scan3A_569 to %scan3A_571 step %scan3A_572  : i32 {
        %mul3A_1007 = arith.constant 2 : i32
        %mul3A_1008 = arith.muli %mul3A_1007, %scan3A_1006 : i32
        %add3A = arith.constant 1 : i32
        %add3A_1009 = arith.addi %add3A, %mul3A_1008 : i32
        %dma_wait3A_1010 = arith.constant 0 : i32
        %dma_wait3A_1011 = arith.constant 0 : i32
        %dma_wait3A_1012 = arith.constant 0 : i32
        %dma_wait3A_1013 = arith.constant 0 : i32
        %dma_wait3A_1014 = tpu.memref_slice %arg8[%dma_wait3A_1010, %dma_wait3A_1011, %dma_wait3A_1012, %dma_wait3A_1013] : memref<2x25x1x80xi32, #tpu.memory_space<vmem>> -> memref<1x1x1x80xi32, #tpu.memory_space<vmem>>
        %dma_wait3A_1015 = tpu.memref_squeeze %dma_wait3A_1014 : memref<1x1x1x80xi32, #tpu.memory_space<vmem>> -> memref<80xi32, #tpu.memory_space<vmem>>
        %dma_wait3A_1016 = arith.constant 0 : i32
        %dma_wait3A_1017 = arith.constant 0 : i32
        %dma_wait3A_1018 = tpu.memref_slice %arg3[%dma_wait3A_1016, %dma_wait3A_1017] : memref<10000x128xf32, #tpu.memory_space<hbm>> -> memref<10000x128xf32, #tpu.memory_space<hbm>>
        tpu.wait_indirect_dma semaphore(%arg13 : memref<!tpu.dma_semaphore, #tpu.memory_space<semaphore_mem>>) src(%dma_wait3A_1018 : memref<10000x128xf32, #tpu.memory_space<hbm>>) dst(%arg11 : memref<80x128xf32, #tpu.memory_space<vmem>>)
        %dma_wait3A_1019 = arith.constant 0 : i32
        %dma_wait3A_1020 = arith.constant 0 : i32
        %dma_wait3A_1021 = arith.constant 0 : i32
        %dma_wait3A_1022 = arith.constant 0 : i32
        %dma_wait3A_1023 = tpu.memref_slice %arg9[%dma_wait3A_1019, %dma_wait3A_1020, %dma_wait3A_1021, %dma_wait3A_1022] : memref<2x25x1x80xi32, #tpu.memory_space<vmem>> -> memref<1x1x1x80xi32, #tpu.memory_space<vmem>>
        %dma_wait3A_1024 = tpu.memref_squeeze %dma_wait3A_1023 : memref<1x1x1x80xi32, #tpu.memory_space<vmem>> -> memref<80xi32, #tpu.memory_space<vmem>>
        %dma_wait3A_1025 = arith.constant 0 : i32
        %dma_wait3A_1026 = arith.constant 0 : i32
        %dma_wait3A_1027 = tpu.memref_slice %arg12[%dma_wait3A_1025, %dma_wait3A_1026] : memref<10000x128xf32, #tpu.memory_space<vmem_shared>> -> memref<10000x128xf32, #tpu.memory_space<vmem_shared>>
        tpu.wait_indirect_dma semaphore(%arg14 : memref<!tpu.dma_semaphore, #tpu.memory_space<semaphore_mem>>) src(%arg10 : memref<80x128xf32, #tpu.memory_space<vmem>>) dst(%dma_wait3A_1027 : memref<10000x128xf32, #tpu.memory_space<vmem_shared>>)
        %add3A_1028 = arith.constant 1 : i32
        %add3A_1029 = arith.addi %add3A_1009, %add3A_1028 : i32
        %dma_start3A_1030 = arith.constant 0 : i32
        %dma_start3A_1031 = arith.constant 0 : i32
        %dma_start3A_1032 = arith.constant 0 : i32
        %dma_start3A_1033 = tpu.memref_slice %arg8[%dma_start3A_1030, %add3A_1029, %dma_start3A_1031, %dma_start3A_1032] : memref<2x25x1x80xi32, #tpu.memory_space<vmem>> -> memref<1x1x1x80xi32, #tpu.memory_space<vmem>>
        %dma_start3A_1034 = tpu.memref_squeeze %dma_start3A_1033 : memref<1x1x1x80xi32, #tpu.memory_space<vmem>> -> memref<80xi32, #tpu.memory_space<vmem>>
        %dma_start3A_1035 = arith.constant 0 : i32
        %dma_start3A_1036 = arith.constant 0 : i32
        %dma_start3A_1037 = tpu.memref_slice %arg3[%dma_start3A_1035, %dma_start3A_1036] : memref<10000x128xf32, #tpu.memory_space<hbm>> -> memref<10000x128xf32, #tpu.memory_space<hbm>>
        tpu.enqueue_indirect_dma source(%dma_start3A_1037 : memref<10000x128xf32, #tpu.memory_space<hbm>>) target(%arg10 : memref<80x128xf32, #tpu.memory_space<vmem>>) offsets(%dma_start3A_1034 : memref<80xi32, #tpu.memory_space<vmem>>) semaphore(%arg13 : memref<!tpu.dma_semaphore, #tpu.memory_space<semaphore_mem>>)
        %dma_start3A_1038 = arith.constant 0 : i32
        %dma_start3A_1039 = arith.constant 0 : i32
        %dma_start3A_1040 = arith.constant 0 : i32
        %dma_start3A_1041 = tpu.memref_slice %arg9[%dma_start3A_1038, %add3A_1009, %dma_start3A_1039, %dma_start3A_1040] : memref<2x25x1x80xi32, #tpu.memory_space<vmem>> -> memref<1x1x1x80xi32, #tpu.memory_space<vmem>>
        %dma_start3A_1042 = tpu.memref_squeeze %dma_start3A_1041 : memref<1x1x1x80xi32, #tpu.memory_space<vmem>> -> memref<80xi32, #tpu.memory_space<vmem>>
        %dma_start3A_1043 = arith.constant 0 : i32
        %dma_start3A_1044 = arith.constant 0 : i32
        %dma_start3A_1045 = tpu.memref_slice %arg12[%dma_start3A_1043, %dma_start3A_1044] : memref<10000x128xf32, #tpu.memory_space<vmem_shared>> -> memref<10000x128xf32, #tpu.memory_space<vmem_shared>>
        tpu.enqueue_indirect_dma source(%arg11 : memref<80x128xf32, #tpu.memory_space<vmem>>) target(%dma_start3A_1045 : memref<10000x128xf32, #tpu.memory_space<vmem_shared>>) offsets(%dma_start3A_1042 : memref<80xi32, #tpu.memory_space<vmem>>) semaphore(%arg14 : memref<!tpu.dma_semaphore, #tpu.memory_space<semaphore_mem>>) {add = true}
        %dma_wait3A_1046 = arith.constant 0 : i32
        %dma_wait3A_1047 = arith.constant 0 : i32
        %dma_wait3A_1048 = arith.constant 0 : i32
        %dma_wait3A_1049 = arith.constant 0 : i32
        %dma_wait3A_1050 = tpu.memref_slice %arg8[%dma_wait3A_1046, %dma_wait3A_1047, %dma_wait3A_1048, %dma_wait3A_1049] : memref<2x25x1x80xi32, #tpu.memory_space<vmem>> -> memref<1x1x1x80xi32, #tpu.memory_space<vmem>>
        %dma_wait3A_1051 = tpu.memref_squeeze %dma_wait3A_1050 : memref<1x1x1x80xi32, #tpu.memory_space<vmem>> -> memref<80xi32, #tpu.memory_space<vmem>>
        %dma_wait3A_1052 = arith.constant 0 : i32
        %dma_wait3A_1053 = arith.constant 0 : i32
        %dma_wait3A_1054 = tpu.memref_slice %arg3[%dma_wait3A_1052, %dma_wait3A_1053] : memref<10000x128xf32, #tpu.memory_space<hbm>> -> memref<10000x128xf32, #tpu.memory_space<hbm>>
        tpu.wait_indirect_dma semaphore(%arg13 : memref<!tpu.dma_semaphore, #tpu.memory_space<semaphore_mem>>) src(%dma_wait3A_1054 : memref<10000x128xf32, #tpu.memory_space<hbm>>) dst(%arg10 : memref<80x128xf32, #tpu.memory_space<vmem>>)
        %dma_wait3A_1055 = arith.constant 0 : i32
        %dma_wait3A_1056 = arith.constant 0 : i32
        %dma_wait3A_1057 = arith.constant 0 : i32
        %dma_wait3A_1058 = arith.constant 0 : i32
        %dma_wait3A_1059 = tpu.memref_slice %arg9[%dma_wait3A_1055, %dma_wait3A_1056, %dma_wait3A_1057, %dma_wait3A_1058] : memref<2x25x1x80xi32, #tpu.memory_space<vmem>> -> memref<1x1x1x80xi32, #tpu.memory_space<vmem>>
        %dma_wait3A_1060 = tpu.memref_squeeze %dma_wait3A_1059 : memref<1x1x1x80xi32, #tpu.memory_space<vmem>> -> memref<80xi32, #tpu.memory_space<vmem>>
        %dma_wait3A_1061 = arith.constant 0 : i32
        %dma_wait3A_1062 = arith.constant 0 : i32
        %dma_wait3A_1063 = tpu.memref_slice %arg12[%dma_wait3A_1061, %dma_wait3A_1062] : memref<10000x128xf32, #tpu.memory_space<vmem_shared>> -> memref<10000x128xf32, #tpu.memory_space<vmem_shared>>
        tpu.wait_indirect_dma semaphore(%arg14 : memref<!tpu.dma_semaphore, #tpu.memory_space<semaphore_mem>>) src(%arg11 : memref<80x128xf32, #tpu.memory_space<vmem>>) dst(%dma_wait3A_1063 : memref<10000x128xf32, #tpu.memory_space<vmem_shared>>)
        %add3A_1064 = arith.constant 2 : i32
        %add3A_1065 = arith.addi %add3A_1009, %add3A_1064 : i32
        %dma_start3A_1066 = arith.constant 0 : i32
        %dma_start3A_1067 = arith.constant 0 : i32
        %dma_start3A_1068 = arith.constant 0 : i32
        %dma_start3A_1069 = tpu.memref_slice %arg8[%dma_start3A_1066, %add3A_1065, %dma_start3A_1067, %dma_start3A_1068] : memref<2x25x1x80xi32, #tpu.memory_space<vmem>> -> memref<1x1x1x80xi32, #tpu.memory_space<vmem>>
        %dma_start3A_1070 = tpu.memref_squeeze %dma_start3A_1069 : memref<1x1x1x80xi32, #tpu.memory_space<vmem>> -> memref<80xi32, #tpu.memory_space<vmem>>
        %dma_start3A_1071 = arith.constant 0 : i32
        %dma_start3A_1072 = arith.constant 0 : i32
        %dma_start3A_1073 = tpu.memref_slice %arg3[%dma_start3A_1071, %dma_start3A_1072] : memref<10000x128xf32, #tpu.memory_space<hbm>> -> memref<10000x128xf32, #tpu.memory_space<hbm>>
        tpu.enqueue_indirect_dma source(%dma_start3A_1073 : memref<10000x128xf32, #tpu.memory_space<hbm>>) target(%arg11 : memref<80x128xf32, #tpu.memory_space<vmem>>) offsets(%dma_start3A_1070 : memref<80xi32, #tpu.memory_space<vmem>>) semaphore(%arg13 : memref<!tpu.dma_semaphore, #tpu.memory_space<semaphore_mem>>)
        %add3A_1074 = arith.constant 1 : i32
        %add3A_1075 = arith.addi %add3A_1009, %add3A_1074 : i32
        %dma_start3A_1076 = arith.constant 0 : i32
        %dma_start3A_1077 = arith.constant 0 : i32
        %dma_start3A_1078 = arith.constant 0 : i32
        %dma_start3A_1079 = tpu.memref_slice %arg9[%dma_start3A_1076, %add3A_1075, %dma_start3A_1077, %dma_start3A_1078] : memref<2x25x1x80xi32, #tpu.memory_space<vmem>> -> memref<1x1x1x80xi32, #tpu.memory_space<vmem>>
        %dma_start3A_1080 = tpu.memref_squeeze %dma_start3A_1079 : memref<1x1x1x80xi32, #tpu.memory_space<vmem>> -> memref<80xi32, #tpu.memory_space<vmem>>
        %dma_start3A_1081 = arith.constant 0 : i32
        %dma_start3A_1082 = arith.constant 0 : i32
        %dma_start3A_1083 = tpu.memref_slice %arg12[%dma_start3A_1081, %dma_start3A_1082] : memref<10000x128xf32, #tpu.memory_space<vmem_shared>> -> memref<10000x128xf32, #tpu.memory_space<vmem_shared>>
        tpu.enqueue_indirect_dma source(%arg10 : memref<80x128xf32, #tpu.memory_space<vmem>>) target(%dma_start3A_1083 : memref<10000x128xf32, #tpu.memory_space<vmem_shared>>) offsets(%dma_start3A_1080 : memref<80xi32, #tpu.memory_space<vmem>>) semaphore(%arg14 : memref<!tpu.dma_semaphore, #tpu.memory_space<semaphore_mem>>) {add = true}
      }
      %scan3A_573 = arith.constant 11 : i32
      %dma_wait3A_574 = arith.constant 0 : i32
      %dma_wait3A_575 = arith.constant 0 : i32
      %dma_wait3A_576 = arith.constant 0 : i32
      %dma_wait3A_577 = arith.constant 0 : i32
      %dma_wait3A_578 = tpu.memref_slice %arg8[%dma_wait3A_574, %dma_wait3A_575, %dma_wait3A_576, %dma_wait3A_577] : memref<2x25x1x80xi32, #tpu.memory_space<vmem>> -> memref<1x1x1x80xi32, #tpu.memory_space<vmem>>
      %dma_wait3A_579 = tpu.memref_squeeze %dma_wait3A_578 : memref<1x1x1x80xi32, #tpu.memory_space<vmem>> -> memref<80xi32, #tpu.memory_space<vmem>>
      %dma_wait3A_580 = arith.constant 0 : i32
      %dma_wait3A_581 = arith.constant 0 : i32
      %dma_wait3A_582 = tpu.memref_slice %arg3[%dma_wait3A_580, %dma_wait3A_581] : memref<10000x128xf32, #tpu.memory_space<hbm>> -> memref<10000x128xf32, #tpu.memory_space<hbm>>
      tpu.wait_indirect_dma semaphore(%arg13 : memref<!tpu.dma_semaphore, #tpu.memory_space<semaphore_mem>>) src(%dma_wait3A_582 : memref<10000x128xf32, #tpu.memory_space<hbm>>) dst(%arg11 : memref<80x128xf32, #tpu.memory_space<vmem>>)
      %dma_wait3A_583 = arith.constant 0 : i32
      %dma_wait3A_584 = arith.constant 0 : i32
      %dma_wait3A_585 = arith.constant 0 : i32
      %dma_wait3A_586 = arith.constant 0 : i32
      %dma_wait3A_587 = tpu.memref_slice %arg9[%dma_wait3A_583, %dma_wait3A_584, %dma_wait3A_585, %dma_wait3A_586] : memref<2x25x1x80xi32, #tpu.memory_space<vmem>> -> memref<1x1x1x80xi32, #tpu.memory_space<vmem>>
      %dma_wait3A_588 = tpu.memref_squeeze %dma_wait3A_587 : memref<1x1x1x80xi32, #tpu.memory_space<vmem>> -> memref<80xi32, #tpu.memory_space<vmem>>
      %dma_wait3A_589 = arith.constant 0 : i32
      %dma_wait3A_590 = arith.constant 0 : i32
      %dma_wait3A_591 = tpu.memref_slice %arg12[%dma_wait3A_589, %dma_wait3A_590] : memref<10000x128xf32, #tpu.memory_space<vmem_shared>> -> memref<10000x128xf32, #tpu.memory_space<vmem_shared>>
      tpu.wait_indirect_dma semaphore(%arg14 : memref<!tpu.dma_semaphore, #tpu.memory_space<semaphore_mem>>) src(%arg10 : memref<80x128xf32, #tpu.memory_space<vmem>>) dst(%dma_wait3A_591 : memref<10000x128xf32, #tpu.memory_space<vmem_shared>>)
      %dma_start3A_592 = arith.constant 0 : i32
      %dma_start3A_593 = arith.constant 24 : i32
      %dma_start3A_594 = arith.constant 0 : i32
      %dma_start3A_595 = arith.constant 0 : i32
      %dma_start3A_596 = tpu.memref_slice %arg8[%dma_start3A_592, %dma_start3A_593, %dma_start3A_594, %dma_start3A_595] : memref<2x25x1x80xi32, #tpu.memory_space<vmem>> -> memref<1x1x1x80xi32, #tpu.memory_space<vmem>>
      %dma_start3A_597 = tpu.memref_squeeze %dma_start3A_596 : memref<1x1x1x80xi32, #tpu.memory_space<vmem>> -> memref<80xi32, #tpu.memory_space<vmem>>
      %dma_start3A_598 = arith.constant 0 : i32
      %dma_start3A_599 = arith.constant 0 : i32
      %dma_start3A_600 = tpu.memref_slice %arg3[%dma_start3A_598, %dma_start3A_599] : memref<10000x128xf32, #tpu.memory_space<hbm>> -> memref<10000x128xf32, #tpu.memory_space<hbm>>
      tpu.enqueue_indirect_dma source(%dma_start3A_600 : memref<10000x128xf32, #tpu.memory_space<hbm>>) target(%arg10 : memref<80x128xf32, #tpu.memory_space<vmem>>) offsets(%dma_start3A_597 : memref<80xi32, #tpu.memory_space<vmem>>) semaphore(%arg13 : memref<!tpu.dma_semaphore, #tpu.memory_space<semaphore_mem>>)
      %dma_start3A_601 = arith.constant 0 : i32
      %dma_start3A_602 = arith.constant 23 : i32
      %dma_start3A_603 = arith.constant 0 : i32
      %dma_start3A_604 = arith.constant 0 : i32
      %dma_start3A_605 = tpu.memref_slice %arg9[%dma_start3A_601, %dma_start3A_602, %dma_start3A_603, %dma_start3A_604] : memref<2x25x1x80xi32, #tpu.memory_space<vmem>> -> memref<1x1x1x80xi32, #tpu.memory_space<vmem>>
      %dma_start3A_606 = tpu.memref_squeeze %dma_start3A_605 : memref<1x1x1x80xi32, #tpu.memory_space<vmem>> -> memref<80xi32, #tpu.memory_space<vmem>>
      %dma_start3A_607 = arith.constant 0 : i32
      %dma_start3A_608 = arith.constant 0 : i32
      %dma_start3A_609 = tpu.memref_slice %arg12[%dma_start3A_607, %dma_start3A_608] : memref<10000x128xf32, #tpu.memory_space<vmem_shared>> -> memref<10000x128xf32, #tpu.memory_space<vmem_shared>>
      tpu.enqueue_indirect_dma source(%arg11 : memref<80x128xf32, #tpu.memory_space<vmem>>) target(%dma_start3A_609 : memref<10000x128xf32, #tpu.memory_space<vmem_shared>>) offsets(%dma_start3A_606 : memref<80xi32, #tpu.memory_space<vmem>>) semaphore(%arg14 : memref<!tpu.dma_semaphore, #tpu.memory_space<semaphore_mem>>) {add = true}
      %dma_wait3A_610 = arith.constant 0 : i32
      %dma_wait3A_611 = arith.constant 0 : i32
      %dma_wait3A_612 = arith.constant 0 : i32
      %dma_wait3A_613 = arith.constant 0 : i32
      %dma_wait3A_614 = tpu.memref_slice %arg8[%dma_wait3A_610, %dma_wait3A_611, %dma_wait3A_612, %dma_wait3A_613] : memref<2x25x1x80xi32, #tpu.memory_space<vmem>> -> memref<1x1x1x80xi32, #tpu.memory_space<vmem>>
      %dma_wait3A_615 = tpu.memref_squeeze %dma_wait3A_614 : memref<1x1x1x80xi32, #tpu.memory_space<vmem>> -> memref<80xi32, #tpu.memory_space<vmem>>
      %dma_wait3A_616 = arith.constant 0 : i32
      %dma_wait3A_617 = arith.constant 0 : i32
      %dma_wait3A_618 = tpu.memref_slice %arg3[%dma_wait3A_616, %dma_wait3A_617] : memref<10000x128xf32, #tpu.memory_space<hbm>> -> memref<10000x128xf32, #tpu.memory_space<hbm>>
      tpu.wait_indirect_dma semaphore(%arg13 : memref<!tpu.dma_semaphore, #tpu.memory_space<semaphore_mem>>) src(%dma_wait3A_618 : memref<10000x128xf32, #tpu.memory_space<hbm>>) dst(%arg10 : memref<80x128xf32, #tpu.memory_space<vmem>>)
      %dma_wait3A_619 = arith.constant 0 : i32
      %dma_wait3A_620 = arith.constant 0 : i32
      %dma_wait3A_621 = arith.constant 0 : i32
      %dma_wait3A_622 = arith.constant 0 : i32
      %dma_wait3A_623 = tpu.memref_slice %arg9[%dma_wait3A_619, %dma_wait3A_620, %dma_wait3A_621, %dma_wait3A_622] : memref<2x25x1x80xi32, #tpu.memory_space<vmem>> -> memref<1x1x1x80xi32, #tpu.memory_space<vmem>>
      %dma_wait3A_624 = tpu.memref_squeeze %dma_wait3A_623 : memref<1x1x1x80xi32, #tpu.memory_space<vmem>> -> memref<80xi32, #tpu.memory_space<vmem>>
      %dma_wait3A_625 = arith.constant 0 : i32
      %dma_wait3A_626 = arith.constant 0 : i32
      %dma_wait3A_627 = tpu.memref_slice %arg12[%dma_wait3A_625, %dma_wait3A_626] : memref<10000x128xf32, #tpu.memory_space<vmem_shared>> -> memref<10000x128xf32, #tpu.memory_space<vmem_shared>>
      tpu.wait_indirect_dma semaphore(%arg14 : memref<!tpu.dma_semaphore, #tpu.memory_space<semaphore_mem>>) src(%arg11 : memref<80x128xf32, #tpu.memory_space<vmem>>) dst(%dma_wait3A_627 : memref<10000x128xf32, #tpu.memory_space<vmem_shared>>)
      %dma_start3A_628 = arith.constant 0 : i32
      %dma_start3A_629 = arith.constant 24 : i32
      %dma_start3A_630 = arith.constant 0 : i32
      %dma_start3A_631 = arith.constant 0 : i32
      %dma_start3A_632 = tpu.memref_slice %arg9[%dma_start3A_628, %dma_start3A_629, %dma_start3A_630, %dma_start3A_631] : memref<2x25x1x80xi32, #tpu.memory_space<vmem>> -> memref<1x1x1x80xi32, #tpu.memory_space<vmem>>
      %dma_start3A_633 = tpu.memref_squeeze %dma_start3A_632 : memref<1x1x1x80xi32, #tpu.memory_space<vmem>> -> memref<80xi32, #tpu.memory_space<vmem>>
      %dma_start3A_634 = arith.constant 0 : i32
      %dma_start3A_635 = arith.constant 0 : i32
      %dma_start3A_636 = tpu.memref_slice %arg12[%dma_start3A_634, %dma_start3A_635] : memref<10000x128xf32, #tpu.memory_space<vmem_shared>> -> memref<10000x128xf32, #tpu.memory_space<vmem_shared>>
      tpu.enqueue_indirect_dma source(%arg10 : memref<80x128xf32, #tpu.memory_space<vmem>>) target(%dma_start3A_636 : memref<10000x128xf32, #tpu.memory_space<vmem_shared>>) offsets(%dma_start3A_633 : memref<80xi32, #tpu.memory_space<vmem>>) semaphore(%arg14 : memref<!tpu.dma_semaphore, #tpu.memory_space<semaphore_mem>>) {add = true}
      %dma_wait3A_637 = arith.constant 0 : i32
      %dma_wait3A_638 = arith.constant 0 : i32
      %dma_wait3A_639 = arith.constant 0 : i32
      %dma_wait3A_640 = arith.constant 0 : i32
      %dma_wait3A_641 = tpu.memref_slice %arg9[%dma_wait3A_637, %dma_wait3A_638, %dma_wait3A_639, %dma_wait3A_640] : memref<2x25x1x80xi32, #tpu.memory_space<vmem>> -> memref<1x1x1x80xi32, #tpu.memory_space<vmem>>
      %dma_wait3A_642 = tpu.memref_squeeze %dma_wait3A_641 : memref<1x1x1x80xi32, #tpu.memory_space<vmem>> -> memref<80xi32, #tpu.memory_space<vmem>>
      %dma_wait3A_643 = arith.constant 0 : i32
      %dma_wait3A_644 = arith.constant 0 : i32
      %dma_wait3A_645 = tpu.memref_slice %arg12[%dma_wait3A_643, %dma_wait3A_644] : memref<10000x128xf32, #tpu.memory_space<vmem_shared>> -> memref<10000x128xf32, #tpu.memory_space<vmem_shared>>
      tpu.wait_indirect_dma semaphore(%arg14 : memref<!tpu.dma_semaphore, #tpu.memory_space<semaphore_mem>>) src(%arg10 : memref<80x128xf32, #tpu.memory_space<vmem>>) dst(%dma_wait3A_645 : memref<10000x128xf32, #tpu.memory_space<vmem_shared>>)
      %dma_wait3A_646 = arith.constant 0 : i32
      %dma_wait3A_647 = arith.constant 0 : i32
      %dma_wait3A_648 = arith.constant 0 : i32
      %dma_wait3A_649 = arith.constant 0 : i32
      %dma_wait3A_650 = tpu.memref_slice %arg8[%dma_wait3A_646, %dma_wait3A_647, %dma_wait3A_648, %dma_wait3A_649] : memref<2x25x1x80xi32, #tpu.memory_space<vmem>> -> memref<1x25x1x80xi32, #tpu.memory_space<vmem>>
      %dma_wait3A_651 = tpu.memref_squeeze %dma_wait3A_650 : memref<1x25x1x80xi32, #tpu.memory_space<vmem>> -> memref<25x1x80xi32, #tpu.memory_space<vmem>>
      %dma_wait3A_652 = arith.constant 0 : i32
      %dma_wait3A_653 = arith.constant 0 : i32
      %dma_wait3A_654 = arith.constant 0 : i32
      %dma_wait3A_655 = tpu.memref_slice %arg4[%arg1, %dma_wait3A_652, %dma_wait3A_653, %dma_wait3A_654] : memref<16x125x1x80xi32, #tpu.memory_space<hbm>> -> memref<1x25x1x80xi32, #tpu.memory_space<hbm>>
      %dma_wait3A_656 = tpu.memref_squeeze %dma_wait3A_655 : memref<1x25x1x80xi32, #tpu.memory_space<hbm>> -> memref<25x1x80xi32, #tpu.memory_space<hbm>>
      %dma_wait3A_657 = arith.constant 0 : i32
      %dma_wait3A_658 = arith.constant 0 : i32
      %dma_wait3A_659 = arith.constant 0 : i32
      %dma_wait3A_660 = tpu.memref_slice %arg8[%dma_wait3A_646, %dma_wait3A_657, %dma_wait3A_658, %dma_wait3A_659] : memref<2x25x1x80xi32, #tpu.memory_space<vmem>> -> memref<1x25x1x80xi32, #tpu.memory_space<vmem>>
      %dma_wait3A_661 = tpu.memref_squeeze %dma_wait3A_660 : memref<1x25x1x80xi32, #tpu.memory_space<vmem>> -> memref<25x1x80xi32, #tpu.memory_space<vmem>>
      %dma_wait3A_662 = arith.constant 0 : i32
      %dma_wait3A_663 = arith.constant 0 : i32
      %dma_wait3A_664 = arith.constant 0 : i32
      %dma_wait3A_665 = tpu.memref_slice %arg4[%arg1, %dma_wait3A_662, %dma_wait3A_663, %dma_wait3A_664] : memref<16x125x1x80xi32, #tpu.memory_space<hbm>> -> memref<1x25x1x80xi32, #tpu.memory_space<hbm>>
      %dma_wait3A_666 = tpu.memref_squeeze %dma_wait3A_665 : memref<1x25x1x80xi32, #tpu.memory_space<hbm>> -> memref<25x1x80xi32, #tpu.memory_space<hbm>>
      tpu.wait_dma2 semaphore(%arg15 : memref<!tpu.dma_semaphore, #tpu.memory_space<semaphore_mem>>) src(%dma_wait3A_666 : memref<25x1x80xi32, #tpu.memory_space<hbm>>) dst(%dma_wait3A_661 : memref<25x1x80xi32, #tpu.memory_space<vmem>>)
      %dma_wait3A_667 = arith.constant 0 : i32
      %dma_wait3A_668 = arith.constant 0 : i32
      %dma_wait3A_669 = arith.constant 0 : i32
      %dma_wait3A_670 = arith.constant 0 : i32
      %dma_wait3A_671 = tpu.memref_slice %arg9[%dma_wait3A_667, %dma_wait3A_668, %dma_wait3A_669, %dma_wait3A_670] : memref<2x25x1x80xi32, #tpu.memory_space<vmem>> -> memref<1x25x1x80xi32, #tpu.memory_space<vmem>>
      %dma_wait3A_672 = tpu.memref_squeeze %dma_wait3A_671 : memref<1x25x1x80xi32, #tpu.memory_space<vmem>> -> memref<25x1x80xi32, #tpu.memory_space<vmem>>
      %dma_wait3A_673 = arith.constant 0 : i32
      %dma_wait3A_674 = arith.constant 0 : i32
      %dma_wait3A_675 = arith.constant 0 : i32
      %dma_wait3A_676 = tpu.memref_slice %arg4[%arg1, %dma_wait3A_673, %dma_wait3A_674, %dma_wait3A_675] : memref<16x125x1x80xi32, #tpu.memory_space<hbm>> -> memref<1x25x1x80xi32, #tpu.memory_space<hbm>>
      %dma_wait3A_677 = tpu.memref_squeeze %dma_wait3A_676 : memref<1x25x1x80xi32, #tpu.memory_space<hbm>> -> memref<25x1x80xi32, #tpu.memory_space<hbm>>
      %dma_wait3A_678 = arith.constant 0 : i32
      %dma_wait3A_679 = arith.constant 0 : i32
      %dma_wait3A_680 = arith.constant 0 : i32
      %dma_wait3A_681 = tpu.memref_slice %arg9[%dma_wait3A_667, %dma_wait3A_678, %dma_wait3A_679, %dma_wait3A_680] : memref<2x25x1x80xi32, #tpu.memory_space<vmem>> -> memref<1x25x1x80xi32, #tpu.memory_space<vmem>>
      %dma_wait3A_682 = tpu.memref_squeeze %dma_wait3A_681 : memref<1x25x1x80xi32, #tpu.memory_space<vmem>> -> memref<25x1x80xi32, #tpu.memory_space<vmem>>
      %dma_wait3A_683 = arith.constant 0 : i32
      %dma_wait3A_684 = arith.constant 0 : i32
      %dma_wait3A_685 = arith.constant 0 : i32
      %dma_wait3A_686 = tpu.memref_slice %arg4[%arg1, %dma_wait3A_683, %dma_wait3A_684, %dma_wait3A_685] : memref<16x125x1x80xi32, #tpu.memory_space<hbm>> -> memref<1x25x1x80xi32, #tpu.memory_space<hbm>>
      %dma_wait3A_687 = tpu.memref_squeeze %dma_wait3A_686 : memref<1x25x1x80xi32, #tpu.memory_space<hbm>> -> memref<25x1x80xi32, #tpu.memory_space<hbm>>
      tpu.wait_dma2 semaphore(%arg15 : memref<!tpu.dma_semaphore, #tpu.memory_space<semaphore_mem>>) src(%dma_wait3A_687 : memref<25x1x80xi32, #tpu.memory_space<hbm>>) dst(%dma_wait3A_682 : memref<25x1x80xi32, #tpu.memory_space<vmem>>)
      %dma_start3A_688 = arith.constant 0 : i32
      %dma_start3A_689 = arith.constant 0 : i32
      %dma_start3A_690 = arith.constant 0 : i32
      %dma_start3A_691 = arith.constant 0 : i32
      %dma_start3A_692 = tpu.memref_slice %arg8[%dma_start3A_688, %dma_start3A_689, %dma_start3A_690, %dma_start3A_691] : memref<2x25x1x80xi32, #tpu.memory_space<vmem>> -> memref<1x25x1x80xi32, #tpu.memory_space<vmem>>
      %dma_start3A_693 = tpu.memref_squeeze %dma_start3A_692 : memref<1x25x1x80xi32, #tpu.memory_space<vmem>> -> memref<25x1x80xi32, #tpu.memory_space<vmem>>
      %dma_start3A_694 = arith.constant 100 : i32
      %dma_start3A_695 = arith.constant 0 : i32
      %dma_start3A_696 = arith.constant 0 : i32
      %dma_start3A_697 = tpu.memref_slice %arg4[%arg1, %dma_start3A_694, %dma_start3A_695, %dma_start3A_696] : memref<16x125x1x80xi32, #tpu.memory_space<hbm>> -> memref<1x25x1x80xi32, #tpu.memory_space<hbm>>
      %dma_start3A_698 = tpu.memref_squeeze %dma_start3A_697 : memref<1x25x1x80xi32, #tpu.memory_space<hbm>> -> memref<25x1x80xi32, #tpu.memory_space<hbm>>
      %dma_start3A_699 = arith.constant 0 : i32
      %dma_start3A_700 = arith.constant 0 : i32
      %dma_start3A_701 = arith.constant 0 : i32
      %dma_start3A_702 = tpu.memref_slice %arg8[%dma_start3A_688, %dma_start3A_699, %dma_start3A_700, %dma_start3A_701] : memref<2x25x1x80xi32, #tpu.memory_space<vmem>> -> memref<1x25x1x80xi32, #tpu.memory_space<vmem>>
      %dma_start3A_703 = tpu.memref_squeeze %dma_start3A_702 : memref<1x25x1x80xi32, #tpu.memory_space<vmem>> -> memref<25x1x80xi32, #tpu.memory_space<vmem>>
      %dma_start3A_704 = arith.constant 100 : i32
      %dma_start3A_705 = arith.constant 0 : i32
      %dma_start3A_706 = arith.constant 0 : i32
      %dma_start3A_707 = tpu.memref_slice %arg4[%arg1, %dma_start3A_704, %dma_start3A_705, %dma_start3A_706] : memref<16x125x1x80xi32, #tpu.memory_space<hbm>> -> memref<1x25x1x80xi32, #tpu.memory_space<hbm>>
      %dma_start3A_708 = tpu.memref_squeeze %dma_start3A_707 : memref<1x25x1x80xi32, #tpu.memory_space<hbm>> -> memref<25x1x80xi32, #tpu.memory_space<hbm>>
      tpu.enqueue_dma source(%dma_start3A_708 : memref<25x1x80xi32, #tpu.memory_space<hbm>>) target(%dma_start3A_703 : memref<25x1x80xi32, #tpu.memory_space<vmem>>) target_semaphore(%arg15 : memref<!tpu.dma_semaphore, #tpu.memory_space<semaphore_mem>>)
      %dma_start3A_709 = arith.constant 0 : i32
      %dma_start3A_710 = arith.constant 0 : i32
      %dma_start3A_711 = arith.constant 0 : i32
      %dma_start3A_712 = arith.constant 0 : i32
      %dma_start3A_713 = tpu.memref_slice %arg9[%dma_start3A_709, %dma_start3A_710, %dma_start3A_711, %dma_start3A_712] : memref<2x25x1x80xi32, #tpu.memory_space<vmem>> -> memref<1x25x1x80xi32, #tpu.memory_space<vmem>>
      %dma_start3A_714 = tpu.memref_squeeze %dma_start3A_713 : memref<1x25x1x80xi32, #tpu.memory_space<vmem>> -> memref<25x1x80xi32, #tpu.memory_space<vmem>>
      %dma_start3A_715 = arith.constant 100 : i32
      %dma_start3A_716 = arith.constant 0 : i32
      %dma_start3A_717 = arith.constant 0 : i32
      %dma_start3A_718 = tpu.memref_slice %arg5[%arg1, %dma_start3A_715, %dma_start3A_716, %dma_start3A_717] : memref<16x125x1x80xi32, #tpu.memory_space<hbm>> -> memref<1x25x1x80xi32, #tpu.memory_space<hbm>>
      %dma_start3A_719 = tpu.memref_squeeze %dma_start3A_718 : memref<1x25x1x80xi32, #tpu.memory_space<hbm>> -> memref<25x1x80xi32, #tpu.memory_space<hbm>>
      %dma_start3A_720 = arith.constant 0 : i32
      %dma_start3A_721 = arith.constant 0 : i32
      %dma_start3A_722 = arith.constant 0 : i32
      %dma_start3A_723 = tpu.memref_slice %arg9[%dma_start3A_709, %dma_start3A_720, %dma_start3A_721, %dma_start3A_722] : memref<2x25x1x80xi32, #tpu.memory_space<vmem>> -> memref<1x25x1x80xi32, #tpu.memory_space<vmem>>
      %dma_start3A_724 = tpu.memref_squeeze %dma_start3A_723 : memref<1x25x1x80xi32, #tpu.memory_space<vmem>> -> memref<25x1x80xi32, #tpu.memory_space<vmem>>
      %dma_start3A_725 = arith.constant 100 : i32
      %dma_start3A_726 = arith.constant 0 : i32
      %dma_start3A_727 = arith.constant 0 : i32
      %dma_start3A_728 = tpu.memref_slice %arg5[%arg1, %dma_start3A_725, %dma_start3A_726, %dma_start3A_727] : memref<16x125x1x80xi32, #tpu.memory_space<hbm>> -> memref<1x25x1x80xi32, #tpu.memory_space<hbm>>
      %dma_start3A_729 = tpu.memref_squeeze %dma_start3A_728 : memref<1x25x1x80xi32, #tpu.memory_space<hbm>> -> memref<25x1x80xi32, #tpu.memory_space<hbm>>
      tpu.enqueue_dma source(%dma_start3A_729 : memref<25x1x80xi32, #tpu.memory_space<hbm>>) target(%dma_start3A_724 : memref<25x1x80xi32, #tpu.memory_space<vmem>>) target_semaphore(%arg15 : memref<!tpu.dma_semaphore, #tpu.memory_space<semaphore_mem>>)
      %dma_start3A_730 = arith.constant 1 : i32
      %dma_start3A_731 = arith.constant 0 : i32
      %dma_start3A_732 = arith.constant 0 : i32
      %dma_start3A_733 = arith.constant 0 : i32
      %dma_start3A_734 = tpu.memref_slice %arg8[%dma_start3A_730, %dma_start3A_731, %dma_start3A_732, %dma_start3A_733] : memref<2x25x1x80xi32, #tpu.memory_space<vmem>> -> memref<1x1x1x80xi32, #tpu.memory_space<vmem>>
      %dma_start3A_735 = tpu.memref_squeeze %dma_start3A_734 : memref<1x1x1x80xi32, #tpu.memory_space<vmem>> -> memref<80xi32, #tpu.memory_space<vmem>>
      %dma_start3A_736 = arith.constant 0 : i32
      %dma_start3A_737 = arith.constant 0 : i32
      %dma_start3A_738 = tpu.memref_slice %arg3[%dma_start3A_736, %dma_start3A_737] : memref<10000x128xf32, #tpu.memory_space<hbm>> -> memref<10000x128xf32, #tpu.memory_space<hbm>>
      tpu.enqueue_indirect_dma source(%dma_start3A_738 : memref<10000x128xf32, #tpu.memory_space<hbm>>) target(%arg10 : memref<80x128xf32, #tpu.memory_space<vmem>>) offsets(%dma_start3A_735 : memref<80xi32, #tpu.memory_space<vmem>>) semaphore(%arg13 : memref<!tpu.dma_semaphore, #tpu.memory_space<semaphore_mem>>)
      %dma_wait3A_739 = arith.constant 0 : i32
      %dma_wait3A_740 = arith.constant 0 : i32
      %dma_wait3A_741 = arith.constant 0 : i32
      %dma_wait3A_742 = arith.constant 0 : i32
      %dma_wait3A_743 = tpu.memref_slice %arg8[%dma_wait3A_739, %dma_wait3A_740, %dma_wait3A_741, %dma_wait3A_742] : memref<2x25x1x80xi32, #tpu.memory_space<vmem>> -> memref<1x1x1x80xi32, #tpu.memory_space<vmem>>
      %dma_wait3A_744 = tpu.memref_squeeze %dma_wait3A_743 : memref<1x1x1x80xi32, #tpu.memory_space<vmem>> -> memref<80xi32, #tpu.memory_space<vmem>>
      %dma_wait3A_745 = arith.constant 0 : i32
      %dma_wait3A_746 = arith.constant 0 : i32
      %dma_wait3A_747 = tpu.memref_slice %arg3[%dma_wait3A_745, %dma_wait3A_746] : memref<10000x128xf32, #tpu.memory_space<hbm>> -> memref<10000x128xf32, #tpu.memory_space<hbm>>
      tpu.wait_indirect_dma semaphore(%arg13 : memref<!tpu.dma_semaphore, #tpu.memory_space<semaphore_mem>>) src(%dma_wait3A_747 : memref<10000x128xf32, #tpu.memory_space<hbm>>) dst(%arg10 : memref<80x128xf32, #tpu.memory_space<vmem>>)
      %dma_start3A_748 = arith.constant 1 : i32
      %dma_start3A_749 = arith.constant 1 : i32
      %dma_start3A_750 = arith.constant 0 : i32
      %dma_start3A_751 = arith.constant 0 : i32
      %dma_start3A_752 = tpu.memref_slice %arg8[%dma_start3A_748, %dma_start3A_749, %dma_start3A_750, %dma_start3A_751] : memref<2x25x1x80xi32, #tpu.memory_space<vmem>> -> memref<1x1x1x80xi32, #tpu.memory_space<vmem>>
      %dma_start3A_753 = tpu.memref_squeeze %dma_start3A_752 : memref<1x1x1x80xi32, #tpu.memory_space<vmem>> -> memref<80xi32, #tpu.memory_space<vmem>>
      %dma_start3A_754 = arith.constant 0 : i32
      %dma_start3A_755 = arith.constant 0 : i32
      %dma_start3A_756 = tpu.memref_slice %arg3[%dma_start3A_754, %dma_start3A_755] : memref<10000x128xf32, #tpu.memory_space<hbm>> -> memref<10000x128xf32, #tpu.memory_space<hbm>>
      tpu.enqueue_indirect_dma source(%dma_start3A_756 : memref<10000x128xf32, #tpu.memory_space<hbm>>) target(%arg11 : memref<80x128xf32, #tpu.memory_space<vmem>>) offsets(%dma_start3A_753 : memref<80xi32, #tpu.memory_space<vmem>>) semaphore(%arg13 : memref<!tpu.dma_semaphore, #tpu.memory_space<semaphore_mem>>)
      %dma_start3A_757 = arith.constant 1 : i32
      %dma_start3A_758 = arith.constant 0 : i32
      %dma_start3A_759 = arith.constant 0 : i32
      %dma_start3A_760 = arith.constant 0 : i32
      %dma_start3A_761 = tpu.memref_slice %arg9[%dma_start3A_757, %dma_start3A_758, %dma_start3A_759, %dma_start3A_760] : memref<2x25x1x80xi32, #tpu.memory_space<vmem>> -> memref<1x1x1x80xi32, #tpu.memory_space<vmem>>
      %dma_start3A_762 = tpu.memref_squeeze %dma_start3A_761 : memref<1x1x1x80xi32, #tpu.memory_space<vmem>> -> memref<80xi32, #tpu.memory_space<vmem>>
      %dma_start3A_763 = arith.constant 0 : i32
      %dma_start3A_764 = arith.constant 0 : i32
      %dma_start3A_765 = tpu.memref_slice %arg12[%dma_start3A_763, %dma_start3A_764] : memref<10000x128xf32, #tpu.memory_space<vmem_shared>> -> memref<10000x128xf32, #tpu.memory_space<vmem_shared>>
      tpu.enqueue_indirect_dma source(%arg10 : memref<80x128xf32, #tpu.memory_space<vmem>>) target(%dma_start3A_765 : memref<10000x128xf32, #tpu.memory_space<vmem_shared>>) offsets(%dma_start3A_762 : memref<80xi32, #tpu.memory_space<vmem>>) semaphore(%arg14 : memref<!tpu.dma_semaphore, #tpu.memory_space<semaphore_mem>>) {add = true}
      %scan3A_766 = arith.constant 0 : i32
      %scan3A_767 = arith.constant 0 : i32
      %scan3A_768 = arith.constant 11 : i32
      %scan3A_769 = arith.addi %scan3A_767, %scan3A_768 : i32
      %scan3A_770 = arith.constant 1 : i32
      scf.for %scan3A_1006 = %scan3A_767 to %scan3A_769 step %scan3A_770  : i32 {
        %mul3A_1007 = arith.constant 2 : i32
        %mul3A_1008 = arith.muli %mul3A_1007, %scan3A_1006 : i32
        %add3A = arith.constant 1 : i32
        %add3A_1009 = arith.addi %add3A, %mul3A_1008 : i32
        %dma_wait3A_1010 = arith.constant 0 : i32
        %dma_wait3A_1011 = arith.constant 0 : i32
        %dma_wait3A_1012 = arith.constant 0 : i32
        %dma_wait3A_1013 = arith.constant 0 : i32
        %dma_wait3A_1014 = tpu.memref_slice %arg8[%dma_wait3A_1010, %dma_wait3A_1011, %dma_wait3A_1012, %dma_wait3A_1013] : memref<2x25x1x80xi32, #tpu.memory_space<vmem>> -> memref<1x1x1x80xi32, #tpu.memory_space<vmem>>
        %dma_wait3A_1015 = tpu.memref_squeeze %dma_wait3A_1014 : memref<1x1x1x80xi32, #tpu.memory_space<vmem>> -> memref<80xi32, #tpu.memory_space<vmem>>
        %dma_wait3A_1016 = arith.constant 0 : i32
        %dma_wait3A_1017 = arith.constant 0 : i32
        %dma_wait3A_1018 = tpu.memref_slice %arg3[%dma_wait3A_1016, %dma_wait3A_1017] : memref<10000x128xf32, #tpu.memory_space<hbm>> -> memref<10000x128xf32, #tpu.memory_space<hbm>>
        tpu.wait_indirect_dma semaphore(%arg13 : memref<!tpu.dma_semaphore, #tpu.memory_space<semaphore_mem>>) src(%dma_wait3A_1018 : memref<10000x128xf32, #tpu.memory_space<hbm>>) dst(%arg11 : memref<80x128xf32, #tpu.memory_space<vmem>>)
        %dma_wait3A_1019 = arith.constant 0 : i32
        %dma_wait3A_1020 = arith.constant 0 : i32
        %dma_wait3A_1021 = arith.constant 0 : i32
        %dma_wait3A_1022 = arith.constant 0 : i32
        %dma_wait3A_1023 = tpu.memref_slice %arg9[%dma_wait3A_1019, %dma_wait3A_1020, %dma_wait3A_1021, %dma_wait3A_1022] : memref<2x25x1x80xi32, #tpu.memory_space<vmem>> -> memref<1x1x1x80xi32, #tpu.memory_space<vmem>>
        %dma_wait3A_1024 = tpu.memref_squeeze %dma_wait3A_1023 : memref<1x1x1x80xi32, #tpu.memory_space<vmem>> -> memref<80xi32, #tpu.memory_space<vmem>>
        %dma_wait3A_1025 = arith.constant 0 : i32
        %dma_wait3A_1026 = arith.constant 0 : i32
        %dma_wait3A_1027 = tpu.memref_slice %arg12[%dma_wait3A_1025, %dma_wait3A_1026] : memref<10000x128xf32, #tpu.memory_space<vmem_shared>> -> memref<10000x128xf32, #tpu.memory_space<vmem_shared>>
        tpu.wait_indirect_dma semaphore(%arg14 : memref<!tpu.dma_semaphore, #tpu.memory_space<semaphore_mem>>) src(%arg10 : memref<80x128xf32, #tpu.memory_space<vmem>>) dst(%dma_wait3A_1027 : memref<10000x128xf32, #tpu.memory_space<vmem_shared>>)
        %add3A_1028 = arith.constant 1 : i32
        %add3A_1029 = arith.addi %add3A_1009, %add3A_1028 : i32
        %dma_start3A_1030 = arith.constant 1 : i32
        %dma_start3A_1031 = arith.constant 0 : i32
        %dma_start3A_1032 = arith.constant 0 : i32
        %dma_start3A_1033 = tpu.memref_slice %arg8[%dma_start3A_1030, %add3A_1029, %dma_start3A_1031, %dma_start3A_1032] : memref<2x25x1x80xi32, #tpu.memory_space<vmem>> -> memref<1x1x1x80xi32, #tpu.memory_space<vmem>>
        %dma_start3A_1034 = tpu.memref_squeeze %dma_start3A_1033 : memref<1x1x1x80xi32, #tpu.memory_space<vmem>> -> memref<80xi32, #tpu.memory_space<vmem>>
        %dma_start3A_1035 = arith.constant 0 : i32
        %dma_start3A_1036 = arith.constant 0 : i32
        %dma_start3A_1037 = tpu.memref_slice %arg3[%dma_start3A_1035, %dma_start3A_1036] : memref<10000x128xf32, #tpu.memory_space<hbm>> -> memref<10000x128xf32, #tpu.memory_space<hbm>>
        tpu.enqueue_indirect_dma source(%dma_start3A_1037 : memref<10000x128xf32, #tpu.memory_space<hbm>>) target(%arg10 : memref<80x128xf32, #tpu.memory_space<vmem>>) offsets(%dma_start3A_1034 : memref<80xi32, #tpu.memory_space<vmem>>) semaphore(%arg13 : memref<!tpu.dma_semaphore, #tpu.memory_space<semaphore_mem>>)
        %dma_start3A_1038 = arith.constant 1 : i32
        %dma_start3A_1039 = arith.constant 0 : i32
        %dma_start3A_1040 = arith.constant 0 : i32
        %dma_start3A_1041 = tpu.memref_slice %arg9[%dma_start3A_1038, %add3A_1009, %dma_start3A_1039, %dma_start3A_1040] : memref<2x25x1x80xi32, #tpu.memory_space<vmem>> -> memref<1x1x1x80xi32, #tpu.memory_space<vmem>>
        %dma_start3A_1042 = tpu.memref_squeeze %dma_start3A_1041 : memref<1x1x1x80xi32, #tpu.memory_space<vmem>> -> memref<80xi32, #tpu.memory_space<vmem>>
        %dma_start3A_1043 = arith.constant 0 : i32
        %dma_start3A_1044 = arith.constant 0 : i32
        %dma_start3A_1045 = tpu.memref_slice %arg12[%dma_start3A_1043, %dma_start3A_1044] : memref<10000x128xf32, #tpu.memory_space<vmem_shared>> -> memref<10000x128xf32, #tpu.memory_space<vmem_shared>>
        tpu.enqueue_indirect_dma source(%arg11 : memref<80x128xf32, #tpu.memory_space<vmem>>) target(%dma_start3A_1045 : memref<10000x128xf32, #tpu.memory_space<vmem_shared>>) offsets(%dma_start3A_1042 : memref<80xi32, #tpu.memory_space<vmem>>) semaphore(%arg14 : memref<!tpu.dma_semaphore, #tpu.memory_space<semaphore_mem>>) {add = true}
        %dma_wait3A_1046 = arith.constant 0 : i32
        %dma_wait3A_1047 = arith.constant 0 : i32
        %dma_wait3A_1048 = arith.constant 0 : i32
        %dma_wait3A_1049 = arith.constant 0 : i32
        %dma_wait3A_1050 = tpu.memref_slice %arg8[%dma_wait3A_1046, %dma_wait3A_1047, %dma_wait3A_1048, %dma_wait3A_1049] : memref<2x25x1x80xi32, #tpu.memory_space<vmem>> -> memref<1x1x1x80xi32, #tpu.memory_space<vmem>>
        %dma_wait3A_1051 = tpu.memref_squeeze %dma_wait3A_1050 : memref<1x1x1x80xi32, #tpu.memory_space<vmem>> -> memref<80xi32, #tpu.memory_space<vmem>>
        %dma_wait3A_1052 = arith.constant 0 : i32
        %dma_wait3A_1053 = arith.constant 0 : i32
        %dma_wait3A_1054 = tpu.memref_slice %arg3[%dma_wait3A_1052, %dma_wait3A_1053] : memref<10000x128xf32, #tpu.memory_space<hbm>> -> memref<10000x128xf32, #tpu.memory_space<hbm>>
        tpu.wait_indirect_dma semaphore(%arg13 : memref<!tpu.dma_semaphore, #tpu.memory_space<semaphore_mem>>) src(%dma_wait3A_1054 : memref<10000x128xf32, #tpu.memory_space<hbm>>) dst(%arg10 : memref<80x128xf32, #tpu.memory_space<vmem>>)
        %dma_wait3A_1055 = arith.constant 0 : i32
        %dma_wait3A_1056 = arith.constant 0 : i32
        %dma_wait3A_1057 = arith.constant 0 : i32
        %dma_wait3A_1058 = arith.constant 0 : i32
        %dma_wait3A_1059 = tpu.memref_slice %arg9[%dma_wait3A_1055, %dma_wait3A_1056, %dma_wait3A_1057, %dma_wait3A_1058] : memref<2x25x1x80xi32, #tpu.memory_space<vmem>> -> memref<1x1x1x80xi32, #tpu.memory_space<vmem>>
        %dma_wait3A_1060 = tpu.memref_squeeze %dma_wait3A_1059 : memref<1x1x1x80xi32, #tpu.memory_space<vmem>> -> memref<80xi32, #tpu.memory_space<vmem>>
        %dma_wait3A_1061 = arith.constant 0 : i32
        %dma_wait3A_1062 = arith.constant 0 : i32
        %dma_wait3A_1063 = tpu.memref_slice %arg12[%dma_wait3A_1061, %dma_wait3A_1062] : memref<10000x128xf32, #tpu.memory_space<vmem_shared>> -> memref<10000x128xf32, #tpu.memory_space<vmem_shared>>
        tpu.wait_indirect_dma semaphore(%arg14 : memref<!tpu.dma_semaphore, #tpu.memory_space<semaphore_mem>>) src(%arg11 : memref<80x128xf32, #tpu.memory_space<vmem>>) dst(%dma_wait3A_1063 : memref<10000x128xf32, #tpu.memory_space<vmem_shared>>)
        %add3A_1064 = arith.constant 2 : i32
        %add3A_1065 = arith.addi %add3A_1009, %add3A_1064 : i32
        %dma_start3A_1066 = arith.constant 1 : i32
        %dma_start3A_1067 = arith.constant 0 : i32
        %dma_start3A_1068 = arith.constant 0 : i32
        %dma_start3A_1069 = tpu.memref_slice %arg8[%dma_start3A_1066, %add3A_1065, %dma_start3A_1067, %dma_start3A_1068] : memref<2x25x1x80xi32, #tpu.memory_space<vmem>> -> memref<1x1x1x80xi32, #tpu.memory_space<vmem>>
        %dma_start3A_1070 = tpu.memref_squeeze %dma_start3A_1069 : memref<1x1x1x80xi32, #tpu.memory_space<vmem>> -> memref<80xi32, #tpu.memory_space<vmem>>
        %dma_start3A_1071 = arith.constant 0 : i32
        %dma_start3A_1072 = arith.constant 0 : i32
        %dma_start3A_1073 = tpu.memref_slice %arg3[%dma_start3A_1071, %dma_start3A_1072] : memref<10000x128xf32, #tpu.memory_space<hbm>> -> memref<10000x128xf32, #tpu.memory_space<hbm>>
        tpu.enqueue_indirect_dma source(%dma_start3A_1073 : memref<10000x128xf32, #tpu.memory_space<hbm>>) target(%arg11 : memref<80x128xf32, #tpu.memory_space<vmem>>) offsets(%dma_start3A_1070 : memref<80xi32, #tpu.memory_space<vmem>>) semaphore(%arg13 : memref<!tpu.dma_semaphore, #tpu.memory_space<semaphore_mem>>)
        %add3A_1074 = arith.constant 1 : i32
        %add3A_1075 = arith.addi %add3A_1009, %add3A_1074 : i32
        %dma_start3A_1076 = arith.constant 1 : i32
        %dma_start3A_1077 = arith.constant 0 : i32
        %dma_start3A_1078 = arith.constant 0 : i32
        %dma_start3A_1079 = tpu.memref_slice %arg9[%dma_start3A_1076, %add3A_1075, %dma_start3A_1077, %dma_start3A_1078] : memref<2x25x1x80xi32, #tpu.memory_space<vmem>> -> memref<1x1x1x80xi32, #tpu.memory_space<vmem>>
        %dma_start3A_1080 = tpu.memref_squeeze %dma_start3A_1079 : memref<1x1x1x80xi32, #tpu.memory_space<vmem>> -> memref<80xi32, #tpu.memory_space<vmem>>
        %dma_start3A_1081 = arith.constant 0 : i32
        %dma_start3A_1082 = arith.constant 0 : i32
        %dma_start3A_1083 = tpu.memref_slice %arg12[%dma_start3A_1081, %dma_start3A_1082] : memref<10000x128xf32, #tpu.memory_space<vmem_shared>> -> memref<10000x128xf32, #tpu.memory_space<vmem_shared>>
        tpu.enqueue_indirect_dma source(%arg10 : memref<80x128xf32, #tpu.memory_space<vmem>>) target(%dma_start3A_1083 : memref<10000x128xf32, #tpu.memory_space<vmem_shared>>) offsets(%dma_start3A_1080 : memref<80xi32, #tpu.memory_space<vmem>>) semaphore(%arg14 : memref<!tpu.dma_semaphore, #tpu.memory_space<semaphore_mem>>) {add = true}
      }
      %scan3A_771 = arith.constant 11 : i32
      %dma_wait3A_772 = arith.constant 0 : i32
      %dma_wait3A_773 = arith.constant 0 : i32
      %dma_wait3A_774 = arith.constant 0 : i32
      %dma_wait3A_775 = arith.constant 0 : i32
      %dma_wait3A_776 = tpu.memref_slice %arg8[%dma_wait3A_772, %dma_wait3A_773, %dma_wait3A_774, %dma_wait3A_775] : memref<2x25x1x80xi32, #tpu.memory_space<vmem>> -> memref<1x1x1x80xi32, #tpu.memory_space<vmem>>
      %dma_wait3A_777 = tpu.memref_squeeze %dma_wait3A_776 : memref<1x1x1x80xi32, #tpu.memory_space<vmem>> -> memref<80xi32, #tpu.memory_space<vmem>>
      %dma_wait3A_778 = arith.constant 0 : i32
      %dma_wait3A_779 = arith.constant 0 : i32
      %dma_wait3A_780 = tpu.memref_slice %arg3[%dma_wait3A_778, %dma_wait3A_779] : memref<10000x128xf32, #tpu.memory_space<hbm>> -> memref<10000x128xf32, #tpu.memory_space<hbm>>
      tpu.wait_indirect_dma semaphore(%arg13 : memref<!tpu.dma_semaphore, #tpu.memory_space<semaphore_mem>>) src(%dma_wait3A_780 : memref<10000x128xf32, #tpu.memory_space<hbm>>) dst(%arg11 : memref<80x128xf32, #tpu.memory_space<vmem>>)
      %dma_wait3A_781 = arith.constant 0 : i32
      %dma_wait3A_782 = arith.constant 0 : i32
      %dma_wait3A_783 = arith.constant 0 : i32
      %dma_wait3A_784 = arith.constant 0 : i32
      %dma_wait3A_785 = tpu.memref_slice %arg9[%dma_wait3A_781, %dma_wait3A_782, %dma_wait3A_783, %dma_wait3A_784] : memref<2x25x1x80xi32, #tpu.memory_space<vmem>> -> memref<1x1x1x80xi32, #tpu.memory_space<vmem>>
      %dma_wait3A_786 = tpu.memref_squeeze %dma_wait3A_785 : memref<1x1x1x80xi32, #tpu.memory_space<vmem>> -> memref<80xi32, #tpu.memory_space<vmem>>
      %dma_wait3A_787 = arith.constant 0 : i32
      %dma_wait3A_788 = arith.constant 0 : i32
      %dma_wait3A_789 = tpu.memref_slice %arg12[%dma_wait3A_787, %dma_wait3A_788] : memref<10000x128xf32, #tpu.memory_space<vmem_shared>> -> memref<10000x128xf32, #tpu.memory_space<vmem_shared>>
      tpu.wait_indirect_dma semaphore(%arg14 : memref<!tpu.dma_semaphore, #tpu.memory_space<semaphore_mem>>) src(%arg10 : memref<80x128xf32, #tpu.memory_space<vmem>>) dst(%dma_wait3A_789 : memref<10000x128xf32, #tpu.memory_space<vmem_shared>>)
      %dma_start3A_790 = arith.constant 1 : i32
      %dma_start3A_791 = arith.constant 24 : i32
      %dma_start3A_792 = arith.constant 0 : i32
      %dma_start3A_793 = arith.constant 0 : i32
      %dma_start3A_794 = tpu.memref_slice %arg8[%dma_start3A_790, %dma_start3A_791, %dma_start3A_792, %dma_start3A_793] : memref<2x25x1x80xi32, #tpu.memory_space<vmem>> -> memref<1x1x1x80xi32, #tpu.memory_space<vmem>>
      %dma_start3A_795 = tpu.memref_squeeze %dma_start3A_794 : memref<1x1x1x80xi32, #tpu.memory_space<vmem>> -> memref<80xi32, #tpu.memory_space<vmem>>
      %dma_start3A_796 = arith.constant 0 : i32
      %dma_start3A_797 = arith.constant 0 : i32
      %dma_start3A_798 = tpu.memref_slice %arg3[%dma_start3A_796, %dma_start3A_797] : memref<10000x128xf32, #tpu.memory_space<hbm>> -> memref<10000x128xf32, #tpu.memory_space<hbm>>
      tpu.enqueue_indirect_dma source(%dma_start3A_798 : memref<10000x128xf32, #tpu.memory_space<hbm>>) target(%arg10 : memref<80x128xf32, #tpu.memory_space<vmem>>) offsets(%dma_start3A_795 : memref<80xi32, #tpu.memory_space<vmem>>) semaphore(%arg13 : memref<!tpu.dma_semaphore, #tpu.memory_space<semaphore_mem>>)
      %dma_start3A_799 = arith.constant 1 : i32
      %dma_start3A_800 = arith.constant 23 : i32
      %dma_start3A_801 = arith.constant 0 : i32
      %dma_start3A_802 = arith.constant 0 : i32
      %dma_start3A_803 = tpu.memref_slice %arg9[%dma_start3A_799, %dma_start3A_800, %dma_start3A_801, %dma_start3A_802] : memref<2x25x1x80xi32, #tpu.memory_space<vmem>> -> memref<1x1x1x80xi32, #tpu.memory_space<vmem>>
      %dma_start3A_804 = tpu.memref_squeeze %dma_start3A_803 : memref<1x1x1x80xi32, #tpu.memory_space<vmem>> -> memref<80xi32, #tpu.memory_space<vmem>>
      %dma_start3A_805 = arith.constant 0 : i32
      %dma_start3A_806 = arith.constant 0 : i32
      %dma_start3A_807 = tpu.memref_slice %arg12[%dma_start3A_805, %dma_start3A_806] : memref<10000x128xf32, #tpu.memory_space<vmem_shared>> -> memref<10000x128xf32, #tpu.memory_space<vmem_shared>>
      tpu.enqueue_indirect_dma source(%arg11 : memref<80x128xf32, #tpu.memory_space<vmem>>) target(%dma_start3A_807 : memref<10000x128xf32, #tpu.memory_space<vmem_shared>>) offsets(%dma_start3A_804 : memref<80xi32, #tpu.memory_space<vmem>>) semaphore(%arg14 : memref<!tpu.dma_semaphore, #tpu.memory_space<semaphore_mem>>) {add = true}
      %dma_wait3A_808 = arith.constant 0 : i32
      %dma_wait3A_809 = arith.constant 0 : i32
      %dma_wait3A_810 = arith.constant 0 : i32
      %dma_wait3A_811 = arith.constant 0 : i32
      %dma_wait3A_812 = tpu.memref_slice %arg8[%dma_wait3A_808, %dma_wait3A_809, %dma_wait3A_810, %dma_wait3A_811] : memref<2x25x1x80xi32, #tpu.memory_space<vmem>> -> memref<1x1x1x80xi32, #tpu.memory_space<vmem>>
      %dma_wait3A_813 = tpu.memref_squeeze %dma_wait3A_812 : memref<1x1x1x80xi32, #tpu.memory_space<vmem>> -> memref<80xi32, #tpu.memory_space<vmem>>
      %dma_wait3A_814 = arith.constant 0 : i32
      %dma_wait3A_815 = arith.constant 0 : i32
      %dma_wait3A_816 = tpu.memref_slice %arg3[%dma_wait3A_814, %dma_wait3A_815] : memref<10000x128xf32, #tpu.memory_space<hbm>> -> memref<10000x128xf32, #tpu.memory_space<hbm>>
      tpu.wait_indirect_dma semaphore(%arg13 : memref<!tpu.dma_semaphore, #tpu.memory_space<semaphore_mem>>) src(%dma_wait3A_816 : memref<10000x128xf32, #tpu.memory_space<hbm>>) dst(%arg10 : memref<80x128xf32, #tpu.memory_space<vmem>>)
      %dma_wait3A_817 = arith.constant 0 : i32
      %dma_wait3A_818 = arith.constant 0 : i32
      %dma_wait3A_819 = arith.constant 0 : i32
      %dma_wait3A_820 = arith.constant 0 : i32
      %dma_wait3A_821 = tpu.memref_slice %arg9[%dma_wait3A_817, %dma_wait3A_818, %dma_wait3A_819, %dma_wait3A_820] : memref<2x25x1x80xi32, #tpu.memory_space<vmem>> -> memref<1x1x1x80xi32, #tpu.memory_space<vmem>>
      %dma_wait3A_822 = tpu.memref_squeeze %dma_wait3A_821 : memref<1x1x1x80xi32, #tpu.memory_space<vmem>> -> memref<80xi32, #tpu.memory_space<vmem>>
      %dma_wait3A_823 = arith.constant 0 : i32
      %dma_wait3A_824 = arith.constant 0 : i32
      %dma_wait3A_825 = tpu.memref_slice %arg12[%dma_wait3A_823, %dma_wait3A_824] : memref<10000x128xf32, #tpu.memory_space<vmem_shared>> -> memref<10000x128xf32, #tpu.memory_space<vmem_shared>>
      tpu.wait_indirect_dma semaphore(%arg14 : memref<!tpu.dma_semaphore, #tpu.memory_space<semaphore_mem>>) src(%arg11 : memref<80x128xf32, #tpu.memory_space<vmem>>) dst(%dma_wait3A_825 : memref<10000x128xf32, #tpu.memory_space<vmem_shared>>)
      %dma_start3A_826 = arith.constant 1 : i32
      %dma_start3A_827 = arith.constant 24 : i32
      %dma_start3A_828 = arith.constant 0 : i32
      %dma_start3A_829 = arith.constant 0 : i32
      %dma_start3A_830 = tpu.memref_slice %arg9[%dma_start3A_826, %dma_start3A_827, %dma_start3A_828, %dma_start3A_829] : memref<2x25x1x80xi32, #tpu.memory_space<vmem>> -> memref<1x1x1x80xi32, #tpu.memory_space<vmem>>
      %dma_start3A_831 = tpu.memref_squeeze %dma_start3A_830 : memref<1x1x1x80xi32, #tpu.memory_space<vmem>> -> memref<80xi32, #tpu.memory_space<vmem>>
      %dma_start3A_832 = arith.constant 0 : i32
      %dma_start3A_833 = arith.constant 0 : i32
      %dma_start3A_834 = tpu.memref_slice %arg12[%dma_start3A_832, %dma_start3A_833] : memref<10000x128xf32, #tpu.memory_space<vmem_shared>> -> memref<10000x128xf32, #tpu.memory_space<vmem_shared>>
      tpu.enqueue_indirect_dma source(%arg10 : memref<80x128xf32, #tpu.memory_space<vmem>>) target(%dma_start3A_834 : memref<10000x128xf32, #tpu.memory_space<vmem_shared>>) offsets(%dma_start3A_831 : memref<80xi32, #tpu.memory_space<vmem>>) semaphore(%arg14 : memref<!tpu.dma_semaphore, #tpu.memory_space<semaphore_mem>>) {add = true}
      %dma_wait3A_835 = arith.constant 0 : i32
      %dma_wait3A_836 = arith.constant 0 : i32
      %dma_wait3A_837 = arith.constant 0 : i32
      %dma_wait3A_838 = arith.constant 0 : i32
      %dma_wait3A_839 = tpu.memref_slice %arg9[%dma_wait3A_835, %dma_wait3A_836, %dma_wait3A_837, %dma_wait3A_838] : memref<2x25x1x80xi32, #tpu.memory_space<vmem>> -> memref<1x1x1x80xi32, #tpu.memory_space<vmem>>
      %dma_wait3A_840 = tpu.memref_squeeze %dma_wait3A_839 : memref<1x1x1x80xi32, #tpu.memory_space<vmem>> -> memref<80xi32, #tpu.memory_space<vmem>>
      %dma_wait3A_841 = arith.constant 0 : i32
      %dma_wait3A_842 = arith.constant 0 : i32
      %dma_wait3A_843 = tpu.memref_slice %arg12[%dma_wait3A_841, %dma_wait3A_842] : memref<10000x128xf32, #tpu.memory_space<vmem_shared>> -> memref<10000x128xf32, #tpu.memory_space<vmem_shared>>
      tpu.wait_indirect_dma semaphore(%arg14 : memref<!tpu.dma_semaphore, #tpu.memory_space<semaphore_mem>>) src(%arg10 : memref<80x128xf32, #tpu.memory_space<vmem>>) dst(%dma_wait3A_843 : memref<10000x128xf32, #tpu.memory_space<vmem_shared>>)
      %dma_wait3A_844 = arith.constant 0 : i32
      %dma_wait3A_845 = arith.constant 0 : i32
      %dma_wait3A_846 = arith.constant 0 : i32
      %dma_wait3A_847 = arith.constant 0 : i32
      %dma_wait3A_848 = tpu.memref_slice %arg8[%dma_wait3A_844, %dma_wait3A_845, %dma_wait3A_846, %dma_wait3A_847] : memref<2x25x1x80xi32, #tpu.memory_space<vmem>> -> memref<1x25x1x80xi32, #tpu.memory_space<vmem>>
      %dma_wait3A_849 = tpu.memref_squeeze %dma_wait3A_848 : memref<1x25x1x80xi32, #tpu.memory_space<vmem>> -> memref<25x1x80xi32, #tpu.memory_space<vmem>>
      %dma_wait3A_850 = arith.constant 0 : i32
      %dma_wait3A_851 = arith.constant 0 : i32
      %dma_wait3A_852 = arith.constant 0 : i32
      %dma_wait3A_853 = tpu.memref_slice %arg4[%arg1, %dma_wait3A_850, %dma_wait3A_851, %dma_wait3A_852] : memref<16x125x1x80xi32, #tpu.memory_space<hbm>> -> memref<1x25x1x80xi32, #tpu.memory_space<hbm>>
      %dma_wait3A_854 = tpu.memref_squeeze %dma_wait3A_853 : memref<1x25x1x80xi32, #tpu.memory_space<hbm>> -> memref<25x1x80xi32, #tpu.memory_space<hbm>>
      %dma_wait3A_855 = arith.constant 0 : i32
      %dma_wait3A_856 = arith.constant 0 : i32
      %dma_wait3A_857 = arith.constant 0 : i32
      %dma_wait3A_858 = tpu.memref_slice %arg8[%dma_wait3A_844, %dma_wait3A_855, %dma_wait3A_856, %dma_wait3A_857] : memref<2x25x1x80xi32, #tpu.memory_space<vmem>> -> memref<1x25x1x80xi32, #tpu.memory_space<vmem>>
      %dma_wait3A_859 = tpu.memref_squeeze %dma_wait3A_858 : memref<1x25x1x80xi32, #tpu.memory_space<vmem>> -> memref<25x1x80xi32, #tpu.memory_space<vmem>>
      %dma_wait3A_860 = arith.constant 0 : i32
      %dma_wait3A_861 = arith.constant 0 : i32
      %dma_wait3A_862 = arith.constant 0 : i32
      %dma_wait3A_863 = tpu.memref_slice %arg4[%arg1, %dma_wait3A_860, %dma_wait3A_861, %dma_wait3A_862] : memref<16x125x1x80xi32, #tpu.memory_space<hbm>> -> memref<1x25x1x80xi32, #tpu.memory_space<hbm>>
      %dma_wait3A_864 = tpu.memref_squeeze %dma_wait3A_863 : memref<1x25x1x80xi32, #tpu.memory_space<hbm>> -> memref<25x1x80xi32, #tpu.memory_space<hbm>>
      tpu.wait_dma2 semaphore(%arg15 : memref<!tpu.dma_semaphore, #tpu.memory_space<semaphore_mem>>) src(%dma_wait3A_864 : memref<25x1x80xi32, #tpu.memory_space<hbm>>) dst(%dma_wait3A_859 : memref<25x1x80xi32, #tpu.memory_space<vmem>>)
      %dma_wait3A_865 = arith.constant 0 : i32
      %dma_wait3A_866 = arith.constant 0 : i32
      %dma_wait3A_867 = arith.constant 0 : i32
      %dma_wait3A_868 = arith.constant 0 : i32
      %dma_wait3A_869 = tpu.memref_slice %arg9[%dma_wait3A_865, %dma_wait3A_866, %dma_wait3A_867, %dma_wait3A_868] : memref<2x25x1x80xi32, #tpu.memory_space<vmem>> -> memref<1x25x1x80xi32, #tpu.memory_space<vmem>>
      %dma_wait3A_870 = tpu.memref_squeeze %dma_wait3A_869 : memref<1x25x1x80xi32, #tpu.memory_space<vmem>> -> memref<25x1x80xi32, #tpu.memory_space<vmem>>
      %dma_wait3A_871 = arith.constant 0 : i32
      %dma_wait3A_872 = arith.constant 0 : i32
      %dma_wait3A_873 = arith.constant 0 : i32
      %dma_wait3A_874 = tpu.memref_slice %arg4[%arg1, %dma_wait3A_871, %dma_wait3A_872, %dma_wait3A_873] : memref<16x125x1x80xi32, #tpu.memory_space<hbm>> -> memref<1x25x1x80xi32, #tpu.memory_space<hbm>>
      %dma_wait3A_875 = tpu.memref_squeeze %dma_wait3A_874 : memref<1x25x1x80xi32, #tpu.memory_space<hbm>> -> memref<25x1x80xi32, #tpu.memory_space<hbm>>
      %dma_wait3A_876 = arith.constant 0 : i32
      %dma_wait3A_877 = arith.constant 0 : i32
      %dma_wait3A_878 = arith.constant 0 : i32
      %dma_wait3A_879 = tpu.memref_slice %arg9[%dma_wait3A_865, %dma_wait3A_876, %dma_wait3A_877, %dma_wait3A_878] : memref<2x25x1x80xi32, #tpu.memory_space<vmem>> -> memref<1x25x1x80xi32, #tpu.memory_space<vmem>>
      %dma_wait3A_880 = tpu.memref_squeeze %dma_wait3A_879 : memref<1x25x1x80xi32, #tpu.memory_space<vmem>> -> memref<25x1x80xi32, #tpu.memory_space<vmem>>
      %dma_wait3A_881 = arith.constant 0 : i32
      %dma_wait3A_882 = arith.constant 0 : i32
      %dma_wait3A_883 = arith.constant 0 : i32
      %dma_wait3A_884 = tpu.memref_slice %arg4[%arg1, %dma_wait3A_881, %dma_wait3A_882, %dma_wait3A_883] : memref<16x125x1x80xi32, #tpu.memory_space<hbm>> -> memref<1x25x1x80xi32, #tpu.memory_space<hbm>>
      %dma_wait3A_885 = tpu.memref_squeeze %dma_wait3A_884 : memref<1x25x1x80xi32, #tpu.memory_space<hbm>> -> memref<25x1x80xi32, #tpu.memory_space<hbm>>
      tpu.wait_dma2 semaphore(%arg15 : memref<!tpu.dma_semaphore, #tpu.memory_space<semaphore_mem>>) src(%dma_wait3A_885 : memref<25x1x80xi32, #tpu.memory_space<hbm>>) dst(%dma_wait3A_880 : memref<25x1x80xi32, #tpu.memory_space<vmem>>)
      %dma_start3A_886 = arith.constant 0 : i32
      %dma_start3A_887 = arith.constant 0 : i32
      %dma_start3A_888 = arith.constant 0 : i32
      %dma_start3A_889 = arith.constant 0 : i32
      %dma_start3A_890 = tpu.memref_slice %arg8[%dma_start3A_886, %dma_start3A_887, %dma_start3A_888, %dma_start3A_889] : memref<2x25x1x80xi32, #tpu.memory_space<vmem>> -> memref<1x1x1x80xi32, #tpu.memory_space<vmem>>
      %dma_start3A_891 = tpu.memref_squeeze %dma_start3A_890 : memref<1x1x1x80xi32, #tpu.memory_space<vmem>> -> memref<80xi32, #tpu.memory_space<vmem>>
      %dma_start3A_892 = arith.constant 0 : i32
      %dma_start3A_893 = arith.constant 0 : i32
      %dma_start3A_894 = tpu.memref_slice %arg3[%dma_start3A_892, %dma_start3A_893] : memref<10000x128xf32, #tpu.memory_space<hbm>> -> memref<10000x128xf32, #tpu.memory_space<hbm>>
      tpu.enqueue_indirect_dma source(%dma_start3A_894 : memref<10000x128xf32, #tpu.memory_space<hbm>>) target(%arg10 : memref<80x128xf32, #tpu.memory_space<vmem>>) offsets(%dma_start3A_891 : memref<80xi32, #tpu.memory_space<vmem>>) semaphore(%arg13 : memref<!tpu.dma_semaphore, #tpu.memory_space<semaphore_mem>>)
      %dma_wait3A_895 = arith.constant 0 : i32
      %dma_wait3A_896 = arith.constant 0 : i32
      %dma_wait3A_897 = arith.constant 0 : i32
      %dma_wait3A_898 = arith.constant 0 : i32
      %dma_wait3A_899 = tpu.memref_slice %arg8[%dma_wait3A_895, %dma_wait3A_896, %dma_wait3A_897, %dma_wait3A_898] : memref<2x25x1x80xi32, #tpu.memory_space<vmem>> -> memref<1x1x1x80xi32, #tpu.memory_space<vmem>>
      %dma_wait3A_900 = tpu.memref_squeeze %dma_wait3A_899 : memref<1x1x1x80xi32, #tpu.memory_space<vmem>> -> memref<80xi32, #tpu.memory_space<vmem>>
      %dma_wait3A_901 = arith.constant 0 : i32
      %dma_wait3A_902 = arith.constant 0 : i32
      %dma_wait3A_903 = tpu.memref_slice %arg3[%dma_wait3A_901, %dma_wait3A_902] : memref<10000x128xf32, #tpu.memory_space<hbm>> -> memref<10000x128xf32, #tpu.memory_space<hbm>>
      tpu.wait_indirect_dma semaphore(%arg13 : memref<!tpu.dma_semaphore, #tpu.memory_space<semaphore_mem>>) src(%dma_wait3A_903 : memref<10000x128xf32, #tpu.memory_space<hbm>>) dst(%arg10 : memref<80x128xf32, #tpu.memory_space<vmem>>)
      %dma_start3A_904 = arith.constant 0 : i32
      %dma_start3A_905 = arith.constant 1 : i32
      %dma_start3A_906 = arith.constant 0 : i32
      %dma_start3A_907 = arith.constant 0 : i32
      %dma_start3A_908 = tpu.memref_slice %arg8[%dma_start3A_904, %dma_start3A_905, %dma_start3A_906, %dma_start3A_907] : memref<2x25x1x80xi32, #tpu.memory_space<vmem>> -> memref<1x1x1x80xi32, #tpu.memory_space<vmem>>
      %dma_start3A_909 = tpu.memref_squeeze %dma_start3A_908 : memref<1x1x1x80xi32, #tpu.memory_space<vmem>> -> memref<80xi32, #tpu.memory_space<vmem>>
      %dma_start3A_910 = arith.constant 0 : i32
      %dma_start3A_911 = arith.constant 0 : i32
      %dma_start3A_912 = tpu.memref_slice %arg3[%dma_start3A_910, %dma_start3A_911] : memref<10000x128xf32, #tpu.memory_space<hbm>> -> memref<10000x128xf32, #tpu.memory_space<hbm>>
      tpu.enqueue_indirect_dma source(%dma_start3A_912 : memref<10000x128xf32, #tpu.memory_space<hbm>>) target(%arg11 : memref<80x128xf32, #tpu.memory_space<vmem>>) offsets(%dma_start3A_909 : memref<80xi32, #tpu.memory_space<vmem>>) semaphore(%arg13 : memref<!tpu.dma_semaphore, #tpu.memory_space<semaphore_mem>>)
      %dma_start3A_913 = arith.constant 0 : i32
      %dma_start3A_914 = arith.constant 0 : i32
      %dma_start3A_915 = arith.constant 0 : i32
      %dma_start3A_916 = arith.constant 0 : i32
      %dma_start3A_917 = tpu.memref_slice %arg9[%dma_start3A_913, %dma_start3A_914, %dma_start3A_915, %dma_start3A_916] : memref<2x25x1x80xi32, #tpu.memory_space<vmem>> -> memref<1x1x1x80xi32, #tpu.memory_space<vmem>>
      %dma_start3A_918 = tpu.memref_squeeze %dma_start3A_917 : memref<1x1x1x80xi32, #tpu.memory_space<vmem>> -> memref<80xi32, #tpu.memory_space<vmem>>
      %dma_start3A_919 = arith.constant 0 : i32
      %dma_start3A_920 = arith.constant 0 : i32
      %dma_start3A_921 = tpu.memref_slice %arg12[%dma_start3A_919, %dma_start3A_920] : memref<10000x128xf32, #tpu.memory_space<vmem_shared>> -> memref<10000x128xf32, #tpu.memory_space<vmem_shared>>
      tpu.enqueue_indirect_dma source(%arg10 : memref<80x128xf32, #tpu.memory_space<vmem>>) target(%dma_start3A_921 : memref<10000x128xf32, #tpu.memory_space<vmem_shared>>) offsets(%dma_start3A_918 : memref<80xi32, #tpu.memory_space<vmem>>) semaphore(%arg14 : memref<!tpu.dma_semaphore, #tpu.memory_space<semaphore_mem>>) {add = true}
      %scan3A_922 = arith.constant 0 : i32
      %scan3A_923 = arith.constant 0 : i32
      %scan3A_924 = arith.constant 11 : i32
      %scan3A_925 = arith.addi %scan3A_923, %scan3A_924 : i32
      %scan3A_926 = arith.constant 1 : i32
      scf.for %scan3A_1006 = %scan3A_923 to %scan3A_925 step %scan3A_926  : i32 {
        %mul3A_1007 = arith.constant 2 : i32
        %mul3A_1008 = arith.muli %mul3A_1007, %scan3A_1006 : i32
        %add3A = arith.constant 1 : i32
        %add3A_1009 = arith.addi %add3A, %mul3A_1008 : i32
        %dma_wait3A_1010 = arith.constant 0 : i32
        %dma_wait3A_1011 = arith.constant 0 : i32
        %dma_wait3A_1012 = arith.constant 0 : i32
        %dma_wait3A_1013 = arith.constant 0 : i32
        %dma_wait3A_1014 = tpu.memref_slice %arg8[%dma_wait3A_1010, %dma_wait3A_1011, %dma_wait3A_1012, %dma_wait3A_1013] : memref<2x25x1x80xi32, #tpu.memory_space<vmem>> -> memref<1x1x1x80xi32, #tpu.memory_space<vmem>>
        %dma_wait3A_1015 = tpu.memref_squeeze %dma_wait3A_1014 : memref<1x1x1x80xi32, #tpu.memory_space<vmem>> -> memref<80xi32, #tpu.memory_space<vmem>>
        %dma_wait3A_1016 = arith.constant 0 : i32
        %dma_wait3A_1017 = arith.constant 0 : i32
        %dma_wait3A_1018 = tpu.memref_slice %arg3[%dma_wait3A_1016, %dma_wait3A_1017] : memref<10000x128xf32, #tpu.memory_space<hbm>> -> memref<10000x128xf32, #tpu.memory_space<hbm>>
        tpu.wait_indirect_dma semaphore(%arg13 : memref<!tpu.dma_semaphore, #tpu.memory_space<semaphore_mem>>) src(%dma_wait3A_1018 : memref<10000x128xf32, #tpu.memory_space<hbm>>) dst(%arg11 : memref<80x128xf32, #tpu.memory_space<vmem>>)
        %dma_wait3A_1019 = arith.constant 0 : i32
        %dma_wait3A_1020 = arith.constant 0 : i32
        %dma_wait3A_1021 = arith.constant 0 : i32
        %dma_wait3A_1022 = arith.constant 0 : i32
        %dma_wait3A_1023 = tpu.memref_slice %arg9[%dma_wait3A_1019, %dma_wait3A_1020, %dma_wait3A_1021, %dma_wait3A_1022] : memref<2x25x1x80xi32, #tpu.memory_space<vmem>> -> memref<1x1x1x80xi32, #tpu.memory_space<vmem>>
        %dma_wait3A_1024 = tpu.memref_squeeze %dma_wait3A_1023 : memref<1x1x1x80xi32, #tpu.memory_space<vmem>> -> memref<80xi32, #tpu.memory_space<vmem>>
        %dma_wait3A_1025 = arith.constant 0 : i32
        %dma_wait3A_1026 = arith.constant 0 : i32
        %dma_wait3A_1027 = tpu.memref_slice %arg12[%dma_wait3A_1025, %dma_wait3A_1026] : memref<10000x128xf32, #tpu.memory_space<vmem_shared>> -> memref<10000x128xf32, #tpu.memory_space<vmem_shared>>
        tpu.wait_indirect_dma semaphore(%arg14 : memref<!tpu.dma_semaphore, #tpu.memory_space<semaphore_mem>>) src(%arg10 : memref<80x128xf32, #tpu.memory_space<vmem>>) dst(%dma_wait3A_1027 : memref<10000x128xf32, #tpu.memory_space<vmem_shared>>)
        %add3A_1028 = arith.constant 1 : i32
        %add3A_1029 = arith.addi %add3A_1009, %add3A_1028 : i32
        %dma_start3A_1030 = arith.constant 0 : i32
        %dma_start3A_1031 = arith.constant 0 : i32
        %dma_start3A_1032 = arith.constant 0 : i32
        %dma_start3A_1033 = tpu.memref_slice %arg8[%dma_start3A_1030, %add3A_1029, %dma_start3A_1031, %dma_start3A_1032] : memref<2x25x1x80xi32, #tpu.memory_space<vmem>> -> memref<1x1x1x80xi32, #tpu.memory_space<vmem>>
        %dma_start3A_1034 = tpu.memref_squeeze %dma_start3A_1033 : memref<1x1x1x80xi32, #tpu.memory_space<vmem>> -> memref<80xi32, #tpu.memory_space<vmem>>
        %dma_start3A_1035 = arith.constant 0 : i32
        %dma_start3A_1036 = arith.constant 0 : i32
        %dma_start3A_1037 = tpu.memref_slice %arg3[%dma_start3A_1035, %dma_start3A_1036] : memref<10000x128xf32, #tpu.memory_space<hbm>> -> memref<10000x128xf32, #tpu.memory_space<hbm>>
        tpu.enqueue_indirect_dma source(%dma_start3A_1037 : memref<10000x128xf32, #tpu.memory_space<hbm>>) target(%arg10 : memref<80x128xf32, #tpu.memory_space<vmem>>) offsets(%dma_start3A_1034 : memref<80xi32, #tpu.memory_space<vmem>>) semaphore(%arg13 : memref<!tpu.dma_semaphore, #tpu.memory_space<semaphore_mem>>)
        %dma_start3A_1038 = arith.constant 0 : i32
        %dma_start3A_1039 = arith.constant 0 : i32
        %dma_start3A_1040 = arith.constant 0 : i32
        %dma_start3A_1041 = tpu.memref_slice %arg9[%dma_start3A_1038, %add3A_1009, %dma_start3A_1039, %dma_start3A_1040] : memref<2x25x1x80xi32, #tpu.memory_space<vmem>> -> memref<1x1x1x80xi32, #tpu.memory_space<vmem>>
        %dma_start3A_1042 = tpu.memref_squeeze %dma_start3A_1041 : memref<1x1x1x80xi32, #tpu.memory_space<vmem>> -> memref<80xi32, #tpu.memory_space<vmem>>
        %dma_start3A_1043 = arith.constant 0 : i32
        %dma_start3A_1044 = arith.constant 0 : i32
        %dma_start3A_1045 = tpu.memref_slice %arg12[%dma_start3A_1043, %dma_start3A_1044] : memref<10000x128xf32, #tpu.memory_space<vmem_shared>> -> memref<10000x128xf32, #tpu.memory_space<vmem_shared>>
        tpu.enqueue_indirect_dma source(%arg11 : memref<80x128xf32, #tpu.memory_space<vmem>>) target(%dma_start3A_1045 : memref<10000x128xf32, #tpu.memory_space<vmem_shared>>) offsets(%dma_start3A_1042 : memref<80xi32, #tpu.memory_space<vmem>>) semaphore(%arg14 : memref<!tpu.dma_semaphore, #tpu.memory_space<semaphore_mem>>) {add = true}
        %dma_wait3A_1046 = arith.constant 0 : i32
        %dma_wait3A_1047 = arith.constant 0 : i32
        %dma_wait3A_1048 = arith.constant 0 : i32
        %dma_wait3A_1049 = arith.constant 0 : i32
        %dma_wait3A_1050 = tpu.memref_slice %arg8[%dma_wait3A_1046, %dma_wait3A_1047, %dma_wait3A_1048, %dma_wait3A_1049] : memref<2x25x1x80xi32, #tpu.memory_space<vmem>> -> memref<1x1x1x80xi32, #tpu.memory_space<vmem>>
        %dma_wait3A_1051 = tpu.memref_squeeze %dma_wait3A_1050 : memref<1x1x1x80xi32, #tpu.memory_space<vmem>> -> memref<80xi32, #tpu.memory_space<vmem>>
        %dma_wait3A_1052 = arith.constant 0 : i32
        %dma_wait3A_1053 = arith.constant 0 : i32
        %dma_wait3A_1054 = tpu.memref_slice %arg3[%dma_wait3A_1052, %dma_wait3A_1053] : memref<10000x128xf32, #tpu.memory_space<hbm>> -> memref<10000x128xf32, #tpu.memory_space<hbm>>
        tpu.wait_indirect_dma semaphore(%arg13 : memref<!tpu.dma_semaphore, #tpu.memory_space<semaphore_mem>>) src(%dma_wait3A_1054 : memref<10000x128xf32, #tpu.memory_space<hbm>>) dst(%arg10 : memref<80x128xf32, #tpu.memory_space<vmem>>)
        %dma_wait3A_1055 = arith.constant 0 : i32
        %dma_wait3A_1056 = arith.constant 0 : i32
        %dma_wait3A_1057 = arith.constant 0 : i32
        %dma_wait3A_1058 = arith.constant 0 : i32
        %dma_wait3A_1059 = tpu.memref_slice %arg9[%dma_wait3A_1055, %dma_wait3A_1056, %dma_wait3A_1057, %dma_wait3A_1058] : memref<2x25x1x80xi32, #tpu.memory_space<vmem>> -> memref<1x1x1x80xi32, #tpu.memory_space<vmem>>
        %dma_wait3A_1060 = tpu.memref_squeeze %dma_wait3A_1059 : memref<1x1x1x80xi32, #tpu.memory_space<vmem>> -> memref<80xi32, #tpu.memory_space<vmem>>
        %dma_wait3A_1061 = arith.constant 0 : i32
        %dma_wait3A_1062 = arith.constant 0 : i32
        %dma_wait3A_1063 = tpu.memref_slice %arg12[%dma_wait3A_1061, %dma_wait3A_1062] : memref<10000x128xf32, #tpu.memory_space<vmem_shared>> -> memref<10000x128xf32, #tpu.memory_space<vmem_shared>>
        tpu.wait_indirect_dma semaphore(%arg14 : memref<!tpu.dma_semaphore, #tpu.memory_space<semaphore_mem>>) src(%arg11 : memref<80x128xf32, #tpu.memory_space<vmem>>) dst(%dma_wait3A_1063 : memref<10000x128xf32, #tpu.memory_space<vmem_shared>>)
        %add3A_1064 = arith.constant 2 : i32
        %add3A_1065 = arith.addi %add3A_1009, %add3A_1064 : i32
        %dma_start3A_1066 = arith.constant 0 : i32
        %dma_start3A_1067 = arith.constant 0 : i32
        %dma_start3A_1068 = arith.constant 0 : i32
        %dma_start3A_1069 = tpu.memref_slice %arg8[%dma_start3A_1066, %add3A_1065, %dma_start3A_1067, %dma_start3A_1068] : memref<2x25x1x80xi32, #tpu.memory_space<vmem>> -> memref<1x1x1x80xi32, #tpu.memory_space<vmem>>
        %dma_start3A_1070 = tpu.memref_squeeze %dma_start3A_1069 : memref<1x1x1x80xi32, #tpu.memory_space<vmem>> -> memref<80xi32, #tpu.memory_space<vmem>>
        %dma_start3A_1071 = arith.constant 0 : i32
        %dma_start3A_1072 = arith.constant 0 : i32
        %dma_start3A_1073 = tpu.memref_slice %arg3[%dma_start3A_1071, %dma_start3A_1072] : memref<10000x128xf32, #tpu.memory_space<hbm>> -> memref<10000x128xf32, #tpu.memory_space<hbm>>
        tpu.enqueue_indirect_dma source(%dma_start3A_1073 : memref<10000x128xf32, #tpu.memory_space<hbm>>) target(%arg11 : memref<80x128xf32, #tpu.memory_space<vmem>>) offsets(%dma_start3A_1070 : memref<80xi32, #tpu.memory_space<vmem>>) semaphore(%arg13 : memref<!tpu.dma_semaphore, #tpu.memory_space<semaphore_mem>>)
        %add3A_1074 = arith.constant 1 : i32
        %add3A_1075 = arith.addi %add3A_1009, %add3A_1074 : i32
        %dma_start3A_1076 = arith.constant 0 : i32
        %dma_start3A_1077 = arith.constant 0 : i32
        %dma_start3A_1078 = arith.constant 0 : i32
        %dma_start3A_1079 = tpu.memref_slice %arg9[%dma_start3A_1076, %add3A_1075, %dma_start3A_1077, %dma_start3A_1078] : memref<2x25x1x80xi32, #tpu.memory_space<vmem>> -> memref<1x1x1x80xi32, #tpu.memory_space<vmem>>
        %dma_start3A_1080 = tpu.memref_squeeze %dma_start3A_1079 : memref<1x1x1x80xi32, #tpu.memory_space<vmem>> -> memref<80xi32, #tpu.memory_space<vmem>>
        %dma_start3A_1081 = arith.constant 0 : i32
        %dma_start3A_1082 = arith.constant 0 : i32
        %dma_start3A_1083 = tpu.memref_slice %arg12[%dma_start3A_1081, %dma_start3A_1082] : memref<10000x128xf32, #tpu.memory_space<vmem_shared>> -> memref<10000x128xf32, #tpu.memory_space<vmem_shared>>
        tpu.enqueue_indirect_dma source(%arg10 : memref<80x128xf32, #tpu.memory_space<vmem>>) target(%dma_start3A_1083 : memref<10000x128xf32, #tpu.memory_space<vmem_shared>>) offsets(%dma_start3A_1080 : memref<80xi32, #tpu.memory_space<vmem>>) semaphore(%arg14 : memref<!tpu.dma_semaphore, #tpu.memory_space<semaphore_mem>>) {add = true}
      }
      %scan3A_927 = arith.constant 11 : i32
      %dma_wait3A_928 = arith.constant 0 : i32
      %dma_wait3A_929 = arith.constant 0 : i32
      %dma_wait3A_930 = arith.constant 0 : i32
      %dma_wait3A_931 = arith.constant 0 : i32
      %dma_wait3A_932 = tpu.memref_slice %arg8[%dma_wait3A_928, %dma_wait3A_929, %dma_wait3A_930, %dma_wait3A_931] : memref<2x25x1x80xi32, #tpu.memory_space<vmem>> -> memref<1x1x1x80xi32, #tpu.memory_space<vmem>>
      %dma_wait3A_933 = tpu.memref_squeeze %dma_wait3A_932 : memref<1x1x1x80xi32, #tpu.memory_space<vmem>> -> memref<80xi32, #tpu.memory_space<vmem>>
      %dma_wait3A_934 = arith.constant 0 : i32
      %dma_wait3A_935 = arith.constant 0 : i32
      %dma_wait3A_936 = tpu.memref_slice %arg3[%dma_wait3A_934, %dma_wait3A_935] : memref<10000x128xf32, #tpu.memory_space<hbm>> -> memref<10000x128xf32, #tpu.memory_space<hbm>>
      tpu.wait_indirect_dma semaphore(%arg13 : memref<!tpu.dma_semaphore, #tpu.memory_space<semaphore_mem>>) src(%dma_wait3A_936 : memref<10000x128xf32, #tpu.memory_space<hbm>>) dst(%arg11 : memref<80x128xf32, #tpu.memory_space<vmem>>)
      %dma_wait3A_937 = arith.constant 0 : i32
      %dma_wait3A_938 = arith.constant 0 : i32
      %dma_wait3A_939 = arith.constant 0 : i32
      %dma_wait3A_940 = arith.constant 0 : i32
      %dma_wait3A_941 = tpu.memref_slice %arg9[%dma_wait3A_937, %dma_wait3A_938, %dma_wait3A_939, %dma_wait3A_940] : memref<2x25x1x80xi32, #tpu.memory_space<vmem>> -> memref<1x1x1x80xi32, #tpu.memory_space<vmem>>
      %dma_wait3A_942 = tpu.memref_squeeze %dma_wait3A_941 : memref<1x1x1x80xi32, #tpu.memory_space<vmem>> -> memref<80xi32, #tpu.memory_space<vmem>>
      %dma_wait3A_943 = arith.constant 0 : i32
      %dma_wait3A_944 = arith.constant 0 : i32
      %dma_wait3A_945 = tpu.memref_slice %arg12[%dma_wait3A_943, %dma_wait3A_944] : memref<10000x128xf32, #tpu.memory_space<vmem_shared>> -> memref<10000x128xf32, #tpu.memory_space<vmem_shared>>
      tpu.wait_indirect_dma semaphore(%arg14 : memref<!tpu.dma_semaphore, #tpu.memory_space<semaphore_mem>>) src(%arg10 : memref<80x128xf32, #tpu.memory_space<vmem>>) dst(%dma_wait3A_945 : memref<10000x128xf32, #tpu.memory_space<vmem_shared>>)
      %dma_start3A_946 = arith.constant 0 : i32
      %dma_start3A_947 = arith.constant 24 : i32
      %dma_start3A_948 = arith.constant 0 : i32
      %dma_start3A_949 = arith.constant 0 : i32
      %dma_start3A_950 = tpu.memref_slice %arg8[%dma_start3A_946, %dma_start3A_947, %dma_start3A_948, %dma_start3A_949] : memref<2x25x1x80xi32, #tpu.memory_space<vmem>> -> memref<1x1x1x80xi32, #tpu.memory_space<vmem>>
      %dma_start3A_951 = tpu.memref_squeeze %dma_start3A_950 : memref<1x1x1x80xi32, #tpu.memory_space<vmem>> -> memref<80xi32, #tpu.memory_space<vmem>>
      %dma_start3A_952 = arith.constant 0 : i32
      %dma_start3A_953 = arith.constant 0 : i32
      %dma_start3A_954 = tpu.memref_slice %arg3[%dma_start3A_952, %dma_start3A_953] : memref<10000x128xf32, #tpu.memory_space<hbm>> -> memref<10000x128xf32, #tpu.memory_space<hbm>>
      tpu.enqueue_indirect_dma source(%dma_start3A_954 : memref<10000x128xf32, #tpu.memory_space<hbm>>) target(%arg10 : memref<80x128xf32, #tpu.memory_space<vmem>>) offsets(%dma_start3A_951 : memref<80xi32, #tpu.memory_space<vmem>>) semaphore(%arg13 : memref<!tpu.dma_semaphore, #tpu.memory_space<semaphore_mem>>)
      %dma_start3A_955 = arith.constant 0 : i32
      %dma_start3A_956 = arith.constant 23 : i32
      %dma_start3A_957 = arith.constant 0 : i32
      %dma_start3A_958 = arith.constant 0 : i32
      %dma_start3A_959 = tpu.memref_slice %arg9[%dma_start3A_955, %dma_start3A_956, %dma_start3A_957, %dma_start3A_958] : memref<2x25x1x80xi32, #tpu.memory_space<vmem>> -> memref<1x1x1x80xi32, #tpu.memory_space<vmem>>
      %dma_start3A_960 = tpu.memref_squeeze %dma_start3A_959 : memref<1x1x1x80xi32, #tpu.memory_space<vmem>> -> memref<80xi32, #tpu.memory_space<vmem>>
      %dma_start3A_961 = arith.constant 0 : i32
      %dma_start3A_962 = arith.constant 0 : i32
      %dma_start3A_963 = tpu.memref_slice %arg12[%dma_start3A_961, %dma_start3A_962] : memref<10000x128xf32, #tpu.memory_space<vmem_shared>> -> memref<10000x128xf32, #tpu.memory_space<vmem_shared>>
      tpu.enqueue_indirect_dma source(%arg11 : memref<80x128xf32, #tpu.memory_space<vmem>>) target(%dma_start3A_963 : memref<10000x128xf32, #tpu.memory_space<vmem_shared>>) offsets(%dma_start3A_960 : memref<80xi32, #tpu.memory_space<vmem>>) semaphore(%arg14 : memref<!tpu.dma_semaphore, #tpu.memory_space<semaphore_mem>>) {add = true}
      %dma_wait3A_964 = arith.constant 0 : i32
      %dma_wait3A_965 = arith.constant 0 : i32
      %dma_wait3A_966 = arith.constant 0 : i32
      %dma_wait3A_967 = arith.constant 0 : i32
      %dma_wait3A_968 = tpu.memref_slice %arg8[%dma_wait3A_964, %dma_wait3A_965, %dma_wait3A_966, %dma_wait3A_967] : memref<2x25x1x80xi32, #tpu.memory_space<vmem>> -> memref<1x1x1x80xi32, #tpu.memory_space<vmem>>
      %dma_wait3A_969 = tpu.memref_squeeze %dma_wait3A_968 : memref<1x1x1x80xi32, #tpu.memory_space<vmem>> -> memref<80xi32, #tpu.memory_space<vmem>>
      %dma_wait3A_970 = arith.constant 0 : i32
      %dma_wait3A_971 = arith.constant 0 : i32
      %dma_wait3A_972 = tpu.memref_slice %arg3[%dma_wait3A_970, %dma_wait3A_971] : memref<10000x128xf32, #tpu.memory_space<hbm>> -> memref<10000x128xf32, #tpu.memory_space<hbm>>
      tpu.wait_indirect_dma semaphore(%arg13 : memref<!tpu.dma_semaphore, #tpu.memory_space<semaphore_mem>>) src(%dma_wait3A_972 : memref<10000x128xf32, #tpu.memory_space<hbm>>) dst(%arg10 : memref<80x128xf32, #tpu.memory_space<vmem>>)
      %dma_wait3A_973 = arith.constant 0 : i32
      %dma_wait3A_974 = arith.constant 0 : i32
      %dma_wait3A_975 = arith.constant 0 : i32
      %dma_wait3A_976 = arith.constant 0 : i32
      %dma_wait3A_977 = tpu.memref_slice %arg9[%dma_wait3A_973, %dma_wait3A_974, %dma_wait3A_975, %dma_wait3A_976] : memref<2x25x1x80xi32, #tpu.memory_space<vmem>> -> memref<1x1x1x80xi32, #tpu.memory_space<vmem>>
      %dma_wait3A_978 = tpu.memref_squeeze %dma_wait3A_977 : memref<1x1x1x80xi32, #tpu.memory_space<vmem>> -> memref<80xi32, #tpu.memory_space<vmem>>
      %dma_wait3A_979 = arith.constant 0 : i32
      %dma_wait3A_980 = arith.constant 0 : i32
      %dma_wait3A_981 = tpu.memref_slice %arg12[%dma_wait3A_979, %dma_wait3A_980] : memref<10000x128xf32, #tpu.memory_space<vmem_shared>> -> memref<10000x128xf32, #tpu.memory_space<vmem_shared>>
      tpu.wait_indirect_dma semaphore(%arg14 : memref<!tpu.dma_semaphore, #tpu.memory_space<semaphore_mem>>) src(%arg11 : memref<80x128xf32, #tpu.memory_space<vmem>>) dst(%dma_wait3A_981 : memref<10000x128xf32, #tpu.memory_space<vmem_shared>>)
      %dma_start3A_982 = arith.constant 0 : i32
      %dma_start3A_983 = arith.constant 24 : i32
      %dma_start3A_984 = arith.constant 0 : i32
      %dma_start3A_985 = arith.constant 0 : i32
      %dma_start3A_986 = tpu.memref_slice %arg9[%dma_start3A_982, %dma_start3A_983, %dma_start3A_984, %dma_start3A_985] : memref<2x25x1x80xi32, #tpu.memory_space<vmem>> -> memref<1x1x1x80xi32, #tpu.memory_space<vmem>>
      %dma_start3A_987 = tpu.memref_squeeze %dma_start3A_986 : memref<1x1x1x80xi32, #tpu.memory_space<vmem>> -> memref<80xi32, #tpu.memory_space<vmem>>
      %dma_start3A_988 = arith.constant 0 : i32
      %dma_start3A_989 = arith.constant 0 : i32
      %dma_start3A_990 = tpu.memref_slice %arg12[%dma_start3A_988, %dma_start3A_989] : memref<10000x128xf32, #tpu.memory_space<vmem_shared>> -> memref<10000x128xf32, #tpu.memory_space<vmem_shared>>
      tpu.enqueue_indirect_dma source(%arg10 : memref<80x128xf32, #tpu.memory_space<vmem>>) target(%dma_start3A_990 : memref<10000x128xf32, #tpu.memory_space<vmem_shared>>) offsets(%dma_start3A_987 : memref<80xi32, #tpu.memory_space<vmem>>) semaphore(%arg14 : memref<!tpu.dma_semaphore, #tpu.memory_space<semaphore_mem>>) {add = true}
      %dma_wait3A_991 = arith.constant 0 : i32
      %dma_wait3A_992 = arith.constant 0 : i32
      %dma_wait3A_993 = arith.constant 0 : i32
      %dma_wait3A_994 = arith.constant 0 : i32
      %dma_wait3A_995 = tpu.memref_slice %arg9[%dma_wait3A_991, %dma_wait3A_992, %dma_wait3A_993, %dma_wait3A_994] : memref<2x25x1x80xi32, #tpu.memory_space<vmem>> -> memref<1x1x1x80xi32, #tpu.memory_space<vmem>>
      %dma_wait3A_996 = tpu.memref_squeeze %dma_wait3A_995 : memref<1x1x1x80xi32, #tpu.memory_space<vmem>> -> memref<80xi32, #tpu.memory_space<vmem>>
      %dma_wait3A_997 = arith.constant 0 : i32
      %dma_wait3A_998 = arith.constant 0 : i32
      %dma_wait3A_999 = tpu.memref_slice %arg12[%dma_wait3A_997, %dma_wait3A_998] : memref<10000x128xf32, #tpu.memory_space<vmem_shared>> -> memref<10000x128xf32, #tpu.memory_space<vmem_shared>>
      tpu.wait_indirect_dma semaphore(%arg14 : memref<!tpu.dma_semaphore, #tpu.memory_space<semaphore_mem>>) src(%arg10 : memref<80x128xf32, #tpu.memory_space<vmem>>) dst(%dma_wait3A_999 : memref<10000x128xf32, #tpu.memory_space<vmem_shared>>)
      %barrier3A_1000 = arith.constant 0 : index
      tpu.barrier barrier_id(%barrier3A_1000)
      "tpu.region"() ({
        %run_scoped3A = tpu.sem_alloc : memref<!tpu.dma_semaphore, #tpu.memory_space<semaphore_mem>>
        %dma_start3A_1006 = arith.constant 0 : i32
        %dma_start3A_1007 = tpu.memref_slice %arg7[%mul3A_0, %dma_start3A_1006] : memref<10000x128xf32, #tpu.memory_space<hbm>> -> memref<624x128xf32, #tpu.memory_space<hbm>>
        %dma_start3A_1008 = arith.constant 0 : i32
        %dma_start3A_1009 = tpu.memref_slice %arg12[%mul3A_0, %dma_start3A_1008] : memref<10000x128xf32, #tpu.memory_space<vmem_shared>> -> memref<624x128xf32, #tpu.memory_space<vmem_shared>>
        tpu.enqueue_dma source(%dma_start3A_1009 : memref<624x128xf32, #tpu.memory_space<vmem_shared>>) target(%dma_start3A_1007 : memref<624x128xf32, #tpu.memory_space<hbm>>) target_semaphore(%run_scoped3A : memref<!tpu.dma_semaphore, #tpu.memory_space<semaphore_mem>>)
        %dma_wait3A_1010 = arith.constant 0 : i32
        %dma_wait3A_1011 = tpu.memref_slice %arg7[%mul3A_0, %dma_wait3A_1010] : memref<10000x128xf32, #tpu.memory_space<hbm>> -> memref<624x128xf32, #tpu.memory_space<hbm>>
        %dma_wait3A_1012 = arith.constant 0 : i32
        %dma_wait3A_1013 = tpu.memref_slice %arg12[%mul3A_0, %dma_wait3A_1012] : memref<10000x128xf32, #tpu.memory_space<vmem_shared>> -> memref<624x128xf32, #tpu.memory_space<vmem_shared>>
        tpu.wait_dma2 semaphore(%run_scoped3A : memref<!tpu.dma_semaphore, #tpu.memory_space<semaphore_mem>>) src(%dma_wait3A_1013 : memref<624x128xf32, #tpu.memory_space<vmem_shared>>) dst(%dma_wait3A_1011 : memref<624x128xf32, #tpu.memory_space<hbm>>)
        tpu.yield
      }) : () -> ()
      %eq3A_1001 = arith.constant 15 : i32
      %eq3A_1002 = arith.cmpi eq, %arg1, %eq3A_1001 : i32
      %convert_element_type3A_1003 = arith.extui %eq3A_1002 : i1 to i32
      %cond3A_1004 = arith.constant 0 : i32
      %cond3A_1005 = arith.cmpi ne, %convert_element_type3A_1003, %cond3A_1004 : i32
      scf.if %cond3A_1005 {
        "tpu.region"() ({
          %run_scoped3A = tpu.sem_alloc : memref<!tpu.dma_semaphore, #tpu.memory_space<semaphore_mem>>
          %dma_start3A_1006 = arith.constant 9984 : i32
          %dma_start3A_1007 = arith.constant 0 : i32
          %dma_start3A_1008 = tpu.memref_slice %arg7[%dma_start3A_1006, %dma_start3A_1007] : memref<10000x128xf32, #tpu.memory_space<hbm>> -> memref<16x128xf32, #tpu.memory_space<hbm>>
          %dma_start3A_1009 = arith.constant 9984 : i32
          %dma_start3A_1010 = arith.constant 0 : i32
          %dma_start3A_1011 = tpu.memref_slice %arg12[%dma_start3A_1009, %dma_start3A_1010] : memref<10000x128xf32, #tpu.memory_space<vmem_shared>> -> memref<16x128xf32, #tpu.memory_space<vmem_shared>>
          tpu.enqueue_dma source(%dma_start3A_1011 : memref<16x128xf32, #tpu.memory_space<vmem_shared>>) target(%dma_start3A_1008 : memref<16x128xf32, #tpu.memory_space<hbm>>) target_semaphore(%run_scoped3A : memref<!tpu.dma_semaphore, #tpu.memory_space<semaphore_mem>>)
          %dma_wait3A_1012 = arith.constant 9984 : i32
          %dma_wait3A_1013 = arith.constant 0 : i32
          %dma_wait3A_1014 = tpu.memref_slice %arg7[%dma_wait3A_1012, %dma_wait3A_1013] : memref<10000x128xf32, #tpu.memory_space<hbm>> -> memref<16x128xf32, #tpu.memory_space<hbm>>
          %dma_wait3A_1015 = arith.constant 9984 : i32
          %dma_wait3A_1016 = arith.constant 0 : i32
          %dma_wait3A_1017 = tpu.memref_slice %arg12[%dma_wait3A_1015, %dma_wait3A_1016] : memref<10000x128xf32, #tpu.memory_space<vmem_shared>> -> memref<16x128xf32, #tpu.memory_space<vmem_shared>>
          tpu.wait_dma2 semaphore(%run_scoped3A : memref<!tpu.dma_semaphore, #tpu.memory_space<semaphore_mem>>) src(%dma_wait3A_1017 : memref<16x128xf32, #tpu.memory_space<vmem_shared>>) dst(%dma_wait3A_1014 : memref<16x128xf32, #tpu.memory_space<hbm>>)
          tpu.yield
        }) : () -> ()
      } else {
      }
    } else {
    }
    return
  }
}

</mosaic_0001>

<sc_bundles>
// kernel: _sc_aggregate.3.cloned.1.call-start
scs
__scs_entry_jumppad:
0x0: {  	(pc) =	sbr.rel $0x88, $3  }
0x1: {  	(tag) =	ssettag $0x0;
	lr =	simm.s32 $0x1  }
0x2: {  	[smem:$0x3F9D] =	sst lr;
	_ =	strace $0xD0000000  }
0x3: {  	_ = 	snop  }
0x4: {  	_ = 	snop  }
0x5: {  	_ = 	snop  }
0x6: {  	_ = 	snop  }
0x7: {  	_ = 	snop  }
__scs_overlays_trampoline_lowered:
0x8: {  	[smem:$0x3FAC] =	sst s0  }
0x9: {  	[smem:$0x3FAD] =	sst s1  }
0xa: {  	[smem:$0x3FAE] =	sst s2  }
0xb: {  	[smem:$0x3FAF] =	sst s3  }
0xc: {  	[smem:$0x3FB0] =	sst s4  }
0xd: {  	[smem:$0x3FB1] =	sst s5  }
0xe: {  	[smem:$0x3FB2] =	sst s6  }
0xf: {  	[smem:$0x3FB3] =	sst s7  }
0x10: {  	[smem:$0x3FB4] =	sst s8  }
0x11: {  	[smem:$0x3FB5] =	sst s9;
	s0 =	simm.s32 @!p0 $0x0  }
0x12: {  	s1 =	sld [smem:$0x3F9B];
	s0 =	simm.s32 @p0 $0x1  }
0x13: {  	[smem:$0x3FB6] =	sst s0;
	s0 =	simm.s32 @!p1 $0x0  }
0x14: {  	s2 =	sld [smem:$0x3F9A];
	s0 =	simm.s32 @p1 $0x1  }
0x15: {  	[smem:$0x3FB7] =	sst s0;
	s0 =	simm.s32 @!p2 $0x0  }
0x16: {  	s3 =	sld [smem:$0x3FDB];
	s0 =	simm.s32 @p2 $0x1  }
0x17: {  	s4 =	simm.s32 $0x1BF5;
	[smem:$0x3FB9] =	sst s0  }
0x18: {  	s0 =	sld [smem:$0x3F9C];
	_ =	swait.ge [sflag:s4], $0x0  }
0x19: {  	s7 =	sld [smem:$0x3F9D]  }
0x1a: {  	s8 =	sadd.s32 $0xFFFFE003, lr  }
0x1b: {  	s9 =	sadd.s32 $0xFFFFFEF7, lr;
	s5 =	simm.s32 $0xFFFFFFFF;
	p2 =	slt.u32 s8, $0xFFFFF086  }
0x1c: {  	p1 =	slt.u32 s9, $0xF7A;
	s5 =	simm.s32 @!p2 $0x0  }
0x1d: {  	s5 =	simm.s32 @p1 $0x1;
	p0 =	seq.s32 s7, s2  }
0x1e: {  	s7 =	smul.u32 @!p0 $0xF7A, s2;
	p2 =	seq.s32 @!p0 s5, $0x0  }
0x1f: {  	s9 =	smul.u32 $0xF7A, s1;
	s8 =	simm.s32 @!p0 $0x1BF5;
	p2 =	por !p2, p0  }
0x20: {  	[sflag:s8] =	ssyncset.s32 @!p0 $0xFFFFF086;
	s6 =	sadd.s32 @!p0 s3, s7;
	s7 =	simm.s32 @!p0 $0x108  }
0x21: {  	s3 =	sadd.s32 s3, s9;
	s6 =	sadd.s32 @!p0 $0x88, s6;
	s7 =	simm.s32 @p2 $0x1082  }
0x22: {  	[simem:s7], [sflag:s8] =	dma.local @!p0 [hbm:s6], $0xF7A  }
0x23: {  	s9 =	sor.u32 $0xD0000000, s2;
	s6 =	simm.s32 $0x108;
	_ =	swait.ge @!p0 [sflag:s8], $0x0  }
0x24: {  	s3 =	sadd.s32 $0x88, s3;
	s6 =	simm.s32 @!p1 $0x1082;
	[sflag:s4] =	ssyncset.s32 $0xFFFFF086  }
0x25: {  	[simem:s6], [sflag:s4] =	dma.local [hbm:s3], $0xF7A  }
0x26: {  	[smem:$0x3F9D] =	sst s1;
	(tag) =	ssettag s2;
	_ =	strace s9  }
0x27: {  	s1 =	sld [smem:$0x3FAD]  }
0x28: {  	s2 =	sld [smem:$0x3FAE]  }
0x29: {  	s4 =	sld [smem:$0x3FB0]  }
0x2a: {  	p0 =	seq.s32 s5, $0x0;
	s5 =	sld [smem:$0x3FB1]  }
0x2b: {  	s6 =	sld [smem:$0x3FB2]  }
0x2c: {  	s7 =	sld [smem:$0x3FB3]  }
0x2d: {  	s3 =	simm.s32 $0x108;
	s8 =	sld [smem:$0x3FB4]  }
0x2e: {  	s3 =	simm.s32 @!p0 $0x1082;
	s9 =	sld [smem:$0x3FB5]  }
0x2f: {  	lr =	sadd.s32 s0, s3;
	s0 =	sld [smem:$0x3FAC]  }
0x30: {  	s3 =	sld [smem:$0x3FAF]  }
0x31: {  	[smem:$0x3FB8] =	sst s10  }
0x32: {  	s10 =	sld [smem:$0x3FB6];
	_ =	sdelay $0x3  }
0x33: {  	p0 =	seq.s32 s10, $0x1;
	s10 =	sld [smem:$0x3FB8];
	_ =	sdelay $0x3  }
0x34: {  	[smem:$0x3FB8] =	sst s10  }
0x35: {  	s10 =	sld [smem:$0x3FB7];
	_ =	sdelay $0x3  }
0x36: {  	p1 =	seq.s32 s10, $0x1;
	s10 =	sld [smem:$0x3FB8];
	_ =	sdelay $0x3  }
0x37: {  	[smem:$0x3FB8] =	sst s10  }
0x38: {  	s10 =	sld [smem:$0x3FB9]  }
0x39: {  	_ = 	snop;
	(pc) =	sbr.ind lr, $3  }
0x3a: {  	_ = 	snop  }
0x3b: {  	_ = 	snop  }
0x3c: {  	p2 =	seq.s32 s10, $0x1;
	s10 =	sld [smem:$0x3FB8]  }
0x3d: {  	_ =	shalt  }
0x3e: {  	_ =	shalt  }
0x3f: {  	_ =	shalt  }
0x40: {  	_ =	shalt  }
0x41: {  	_ =	shalt  }
0x42: {  	_ =	shalt  }
0x43: {  	_ =	shalt  }
0x44: {  	_ =	shalt  }
0x45: {  	_ =	shalt  }
0x46: {  	_ =	shalt  }
0x47: {  	_ =	shalt  }
0x48: {  	_ =	shalt  }
0x49: {  	_ =	shalt  }
0x4a: {  	_ =	shalt  }
0x4b: {  	_ =	shalt  }
0x4c: {  	_ =	shalt  }
0x4d: {  	_ =	shalt  }
0x4e: {  	_ =	shalt  }
0x4f: {  	_ =	shalt  }
0x50: {  	_ =	shalt  }
0x51: {  	_ =	shalt  }
0x52: {  	_ =	shalt  }
0x53: {  	_ =	shalt  }
0x54: {  	_ =	shalt  }
0x55: {  	_ =	shalt  }
0x56: {  	_ =	shalt  }
0x57: {  	_ =	shalt  }
0x58: {  	_ =	shalt  }
0x59: {  	_ =	shalt  }
0x5a: {  	_ =	shalt  }
0x5b: {  	_ =	shalt  }
0x5c: {  	_ =	shalt  }
0x5d: {  	_ =	shalt  }
0x5e: {  	_ =	shalt  }
0x5f: {  	_ =	shalt  }
0x60: {  	_ =	shalt  }
0x61: {  	_ =	shalt  }
0x62: {  	_ =	shalt  }
0x63: {  	_ =	shalt  }
0x64: {  	_ =	shalt  }
0x65: {  	_ =	shalt  }
0x66: {  	_ =	shalt  }
0x67: {  	_ =	shalt  }
0x68: {  	_ =	shalt  }
0x69: {  	_ =	shalt  }
0x6a: {  	_ =	shalt  }
0x6b: {  	_ =	shalt  }
0x6c: {  	_ =	shalt  }
0x6d: {  	_ =	shalt  }
0x6e: {  	_ =	shalt  }
0x6f: {  	_ =	shalt  }
0x70: {  	_ =	shalt  }
0x71: {  	_ =	shalt  }
0x72: {  	_ =	shalt  }
0x73: {  	_ =	shalt  }
0x74: {  	_ =	shalt  }
0x75: {  	_ =	shalt  }
0x76: {  	_ =	shalt  }
0x77: {  	_ =	shalt  }
0x78: {  	_ =	shalt  }
0x79: {  	_ =	shalt  }
0x7a: {  	_ =	shalt  }
0x7b: {  	_ =	shalt  }
0x7c: {  	_ =	shalt  }
0x7d: {  	_ =	shalt  }
0x7e: {  	_ =	shalt  }
0x7f: {  	_ =	shalt  }
0x80: {  	_ =	shalt  }
0x81: {  	_ =	shalt  }
0x82: {  	_ =	shalt  }
0x83: {  	_ =	shalt  }
0x84: {  	_ =	shalt  }
0x85: {  	_ =	shalt  }
0x86: {  	_ =	shalt  }
0x87: {  	_ =	shalt  }
.Lfunc_end0:
.L_simem_size_0:
called_computation_lowered:
.L_overlay_start_0:
0x88: {  	s2 =	sld [smem:$0x3FD9]  }
0x89: {  	s3 =	sld [smem:$0x3FFE];
	_ =	sdelay $0x1  }
0x8a: {  	s1 =	srdreg.scid  }
0x8b: {  	s0 =	sand.u32 $0x1, s1  }
0x8c: {  	s14 =	sshll.u32 s0, $0xA;
	s2 =	sadd.s32 s3, s2  }
0x8d: {  	s2 =	sadd.s32 s2, s14  }
0x8e: {  	[smem:$0x3FC4] =	sst s2  }
0x8f: {  	_ = 	snop  }
0x90: {  	s2 =	sld [smem:$0x3FD0];
	_ =	sdelay $0x1  }
0x91: {  	s15 =	sld [smem:$0x3FC9]  }
0x92: {  	s5 =	simm.s32 $0xA;
	s6 =	simm.s32 $0x10;
	s4 =	sld [smem:$0x3FC8]  }
0x93: {  	[smem:s6], [sflag:s5] =	dma.local [hbm:s2], $0x1  }
0x94: {  	_ =	swait.eq [sflag:s5], $0x1  }
0x95: {  	[sflag:s5] =	ssyncset.done $0x0  }
0x96: {  	s16 =	sld [smem:$0x10];
	[sflag:s5] =	ssyncadd.s32 $0xFFFFFFFF  }
0x97: {  	s17 =	sld [smem:$0x11];
	(tm) =	ssettm $0x1  }
0x98: {  	s18 =	sld [smem:$0x3FFB];
	_ =	sdelay $0x3  }
0x99: {  	_ =	strace s18  }
0x9a: {  	s6 =	sld [smem:$0x3FFC];
	_ =	sdelay $0x3  }
0x9b: {  	_ =	strace s6  }
0x9c: {  	s6 =	sld [smem:$0x3FFD];
	_ =	sdelay $0x3  }
0x9d: {  	_ =	strace s6  }
0x9e: {  	_ =	strace $0x8FFFFFFF  }
0x9f: {  	s19 =	sld [smem:$0x3FDB];
	_ =	sdelay $0x1  }
0xa0: {  	s7 =	simm.s32 $_scs_section_size  }
0xa1: {  	s8 =	simm.s32 $_size__tile_overlayer_lowered;
	s9 =	simm.s32 $_tile_overlayer_lowered  }
0xa2: {  	s22 =	simm.s32 $0x1BFF;
	s21 =	sshll.u32 s9, $0x1;
	s6 =	sadd.s32 s7, s19  }
0xa3: {  	s10 =	simm.s32 $0x0;
	s20 =	sshll.u32 s8, $0x1;
	s8 =	sadd.s32 s21, s6  }
0xa4: {  	[timem:s10], [sflag:s22] =	dma.local [hbm:s8], s20  }
0xa5: {  	_ =	swait.ge [sflag:s22], s20  }
0xa6: {  	s7 =	ssub.s32 $0x0, s20;
	[sflag:s22] =	ssyncset.done $0x0  }
0xa7: {  	[sflag:s22] =	ssyncadd.s32 s7;
	_ =	sdelay $0x1  }
0xa8: {  	s23 =	simm.s32 $0x1B8B  }
0xa9: {  	_ =	swait.ge [sflag:s23], $0x1  }
0xaa: {  	[sflag:s23] =	ssyncset.done $0x0  }
0xab: {  	s25 =	simm.s32 $0x1B8E;
	s24 =	sld [smem:$0x3FFE];
	[sflag:s23] =	ssyncadd.s32 $0xFFFFFFFF  }
0xac: {  	s26 =	simm.s32 $execute0_lowered;
	[smem:$0x3FD2] =	sst s25  }
0xad: {  	s8 =	sshll.u32 s26, $0x1;
	_ =	strace $0x80000046;
	[dreg:$0x1] =	wrdreg $0xFFFFFFFF  }
0xae: {  	s28 =	simm.s32 $_size_execute0_lowered;
	s6 =	sadd.s32 s6, s8;
	[dreg:$0x0] =	wrdreg $0x0  }
0xaf: {  	s8 =	sshll.u32 s28, $0x1;
	[dreg:$0x2] =	wrdreg s6  }
0xb0: {  	[dreg:$0x3] =	wrdreg s8  }
0xb1: {  	[dreg:$0x4] =	wrdreg $0xC0  }
0xb2: {  	_ =	task [dreg:s10], $0x5FFFF  }
0xb3: {  	[dreg:$0x1] =	wrdreg $0xFFFFFFFF  }
0xb4: {  	[dreg:$0x0] =	wrdreg $0x60  }
0xb5: {  	[dreg:$0x2] =	wrdreg s15  }
0xb6: {  	[dreg:$0x3] =	wrdreg s4  }
0xb7: {  	[dreg:$0x4] =	wrdreg s24  }
0xb8: {  	[dreg:$0x5] =	wrdreg s16  }
0xb9: {  	[dreg:$0x6] =	wrdreg s17  }
0xba: {  	[dreg:$0x7] =	wrdreg $0x82000  }
0xbb: {  	[dreg:$0x8] =	wrdreg $0x9  }
0xbc: {  	_ =	task.clear_ibuf [dreg:s10], $0x9FFFF;
	_ =	strace $0x90000046  }
0xbd: {  	s29 =	simm.s32 $0x9;
	_ =	strace $0x80000048  }
0xbe: {  	_ =	swait.ge [sflag:s29], $0x1  }
0xbf: {  	[sflag:s29] =	ssyncadd.s32 $0xFFFFFFFF  }
0xc0: {  	_ =	strace $0x90000048  }
0xc1: {  	_ =	sfence  }
0xc2: {  	s30 =	sld [smem:$0x0];
	_ =	sdelay $0x2  }
0xc3: {  	s31 =	sshll.u32 s1, $0xD;
	s1 =	sshrl.u32 s1, $0x2  }
0xc4: {  	s3 =	sand.u32 $0x4000, s31;
	s1 =	sadd.s32 s1, s30  }
0xc5: {  	s0 =	sor.u32 s3, s0;
	s1 =	sshll.u32 s1, $0x11  }
0xc6: {  	s0 =	sor.u32 s1, s0  }
0xc7: {  	s0 =	sadd.s32 $0x8F2B, s0  }
0xc8: {  	[sflag:s0] =	ssyncadd.remote.s32 $0x1  }
0xc9: {  	_ =	sfence.sel $0xFFFF  }
0xca: {  	[dreg:$0x0] =	wrdreg $0xFFFFFFFF;
	(pc) =	sbr.abs _section_cstart, $3  }
0xcb: {  	[dreg:$0x1] =	wrdreg $0xFFFFFFFF  }
0xcc: {  	_ =	task.clear_ibuf [dreg:s10], $0x2FFFF;
	_ =	strace $0x9FFFFFFF  }
0xcd: {  	(tm) =	ssettm $0x7FFFFFFF  }
tec
execute0_lowered:
.L_overlay_start_1:
0x0: {  	(tag) =	ssettag $0x1  }
0x1: {  	s1 =	rddreg [dreg:$0x0]  }
0x2: {  	s2 =	rddreg [dreg:$0x1]  }
0x3: {  	s0 =	rddreg [dreg:$0x2]  }
0x4: {  	s12 =	rddreg [dreg:$0x3]  }
0x5: {  	s13 =	rddreg [dreg:$0x4]  }
0x6: {  	s5 =	rddreg [dreg:$0x5]  }
0x7: {  	s7 =	simm.s32 $0x0;
	s3 =	srdreg.scid;
	s14 =	stileid.u32  }
0x8: {  	s28 =	simm.s32 $0x4;
	s29 =	simm.s32 $0x1900;
	s30 =	simm.s32 $0x3  }
0x9: {  	s31 =	simm.s32 $0xC80;
	[smem:$0x7FF] =	sst s7;
	s4 =	smul.u32 $0x4E000, s14  }
0xa: {  	s3 =	sand.u32 $0x1, s3;
	s6 =	sadd.s32 $0x600, s0;
	s9 =	smul.u32 $0x2700, s14  }
0xb: {  	s0 =	sadd.s32 $0x8400, s0;
	s11 =	smul.u32 $0x3E80, s14;
	p1 =	sne.s32 s14, $0xF  }
0xc: {  	p2 =	seq.s32 s14, $0xF;
	s14 =	simm.s32 $0x3180;
	s8 =	ssub.s32 $0x2, s3  }
0xd: {  	_ =	strace $0x80000047;
	p0 =	seq.s32 s3, $0x1;
	s10 =	sshrl.u32 s8, $0x1  }
0xe: {  	s24 =	sshrl.u32 s4, $0x2;
	s25 =	sadd.s32 s1, s9;
	s26 =	sshrl.u32 s11, $0x3  }
0xf: {  	s11 =	sadd.s32 $0x27000, s1;
	s23 =	sadd.s32 s12, s9;
	s12 =	simm.s32 $0x1880  }
0x10: {  	s8 =	ssub.s32 s8, s10;
	s3 =	sadd.s32 s24, s5;
	[dreg:$0x8] =	wrdreg s25  }
0x11: {  	s10 =	sadd.s32 $0x138000, s5;
	[dreg:$0x9] =	wrdreg s11;
	s15 =	sadd.s32 s6, s26  }
0x12: {  	s16 =	sadd.s32 s0, s26;
	s17 =	sadd.s32 $0x190, s26;
	[dreg:$0x13] =	wrdreg s23  }
0x13: {  	s11 =	sadd.s32 $0x320, s26;
	s20 =	sadd.s32 $0x4B0, s26;
	[dreg:$0x7] =	wrdreg s3  }
0x14: {  	s24 =	sadd.s32 s2, s9;
	s25 =	sadd.s32 s13, s9;
	[dreg:$0xa] =	wrdreg s15  }
0x15: {  	s9 =	simm.s32 $0x1;
	s23 =	simm.s32 $0x2;
	[dreg:$0xb] =	wrdreg s16  }
0x16: {  	s13 =	simm.s32 $0x3100;
	s15 =	sadd.s32 s6, s17;
	[dreg:$0x14] =	wrdreg s24  }
0x17: {  	s4 =	sadd.s32 s0, s17;
	s18 =	sadd.s32 s6, s11;
	[dreg:$0x15] =	wrdreg s25  }
0x18: {  	s19 =	sadd.s32 s0, s11;
	s3 =	sadd.s32 $0x640, s26;
	[dreg:$0xc] =	wrdreg s15  }
0x19: {  	s21 =	sadd.s32 s6, s20;
	s25 =	smax.u32 s8, $0x1;
	[dreg:$0xd] =	wrdreg s4  }
0x1a: {  	s26 =	sadd.s32 $0x27000, s2;
	s11 =	simm.s32 $0x80;
	[dreg:$0xe] =	wrdreg s18  }
0x1b: {  	s24 =	simm.s32 $0xC00;
	s8 =	simm.s32 $0xD00;
	[dreg:$0xf] =	wrdreg s19  }
.Ltmp0:
0x1c: {  	[dreg:$0x10] =	wrdreg s21;
	s4 =	sadd.s32 s0, s20;
	(pc) =	sbr.rel .LBB2_1-.Ltmp0, $4  }
0x1d: {  	s22 =	sadd.s32 s6, s3;
	s21 =	sadd.s32 s0, s3;
	[dreg:$0x16] =	wrdreg s26  }
0x1e: {  	s0 =	simm.s32 $0x2580;
	s3 =	simm.s32 $0x50;
	s26 =	simm.s32 $0x2480  }
0x1f: {  	s6 =	simm.s32 $0x2500;
	s15 =	simm.s32 $0x0;
	[dreg:$0x11] =	wrdreg s4  }
0x20: {  	[dreg:$0x12] =	wrdreg s22;
	s4 =	simm.s32 $0x3200;
	s22 =	simm.s32 $0x5A00  }
.LBB2_24:
0x21: {  	s17 =	sadd.s32 $0x27000, s17;
	s18 =	sshrl.u32 s10, $0x3  }
0x22: {  	[hbm:s17], [sflag:s16] =	dma.local [spmem:s18], $0x100  }
0x23: {  	_ =	swait.ge [sflag:s28], $0x100  }
0x24: {  	[sflag:s28] =	ssyncset.done $0x0  }
0x25: {  	[sflag:s28] =	ssyncadd.s32 $0xFFFFFF00  }
.LBB2_25:
0x26: {  	s15 =	sadd.s32 $0x1, s15  }
0x27: {  	p3 =	sne.s32 s15, s25  }
.Ltmp1:
0x28: {  	_ = 	snop;
	(pc) =	sbr.rel @!p3 .LBB2_26-.Ltmp1, $1  }
0x29: {  	_ =	sdelay $0x3  }
.LBB2_1:
.Ltmp2:
0x2a: {  	(pc) =	sbr.rel @!p0 .LBB2_2-.Ltmp2, $4  }
0x2b: {  	_ = 	snop  }
0x2c: {  	s16 =	stileid.u32  }
0x2d: {  	s20 =	rddreg [dreg:$0x7];
	s19 =	sshll.u32 s16, $0x6  }
0x2e: {  	s18 =	sshrl.u32 @!p1 s10, $0x3;
	s17 =	sshrl.u32 s20, $0x3;
	s16 =	sor.u32 $0x1C04, s19  }
0x2f: {  	s16 =	sor.u32 $0x1C04, s19;
	s20 =	rddreg [dreg:$0x14]  }
0x30: {  	[spmem:s17], [sflag:s16] =	dma.local [hbm:s20], $0x2700  }
0x31: {  	_ =	swait.ge [sflag:s28], $0x2700  }
0x32: {  	[sflag:s28] =	ssyncset.done $0x0  }
0x33: {  	s19 =	rddreg [dreg:$0x16];
	[sflag:s28] =	ssyncadd.s32 $0xFFFFD900  }
0x34: {  	[spmem:s18], [sflag:s16] =	dma.local @!p1 [hbm:s19], $0x100  }
0x35: {  	s18 =	simm.s32 @!p1 $0x4  }
0x36: {  	_ =	swait.ge @!p1 [sflag:s18], $0x100  }
0x37: {  	[sflag:s18] =	ssyncset.done @!p1 $0x0  }
0x38: {  	s20 =	rddreg [dreg:$0xa];
	[sflag:s18] =	ssyncadd.s32 @!p1 $0xFFFFFF00  }
0x39: {  	[tilespmem:s7], [sflag:$0x3] =	stream.linear.gather [hbm4b:s20+s7], $0xC80, $0x38;
	[tilespmem:$0x1BA80] =	vst v63  }
0x3a: {  	s19 =	rddreg [dreg:$0xb]  }
0x3b: {  	[tilespmem:s29], [sflag:$0x3] =	stream.linear.gather [hbm4b:s19+s7], $0xC80, $0x38;
	[tilespmem:$0x1BA80] =	vst v63  }
0x3c: {  	_ =	swait.ge [sflag:s30], $0xC80  }
0x3d: {  	[sflag:s30] =	ssyncset.done $0x0  }
0x3e: {  	[sflag:s30] =	ssyncadd.s32 $0xFFFFF380  }
0x3f: {  	_ =	swait.ge [sflag:s30], $0xC80  }
0x40: {  	[sflag:s30] =	ssyncset.done $0x0  }
0x41: {  	[sflag:s30] =	ssyncadd.s32 $0xFFFFF380  }
0x42: {  	[bflag:$0x0] =	sbarrier.arrive $0xFFFF  }
0x43: {  	s20 =	rddreg [dreg:$0xc]  }
0x44: {  	[tilespmem:s31], [sflag:$0x3] =	stream.linear.gather [hbm4b:s20+s7], $0xC80, $0x38;
	[tilespmem:$0x1BA80] =	vst v63  }
0x45: {  	s19 =	rddreg [dreg:$0xd]  }
0x46: {  	[tilespmem:s0], [sflag:$0x3] =	stream.linear.gather [hbm4b:s19+s7], $0xC80, $0x38;
	[tilespmem:$0x1BA80] =	vst v63  }
0x47: {  	_ = 	snop  }
0x48: {  	[tilespmem:s4], [sflag:$0x1] =	stream.indirect.gather [hbm4b:s2+s3], $0x80, s7, s3, $0xb8;
	[tilespmem:$0x1BA80] =	vst v63  }
0x49: {  	_ =	swait.ge [sflag:s9], $0x2800  }
0x4a: {  	[sflag:s9] =	ssyncset.done $0x0  }
0x4b: {  	[sflag:s9] =	ssyncadd.s32 $0xFFFFD800  }
0x4c: {  	[tilespmem:s22], [sflag:$0x1] =	stream.indirect.gather [hbm4b:s2+s3], $0x80, s11, s3, $0xb8;
	[tilespmem:$0x1BA80] =	vst v63  }
0x4d: {  	_ = 	snop  }
0x4e: {  	[spmem:s5] =	stream.indirect.scatter.add.f32 [tilespmem:s4], [sflag:$0x2], $0x80, s29, s3, $0xb8;
	[tilespmem:$0x1BA80] =	vst v63  }
0x4f: {  	_ =	swait.ge [sflag:s9], $0x2800  }
0x50: {  	[sflag:s9] =	ssyncset.done $0x0  }
0x51: {  	[sflag:s9] =	ssyncadd.s32 $0xFFFFD800  }
0x52: {  	_ =	swait.ge [sflag:s23], $0x2800  }
0x53: {  	[sflag:s23] =	ssyncset.done $0x0  }
0x54: {  	s20 =	simm.s32 $0x100;
	[sflag:s23] =	ssyncadd.s32 $0xFFFFD800  }
0x55: {  	[tilespmem:s4], [sflag:$0x1] =	stream.indirect.gather [hbm4b:s2+s3], $0x80, s20, s3, $0xb8;
	[tilespmem:$0x1BA80] =	vst v63  }
0x56: {  	s19 =	simm.s32 $0x1980  }
0x57: {  	[spmem:s5] =	stream.indirect.scatter.add.f32 [tilespmem:s22], [sflag:$0x2], $0x80, s19, s3, $0xb8;
	[tilespmem:$0x1BA80] =	vst v63  }
0x58: {  	_ =	swait.ge [sflag:s9], $0x2800  }
0x59: {  	[sflag:s9] =	ssyncset.done $0x0  }
0x5a: {  	[sflag:s9] =	ssyncadd.s32 $0xFFFFD800  }
0x5b: {  	_ =	swait.ge [sflag:s23], $0x2800  }
0x5c: {  	s18 =	simm.s32 $0xFFFFD800;
	[sflag:s23] =	ssyncset.done $0x0  }
0x5d: {  	s20 =	simm.s32 $0x180;
	s19 =	simm.s32 $0x1A00;
	[sflag:s23] =	ssyncadd.s32 $0xFFFFD800  }
0x5e: {  	[tilespmem:s22], [sflag:$0x1] =	stream.indirect.gather [hbm4b:s2+s3], $0x80, s20, s3, $0xb8;
	[tilespmem:$0x1BA80] =	vst v63  }
.LBB2_14:
0x5f: {  	[spmem:s5] =	stream.indirect.scatter.add.f32 [tilespmem:s4], [sflag:$0x2], $0x80, s19, s3, $0xb8;
	[tilespmem:$0x1BA80] =	vst v63  }
0x60: {  	s19 =	smov.u32 s18  }
0x61: {  	p3 =	sne.s32 s18, $0xFFFFFC00;
	s18 =	sadd.s32 $0x400, s18;
	_ =	swait.ge [sflag:s9], $0x2800  }
0x62: {  	[sflag:s9] =	ssyncset.done $0x0  }
0x63: {  	[sflag:s9] =	ssyncadd.s32 $0xFFFFD800  }
0x64: {  	_ =	swait.ge [sflag:s23], $0x2800  }
0x65: {  	s19 =	sshra.s32 s19, $0x2;
	[sflag:s23] =	ssyncset.done $0x0  }
0x66: {  	s20 =	sadd.s32 $0xC00, s19;
	[sflag:s23] =	ssyncadd.s32 $0xFFFFD800  }
0x67: {  	[tilespmem:s4], [sflag:$0x1] =	stream.indirect.gather [hbm4b:s2+s3], $0x80, s20, s3, $0xb8;
	[tilespmem:$0x1BA80] =	vst v63  }
0x68: {  	s20 =	sadd.s32 $0x2480, s19  }
0x69: {  	[spmem:s5] =	stream.indirect.scatter.add.f32 [tilespmem:s22], [sflag:$0x2], $0x80, s20, s3, $0xb8;
	[tilespmem:$0x1BA80] =	vst v63  }
0x6a: {  	_ =	swait.ge [sflag:s9], $0x2800  }
0x6b: {  	[sflag:s9] =	ssyncset.done $0x0  }
0x6c: {  	[sflag:s9] =	ssyncadd.s32 $0xFFFFD800  }
.Ltmp3:
0x6d: {  	_ =	swait.ge [sflag:s23], $0x2800;
	(pc) =	sbr.rel @p3 .LBB2_14-.Ltmp3, $4  }
0x6e: {  	[sflag:s23] =	ssyncset.done $0x0  }
0x6f: {  	s20 =	sadd.s32 $0xC80, s19;
	[sflag:s23] =	ssyncadd.s32 $0xFFFFD800  }
0x70: {  	[tilespmem:s22], [sflag:$0x1] =	stream.indirect.gather [hbm4b:s2+s3], $0x80, s20, s3, $0xb8;
	[tilespmem:$0x1BA80] =	vst v63  }
0x71: {  	s19 =	sadd.s32 $0x2500, s19  }
0x72: {  	[spmem:s5] =	stream.indirect.scatter.add.f32 [tilespmem:s4], [sflag:$0x2], $0x80, s19, s3, $0xb8;
	[tilespmem:$0x1BA80] =	vst v63  }
0x73: {  	_ =	swait.ge [sflag:s9], $0x2800  }
0x74: {  	[sflag:s9] =	ssyncset.done $0x0  }
0x75: {  	[sflag:s9] =	ssyncadd.s32 $0xFFFFD800  }
0x76: {  	_ =	swait.ge [sflag:s23], $0x2800  }
0x77: {  	[sflag:s23] =	ssyncset.done $0x0  }
0x78: {  	[sflag:s23] =	ssyncadd.s32 $0xFFFFD800  }
0x79: {  	[tilespmem:s4], [sflag:$0x1] =	stream.indirect.gather [hbm4b:s2+s3], $0x80, s24, s3, $0xb8;
	[tilespmem:$0x1BA80] =	vst v63  }
0x7a: {  	_ = 	snop  }
0x7b: {  	[spmem:s5] =	stream.indirect.scatter.add.f32 [tilespmem:s22], [sflag:$0x2], $0x80, s26, s3, $0xb8;
	[tilespmem:$0x1BA80] =	vst v63  }
0x7c: {  	_ =	swait.ge [sflag:s9], $0x2800  }
0x7d: {  	[sflag:s9] =	ssyncset.done $0x0  }
0x7e: {  	[sflag:s9] =	ssyncadd.s32 $0xFFFFD800  }
0x7f: {  	_ =	swait.ge [sflag:s23], $0x2800  }
0x80: {  	[sflag:s23] =	ssyncset.done $0x0  }
0x81: {  	[sflag:s23] =	ssyncadd.s32 $0xFFFFD800  }
0x82: {  	[spmem:s5] =	stream.indirect.scatter.add.f32 [tilespmem:s4], [sflag:$0x2], $0x80, s6, s3, $0xb8;
	[tilespmem:$0x1BA80] =	vst v63  }
0x83: {  	_ =	swait.ge [sflag:s23], $0x2800  }
0x84: {  	[sflag:s23] =	ssyncset.done $0x0  }
0x85: {  	[sflag:s23] =	ssyncadd.s32 $0xFFFFD800  }
0x86: {  	_ =	swait.ge [sflag:s30], $0xC80  }
0x87: {  	[sflag:s30] =	ssyncset.done $0x0  }
0x88: {  	[sflag:s30] =	ssyncadd.s32 $0xFFFFF380  }
0x89: {  	_ =	swait.ge [sflag:s30], $0xC80  }
0x8a: {  	[sflag:s30] =	ssyncset.done $0x0  }
0x8b: {  	s18 =	rddreg [dreg:$0xe];
	[sflag:s30] =	ssyncadd.s32 $0xFFFFF380  }
0x8c: {  	[tilespmem:s7], [sflag:$0x3] =	stream.linear.gather [hbm4b:s18+s7], $0xC80, $0x38;
	[tilespmem:$0x1BA80] =	vst v63  }
0x8d: {  	s19 =	rddreg [dreg:$0xf]  }
0x8e: {  	[tilespmem:s29], [sflag:$0x3] =	stream.linear.gather [hbm4b:s19+s7], $0xC80, $0x38;
	[tilespmem:$0x1BA80] =	vst v63  }
0x8f: {  	_ = 	snop  }
0x90: {  	[tilespmem:s4], [sflag:$0x1] =	stream.indirect.gather [hbm4b:s2+s3], $0x80, s31, s3, $0xb8;
	[tilespmem:$0x1BA80] =	vst v63  }
0x91: {  	_ =	swait.ge [sflag:s9], $0x2800  }
0x92: {  	[sflag:s9] =	ssyncset.done $0x0  }
0x93: {  	[sflag:s9] =	ssyncadd.s32 $0xFFFFD800  }
0x94: {  	[tilespmem:s22], [sflag:$0x1] =	stream.indirect.gather [hbm4b:s2+s3], $0x80, s8, s3, $0xb8;
	[tilespmem:$0x1BA80] =	vst v63  }
0x95: {  	_ = 	snop  }
0x96: {  	[spmem:s5] =	stream.indirect.scatter.add.f32 [tilespmem:s4], [sflag:$0x2], $0x80, s0, s3, $0xb8;
	[tilespmem:$0x1BA80] =	vst v63  }
0x97: {  	_ =	swait.ge [sflag:s9], $0x2800  }
0x98: {  	[sflag:s9] =	ssyncset.done $0x0  }
0x99: {  	[sflag:s9] =	ssyncadd.s32 $0xFFFFD800  }
0x9a: {  	_ =	swait.ge [sflag:s23], $0x2800  }
0x9b: {  	[sflag:s23] =	ssyncset.done $0x0  }
0x9c: {  	s20 =	simm.s32 $0xD80;
	[sflag:s23] =	ssyncadd.s32 $0xFFFFD800  }
0x9d: {  	[tilespmem:s4], [sflag:$0x1] =	stream.indirect.gather [hbm4b:s2+s3], $0x80, s20, s3, $0xb8;
	[tilespmem:$0x1BA80] =	vst v63  }
0x9e: {  	s19 =	simm.s32 $0x2600  }
0x9f: {  	[spmem:s5] =	stream.indirect.scatter.add.f32 [tilespmem:s22], [sflag:$0x2], $0x80, s19, s3, $0xb8;
	[tilespmem:$0x1BA80] =	vst v63  }
0xa0: {  	_ =	swait.ge [sflag:s9], $0x2800  }
0xa1: {  	[sflag:s9] =	ssyncset.done $0x0  }
0xa2: {  	[sflag:s9] =	ssyncadd.s32 $0xFFFFD800  }
0xa3: {  	_ =	swait.ge [sflag:s23], $0x2800  }
0xa4: {  	s18 =	simm.s32 $0xFFFFD800;
	[sflag:s23] =	ssyncset.done $0x0  }
0xa5: {  	s20 =	simm.s32 $0xE00;
	s19 =	simm.s32 $0x2680;
	[sflag:s23] =	ssyncadd.s32 $0xFFFFD800  }
0xa6: {  	[tilespmem:s22], [sflag:$0x1] =	stream.indirect.gather [hbm4b:s2+s3], $0x80, s20, s3, $0xb8;
	[tilespmem:$0x1BA80] =	vst v63  }
.LBB2_16:
0xa7: {  	[spmem:s5] =	stream.indirect.scatter.add.f32 [tilespmem:s4], [sflag:$0x2], $0x80, s19, s3, $0xb8;
	[tilespmem:$0x1BA80] =	vst v63  }
0xa8: {  	s19 =	smov.u32 s18  }
0xa9: {  	p3 =	sne.s32 s18, $0xFFFFFC00;
	s18 =	sadd.s32 $0x400, s18;
	_ =	swait.ge [sflag:s9], $0x2800  }
0xaa: {  	[sflag:s9] =	ssyncset.done $0x0  }
0xab: {  	[sflag:s9] =	ssyncadd.s32 $0xFFFFD800  }
0xac: {  	_ =	swait.ge [sflag:s23], $0x2800  }
0xad: {  	s19 =	sshra.s32 s19, $0x2;
	[sflag:s23] =	ssyncset.done $0x0  }
0xae: {  	s20 =	sadd.s32 $0x1880, s19;
	[sflag:s23] =	ssyncadd.s32 $0xFFFFD800  }
0xaf: {  	[tilespmem:s4], [sflag:$0x1] =	stream.indirect.gather [hbm4b:s2+s3], $0x80, s20, s3, $0xb8;
	[tilespmem:$0x1BA80] =	vst v63  }
0xb0: {  	s20 =	sadd.s32 $0x3100, s19  }
0xb1: {  	[spmem:s5] =	stream.indirect.scatter.add.f32 [tilespmem:s22], [sflag:$0x2], $0x80, s20, s3, $0xb8;
	[tilespmem:$0x1BA80] =	vst v63  }
0xb2: {  	_ =	swait.ge [sflag:s9], $0x2800  }
0xb3: {  	[sflag:s9] =	ssyncset.done $0x0  }
0xb4: {  	[sflag:s9] =	ssyncadd.s32 $0xFFFFD800  }
.Ltmp4:
0xb5: {  	_ =	swait.ge [sflag:s23], $0x2800;
	(pc) =	sbr.rel @p3 .LBB2_16-.Ltmp4, $4  }
0xb6: {  	[sflag:s23] =	ssyncset.done $0x0  }
0xb7: {  	s20 =	sadd.s32 $0x1900, s19;
	[sflag:s23] =	ssyncadd.s32 $0xFFFFD800  }
0xb8: {  	[tilespmem:s22], [sflag:$0x1] =	stream.indirect.gather [hbm4b:s2+s3], $0x80, s20, s3, $0xb8;
	[tilespmem:$0x1BA80] =	vst v63  }
0xb9: {  	s19 =	sadd.s32 $0x3180, s19  }
0xba: {  	[spmem:s5] =	stream.indirect.scatter.add.f32 [tilespmem:s4], [sflag:$0x2], $0x80, s19, s3, $0xb8;
	[tilespmem:$0x1BA80] =	vst v63  }
0xbb: {  	_ =	swait.ge [sflag:s9], $0x2800  }
0xbc: {  	[sflag:s9] =	ssyncset.done $0x0  }
0xbd: {  	[sflag:s9] =	ssyncadd.s32 $0xFFFFD800  }
0xbe: {  	_ =	swait.ge [sflag:s23], $0x2800  }
0xbf: {  	[sflag:s23] =	ssyncset.done $0x0  }
0xc0: {  	[sflag:s23] =	ssyncadd.s32 $0xFFFFD800  }
0xc1: {  	[tilespmem:s4], [sflag:$0x1] =	stream.indirect.gather [hbm4b:s2+s3], $0x80, s12, s3, $0xb8;
	[tilespmem:$0x1BA80] =	vst v63  }
0xc2: {  	_ = 	snop  }
0xc3: {  	[spmem:s5] =	stream.indirect.scatter.add.f32 [tilespmem:s22], [sflag:$0x2], $0x80, s13, s3, $0xb8;
	[tilespmem:$0x1BA80] =	vst v63  }
0xc4: {  	_ =	swait.ge [sflag:s9], $0x2800  }
0xc5: {  	[sflag:s9] =	ssyncset.done $0x0  }
0xc6: {  	[sflag:s9] =	ssyncadd.s32 $0xFFFFD800  }
0xc7: {  	_ =	swait.ge [sflag:s23], $0x2800  }
0xc8: {  	[sflag:s23] =	ssyncset.done $0x0  }
0xc9: {  	[sflag:s23] =	ssyncadd.s32 $0xFFFFD800  }
0xca: {  	[spmem:s5] =	stream.indirect.scatter.add.f32 [tilespmem:s4], [sflag:$0x2], $0x80, s14, s3, $0xb8;
	[tilespmem:$0x1BA80] =	vst v63  }
0xcb: {  	_ =	swait.ge [sflag:s23], $0x2800  }
0xcc: {  	[sflag:s23] =	ssyncset.done $0x0  }
0xcd: {  	[sflag:s23] =	ssyncadd.s32 $0xFFFFD800  }
0xce: {  	_ =	swait.ge [sflag:s30], $0xC80  }
0xcf: {  	[sflag:s30] =	ssyncset.done $0x0  }
0xd0: {  	[sflag:s30] =	ssyncadd.s32 $0xFFFFF380  }
0xd1: {  	_ =	swait.ge [sflag:s30], $0xC80  }
0xd2: {  	[sflag:s30] =	ssyncset.done $0x0  }
0xd3: {  	s18 =	rddreg [dreg:$0x10];
	[sflag:s30] =	ssyncadd.s32 $0xFFFFF380  }
0xd4: {  	[tilespmem:s31], [sflag:$0x3] =	stream.linear.gather [hbm4b:s18+s7], $0xC80, $0x38;
	[tilespmem:$0x1BA80] =	vst v63  }
0xd5: {  	s19 =	rddreg [dreg:$0x11]  }
0xd6: {  	[tilespmem:s0], [sflag:$0x3] =	stream.linear.gather [hbm4b:s19+s7], $0xC80, $0x38;
	[tilespmem:$0x1BA80] =	vst v63  }
0xd7: {  	_ = 	snop  }
0xd8: {  	[tilespmem:s4], [sflag:$0x1] =	stream.indirect.gather [hbm4b:s2+s3], $0x80, s7, s3, $0xb8;
	[tilespmem:$0x1BA80] =	vst v63  }
0xd9: {  	_ =	swait.ge [sflag:s9], $0x2800  }
0xda: {  	[sflag:s9] =	ssyncset.done $0x0  }
0xdb: {  	[sflag:s9] =	ssyncadd.s32 $0xFFFFD800  }
0xdc: {  	[tilespmem:s22], [sflag:$0x1] =	stream.indirect.gather [hbm4b:s2+s3], $0x80, s11, s3, $0xb8;
	[tilespmem:$0x1BA80] =	vst v63  }
0xdd: {  	_ = 	snop  }
0xde: {  	[spmem:s5] =	stream.indirect.scatter.add.f32 [tilespmem:s4], [sflag:$0x2], $0x80, s29, s3, $0xb8;
	[tilespmem:$0x1BA80] =	vst v63  }
0xdf: {  	_ =	swait.ge [sflag:s9], $0x2800  }
0xe0: {  	[sflag:s9] =	ssyncset.done $0x0  }
0xe1: {  	[sflag:s9] =	ssyncadd.s32 $0xFFFFD800  }
0xe2: {  	_ =	swait.ge [sflag:s23], $0x2800  }
0xe3: {  	[sflag:s23] =	ssyncset.done $0x0  }
0xe4: {  	s20 =	simm.s32 $0x100;
	[sflag:s23] =	ssyncadd.s32 $0xFFFFD800  }
0xe5: {  	[tilespmem:s4], [sflag:$0x1] =	stream.indirect.gather [hbm4b:s2+s3], $0x80, s20, s3, $0xb8;
	[tilespmem:$0x1BA80] =	vst v63  }
0xe6: {  	s19 =	simm.s32 $0x1980  }
0xe7: {  	[spmem:s5] =	stream.indirect.scatter.add.f32 [tilespmem:s22], [sflag:$0x2], $0x80, s19, s3, $0xb8;
	[tilespmem:$0x1BA80] =	vst v63  }
0xe8: {  	_ =	swait.ge [sflag:s9], $0x2800  }
0xe9: {  	[sflag:s9] =	ssyncset.done $0x0  }
0xea: {  	[sflag:s9] =	ssyncadd.s32 $0xFFFFD800  }
0xeb: {  	_ =	swait.ge [sflag:s23], $0x2800  }
0xec: {  	s18 =	simm.s32 $0xFFFFD800;
	[sflag:s23] =	ssyncset.done $0x0  }
0xed: {  	s20 =	simm.s32 $0x180;
	s19 =	simm.s32 $0x1A00;
	[sflag:s23] =	ssyncadd.s32 $0xFFFFD800  }
0xee: {  	[tilespmem:s22], [sflag:$0x1] =	stream.indirect.gather [hbm4b:s2+s3], $0x80, s20, s3, $0xb8;
	[tilespmem:$0x1BA80] =	vst v63  }
.LBB2_18:
0xef: {  	[spmem:s5] =	stream.indirect.scatter.add.f32 [tilespmem:s4], [sflag:$0x2], $0x80, s19, s3, $0xb8;
	[tilespmem:$0x1BA80] =	vst v63  }
0xf0: {  	s19 =	smov.u32 s18  }
0xf1: {  	p3 =	sne.s32 s18, $0xFFFFFC00;
	s18 =	sadd.s32 $0x400, s18;
	_ =	swait.ge [sflag:s9], $0x2800  }
0xf2: {  	[sflag:s9] =	ssyncset.done $0x0  }
0xf3: {  	[sflag:s9] =	ssyncadd.s32 $0xFFFFD800  }
0xf4: {  	_ =	swait.ge [sflag:s23], $0x2800  }
0xf5: {  	s19 =	sshra.s32 s19, $0x2;
	[sflag:s23] =	ssyncset.done $0x0  }
0xf6: {  	s20 =	sadd.s32 $0xC00, s19;
	[sflag:s23] =	ssyncadd.s32 $0xFFFFD800  }
0xf7: {  	[tilespmem:s4], [sflag:$0x1] =	stream.indirect.gather [hbm4b:s2+s3], $0x80, s20, s3, $0xb8;
	[tilespmem:$0x1BA80] =	vst v63  }
0xf8: {  	s20 =	sadd.s32 $0x2480, s19  }
0xf9: {  	[spmem:s5] =	stream.indirect.scatter.add.f32 [tilespmem:s22], [sflag:$0x2], $0x80, s20, s3, $0xb8;
	[tilespmem:$0x1BA80] =	vst v63  }
0xfa: {  	_ =	swait.ge [sflag:s9], $0x2800  }
0xfb: {  	[sflag:s9] =	ssyncset.done $0x0  }
0xfc: {  	[sflag:s9] =	ssyncadd.s32 $0xFFFFD800  }
.Ltmp5:
0xfd: {  	_ =	swait.ge [sflag:s23], $0x2800;
	(pc) =	sbr.rel @p3 .LBB2_18-.Ltmp5, $4  }
0xfe: {  	[sflag:s23] =	ssyncset.done $0x0  }
0xff: {  	s20 =	sadd.s32 $0xC80, s19;
	[sflag:s23] =	ssyncadd.s32 $0xFFFFD800  }
0x100: {  	[tilespmem:s22], [sflag:$0x1] =	stream.indirect.gather [hbm4b:s2+s3], $0x80, s20, s3, $0xb8;
	[tilespmem:$0x1BA80] =	vst v63  }
0x101: {  	s19 =	sadd.s32 $0x2500, s19  }
0x102: {  	[spmem:s5] =	stream.indirect.scatter.add.f32 [tilespmem:s4], [sflag:$0x2], $0x80, s19, s3, $0xb8;
	[tilespmem:$0x1BA80] =	vst v63  }
0x103: {  	_ =	swait.ge [sflag:s9], $0x2800  }
0x104: {  	[sflag:s9] =	ssyncset.done $0x0  }
0x105: {  	[sflag:s9] =	ssyncadd.s32 $0xFFFFD800  }
0x106: {  	_ =	swait.ge [sflag:s23], $0x2800  }
0x107: {  	[sflag:s23] =	ssyncset.done $0x0  }
0x108: {  	[sflag:s23] =	ssyncadd.s32 $0xFFFFD800  }
0x109: {  	[tilespmem:s4], [sflag:$0x1] =	stream.indirect.gather [hbm4b:s2+s3], $0x80, s24, s3, $0xb8;
	[tilespmem:$0x1BA80] =	vst v63  }
0x10a: {  	_ = 	snop  }
0x10b: {  	[spmem:s5] =	stream.indirect.scatter.add.f32 [tilespmem:s22], [sflag:$0x2], $0x80, s26, s3, $0xb8;
	[tilespmem:$0x1BA80] =	vst v63  }
0x10c: {  	_ =	swait.ge [sflag:s9], $0x2800  }
0x10d: {  	[sflag:s9] =	ssyncset.done $0x0  }
0x10e: {  	[sflag:s9] =	ssyncadd.s32 $0xFFFFD800  }
0x10f: {  	_ =	swait.ge [sflag:s23], $0x2800  }
0x110: {  	[sflag:s23] =	ssyncset.done $0x0  }
0x111: {  	[sflag:s23] =	ssyncadd.s32 $0xFFFFD800  }
0x112: {  	[spmem:s5] =	stream.indirect.scatter.add.f32 [tilespmem:s4], [sflag:$0x2], $0x80, s6, s3, $0xb8;
	[tilespmem:$0x1BA80] =	vst v63  }
0x113: {  	_ =	swait.ge [sflag:s23], $0x2800  }
0x114: {  	[sflag:s23] =	ssyncset.done $0x0  }
0x115: {  	[sflag:s23] =	ssyncadd.s32 $0xFFFFD800  }
0x116: {  	_ =	swait.ge [sflag:s30], $0xC80  }
0x117: {  	[sflag:s30] =	ssyncset.done $0x0  }
0x118: {  	[sflag:s30] =	ssyncadd.s32 $0xFFFFF380  }
0x119: {  	_ =	swait.ge [sflag:s30], $0xC80  }
0x11a: {  	[sflag:s30] =	ssyncset.done $0x0  }
0x11b: {  	s18 =	rddreg [dreg:$0x12];
	[sflag:s30] =	ssyncadd.s32 $0xFFFFF380  }
0x11c: {  	[tilespmem:s7], [sflag:$0x3] =	stream.linear.gather [hbm4b:s18+s7], $0xC80, $0x38;
	[tilespmem:$0x1BA80] =	vst v63  }
0x11d: {  	_ = 	snop  }
0x11e: {  	[tilespmem:s29], [sflag:$0x3] =	stream.linear.gather [hbm4b:s21+s7], $0xC80, $0x38;
	[tilespmem:$0x1BA80] =	vst v63  }
0x11f: {  	_ = 	snop  }
0x120: {  	[tilespmem:s4], [sflag:$0x1] =	stream.indirect.gather [hbm4b:s2+s3], $0x80, s31, s3, $0xb8;
	[tilespmem:$0x1BA80] =	vst v63  }
0x121: {  	_ =	swait.ge [sflag:s9], $0x2800  }
0x122: {  	[sflag:s9] =	ssyncset.done $0x0  }
0x123: {  	[sflag:s9] =	ssyncadd.s32 $0xFFFFD800  }
0x124: {  	[tilespmem:s22], [sflag:$0x1] =	stream.indirect.gather [hbm4b:s2+s3], $0x80, s8, s3, $0xb8;
	[tilespmem:$0x1BA80] =	vst v63  }
0x125: {  	_ = 	snop  }
0x126: {  	[spmem:s5] =	stream.indirect.scatter.add.f32 [tilespmem:s4], [sflag:$0x2], $0x80, s0, s3, $0xb8;
	[tilespmem:$0x1BA80] =	vst v63  }
0x127: {  	_ =	swait.ge [sflag:s9], $0x2800  }
0x128: {  	[sflag:s9] =	ssyncset.done $0x0  }
0x129: {  	[sflag:s9] =	ssyncadd.s32 $0xFFFFD800  }
0x12a: {  	_ =	swait.ge [sflag:s23], $0x2800  }
0x12b: {  	[sflag:s23] =	ssyncset.done $0x0  }
0x12c: {  	s20 =	simm.s32 $0xD80;
	[sflag:s23] =	ssyncadd.s32 $0xFFFFD800  }
0x12d: {  	[tilespmem:s4], [sflag:$0x1] =	stream.indirect.gather [hbm4b:s2+s3], $0x80, s20, s3, $0xb8;
	[tilespmem:$0x1BA80] =	vst v63  }
0x12e: {  	s19 =	simm.s32 $0x2600  }
0x12f: {  	[spmem:s5] =	stream.indirect.scatter.add.f32 [tilespmem:s22], [sflag:$0x2], $0x80, s19, s3, $0xb8;
	[tilespmem:$0x1BA80] =	vst v63  }
0x130: {  	_ =	swait.ge [sflag:s9], $0x2800  }
0x131: {  	[sflag:s9] =	ssyncset.done $0x0  }
0x132: {  	[sflag:s9] =	ssyncadd.s32 $0xFFFFD800  }
0x133: {  	_ =	swait.ge [sflag:s23], $0x2800  }
0x134: {  	s18 =	simm.s32 $0xFFFFD800;
	[sflag:s23] =	ssyncset.done $0x0  }
0x135: {  	s20 =	simm.s32 $0xE00;
	s19 =	simm.s32 $0x2680;
	[sflag:s23] =	ssyncadd.s32 $0xFFFFD800  }
0x136: {  	[tilespmem:s22], [sflag:$0x1] =	stream.indirect.gather [hbm4b:s2+s3], $0x80, s20, s3, $0xb8;
	[tilespmem:$0x1BA80] =	vst v63  }
.LBB2_20:
0x137: {  	[spmem:s5] =	stream.indirect.scatter.add.f32 [tilespmem:s4], [sflag:$0x2], $0x80, s19, s3, $0xb8;
	[tilespmem:$0x1BA80] =	vst v63  }
0x138: {  	s19 =	smov.u32 s18  }
0x139: {  	p3 =	sne.s32 s18, $0xFFFFFC00;
	s18 =	sadd.s32 $0x400, s18;
	_ =	swait.ge [sflag:s9], $0x2800  }
0x13a: {  	[sflag:s9] =	ssyncset.done $0x0  }
0x13b: {  	[sflag:s9] =	ssyncadd.s32 $0xFFFFD800  }
0x13c: {  	_ =	swait.ge [sflag:s23], $0x2800  }
0x13d: {  	s19 =	sshra.s32 s19, $0x2;
	[sflag:s23] =	ssyncset.done $0x0  }
0x13e: {  	s20 =	sadd.s32 $0x1880, s19;
	[sflag:s23] =	ssyncadd.s32 $0xFFFFD800  }
0x13f: {  	[tilespmem:s4], [sflag:$0x1] =	stream.indirect.gather [hbm4b:s2+s3], $0x80, s20, s3, $0xb8;
	[tilespmem:$0x1BA80] =	vst v63  }
0x140: {  	s20 =	sadd.s32 $0x3100, s19  }
0x141: {  	[spmem:s5] =	stream.indirect.scatter.add.f32 [tilespmem:s22], [sflag:$0x2], $0x80, s20, s3, $0xb8;
	[tilespmem:$0x1BA80] =	vst v63  }
0x142: {  	_ =	swait.ge [sflag:s9], $0x2800  }
0x143: {  	[sflag:s9] =	ssyncset.done $0x0  }
0x144: {  	[sflag:s9] =	ssyncadd.s32 $0xFFFFD800  }
.Ltmp6:
0x145: {  	_ =	swait.ge [sflag:s23], $0x2800;
	(pc) =	sbr.rel @p3 .LBB2_20-.Ltmp6, $4  }
0x146: {  	[sflag:s23] =	ssyncset.done $0x0  }
0x147: {  	s20 =	sadd.s32 $0x1900, s19;
	[sflag:s23] =	ssyncadd.s32 $0xFFFFD800  }
0x148: {  	[tilespmem:s22], [sflag:$0x1] =	stream.indirect.gather [hbm4b:s2+s3], $0x80, s20, s3, $0xb8;
	[tilespmem:$0x1BA80] =	vst v63  }
0x149: {  	s19 =	sadd.s32 $0x3180, s19  }
0x14a: {  	[spmem:s5] =	stream.indirect.scatter.add.f32 [tilespmem:s4], [sflag:$0x2], $0x80, s19, s3, $0xb8;
	[tilespmem:$0x1BA80] =	vst v63  }
0x14b: {  	_ =	swait.ge [sflag:s9], $0x2800  }
0x14c: {  	[sflag:s9] =	ssyncset.done $0x0  }
0x14d: {  	[sflag:s9] =	ssyncadd.s32 $0xFFFFD800  }
0x14e: {  	_ =	swait.ge [sflag:s23], $0x2800  }
0x14f: {  	[sflag:s23] =	ssyncset.done $0x0  }
0x150: {  	[sflag:s23] =	ssyncadd.s32 $0xFFFFD800  }
0x151: {  	[tilespmem:s4], [sflag:$0x1] =	stream.indirect.gather [hbm4b:s2+s3], $0x80, s12, s3, $0xb8;
	[tilespmem:$0x1BA80] =	vst v63  }
0x152: {  	_ = 	snop  }
0x153: {  	[spmem:s5] =	stream.indirect.scatter.add.f32 [tilespmem:s22], [sflag:$0x2], $0x80, s13, s3, $0xb8;
	[tilespmem:$0x1BA80] =	vst v63  }
0x154: {  	_ =	swait.ge [sflag:s9], $0x2800  }
0x155: {  	[sflag:s9] =	ssyncset.done $0x0  }
0x156: {  	[sflag:s9] =	ssyncadd.s32 $0xFFFFD800  }
0x157: {  	_ =	swait.ge [sflag:s23], $0x2800  }
0x158: {  	[sflag:s23] =	ssyncset.done $0x0  }
0x159: {  	[sflag:s23] =	ssyncadd.s32 $0xFFFFD800  }
0x15a: {  	[spmem:s5] =	stream.indirect.scatter.add.f32 [tilespmem:s4], [sflag:$0x2], $0x80, s14, s3, $0xb8;
	[tilespmem:$0x1BA80] =	vst v63  }
0x15b: {  	_ =	swait.ge [sflag:s23], $0x2800  }
0x15c: {  	[sflag:s23] =	ssyncset.done $0x0  }
0x15d: {  	[sflag:s23] =	ssyncadd.s32 $0xFFFFD800  }
0x15e: {  	_ =	swait.ge [sflag:s30], $0xC80  }
0x15f: {  	[sflag:s30] =	ssyncset.done $0x0  }
0x160: {  	[sflag:s30] =	ssyncadd.s32 $0xFFFFF380  }
0x161: {  	_ =	swait.ge [sflag:s30], $0xC80  }
0x162: {  	[sflag:s30] =	ssyncset.done $0x0  }
0x163: {  	[sflag:s30] =	ssyncadd.s32 $0xFFFFF380  }
0x164: {  	[tilespmem:s4], [sflag:$0x1] =	stream.indirect.gather [hbm4b:s2+s3], $0x80, s7, s3, $0xb8;
	[tilespmem:$0x1BA80] =	vst v63  }
0x165: {  	_ =	swait.ge [sflag:s9], $0x2800  }
0x166: {  	[sflag:s9] =	ssyncset.done $0x0  }
0x167: {  	[sflag:s9] =	ssyncadd.s32 $0xFFFFD800  }
0x168: {  	[tilespmem:s22], [sflag:$0x1] =	stream.indirect.gather [hbm4b:s2+s3], $0x80, s11, s3, $0xb8;
	[tilespmem:$0x1BA80] =	vst v63  }
0x169: {  	_ = 	snop  }
0x16a: {  	[spmem:s5] =	stream.indirect.scatter.add.f32 [tilespmem:s4], [sflag:$0x2], $0x80, s29, s3, $0xb8;
	[tilespmem:$0x1BA80] =	vst v63  }
0x16b: {  	_ =	swait.ge [sflag:s9], $0x2800  }
0x16c: {  	[sflag:s9] =	ssyncset.done $0x0  }
0x16d: {  	[sflag:s9] =	ssyncadd.s32 $0xFFFFD800  }
0x16e: {  	_ =	swait.ge [sflag:s23], $0x2800  }
0x16f: {  	[sflag:s23] =	ssyncset.done $0x0  }
0x170: {  	s18 =	simm.s32 $0x100;
	[sflag:s23] =	ssyncadd.s32 $0xFFFFD800  }
0x171: {  	[tilespmem:s4], [sflag:$0x1] =	stream.indirect.gather [hbm4b:s2+s3], $0x80, s18, s3, $0xb8;
	[tilespmem:$0x1BA80] =	vst v63  }
0x172: {  	s19 =	simm.s32 $0x1980  }
0x173: {  	[spmem:s5] =	stream.indirect.scatter.add.f32 [tilespmem:s22], [sflag:$0x2], $0x80, s19, s3, $0xb8;
	[tilespmem:$0x1BA80] =	vst v63  }
0x174: {  	_ =	swait.ge [sflag:s9], $0x2800  }
0x175: {  	[sflag:s9] =	ssyncset.done $0x0  }
0x176: {  	[sflag:s9] =	ssyncadd.s32 $0xFFFFD800  }
0x177: {  	_ =	swait.ge [sflag:s23], $0x2800  }
0x178: {  	s20 =	simm.s32 $0x180;
	[sflag:s23] =	ssyncset.done $0x0  }
0x179: {  	s18 =	simm.s32 $0xFFFFD800;
	s19 =	simm.s32 $0x1A00;
	[sflag:s23] =	ssyncadd.s32 $0xFFFFD800  }
0x17a: {  	[tilespmem:s22], [sflag:$0x1] =	stream.indirect.gather [hbm4b:s2+s3], $0x80, s20, s3, $0xb8;
	[tilespmem:$0x1BA80] =	vst v63  }
.LBB2_22:
0x17b: {  	[spmem:s5] =	stream.indirect.scatter.add.f32 [tilespmem:s4], [sflag:$0x2], $0x80, s19, s3, $0xb8;
	[tilespmem:$0x1BA80] =	vst v63  }
0x17c: {  	s19 =	smov.u32 s18  }
0x17d: {  	p3 =	sne.s32 s18, $0xFFFFFC00;
	s18 =	sadd.s32 $0x400, s18;
	_ =	swait.ge [sflag:s9], $0x2800  }
0x17e: {  	[sflag:s9] =	ssyncset.done $0x0  }
0x17f: {  	[sflag:s9] =	ssyncadd.s32 $0xFFFFD800  }
0x180: {  	_ =	swait.ge [sflag:s23], $0x2800  }
0x181: {  	s19 =	sshra.s32 s19, $0x2;
	[sflag:s23] =	ssyncset.done $0x0  }
0x182: {  	s20 =	sadd.s32 $0xC00, s19;
	[sflag:s23] =	ssyncadd.s32 $0xFFFFD800  }
0x183: {  	[tilespmem:s4], [sflag:$0x1] =	stream.indirect.gather [hbm4b:s2+s3], $0x80, s20, s3, $0xb8;
	[tilespmem:$0x1BA80] =	vst v63  }
0x184: {  	s20 =	sadd.s32 $0x2480, s19  }
0x185: {  	[spmem:s5] =	stream.indirect.scatter.add.f32 [tilespmem:s22], [sflag:$0x2], $0x80, s20, s3, $0xb8;
	[tilespmem:$0x1BA80] =	vst v63  }
0x186: {  	_ =	swait.ge [sflag:s9], $0x2800  }
0x187: {  	[sflag:s9] =	ssyncset.done $0x0  }
0x188: {  	[sflag:s9] =	ssyncadd.s32 $0xFFFFD800  }
.Ltmp7:
0x189: {  	_ =	swait.ge [sflag:s23], $0x2800;
	(pc) =	sbr.rel @p3 .LBB2_22-.Ltmp7, $4  }
0x18a: {  	[sflag:s23] =	ssyncset.done $0x0  }
0x18b: {  	s20 =	sadd.s32 $0xC80, s19;
	[sflag:s23] =	ssyncadd.s32 $0xFFFFD800  }
0x18c: {  	[tilespmem:s22], [sflag:$0x1] =	stream.indirect.gather [hbm4b:s2+s3], $0x80, s20, s3, $0xb8;
	[tilespmem:$0x1BA80] =	vst v63  }
0x18d: {  	s19 =	sadd.s32 $0x2500, s19  }
0x18e: {  	[spmem:s5] =	stream.indirect.scatter.add.f32 [tilespmem:s4], [sflag:$0x2], $0x80, s19, s3, $0xb8;
	[tilespmem:$0x1BA80] =	vst v63  }
0x18f: {  	_ =	swait.ge [sflag:s9], $0x2800  }
0x190: {  	[sflag:s9] =	ssyncset.done $0x0  }
0x191: {  	[sflag:s9] =	ssyncadd.s32 $0xFFFFD800  }
0x192: {  	_ =	swait.ge [sflag:s23], $0x2800  }
0x193: {  	[sflag:s23] =	ssyncset.done $0x0  }
0x194: {  	[sflag:s23] =	ssyncadd.s32 $0xFFFFD800  }
0x195: {  	[tilespmem:s4], [sflag:$0x1] =	stream.indirect.gather [hbm4b:s2+s3], $0x80, s24, s3, $0xb8;
	[tilespmem:$0x1BA80] =	vst v63  }
0x196: {  	_ = 	snop  }
0x197: {  	[spmem:s5] =	stream.indirect.scatter.add.f32 [tilespmem:s22], [sflag:$0x2], $0x80, s26, s3, $0xb8;
	[tilespmem:$0x1BA80] =	vst v63  }
0x198: {  	_ =	swait.ge [sflag:s9], $0x2800  }
0x199: {  	[sflag:s9] =	ssyncset.done $0x0  }
0x19a: {  	[sflag:s9] =	ssyncadd.s32 $0xFFFFD800  }
0x19b: {  	_ =	swait.ge [sflag:s23], $0x2800  }
0x19c: {  	[sflag:s23] =	ssyncset.done $0x0  }
0x19d: {  	[sflag:s23] =	ssyncadd.s32 $0xFFFFD800  }
0x19e: {  	[spmem:s5] =	stream.indirect.scatter.add.f32 [tilespmem:s4], [sflag:$0x2], $0x80, s6, s3, $0xb8;
	[tilespmem:$0x1BA80] =	vst v63  }
0x19f: {  	_ =	swait.ge [sflag:s23], $0x2800  }
0x1a0: {  	[sflag:s23] =	ssyncset.done $0x0  }
0x1a1: {  	[sflag:s23] =	ssyncadd.s32 $0xFFFFD800  }
0x1a2: {  	[bflag:$0x0] =	sbarrier.arrive $0xFFFF  }
0x1a3: {  	s18 =	rddreg [dreg:$0x15]  }
0x1a4: {  	[hbm:s18], [sflag:s16] =	dma.local [spmem:s17], $0x2700  }
.Ltmp8:
0x1a5: {  	_ = 	snop;
	(pc) =	sbr.rel @p1 .LBB2_25-.Ltmp8, $4  }
.Ltmp9:
0x1a6: {  	_ =	swait.ge [sflag:s28], $0x2700;
	(pc) =	sbr.rel @!p1 .LBB2_24-.Ltmp9, $4  }
0x1a7: {  	[sflag:s28] =	ssyncset.done $0x0  }
0x1a8: {  	[sflag:s28] =	ssyncadd.s32 $0xFFFFD900  }
0x1a9: {  	s17 =	rddreg [dreg:$0x4]  }
0x1aa: {  	_ = 	snop  }
.LBB2_2:
0x1ab: {  	s19 =	rddreg [dreg:$0x8]  }
0x1ac: {  	[spmem:s17], [sflag:s16] =	dma.local [hbm:s19], $0x2700  }
0x1ad: {  	_ =	swait.ge [sflag:s28], $0x2700  }
0x1ae: {  	[sflag:s28] =	ssyncset.done $0x0  }
0x1af: {  	s19 =	rddreg [dreg:$0x9];
	[sflag:s28] =	ssyncadd.s32 $0xFFFFD900  }
0x1b0: {  	[spmem:s18], [sflag:s16] =	dma.local @!p1 [hbm:s19], $0x100  }
0x1b1: {  	s18 =	simm.s32 @!p1 $0x4  }
0x1b2: {  	_ =	swait.ge @!p1 [sflag:s18], $0x100  }
0x1b3: {  	[sflag:s18] =	ssyncset.done @!p1 $0x0  }
0x1b4: {  	s20 =	rddreg [dreg:$0xa];
	[sflag:s18] =	ssyncadd.s32 @!p1 $0xFFFFFF00  }
0x1b5: {  	[tilespmem:s7], [sflag:$0x3] =	stream.linear.gather [hbm4b:s20+s7], $0xC80, $0x38;
	[tilespmem:$0x1BA80] =	vst v63  }
0x1b6: {  	s19 =	rddreg [dreg:$0xb]  }
0x1b7: {  	[tilespmem:s29], [sflag:$0x3] =	stream.linear.gather [hbm4b:s19+s7], $0xC80, $0x38;
	[tilespmem:$0x1BA80] =	vst v63  }
0x1b8: {  	_ =	swait.ge [sflag:s30], $0xC80  }
0x1b9: {  	[sflag:s30] =	ssyncset.done $0x0  }
0x1ba: {  	[sflag:s30] =	ssyncadd.s32 $0xFFFFF380  }
0x1bb: {  	_ =	swait.ge [sflag:s30], $0xC80  }
0x1bc: {  	[sflag:s30] =	ssyncset.done $0x0  }
0x1bd: {  	[sflag:s30] =	ssyncadd.s32 $0xFFFFF380  }
0x1be: {  	[bflag:$0x0] =	sbarrier.arrive $0xFFFF  }
0x1bf: {  	s20 =	rddreg [dreg:$0xc]  }
0x1c0: {  	[tilespmem:s31], [sflag:$0x3] =	stream.linear.gather [hbm4b:s20+s7], $0xC80, $0x38;
	[tilespmem:$0x1BA80] =	vst v63  }
0x1c1: {  	s19 =	rddreg [dreg:$0xd]  }
0x1c2: {  	[tilespmem:s0], [sflag:$0x3] =	stream.linear.gather [hbm4b:s19+s7], $0xC80, $0x38;
	[tilespmem:$0x1BA80] =	vst v63  }
0x1c3: {  	_ = 	snop  }
0x1c4: {  	[tilespmem:s4], [sflag:$0x1] =	stream.indirect.gather [hbm4b:s1+s3], $0x80, s7, s3, $0xb8;
	[tilespmem:$0x1BA80] =	vst v63  }
0x1c5: {  	_ =	swait.ge [sflag:s9], $0x2800  }
0x1c6: {  	[sflag:s9] =	ssyncset.done $0x0  }
0x1c7: {  	[sflag:s9] =	ssyncadd.s32 $0xFFFFD800  }
0x1c8: {  	[tilespmem:s22], [sflag:$0x1] =	stream.indirect.gather [hbm4b:s1+s3], $0x80, s11, s3, $0xb8;
	[tilespmem:$0x1BA80] =	vst v63  }
0x1c9: {  	_ = 	snop  }
0x1ca: {  	[spmem:s5] =	stream.indirect.scatter.add.f32 [tilespmem:s4], [sflag:$0x2], $0x80, s29, s3, $0xb8;
	[tilespmem:$0x1BA80] =	vst v63  }
0x1cb: {  	_ =	swait.ge [sflag:s9], $0x2800  }
0x1cc: {  	[sflag:s9] =	ssyncset.done $0x0  }
0x1cd: {  	[sflag:s9] =	ssyncadd.s32 $0xFFFFD800  }
0x1ce: {  	_ =	swait.ge [sflag:s23], $0x2800  }
0x1cf: {  	[sflag:s23] =	ssyncset.done $0x0  }
0x1d0: {  	s20 =	simm.s32 $0x100;
	[sflag:s23] =	ssyncadd.s32 $0xFFFFD800  }
0x1d1: {  	[tilespmem:s4], [sflag:$0x1] =	stream.indirect.gather [hbm4b:s1+s3], $0x80, s20, s3, $0xb8;
	[tilespmem:$0x1BA80] =	vst v63  }
0x1d2: {  	s19 =	simm.s32 $0x1980  }
0x1d3: {  	[spmem:s5] =	stream.indirect.scatter.add.f32 [tilespmem:s22], [sflag:$0x2], $0x80, s19, s3, $0xb8;
	[tilespmem:$0x1BA80] =	vst v63  }
0x1d4: {  	_ =	swait.ge [sflag:s9], $0x2800  }
0x1d5: {  	[sflag:s9] =	ssyncset.done $0x0  }
0x1d6: {  	[sflag:s9] =	ssyncadd.s32 $0xFFFFD800  }
0x1d7: {  	_ =	swait.ge [sflag:s23], $0x2800  }
0x1d8: {  	s18 =	simm.s32 $0xFFFFD800;
	[sflag:s23] =	ssyncset.done $0x0  }
0x1d9: {  	s20 =	simm.s32 $0x180;
	s19 =	simm.s32 $0x1A00;
	[sflag:s23] =	ssyncadd.s32 $0xFFFFD800  }
0x1da: {  	[tilespmem:s22], [sflag:$0x1] =	stream.indirect.gather [hbm4b:s1+s3], $0x80, s20, s3, $0xb8;
	[tilespmem:$0x1BA80] =	vst v63  }
.LBB2_3:
0x1db: {  	[spmem:s5] =	stream.indirect.scatter.add.f32 [tilespmem:s4], [sflag:$0x2], $0x80, s19, s3, $0xb8;
	[tilespmem:$0x1BA80] =	vst v63  }
0x1dc: {  	s19 =	smov.u32 s18  }
0x1dd: {  	p3 =	sne.s32 s18, $0xFFFFFC00;
	s18 =	sadd.s32 $0x400, s18;
	_ =	swait.ge [sflag:s9], $0x2800  }
0x1de: {  	[sflag:s9] =	ssyncset.done $0x0  }
0x1df: {  	[sflag:s9] =	ssyncadd.s32 $0xFFFFD800  }
0x1e0: {  	_ =	swait.ge [sflag:s23], $0x2800  }
0x1e1: {  	s19 =	sshra.s32 s19, $0x2;
	[sflag:s23] =	ssyncset.done $0x0  }
0x1e2: {  	s20 =	sadd.s32 $0xC00, s19;
	[sflag:s23] =	ssyncadd.s32 $0xFFFFD800  }
0x1e3: {  	[tilespmem:s4], [sflag:$0x1] =	stream.indirect.gather [hbm4b:s1+s3], $0x80, s20, s3, $0xb8;
	[tilespmem:$0x1BA80] =	vst v63  }
0x1e4: {  	s20 =	sadd.s32 $0x2480, s19  }
0x1e5: {  	[spmem:s5] =	stream.indirect.scatter.add.f32 [tilespmem:s22], [sflag:$0x2], $0x80, s20, s3, $0xb8;
	[tilespmem:$0x1BA80] =	vst v63  }
0x1e6: {  	_ =	swait.ge [sflag:s9], $0x2800  }
0x1e7: {  	[sflag:s9] =	ssyncset.done $0x0  }
0x1e8: {  	[sflag:s9] =	ssyncadd.s32 $0xFFFFD800  }
.Ltmp10:
0x1e9: {  	_ =	swait.ge [sflag:s23], $0x2800;
	(pc) =	sbr.rel @p3 .LBB2_3-.Ltmp10, $4  }
0x1ea: {  	[sflag:s23] =	ssyncset.done $0x0  }
0x1eb: {  	s20 =	sadd.s32 $0xC80, s19;
	[sflag:s23] =	ssyncadd.s32 $0xFFFFD800  }
0x1ec: {  	[tilespmem:s22], [sflag:$0x1] =	stream.indirect.gather [hbm4b:s1+s3], $0x80, s20, s3, $0xb8;
	[tilespmem:$0x1BA80] =	vst v63  }
0x1ed: {  	s19 =	sadd.s32 $0x2500, s19  }
0x1ee: {  	[spmem:s5] =	stream.indirect.scatter.add.f32 [tilespmem:s4], [sflag:$0x2], $0x80, s19, s3, $0xb8;
	[tilespmem:$0x1BA80] =	vst v63  }
0x1ef: {  	_ =	swait.ge [sflag:s9], $0x2800  }
0x1f0: {  	[sflag:s9] =	ssyncset.done $0x0  }
0x1f1: {  	[sflag:s9] =	ssyncadd.s32 $0xFFFFD800  }
0x1f2: {  	_ =	swait.ge [sflag:s23], $0x2800  }
0x1f3: {  	[sflag:s23] =	ssyncset.done $0x0  }
0x1f4: {  	[sflag:s23] =	ssyncadd.s32 $0xFFFFD800  }
0x1f5: {  	[tilespmem:s4], [sflag:$0x1] =	stream.indirect.gather [hbm4b:s1+s3], $0x80, s24, s3, $0xb8;
	[tilespmem:$0x1BA80] =	vst v63  }
0x1f6: {  	_ = 	snop  }
0x1f7: {  	[spmem:s5] =	stream.indirect.scatter.add.f32 [tilespmem:s22], [sflag:$0x2], $0x80, s26, s3, $0xb8;
	[tilespmem:$0x1BA80] =	vst v63  }
0x1f8: {  	_ =	swait.ge [sflag:s9], $0x2800  }
0x1f9: {  	[sflag:s9] =	ssyncset.done $0x0  }
0x1fa: {  	[sflag:s9] =	ssyncadd.s32 $0xFFFFD800  }
0x1fb: {  	_ =	swait.ge [sflag:s23], $0x2800  }
0x1fc: {  	[sflag:s23] =	ssyncset.done $0x0  }
0x1fd: {  	[sflag:s23] =	ssyncadd.s32 $0xFFFFD800  }
0x1fe: {  	[spmem:s5] =	stream.indirect.scatter.add.f32 [tilespmem:s4], [sflag:$0x2], $0x80, s6, s3, $0xb8;
	[tilespmem:$0x1BA80] =	vst v63  }
0x1ff: {  	_ =	swait.ge [sflag:s23], $0x2800  }
0x200: {  	[sflag:s23] =	ssyncset.done $0x0  }
0x201: {  	[sflag:s23] =	ssyncadd.s32 $0xFFFFD800  }
0x202: {  	_ =	swait.ge [sflag:s30], $0xC80  }
0x203: {  	[sflag:s30] =	ssyncset.done $0x0  }
0x204: {  	[sflag:s30] =	ssyncadd.s32 $0xFFFFF380  }
0x205: {  	_ =	swait.ge [sflag:s30], $0xC80  }
0x206: {  	[sflag:s30] =	ssyncset.done $0x0  }
0x207: {  	s18 =	rddreg [dreg:$0xe];
	[sflag:s30] =	ssyncadd.s32 $0xFFFFF380  }
0x208: {  	[tilespmem:s7], [sflag:$0x3] =	stream.linear.gather [hbm4b:s18+s7], $0xC80, $0x38;
	[tilespmem:$0x1BA80] =	vst v63  }
0x209: {  	s19 =	rddreg [dreg:$0xf]  }
0x20a: {  	[tilespmem:s29], [sflag:$0x3] =	stream.linear.gather [hbm4b:s19+s7], $0xC80, $0x38;
	[tilespmem:$0x1BA80] =	vst v63  }
0x20b: {  	_ = 	snop  }
0x20c: {  	[tilespmem:s4], [sflag:$0x1] =	stream.indirect.gather [hbm4b:s1+s3], $0x80, s31, s3, $0xb8;
	[tilespmem:$0x1BA80] =	vst v63  }
0x20d: {  	_ =	swait.ge [sflag:s9], $0x2800  }
0x20e: {  	[sflag:s9] =	ssyncset.done $0x0  }
0x20f: {  	[sflag:s9] =	ssyncadd.s32 $0xFFFFD800  }
0x210: {  	[tilespmem:s22], [sflag:$0x1] =	stream.indirect.gather [hbm4b:s1+s3], $0x80, s8, s3, $0xb8;
	[tilespmem:$0x1BA80] =	vst v63  }
0x211: {  	_ = 	snop  }
0x212: {  	[spmem:s5] =	stream.indirect.scatter.add.f32 [tilespmem:s4], [sflag:$0x2], $0x80, s0, s3, $0xb8;
	[tilespmem:$0x1BA80] =	vst v63  }
0x213: {  	_ =	swait.ge [sflag:s9], $0x2800  }
0x214: {  	[sflag:s9] =	ssyncset.done $0x0  }
0x215: {  	[sflag:s9] =	ssyncadd.s32 $0xFFFFD800  }
0x216: {  	_ =	swait.ge [sflag:s23], $0x2800  }
0x217: {  	[sflag:s23] =	ssyncset.done $0x0  }
0x218: {  	s20 =	simm.s32 $0xD80;
	[sflag:s23] =	ssyncadd.s32 $0xFFFFD800  }
0x219: {  	[tilespmem:s4], [sflag:$0x1] =	stream.indirect.gather [hbm4b:s1+s3], $0x80, s20, s3, $0xb8;
	[tilespmem:$0x1BA80] =	vst v63  }
0x21a: {  	s19 =	simm.s32 $0x2600  }
0x21b: {  	[spmem:s5] =	stream.indirect.scatter.add.f32 [tilespmem:s22], [sflag:$0x2], $0x80, s19, s3, $0xb8;
	[tilespmem:$0x1BA80] =	vst v63  }
0x21c: {  	_ =	swait.ge [sflag:s9], $0x2800  }
0x21d: {  	[sflag:s9] =	ssyncset.done $0x0  }
0x21e: {  	[sflag:s9] =	ssyncadd.s32 $0xFFFFD800  }
0x21f: {  	_ =	swait.ge [sflag:s23], $0x2800  }
0x220: {  	s18 =	simm.s32 $0xFFFFD800;
	[sflag:s23] =	ssyncset.done $0x0  }
0x221: {  	s20 =	simm.s32 $0xE00;
	s19 =	simm.s32 $0x2680;
	[sflag:s23] =	ssyncadd.s32 $0xFFFFD800  }
0x222: {  	[tilespmem:s22], [sflag:$0x1] =	stream.indirect.gather [hbm4b:s1+s3], $0x80, s20, s3, $0xb8;
	[tilespmem:$0x1BA80] =	vst v63  }
.LBB2_5:
0x223: {  	[spmem:s5] =	stream.indirect.scatter.add.f32 [tilespmem:s4], [sflag:$0x2], $0x80, s19, s3, $0xb8;
	[tilespmem:$0x1BA80] =	vst v63  }
0x224: {  	s19 =	smov.u32 s18  }
0x225: {  	p3 =	sne.s32 s18, $0xFFFFFC00;
	s18 =	sadd.s32 $0x400, s18;
	_ =	swait.ge [sflag:s9], $0x2800  }
0x226: {  	[sflag:s9] =	ssyncset.done $0x0  }
0x227: {  	[sflag:s9] =	ssyncadd.s32 $0xFFFFD800  }
0x228: {  	_ =	swait.ge [sflag:s23], $0x2800  }
0x229: {  	s19 =	sshra.s32 s19, $0x2;
	[sflag:s23] =	ssyncset.done $0x0  }
0x22a: {  	s20 =	sadd.s32 $0x1880, s19;
	[sflag:s23] =	ssyncadd.s32 $0xFFFFD800  }
0x22b: {  	[tilespmem:s4], [sflag:$0x1] =	stream.indirect.gather [hbm4b:s1+s3], $0x80, s20, s3, $0xb8;
	[tilespmem:$0x1BA80] =	vst v63  }
0x22c: {  	s20 =	sadd.s32 $0x3100, s19  }
0x22d: {  	[spmem:s5] =	stream.indirect.scatter.add.f32 [tilespmem:s22], [sflag:$0x2], $0x80, s20, s3, $0xb8;
	[tilespmem:$0x1BA80] =	vst v63  }
0x22e: {  	_ =	swait.ge [sflag:s9], $0x2800  }
0x22f: {  	[sflag:s9] =	ssyncset.done $0x0  }
0x230: {  	[sflag:s9] =	ssyncadd.s32 $0xFFFFD800  }
.Ltmp11:
0x231: {  	_ =	swait.ge [sflag:s23], $0x2800;
	(pc) =	sbr.rel @p3 .LBB2_5-.Ltmp11, $4  }
0x232: {  	[sflag:s23] =	ssyncset.done $0x0  }
0x233: {  	s20 =	sadd.s32 $0x1900, s19;
	[sflag:s23] =	ssyncadd.s32 $0xFFFFD800  }
0x234: {  	[tilespmem:s22], [sflag:$0x1] =	stream.indirect.gather [hbm4b:s1+s3], $0x80, s20, s3, $0xb8;
	[tilespmem:$0x1BA80] =	vst v63  }
0x235: {  	s19 =	sadd.s32 $0x3180, s19  }
0x236: {  	[spmem:s5] =	stream.indirect.scatter.add.f32 [tilespmem:s4], [sflag:$0x2], $0x80, s19, s3, $0xb8;
	[tilespmem:$0x1BA80] =	vst v63  }
0x237: {  	_ =	swait.ge [sflag:s9], $0x2800  }
0x238: {  	[sflag:s9] =	ssyncset.done $0x0  }
0x239: {  	[sflag:s9] =	ssyncadd.s32 $0xFFFFD800  }
0x23a: {  	_ =	swait.ge [sflag:s23], $0x2800  }
0x23b: {  	[sflag:s23] =	ssyncset.done $0x0  }
0x23c: {  	[sflag:s23] =	ssyncadd.s32 $0xFFFFD800  }
0x23d: {  	[tilespmem:s4], [sflag:$0x1] =	stream.indirect.gather [hbm4b:s1+s3], $0x80, s12, s3, $0xb8;
	[tilespmem:$0x1BA80] =	vst v63  }
0x23e: {  	_ = 	snop  }
0x23f: {  	[spmem:s5] =	stream.indirect.scatter.add.f32 [tilespmem:s22], [sflag:$0x2], $0x80, s13, s3, $0xb8;
	[tilespmem:$0x1BA80] =	vst v63  }
0x240: {  	_ =	swait.ge [sflag:s9], $0x2800  }
0x241: {  	[sflag:s9] =	ssyncset.done $0x0  }
0x242: {  	[sflag:s9] =	ssyncadd.s32 $0xFFFFD800  }
0x243: {  	_ =	swait.ge [sflag:s23], $0x2800  }
0x244: {  	[sflag:s23] =	ssyncset.done $0x0  }
0x245: {  	[sflag:s23] =	ssyncadd.s32 $0xFFFFD800  }
0x246: {  	[spmem:s5] =	stream.indirect.scatter.add.f32 [tilespmem:s4], [sflag:$0x2], $0x80, s14, s3, $0xb8;
	[tilespmem:$0x1BA80] =	vst v63  }
0x247: {  	_ =	swait.ge [sflag:s23], $0x2800  }
0x248: {  	[sflag:s23] =	ssyncset.done $0x0  }
0x249: {  	[sflag:s23] =	ssyncadd.s32 $0xFFFFD800  }
0x24a: {  	_ =	swait.ge [sflag:s30], $0xC80  }
0x24b: {  	[sflag:s30] =	ssyncset.done $0x0  }
0x24c: {  	[sflag:s30] =	ssyncadd.s32 $0xFFFFF380  }
0x24d: {  	_ =	swait.ge [sflag:s30], $0xC80  }
0x24e: {  	[sflag:s30] =	ssyncset.done $0x0  }
0x24f: {  	s18 =	rddreg [dreg:$0x10];
	[sflag:s30] =	ssyncadd.s32 $0xFFFFF380  }
0x250: {  	[tilespmem:s31], [sflag:$0x3] =	stream.linear.gather [hbm4b:s18+s7], $0xC80, $0x38;
	[tilespmem:$0x1BA80] =	vst v63  }
0x251: {  	s19 =	rddreg [dreg:$0x11]  }
0x252: {  	[tilespmem:s0], [sflag:$0x3] =	stream.linear.gather [hbm4b:s19+s7], $0xC80, $0x38;
	[tilespmem:$0x1BA80] =	vst v63  }
0x253: {  	_ = 	snop  }
0x254: {  	[tilespmem:s4], [sflag:$0x1] =	stream.indirect.gather [hbm4b:s1+s3], $0x80, s7, s3, $0xb8;
	[tilespmem:$0x1BA80] =	vst v63  }
0x255: {  	_ =	swait.ge [sflag:s9], $0x2800  }
0x256: {  	[sflag:s9] =	ssyncset.done $0x0  }
0x257: {  	[sflag:s9] =	ssyncadd.s32 $0xFFFFD800  }
0x258: {  	[tilespmem:s22], [sflag:$0x1] =	stream.indirect.gather [hbm4b:s1+s3], $0x80, s11, s3, $0xb8;
	[tilespmem:$0x1BA80] =	vst v63  }
0x259: {  	_ = 	snop  }
0x25a: {  	[spmem:s5] =	stream.indirect.scatter.add.f32 [tilespmem:s4], [sflag:$0x2], $0x80, s29, s3, $0xb8;
	[tilespmem:$0x1BA80] =	vst v63  }
0x25b: {  	_ =	swait.ge [sflag:s9], $0x2800  }
0x25c: {  	[sflag:s9] =	ssyncset.done $0x0  }
0x25d: {  	[sflag:s9] =	ssyncadd.s32 $0xFFFFD800  }
0x25e: {  	_ =	swait.ge [sflag:s23], $0x2800  }
0x25f: {  	[sflag:s23] =	ssyncset.done $0x0  }
0x260: {  	s20 =	simm.s32 $0x100;
	[sflag:s23] =	ssyncadd.s32 $0xFFFFD800  }
0x261: {  	[tilespmem:s4], [sflag:$0x1] =	stream.indirect.gather [hbm4b:s1+s3], $0x80, s20, s3, $0xb8;
	[tilespmem:$0x1BA80] =	vst v63  }
0x262: {  	s19 =	simm.s32 $0x1980  }
0x263: {  	[spmem:s5] =	stream.indirect.scatter.add.f32 [tilespmem:s22], [sflag:$0x2], $0x80, s19, s3, $0xb8;
	[tilespmem:$0x1BA80] =	vst v63  }
0x264: {  	_ =	swait.ge [sflag:s9], $0x2800  }
0x265: {  	[sflag:s9] =	ssyncset.done $0x0  }
0x266: {  	[sflag:s9] =	ssyncadd.s32 $0xFFFFD800  }
0x267: {  	_ =	swait.ge [sflag:s23], $0x2800  }
0x268: {  	s18 =	simm.s32 $0xFFFFD800;
	[sflag:s23] =	ssyncset.done $0x0  }
0x269: {  	s20 =	simm.s32 $0x180;
	s19 =	simm.s32 $0x1A00;
	[sflag:s23] =	ssyncadd.s32 $0xFFFFD800  }
0x26a: {  	[tilespmem:s22], [sflag:$0x1] =	stream.indirect.gather [hbm4b:s1+s3], $0x80, s20, s3, $0xb8;
	[tilespmem:$0x1BA80] =	vst v63  }
.LBB2_7:
0x26b: {  	[spmem:s5] =	stream.indirect.scatter.add.f32 [tilespmem:s4], [sflag:$0x2], $0x80, s19, s3, $0xb8;
	[tilespmem:$0x1BA80] =	vst v63  }
0x26c: {  	s19 =	smov.u32 s18  }
0x26d: {  	p3 =	sne.s32 s18, $0xFFFFFC00;
	s18 =	sadd.s32 $0x400, s18;
	_ =	swait.ge [sflag:s9], $0x2800  }
0x26e: {  	[sflag:s9] =	ssyncset.done $0x0  }
0x26f: {  	[sflag:s9] =	ssyncadd.s32 $0xFFFFD800  }
0x270: {  	_ =	swait.ge [sflag:s23], $0x2800  }
0x271: {  	s19 =	sshra.s32 s19, $0x2;
	[sflag:s23] =	ssyncset.done $0x0  }
0x272: {  	s20 =	sadd.s32 $0xC00, s19;
	[sflag:s23] =	ssyncadd.s32 $0xFFFFD800  }
0x273: {  	[tilespmem:s4], [sflag:$0x1] =	stream.indirect.gather [hbm4b:s1+s3], $0x80, s20, s3, $0xb8;
	[tilespmem:$0x1BA80] =	vst v63  }
0x274: {  	s20 =	sadd.s32 $0x2480, s19  }
0x275: {  	[spmem:s5] =	stream.indirect.scatter.add.f32 [tilespmem:s22], [sflag:$0x2], $0x80, s20, s3, $0xb8;
	[tilespmem:$0x1BA80] =	vst v63  }
0x276: {  	_ =	swait.ge [sflag:s9], $0x2800  }
0x277: {  	[sflag:s9] =	ssyncset.done $0x0  }
0x278: {  	[sflag:s9] =	ssyncadd.s32 $0xFFFFD800  }
.Ltmp12:
0x279: {  	_ =	swait.ge [sflag:s23], $0x2800;
	(pc) =	sbr.rel @p3 .LBB2_7-.Ltmp12, $4  }
0x27a: {  	[sflag:s23] =	ssyncset.done $0x0  }
0x27b: {  	s20 =	sadd.s32 $0xC80, s19;
	[sflag:s23] =	ssyncadd.s32 $0xFFFFD800  }
0x27c: {  	[tilespmem:s22], [sflag:$0x1] =	stream.indirect.gather [hbm4b:s1+s3], $0x80, s20, s3, $0xb8;
	[tilespmem:$0x1BA80] =	vst v63  }
0x27d: {  	s19 =	sadd.s32 $0x2500, s19  }
0x27e: {  	[spmem:s5] =	stream.indirect.scatter.add.f32 [tilespmem:s4], [sflag:$0x2], $0x80, s19, s3, $0xb8;
	[tilespmem:$0x1BA80] =	vst v63  }
0x27f: {  	_ =	swait.ge [sflag:s9], $0x2800  }
0x280: {  	[sflag:s9] =	ssyncset.done $0x0  }
0x281: {  	[sflag:s9] =	ssyncadd.s32 $0xFFFFD800  }
0x282: {  	_ =	swait.ge [sflag:s23], $0x2800  }
0x283: {  	[sflag:s23] =	ssyncset.done $0x0  }
0x284: {  	[sflag:s23] =	ssyncadd.s32 $0xFFFFD800  }
0x285: {  	[tilespmem:s4], [sflag:$0x1] =	stream.indirect.gather [hbm4b:s1+s3], $0x80, s24, s3, $0xb8;
	[tilespmem:$0x1BA80] =	vst v63  }
0x286: {  	_ = 	snop  }
0x287: {  	[spmem:s5] =	stream.indirect.scatter.add.f32 [tilespmem:s22], [sflag:$0x2], $0x80, s26, s3, $0xb8;
	[tilespmem:$0x1BA80] =	vst v63  }
0x288: {  	_ =	swait.ge [sflag:s9], $0x2800  }
0x289: {  	[sflag:s9] =	ssyncset.done $0x0  }
0x28a: {  	[sflag:s9] =	ssyncadd.s32 $0xFFFFD800  }
0x28b: {  	_ =	swait.ge [sflag:s23], $0x2800  }
0x28c: {  	[sflag:s23] =	ssyncset.done $0x0  }
0x28d: {  	[sflag:s23] =	ssyncadd.s32 $0xFFFFD800  }
0x28e: {  	[spmem:s5] =	stream.indirect.scatter.add.f32 [tilespmem:s4], [sflag:$0x2], $0x80, s6, s3, $0xb8;
	[tilespmem:$0x1BA80] =	vst v63  }
0x28f: {  	_ =	swait.ge [sflag:s23], $0x2800  }
0x290: {  	[sflag:s23] =	ssyncset.done $0x0  }
0x291: {  	[sflag:s23] =	ssyncadd.s32 $0xFFFFD800  }
0x292: {  	_ =	swait.ge [sflag:s30], $0xC80  }
0x293: {  	[sflag:s30] =	ssyncset.done $0x0  }
0x294: {  	[sflag:s30] =	ssyncadd.s32 $0xFFFFF380  }
0x295: {  	_ =	swait.ge [sflag:s30], $0xC80  }
0x296: {  	[sflag:s30] =	ssyncset.done $0x0  }
0x297: {  	s18 =	rddreg [dreg:$0x12];
	[sflag:s30] =	ssyncadd.s32 $0xFFFFF380  }
0x298: {  	[tilespmem:s7], [sflag:$0x3] =	stream.linear.gather [hbm4b:s18+s7], $0xC80, $0x38;
	[tilespmem:$0x1BA80] =	vst v63  }
0x299: {  	_ = 	snop  }
0x29a: {  	[tilespmem:s29], [sflag:$0x3] =	stream.linear.gather [hbm4b:s21+s7], $0xC80, $0x38;
	[tilespmem:$0x1BA80] =	vst v63  }
0x29b: {  	_ = 	snop  }
0x29c: {  	[tilespmem:s4], [sflag:$0x1] =	stream.indirect.gather [hbm4b:s1+s3], $0x80, s31, s3, $0xb8;
	[tilespmem:$0x1BA80] =	vst v63  }
0x29d: {  	_ =	swait.ge [sflag:s9], $0x2800  }
0x29e: {  	[sflag:s9] =	ssyncset.done $0x0  }
0x29f: {  	[sflag:s9] =	ssyncadd.s32 $0xFFFFD800  }
0x2a0: {  	[tilespmem:s22], [sflag:$0x1] =	stream.indirect.gather [hbm4b:s1+s3], $0x80, s8, s3, $0xb8;
	[tilespmem:$0x1BA80] =	vst v63  }
0x2a1: {  	_ = 	snop  }
0x2a2: {  	[spmem:s5] =	stream.indirect.scatter.add.f32 [tilespmem:s4], [sflag:$0x2], $0x80, s0, s3, $0xb8;
	[tilespmem:$0x1BA80] =	vst v63  }
0x2a3: {  	_ =	swait.ge [sflag:s9], $0x2800  }
0x2a4: {  	[sflag:s9] =	ssyncset.done $0x0  }
0x2a5: {  	[sflag:s9] =	ssyncadd.s32 $0xFFFFD800  }
0x2a6: {  	_ =	swait.ge [sflag:s23], $0x2800  }
0x2a7: {  	[sflag:s23] =	ssyncset.done $0x0  }
0x2a8: {  	s20 =	simm.s32 $0xD80;
	[sflag:s23] =	ssyncadd.s32 $0xFFFFD800  }
0x2a9: {  	[tilespmem:s4], [sflag:$0x1] =	stream.indirect.gather [hbm4b:s1+s3], $0x80, s20, s3, $0xb8;
	[tilespmem:$0x1BA80] =	vst v63  }
0x2aa: {  	s19 =	simm.s32 $0x2600  }
0x2ab: {  	[spmem:s5] =	stream.indirect.scatter.add.f32 [tilespmem:s22], [sflag:$0x2], $0x80, s19, s3, $0xb8;
	[tilespmem:$0x1BA80] =	vst v63  }
0x2ac: {  	_ =	swait.ge [sflag:s9], $0x2800  }
0x2ad: {  	[sflag:s9] =	ssyncset.done $0x0  }
0x2ae: {  	[sflag:s9] =	ssyncadd.s32 $0xFFFFD800  }
0x2af: {  	_ =	swait.ge [sflag:s23], $0x2800  }
0x2b0: {  	s18 =	simm.s32 $0xFFFFD800;
	[sflag:s23] =	ssyncset.done $0x0  }
0x2b1: {  	s20 =	simm.s32 $0xE00;
	s19 =	simm.s32 $0x2680;
	[sflag:s23] =	ssyncadd.s32 $0xFFFFD800  }
0x2b2: {  	[tilespmem:s22], [sflag:$0x1] =	stream.indirect.gather [hbm4b:s1+s3], $0x80, s20, s3, $0xb8;
	[tilespmem:$0x1BA80] =	vst v63  }
.LBB2_9:
0x2b3: {  	[spmem:s5] =	stream.indirect.scatter.add.f32 [tilespmem:s4], [sflag:$0x2], $0x80, s19, s3, $0xb8;
	[tilespmem:$0x1BA80] =	vst v63  }
0x2b4: {  	s19 =	smov.u32 s18  }
0x2b5: {  	p3 =	sne.s32 s18, $0xFFFFFC00;
	s18 =	sadd.s32 $0x400, s18;
	_ =	swait.ge [sflag:s9], $0x2800  }
0x2b6: {  	[sflag:s9] =	ssyncset.done $0x0  }
0x2b7: {  	[sflag:s9] =	ssyncadd.s32 $0xFFFFD800  }
0x2b8: {  	_ =	swait.ge [sflag:s23], $0x2800  }
0x2b9: {  	s19 =	sshra.s32 s19, $0x2;
	[sflag:s23] =	ssyncset.done $0x0  }
0x2ba: {  	s20 =	sadd.s32 $0x1880, s19;
	[sflag:s23] =	ssyncadd.s32 $0xFFFFD800  }
0x2bb: {  	[tilespmem:s4], [sflag:$0x1] =	stream.indirect.gather [hbm4b:s1+s3], $0x80, s20, s3, $0xb8;
	[tilespmem:$0x1BA80] =	vst v63  }
0x2bc: {  	s20 =	sadd.s32 $0x3100, s19  }
0x2bd: {  	[spmem:s5] =	stream.indirect.scatter.add.f32 [tilespmem:s22], [sflag:$0x2], $0x80, s20, s3, $0xb8;
	[tilespmem:$0x1BA80] =	vst v63  }
0x2be: {  	_ =	swait.ge [sflag:s9], $0x2800  }
0x2bf: {  	[sflag:s9] =	ssyncset.done $0x0  }
0x2c0: {  	[sflag:s9] =	ssyncadd.s32 $0xFFFFD800  }
.Ltmp13:
0x2c1: {  	_ =	swait.ge [sflag:s23], $0x2800;
	(pc) =	sbr.rel @p3 .LBB2_9-.Ltmp13, $4  }
0x2c2: {  	[sflag:s23] =	ssyncset.done $0x0  }
0x2c3: {  	s20 =	sadd.s32 $0x1900, s19;
	[sflag:s23] =	ssyncadd.s32 $0xFFFFD800  }
0x2c4: {  	[tilespmem:s22], [sflag:$0x1] =	stream.indirect.gather [hbm4b:s1+s3], $0x80, s20, s3, $0xb8;
	[tilespmem:$0x1BA80] =	vst v63  }
0x2c5: {  	s19 =	sadd.s32 $0x3180, s19  }
0x2c6: {  	[spmem:s5] =	stream.indirect.scatter.add.f32 [tilespmem:s4], [sflag:$0x2], $0x80, s19, s3, $0xb8;
	[tilespmem:$0x1BA80] =	vst v63  }
0x2c7: {  	_ =	swait.ge [sflag:s9], $0x2800  }
0x2c8: {  	[sflag:s9] =	ssyncset.done $0x0  }
0x2c9: {  	[sflag:s9] =	ssyncadd.s32 $0xFFFFD800  }
0x2ca: {  	_ =	swait.ge [sflag:s23], $0x2800  }
0x2cb: {  	[sflag:s23] =	ssyncset.done $0x0  }
0x2cc: {  	[sflag:s23] =	ssyncadd.s32 $0xFFFFD800  }
0x2cd: {  	[tilespmem:s4], [sflag:$0x1] =	stream.indirect.gather [hbm4b:s1+s3], $0x80, s12, s3, $0xb8;
	[tilespmem:$0x1BA80] =	vst v63  }
0x2ce: {  	_ = 	snop  }
0x2cf: {  	[spmem:s5] =	stream.indirect.scatter.add.f32 [tilespmem:s22], [sflag:$0x2], $0x80, s13, s3, $0xb8;
	[tilespmem:$0x1BA80] =	vst v63  }
0x2d0: {  	_ =	swait.ge [sflag:s9], $0x2800  }
0x2d1: {  	[sflag:s9] =	ssyncset.done $0x0  }
0x2d2: {  	[sflag:s9] =	ssyncadd.s32 $0xFFFFD800  }
0x2d3: {  	_ =	swait.ge [sflag:s23], $0x2800  }
0x2d4: {  	[sflag:s23] =	ssyncset.done $0x0  }
0x2d5: {  	[sflag:s23] =	ssyncadd.s32 $0xFFFFD800  }
0x2d6: {  	[spmem:s5] =	stream.indirect.scatter.add.f32 [tilespmem:s4], [sflag:$0x2], $0x80, s14, s3, $0xb8;
	[tilespmem:$0x1BA80] =	vst v63  }
0x2d7: {  	_ =	swait.ge [sflag:s23], $0x2800  }
0x2d8: {  	[sflag:s23] =	ssyncset.done $0x0  }
0x2d9: {  	[sflag:s23] =	ssyncadd.s32 $0xFFFFD800  }
0x2da: {  	_ =	swait.ge [sflag:s30], $0xC80  }
0x2db: {  	[sflag:s30] =	ssyncset.done $0x0  }
0x2dc: {  	[sflag:s30] =	ssyncadd.s32 $0xFFFFF380  }
0x2dd: {  	_ =	swait.ge [sflag:s30], $0xC80  }
0x2de: {  	[sflag:s30] =	ssyncset.done $0x0  }
0x2df: {  	[sflag:s30] =	ssyncadd.s32 $0xFFFFF380  }
0x2e0: {  	[tilespmem:s4], [sflag:$0x1] =	stream.indirect.gather [hbm4b:s1+s3], $0x80, s7, s3, $0xb8;
	[tilespmem:$0x1BA80] =	vst v63  }
0x2e1: {  	_ =	swait.ge [sflag:s9], $0x2800  }
0x2e2: {  	[sflag:s9] =	ssyncset.done $0x0  }
0x2e3: {  	[sflag:s9] =	ssyncadd.s32 $0xFFFFD800  }
0x2e4: {  	[tilespmem:s22], [sflag:$0x1] =	stream.indirect.gather [hbm4b:s1+s3], $0x80, s11, s3, $0xb8;
	[tilespmem:$0x1BA80] =	vst v63  }
0x2e5: {  	_ = 	snop  }
0x2e6: {  	[spmem:s5] =	stream.indirect.scatter.add.f32 [tilespmem:s4], [sflag:$0x2], $0x80, s29, s3, $0xb8;
	[tilespmem:$0x1BA80] =	vst v63  }
0x2e7: {  	_ =	swait.ge [sflag:s9], $0x2800  }
0x2e8: {  	[sflag:s9] =	ssyncset.done $0x0  }
0x2e9: {  	[sflag:s9] =	ssyncadd.s32 $0xFFFFD800  }
0x2ea: {  	_ =	swait.ge [sflag:s23], $0x2800  }
0x2eb: {  	[sflag:s23] =	ssyncset.done $0x0  }
0x2ec: {  	s18 =	simm.s32 $0x100;
	[sflag:s23] =	ssyncadd.s32 $0xFFFFD800  }
0x2ed: {  	[tilespmem:s4], [sflag:$0x1] =	stream.indirect.gather [hbm4b:s1+s3], $0x80, s18, s3, $0xb8;
	[tilespmem:$0x1BA80] =	vst v63  }
0x2ee: {  	s19 =	simm.s32 $0x1980  }
0x2ef: {  	[spmem:s5] =	stream.indirect.scatter.add.f32 [tilespmem:s22], [sflag:$0x2], $0x80, s19, s3, $0xb8;
	[tilespmem:$0x1BA80] =	vst v63  }
0x2f0: {  	_ =	swait.ge [sflag:s9], $0x2800  }
0x2f1: {  	[sflag:s9] =	ssyncset.done $0x0  }
0x2f2: {  	[sflag:s9] =	ssyncadd.s32 $0xFFFFD800  }
0x2f3: {  	_ =	swait.ge [sflag:s23], $0x2800  }
0x2f4: {  	s20 =	simm.s32 $0x180;
	[sflag:s23] =	ssyncset.done $0x0  }
0x2f5: {  	s18 =	simm.s32 $0xFFFFD800;
	s19 =	simm.s32 $0x1A00;
	[sflag:s23] =	ssyncadd.s32 $0xFFFFD800  }
0x2f6: {  	[tilespmem:s22], [sflag:$0x1] =	stream.indirect.gather [hbm4b:s1+s3], $0x80, s20, s3, $0xb8;
	[tilespmem:$0x1BA80] =	vst v63  }
.LBB2_11:
0x2f7: {  	[spmem:s5] =	stream.indirect.scatter.add.f32 [tilespmem:s4], [sflag:$0x2], $0x80, s19, s3, $0xb8;
	[tilespmem:$0x1BA80] =	vst v63  }
0x2f8: {  	s19 =	smov.u32 s18  }
0x2f9: {  	p3 =	sne.s32 s18, $0xFFFFFC00;
	s18 =	sadd.s32 $0x400, s18;
	_ =	swait.ge [sflag:s9], $0x2800  }
0x2fa: {  	[sflag:s9] =	ssyncset.done $0x0  }
0x2fb: {  	[sflag:s9] =	ssyncadd.s32 $0xFFFFD800  }
0x2fc: {  	_ =	swait.ge [sflag:s23], $0x2800  }
0x2fd: {  	s19 =	sshra.s32 s19, $0x2;
	[sflag:s23] =	ssyncset.done $0x0  }
0x2fe: {  	s20 =	sadd.s32 $0xC00, s19;
	[sflag:s23] =	ssyncadd.s32 $0xFFFFD800  }
0x2ff: {  	[tilespmem:s4], [sflag:$0x1] =	stream.indirect.gather [hbm4b:s1+s3], $0x80, s20, s3, $0xb8;
	[tilespmem:$0x1BA80] =	vst v63  }
0x300: {  	s20 =	sadd.s32 $0x2480, s19  }
0x301: {  	[spmem:s5] =	stream.indirect.scatter.add.f32 [tilespmem:s22], [sflag:$0x2], $0x80, s20, s3, $0xb8;
	[tilespmem:$0x1BA80] =	vst v63  }
0x302: {  	_ =	swait.ge [sflag:s9], $0x2800  }
0x303: {  	[sflag:s9] =	ssyncset.done $0x0  }
0x304: {  	[sflag:s9] =	ssyncadd.s32 $0xFFFFD800  }
.Ltmp14:
0x305: {  	_ =	swait.ge [sflag:s23], $0x2800;
	(pc) =	sbr.rel @p3 .LBB2_11-.Ltmp14, $4  }
0x306: {  	[sflag:s23] =	ssyncset.done $0x0  }
0x307: {  	s20 =	sadd.s32 $0xC80, s19;
	[sflag:s23] =	ssyncadd.s32 $0xFFFFD800  }
0x308: {  	[tilespmem:s22], [sflag:$0x1] =	stream.indirect.gather [hbm4b:s1+s3], $0x80, s20, s3, $0xb8;
	[tilespmem:$0x1BA80] =	vst v63  }
0x309: {  	s19 =	sadd.s32 $0x2500, s19  }
0x30a: {  	[spmem:s5] =	stream.indirect.scatter.add.f32 [tilespmem:s4], [sflag:$0x2], $0x80, s19, s3, $0xb8;
	[tilespmem:$0x1BA80] =	vst v63  }
0x30b: {  	_ =	swait.ge [sflag:s9], $0x2800  }
0x30c: {  	[sflag:s9] =	ssyncset.done $0x0  }
0x30d: {  	[sflag:s9] =	ssyncadd.s32 $0xFFFFD800  }
0x30e: {  	_ =	swait.ge [sflag:s23], $0x2800  }
0x30f: {  	[sflag:s23] =	ssyncset.done $0x0  }
0x310: {  	[sflag:s23] =	ssyncadd.s32 $0xFFFFD800  }
0x311: {  	[tilespmem:s4], [sflag:$0x1] =	stream.indirect.gather [hbm4b:s1+s3], $0x80, s24, s3, $0xb8;
	[tilespmem:$0x1BA80] =	vst v63  }
0x312: {  	_ = 	snop  }
0x313: {  	[spmem:s5] =	stream.indirect.scatter.add.f32 [tilespmem:s22], [sflag:$0x2], $0x80, s26, s3, $0xb8;
	[tilespmem:$0x1BA80] =	vst v63  }
0x314: {  	_ =	swait.ge [sflag:s9], $0x2800  }
0x315: {  	[sflag:s9] =	ssyncset.done $0x0  }
0x316: {  	[sflag:s9] =	ssyncadd.s32 $0xFFFFD800  }
0x317: {  	_ =	swait.ge [sflag:s23], $0x2800  }
0x318: {  	[sflag:s23] =	ssyncset.done $0x0  }
0x319: {  	[sflag:s23] =	ssyncadd.s32 $0xFFFFD800  }
0x31a: {  	[spmem:s5] =	stream.indirect.scatter.add.f32 [tilespmem:s4], [sflag:$0x2], $0x80, s6, s3, $0xb8;
	[tilespmem:$0x1BA80] =	vst v63  }
0x31b: {  	_ =	swait.ge [sflag:s23], $0x2800  }
0x31c: {  	[sflag:s23] =	ssyncset.done $0x0  }
0x31d: {  	[sflag:s23] =	ssyncadd.s32 $0xFFFFD800  }
0x31e: {  	[bflag:$0x0] =	sbarrier.arrive $0xFFFF  }
0x31f: {  	s18 =	rddreg [dreg:$0x13]  }
0x320: {  	[hbm:s18], [sflag:s16] =	dma.local [spmem:s17], $0x2700  }
.Ltmp15:
0x321: {  	_ = 	snop;
	(pc) =	sbr.rel @p2 .LBB2_24-.Ltmp15, $4  }
.Ltmp16:
0x322: {  	_ =	swait.ge [sflag:s28], $0x2700;
	(pc) =	sbr.rel @!p2 .LBB2_25-.Ltmp16, $4  }
0x323: {  	[sflag:s28] =	ssyncset.done $0x0  }
0x324: {  	[sflag:s28] =	ssyncadd.s32 $0xFFFFD900  }
0x325: {  	s17 =	rddreg [dreg:$0x3]  }
0x326: {  	_ = 	snop  }
.LBB2_26:
0x327: {  	_ =	sfence.sel $0x180000  }
0x328: {  	[bflag:$0x0] =	sbarrier.arrive $0xFFFF  }
0x329: {  	_ =	strace $0x90000047  }
0x32a: {  	s0 =	stileid.u32;
	[bflag:$0x2] =	sbarrier.arrive $0xFFFF  }
0x32b: {  	p0 =	sne.s32 s0, $0x0;
	s0 =	rddreg [dreg:$0x6]  }
0x32c: {  	s0 =	sadd.s32 @!p0 $0x100000, s0  }
0x32d: {  	[sflag:s0] =	ssyncadd.tile.s32 @!p0 $0x1;
	_ =	shalt  }
.Lfunc_end2:
_tile_overlayer_lowered:
.L_overlay_start_2:
0x32e: {  	(tag) =	ssettag $0x2  }
0x32f: {  	s0 =	rddreg [dreg:$0x0];
	s2 =	stileid.u32  }
0x330: {  	s1 =	rddreg [dreg:$0x1];
	p0 =	sne.s32 s2, $0x0  }
0x331: {  	s3 =	rddreg [dreg:$0x2];
	[bflag:$0x3] =	sbarrier.arrive $0xFFFF;
	s2 =	simm.s32 @!p0 $0x1C04  }
0x332: {  	[timem:s3], [sflag:s2] =	dma.local @!p0 [hbm:s0], s1  }
0x333: {  	s0 =	simm.s32 @!p0 $0x4  }
0x334: {  	_ =	swait.ge @!p0 [sflag:s0], s1  }
0x335: {  	s1 =	ssub.s32 @!p0 $0x0, s1;
	[sflag:s0] =	ssyncset.done @!p0 $0x0  }
0x336: {  	[sflag:s0] =	ssyncadd.s32 @!p0 s1  }
0x337: {  	[bflag:$0x3] =	sbarrier.arrive $0xFFFF  }
0x338: {  	_ =	shalt  }

</sc_bundles>
